<compile_context>
chip_gen: v7x
topology: tpu7x:2x2x1
jax: 0.10.2.dev20260603
libtpu: 0.0.44.dev20260713+nightly
codegen_flags: <defaults>
</compile_context>

<pallas_src>
import jax
import jax.numpy as jnp
from jax import lax
from jax.experimental import pallas as pl
from jax.experimental.pallas import tpu as pltpu
from jax.experimental.pallas import tpu_sc as plsc

N = 10000
E = 320000
D = 128
H = 128
ED = 16
G = 64

NC = 2
NS = 16
NW = NC * NS
EPW = E // NW
CH = 80
NCHUNK = EPW // CH
NP = 10240
ROWS_PT = NP // NS
ZROWS = 16

NBUF = 2
NLAP = NCHUNK // NBUF
NTAIL = NCHUNK - NLAP * NBUF


def _relu_add(hrows, erows, b):
    def row(r, _):
        for cc in range(H // 16):
            sl = pl.ds(cc * 16, 16)
            v = hrows[b, r, sl] + erows[b, r, sl]
            hrows[b, r, sl] = jnp.maximum(v, 0.0)
        return 0

    lax.fori_loop(0, CH, row, 0)


def _edge_body(h_hbm, e_hbm, src_hbm, dst_hbm, out_hbm,
               sidx, didx, erows, hrows, agg,
               semA, semG, semS):
    c = lax.axis_index("c")
    s = lax.axis_index("s")
    wid = s * NC + c
    base = wid * EPW

    zvec = jnp.zeros((16,), jnp.float32)

    def zrow(r, _):
        for cc in range(H // 16):
            hrows[0, r, pl.ds(cc * 16, 16)] = zvec
        return 0

    lax.fori_loop(0, CH, zrow, 0)

    def zblk(k, _):
        zoff = pl.multiple_of(s * ROWS_PT + k * CH, 8)
        pltpu.sync_copy(hrows.at[0], agg.at[pl.ds(zoff, CH)])
        return 0

    lax.fori_loop(0, ROWS_PT // CH, zblk, 0)
    plsc.subcore_barrier()

    def lap(k, _):
        descA = []
        descG = []
        for b in range(NBUF):
            @pl.when(k > 0)
            def _drain():
                pltpu.make_async_copy(
                    hrows.at[b], agg.at[didx.at[b]], semS.at[b]).wait()
            off = pl.multiple_of(base + (k * NBUF + b) * CH, 8)
            descA.append((
                pltpu.async_copy(src_hbm.at[pl.ds(off, CH)], sidx.at[b],
                                 semA.at[b]),
                pltpu.async_copy(dst_hbm.at[pl.ds(off, CH)], didx.at[b],
                                 semA.at[b]),
                pltpu.async_copy(e_hbm.at[pl.ds(off, CH)], erows.at[b],
                                 semA.at[b]),
            ))
        for b in range(NBUF):
            for d in descA[b]:
                d.wait()
            descG.append(
                pltpu.async_copy(h_hbm.at[sidx.at[b]], hrows.at[b],
                                 semG.at[b]))
        for b in range(NBUF):
            descG[b].wait()
            _relu_add(hrows, erows, b)
            pltpu.async_copy(hrows.at[b], agg.at[didx.at[b]], semS.at[b],
                             add=True)
        return 0

    lax.fori_loop(0, NLAP, lap, 0)
    for b in range(NBUF):
        pltpu.make_async_copy(hrows.at[b], agg.at[didx.at[b]],
                              semS.at[b]).wait()
    for t in range(NTAIL):
        off = pl.multiple_of(base + (NLAP * NBUF + t) * CH, 8)
        pltpu.sync_copy(src_hbm.at[pl.ds(off, CH)], sidx.at[0])
        pltpu.sync_copy(dst_hbm.at[pl.ds(off, CH)], didx.at[0])
        pltpu.sync_copy(e_hbm.at[pl.ds(off, CH)], erows.at[0])
        pltpu.async_copy(h_hbm.at[sidx.at[0]], hrows.at[0], semG.at[0]).wait()
        _relu_add(hrows, erows, 0)
        pltpu.sync_copy(hrows.at[0], agg.at[didx.at[0]], add=True)
    plsc.subcore_barrier()

    ooff = pl.multiple_of(s * ROWS_PT, 8)
    pltpu.sync_copy(agg.at[pl.ds(ooff, ROWS_PT)],
                    out_hbm.at[c, pl.ds(ooff, ROWS_PT)])


_sc_mesh = plsc.VectorSubcoreMesh(core_axis_name="c", subcore_axis_name="s")

_edge_agg = pl.kernel(
    _edge_body,
    out_type=jax.ShapeDtypeStruct((NC, NP, H), jnp.float32),
    mesh=_sc_mesh,
    scratch_types=[
        pltpu.VMEM((NBUF, CH), jnp.int32),
        pltpu.VMEM((NBUF, CH), jnp.int32),
        pltpu.VMEM((NBUF, CH, H), jnp.float32),
        pltpu.VMEM((NBUF, CH, H), jnp.float32),
        pltpu.VMEM_SHARED((NP, H), jnp.float32),
        pltpu.SemaphoreType.DMA((NBUF,)),
        pltpu.SemaphoreType.DMA((NBUF,)),
        pltpu.SemaphoreType.DMA((NBUF,)),
    ],
)



def _elin_body(ea_ref, w_ref, b_ref, o_ref):
    o_ref[...] = (jnp.dot(ea_ref[...], w_ref[...],
                          preferred_element_type=jnp.float32) + b_ref[...])


_BE = 4000


def _elin(ea, W, b):
    return pl.pallas_call(
        _elin_body,
        grid=(E // _BE,),
        in_specs=[pl.BlockSpec((_BE, ED), lambda i: (i, 0)),
                  pl.BlockSpec((ED, H), lambda i: (0, 0)),
                  pl.BlockSpec((1, H), lambda i: (0, 0))],
        out_specs=pl.BlockSpec((_BE, H), lambda i: (i, 0)),
        out_shape=jax.ShapeDtypeStruct((E, H), jnp.float32),
    )(ea, W, b.reshape(1, H))


def _mlp_bn_body(h_ref, agg_ref, w1_ref, b1_ref, w2_ref, b2_ref,
                 g_ref, bb_ref, o_ref):
    z = h_ref[...] + agg_ref[0, :N, :] + agg_ref[1, :N, :]
    a = jnp.maximum(jnp.dot(z, w1_ref[...],
                            preferred_element_type=jnp.float32) + b1_ref[...],
                    0.0)
    y = jnp.dot(a, w2_ref[...], preferred_element_type=jnp.float32) + b2_ref[...]
    mu = jnp.mean(y, axis=0, keepdims=True)
    var = jnp.mean((y - mu) * (y - mu), axis=0, keepdims=True)
    o_ref[...] = jnp.maximum(
        (y - mu) * lax.rsqrt(var + 1e-5) * g_ref[...] + bb_ref[...], 0.0)


def _mlp_bn(h, agg, W1, b1, W2, b2, g, bb):
    return pl.pallas_call(
        _mlp_bn_body,
        out_shape=jax.ShapeDtypeStruct((N, H), jnp.float32),
    )(h, agg, W1, b1.reshape(1, H), W2, b2.reshape(1, H),
      g.reshape(1, H), bb.reshape(1, H))


def _pool_body(h_ref, batch_ref, wl_ref, bl_ref, o_ref):
    b = batch_ref[...]
    gids = lax.broadcasted_iota(jnp.int32, (G, N), 0)
    onehot = (gids == b).astype(jnp.float32)
    sums = jnp.dot(onehot, h_ref[...], preferred_element_type=jnp.float32)
    cnt = jnp.sum(onehot, axis=1, keepdims=True)
    pooled = sums / jnp.maximum(cnt, 1.0)
    o_ref[...] = (jnp.dot(pooled, wl_ref[...],
                          preferred_element_type=jnp.float32) + bl_ref[...])


def _pool(h, batch, Wl, bl):
    return pl.pallas_call(
        _pool_body,
        out_shape=jax.ShapeDtypeStruct((G, 1), jnp.float32),
    )(h, batch.reshape(1, N), Wl, bl.reshape(1, 1))



def kernel(x, edge_index, edge_attr, batch,
           We1, be1, W11, b11, W12, b12, g1, bb1,
           We2, be2, W21, b21, W22, b22, g2, bb2,
           We3, be3, W31, b31, W32, b32, g3, bb3,
           Wl, bl):
    src = edge_index[0]
    dst = edge_index[1]

    h = x
    layers = ((We1, be1, W11, b11, W12, b12, g1, bb1),
              (We2, be2, W21, b21, W22, b22, g2, bb2),
              (We3, be3, W31, b31, W32, b32, g3, bb3))
    for We, be, W1, b1, W2, b2, g, bb in layers:
        e = _elin(edge_attr, We, be)
        agg = _edge_agg(h, e, src, dst)
        h = _mlp_bn(h, agg, W1, b1, W2, b2, g, bb)
    return _pool(h, batch, Wl, bl)

# --- scband reference (transcript-rebuilt; emitter-appended) ---
"""Pipeline reference for scband-ginegcn-37194416783381 (READ-ONLY COPY).

The authoritative reference and input builder live on the scoring server;
editing this copy changes nothing except your own understanding.
"""

import jax, jax.numpy as jnp
import numpy as np

N = 10000
E = 320000
D = 128
H = 128
ED = 16
G = 64


def setup_inputs(seed: int = 0) -> dict:
    key = jax.random.key(seed)
    ks = jax.random.split(key, 40)
    inp = {}
    inp["x"] = jax.random.normal(ks[0], (N, D), dtype=jnp.float32)
    inp["edge_index"] = jax.random.randint(ks[1], (2, E), 0, N, dtype=jnp.int32)
    inp["edge_attr"] = jax.random.normal(ks[2], (E, ED), dtype=jnp.float32)
    inp["batch"] = jnp.sort(jax.random.randint(ks[3], (N,), 0, G, dtype=jnp.int32))
    # learned params: 3 GINEConv layers (edge lin + 2-layer MLP), 3 BN layers, final Linear
    i = 4
    for l, in_ch in zip((1, 2, 3), (D, H, H)):
        inp[f"We{l}"] = jax.random.normal(ks[i], (ED, in_ch), dtype=jnp.float32) * 0.1; i += 1
        inp[f"be{l}"] = jnp.zeros((in_ch,), dtype=jnp.float32)
        inp[f"W{l}1"] = jax.random.normal(ks[i], (in_ch, H), dtype=jnp.float32) * (1.0 / np.sqrt(in_ch)); i += 1
        inp[f"b{l}1"] = jnp.zeros((H,), dtype=jnp.float32)
        inp[f"W{l}2"] = jax.random.normal(ks[i], (H, H), dtype=jnp.float32) * (1.0 / np.sqrt(H)); i += 1
        inp[f"b{l}2"] = jnp.zeros((H,), dtype=jnp.float32)
        inp[f"g{l}"] = jnp.ones((H,), dtype=jnp.float32)
        inp[f"bb{l}"] = jnp.zeros((H,), dtype=jnp.float32)
    inp["Wl"] = jax.random.normal(ks[i], (H, 1), dtype=jnp.float32) * (1.0 / np.sqrt(H))
    inp["bl"] = jnp.zeros((1,), dtype=jnp.float32)
    return inp


def reference(x, edge_index, edge_attr, batch,
              We1, be1, W11, b11, W12, b12, g1, bb1,
              We2, be2, W21, b21, W22, b22, g2, bb2,
              We3, be3, W31, b31, W32, b32, g3, bb3,
              Wl, bl):
    src = edge_index[0]
    dst = edge_index[1]

    def gine(h, We, be, W1, b1, W2, b2):
        # GINEConv (eps=0): nn((1+eps)*x_i + sum_j relu(x_j + lin_edge(e_ji)))
        e = edge_attr @ We + be
        msg = jax.nn.relu(h[src] + e)
        agg = jax.ops.segment_sum(msg, dst, num_segments=h.shape[0])
        z = h + agg
        return jax.nn.relu(z @ W1 + b1) @ W2 + b2

    def bn(h, g, b):
        mu = jnp.mean(h, axis=0)
        var = jnp.var(h, axis=0)
        return (h - mu) / jnp.sqrt(var + 1e-5) * g + b

    h = jax.nn.relu(bn(gine(x, We1, be1, W11, b11, W12, b12), g1, bb1))
    # dropout is identity in this deterministic reference
    h = jax.nn.relu(bn(gine(h, We2, be2, W21, b21, W22, b22), g2, bb2))
    h = jax.nn.relu(bn(gine(h, We3, be3, W31, b31, W32, b32), g3, bb3))
    sums = jax.ops.segment_sum(h, batch, num_segments=G)
    cnt = jax.ops.segment_sum(jnp.ones((h.shape[0], 1), h.dtype), batch, num_segments=G)
    pooled = sums / jnp.clip(cnt, 1.0)
    return pooled @ Wl + bl

if __name__ == "__main__":
    import jax
    _d = setup_inputs()
    print(jax.jit(kernel)(*tuple(_d.values())))

</pallas_src>

<mosaic_0001>
#map = affine_map<(d0, d1) -> (0, 0)>
#map1 = affine_map<(d0, d1) -> (0)>
#map2 = affine_map<(d0, d1) -> (0, 0, 0)>
module attributes {stable_mosaic.version = 14 : i64} {
  func.func @_edge_body(%arg0: i32, %arg1: i32, %arg2: memref<10000x128xf32, #tpu.memory_space<hbm>>, %arg3: memref<320000x128xf32, #tpu.memory_space<hbm>>, %arg4: memref<320000xi32, #tpu.memory_space<hbm>>, %arg5: memref<320000xi32, #tpu.memory_space<hbm>>, %arg6: memref<2x10240x128xf32, #tpu.memory_space<hbm>>, %arg7: memref<2x80xi32, #tpu.memory_space<vmem>>, %arg8: memref<2x80xi32, #tpu.memory_space<vmem>>, %arg9: memref<2x80x128xf32, #tpu.memory_space<vmem>>, %arg10: memref<2x80x128xf32, #tpu.memory_space<vmem>>, %arg11: memref<10240x128xf32, #tpu.memory_space<vmem_shared>>, %arg12: memref<2x!tpu.dma_semaphore, #tpu.memory_space<semaphore_mem>>, %arg13: memref<2x!tpu.dma_semaphore, #tpu.memory_space<semaphore_mem>>, %arg14: memref<2x!tpu.dma_semaphore, #tpu.memory_space<semaphore_mem>>) attributes {dimension_semantics = [#tpu.dimension_semantics<core_parallel>, #tpu.dimension_semantics<subcore_parallel>], iteration_bounds = array<i64: 2, 16>, scalar_prefetch = 0 : i64, scratch_operands = 8 : i64, tpu.core_type = #tpu.core_type<sc_vector_subcore>, window_params = [{transform_indices = #map}, {transform_indices = #map}, {transform_indices = #map1}, {transform_indices = #map1}, {transform_indices = #map2}]} {
    %mul3A = arith.constant 2 : i32
    %mul3A_0 = arith.muli %arg1, %mul3A : i32
    %add3A = arith.addi %mul3A_0, %arg0 : i32
    %mul3A_1 = arith.constant 10000 : i32
    %mul3A_2 = arith.muli %add3A, %mul3A_1 : i32
    %broadcast_in_dim3A = arith.constant 0.000000e+00 : f32
    %broadcast_in_dim3A_3 = vector.broadcast %broadcast_in_dim3A : f32 to vector<16xf32>
    %scan3A = arith.constant 0 : i32
    %scan3A_4 = arith.constant 0 : i32
    %scan3A_5 = arith.constant 80 : i32
    %scan3A_6 = arith.addi %scan3A_4, %scan3A_5 : i32
    %scan3A_7 = arith.constant 1 : i32
    %scan3A_8 = scf.for %scan3A_99 = %scan3A_4 to %scan3A_6 step %scan3A_7 iter_args(%scan3A_100 = %scan3A) -> (i32)  : i32 {
      %swap3A = arith.constant 0 : i32
      %swap3A_101 = arith.index_cast %swap3A : i32 to index
      %swap3A_102 = arith.index_cast %scan3A_99 : i32 to index
      %swap3A_103 = arith.constant 0 : index
      %swap3A_104 = tpu.vector_load %arg10[%swap3A_101, %swap3A_102, %swap3A_103] {strides = array<i32>} : memref<2x80x128xf32, #tpu.memory_space<vmem>>, vector<1x1x16xf32>,
      %swap3A_105 = vector.shape_cast %swap3A_104 : vector<1x1x16xf32> to vector<16xf32>
      %swap3A_106 = vector.shape_cast %broadcast_in_dim3A_3 : vector<16xf32> to vector<1x1x16xf32>
      tpu.vector_store %arg10[%swap3A_101, %swap3A_102, %swap3A_103], %swap3A_106 {strides = array<i32>} : memref<2x80x128xf32, #tpu.memory_space<vmem>>, vector<1x1x16xf32>,
      %swap3A_107 = arith.constant 0 : i32
      %swap3A_108 = arith.index_cast %swap3A_107 : i32 to index
      %swap3A_109 = arith.index_cast %scan3A_99 : i32 to index
      %swap3A_110 = arith.constant 16 : index
      %swap3A_111 = tpu.vector_load %arg10[%swap3A_108, %swap3A_109, %swap3A_110] {strides = array<i32>} : memref<2x80x128xf32, #tpu.memory_space<vmem>>, vector<1x1x16xf32>,
      %swap3A_112 = vector.shape_cast %swap3A_111 : vector<1x1x16xf32> to vector<16xf32>
      %swap3A_113 = vector.shape_cast %broadcast_in_dim3A_3 : vector<16xf32> to vector<1x1x16xf32>
      tpu.vector_store %arg10[%swap3A_108, %swap3A_109, %swap3A_110], %swap3A_113 {strides = array<i32>} : memref<2x80x128xf32, #tpu.memory_space<vmem>>, vector<1x1x16xf32>,
      %swap3A_114 = arith.constant 0 : i32
      %swap3A_115 = arith.index_cast %swap3A_114 : i32 to index
      %swap3A_116 = arith.index_cast %scan3A_99 : i32 to index
      %swap3A_117 = arith.constant 32 : index
      %swap3A_118 = tpu.vector_load %arg10[%swap3A_115, %swap3A_116, %swap3A_117] {strides = array<i32>} : memref<2x80x128xf32, #tpu.memory_space<vmem>>, vector<1x1x16xf32>,
      %swap3A_119 = vector.shape_cast %swap3A_118 : vector<1x1x16xf32> to vector<16xf32>
      %swap3A_120 = vector.shape_cast %broadcast_in_dim3A_3 : vector<16xf32> to vector<1x1x16xf32>
      tpu.vector_store %arg10[%swap3A_115, %swap3A_116, %swap3A_117], %swap3A_120 {strides = array<i32>} : memref<2x80x128xf32, #tpu.memory_space<vmem>>, vector<1x1x16xf32>,
      %swap3A_121 = arith.constant 0 : i32
      %swap3A_122 = arith.index_cast %swap3A_121 : i32 to index
      %swap3A_123 = arith.index_cast %scan3A_99 : i32 to index
      %swap3A_124 = arith.constant 48 : index
      %swap3A_125 = tpu.vector_load %arg10[%swap3A_122, %swap3A_123, %swap3A_124] {strides = array<i32>} : memref<2x80x128xf32, #tpu.memory_space<vmem>>, vector<1x1x16xf32>,
      %swap3A_126 = vector.shape_cast %swap3A_125 : vector<1x1x16xf32> to vector<16xf32>
      %swap3A_127 = vector.shape_cast %broadcast_in_dim3A_3 : vector<16xf32> to vector<1x1x16xf32>
      tpu.vector_store %arg10[%swap3A_122, %swap3A_123, %swap3A_124], %swap3A_127 {strides = array<i32>} : memref<2x80x128xf32, #tpu.memory_space<vmem>>, vector<1x1x16xf32>,
      %swap3A_128 = arith.constant 0 : i32
      %swap3A_129 = arith.index_cast %swap3A_128 : i32 to index
      %swap3A_130 = arith.index_cast %scan3A_99 : i32 to index
      %swap3A_131 = arith.constant 64 : index
      %swap3A_132 = tpu.vector_load %arg10[%swap3A_129, %swap3A_130, %swap3A_131] {strides = array<i32>} : memref<2x80x128xf32, #tpu.memory_space<vmem>>, vector<1x1x16xf32>,
      %swap3A_133 = vector.shape_cast %swap3A_132 : vector<1x1x16xf32> to vector<16xf32>
      %swap3A_134 = vector.shape_cast %broadcast_in_dim3A_3 : vector<16xf32> to vector<1x1x16xf32>
      tpu.vector_store %arg10[%swap3A_129, %swap3A_130, %swap3A_131], %swap3A_134 {strides = array<i32>} : memref<2x80x128xf32, #tpu.memory_space<vmem>>, vector<1x1x16xf32>,
      %swap3A_135 = arith.constant 0 : i32
      %swap3A_136 = arith.index_cast %swap3A_135 : i32 to index
      %swap3A_137 = arith.index_cast %scan3A_99 : i32 to index
      %swap3A_138 = arith.constant 80 : index
      %swap3A_139 = tpu.vector_load %arg10[%swap3A_136, %swap3A_137, %swap3A_138] {strides = array<i32>} : memref<2x80x128xf32, #tpu.memory_space<vmem>>, vector<1x1x16xf32>,
      %swap3A_140 = vector.shape_cast %swap3A_139 : vector<1x1x16xf32> to vector<16xf32>
      %swap3A_141 = vector.shape_cast %broadcast_in_dim3A_3 : vector<16xf32> to vector<1x1x16xf32>
      tpu.vector_store %arg10[%swap3A_136, %swap3A_137, %swap3A_138], %swap3A_141 {strides = array<i32>} : memref<2x80x128xf32, #tpu.memory_space<vmem>>, vector<1x1x16xf32>,
      %swap3A_142 = arith.constant 0 : i32
      %swap3A_143 = arith.index_cast %swap3A_142 : i32 to index
      %swap3A_144 = arith.index_cast %scan3A_99 : i32 to index
      %swap3A_145 = arith.constant 96 : index
      %swap3A_146 = tpu.vector_load %arg10[%swap3A_143, %swap3A_144, %swap3A_145] {strides = array<i32>} : memref<2x80x128xf32, #tpu.memory_space<vmem>>, vector<1x1x16xf32>,
      %swap3A_147 = vector.shape_cast %swap3A_146 : vector<1x1x16xf32> to vector<16xf32>
      %swap3A_148 = vector.shape_cast %broadcast_in_dim3A_3 : vector<16xf32> to vector<1x1x16xf32>
      tpu.vector_store %arg10[%swap3A_143, %swap3A_144, %swap3A_145], %swap3A_148 {strides = array<i32>} : memref<2x80x128xf32, #tpu.memory_space<vmem>>, vector<1x1x16xf32>,
      %swap3A_149 = arith.constant 0 : i32
      %swap3A_150 = arith.index_cast %swap3A_149 : i32 to index
      %swap3A_151 = arith.index_cast %scan3A_99 : i32 to index
      %swap3A_152 = arith.constant 112 : index
      %swap3A_153 = tpu.vector_load %arg10[%swap3A_150, %swap3A_151, %swap3A_152] {strides = array<i32>} : memref<2x80x128xf32, #tpu.memory_space<vmem>>, vector<1x1x16xf32>,
      %swap3A_154 = vector.shape_cast %swap3A_153 : vector<1x1x16xf32> to vector<16xf32>
      %swap3A_155 = vector.shape_cast %broadcast_in_dim3A_3 : vector<16xf32> to vector<1x1x16xf32>
      tpu.vector_store %arg10[%swap3A_150, %swap3A_151, %swap3A_152], %swap3A_155 {strides = array<i32>} : memref<2x80x128xf32, #tpu.memory_space<vmem>>, vector<1x1x16xf32>,
      %scan3A_156 = arith.constant 0 : i32
      scf.yield %scan3A_156 : i32
    }
    %scan3A_9 = arith.constant 80 : i32
    %scan3A_10 = arith.constant 0 : i32
    %scan3A_11 = arith.constant 0 : i32
    %scan3A_12 = arith.constant 8 : i32
    %scan3A_13 = arith.addi %scan3A_11, %scan3A_12 : i32
    %scan3A_14 = arith.constant 1 : i32
    %scan3A_15 = scf.for %scan3A_99 = %scan3A_11 to %scan3A_13 step %scan3A_14 iter_args(%scan3A_100 = %scan3A_10) -> (i32)  : i32 {
      %mul3A_101 = arith.constant 640 : i32
      %mul3A_102 = arith.muli %arg1, %mul3A_101 : i32
      %mul3A_103 = arith.constant 80 : i32
      %mul3A_104 = arith.muli %scan3A_99, %mul3A_103 : i32
      %add3A_105 = arith.addi %mul3A_102, %mul3A_104 : i32
      %multiple_of3A_106 = tpu.assume_multiple %add3A_105, 8 : i32
      %run_scoped3A_107 = arith.constant 0 : i32
      "tpu.region"() ({
        %run_scoped3A_109 = tpu.sem_alloc : memref<!tpu.dma_semaphore, #tpu.memory_space<semaphore_mem>>
        %dma_start3A_110 = arith.constant 0 : i32
        %dma_start3A_111 = arith.constant 0 : i32
        %dma_start3A_112 = tpu.memref_slice %arg10[%run_scoped3A_107, %dma_start3A_110, %dma_start3A_111] : memref<2x80x128xf32, #tpu.memory_space<vmem>> -> memref<1x80x128xf32, #tpu.memory_space<vmem>>
        %dma_start3A_113 = tpu.memref_squeeze %dma_start3A_112 : memref<1x80x128xf32, #tpu.memory_space<vmem>> -> memref<80x128xf32, #tpu.memory_space<vmem>>
        %dma_start3A_114 = arith.constant 0 : i32
        %dma_start3A_115 = tpu.memref_slice %arg11[%multiple_of3A_106, %dma_start3A_114] : memref<10240x128xf32, #tpu.memory_space<vmem_shared>> -> memref<80x128xf32, #tpu.memory_space<vmem_shared>>
        %dma_start3A_116 = arith.constant 0 : i32
        %dma_start3A_117 = tpu.memref_slice %arg11[%multiple_of3A_106, %dma_start3A_116] : memref<10240x128xf32, #tpu.memory_space<vmem_shared>> -> memref<80x128xf32, #tpu.memory_space<vmem_shared>>
        %dma_start3A_118 = arith.constant 0 : i32
        %dma_start3A_119 = arith.constant 0 : i32
        %dma_start3A_120 = tpu.memref_slice %arg10[%run_scoped3A_107, %dma_start3A_118, %dma_start3A_119] : memref<2x80x128xf32, #tpu.memory_space<vmem>> -> memref<1x80x128xf32, #tpu.memory_space<vmem>>
        %dma_start3A_121 = tpu.memref_squeeze %dma_start3A_120 : memref<1x80x128xf32, #tpu.memory_space<vmem>> -> memref<80x128xf32, #tpu.memory_space<vmem>>
        tpu.enqueue_dma source(%dma_start3A_121 : memref<80x128xf32, #tpu.memory_space<vmem>>) target(%dma_start3A_117 : memref<80x128xf32, #tpu.memory_space<vmem_shared>>) target_semaphore(%run_scoped3A_109 : memref<!tpu.dma_semaphore, #tpu.memory_space<semaphore_mem>>)
        %dma_wait3A_122 = arith.constant 0 : i32
        %dma_wait3A_123 = arith.constant 0 : i32
        %dma_wait3A_124 = tpu.memref_slice %arg10[%run_scoped3A_107, %dma_wait3A_122, %dma_wait3A_123] : memref<2x80x128xf32, #tpu.memory_space<vmem>> -> memref<1x80x128xf32, #tpu.memory_space<vmem>>
        %dma_wait3A_125 = tpu.memref_squeeze %dma_wait3A_124 : memref<1x80x128xf32, #tpu.memory_space<vmem>> -> memref<80x128xf32, #tpu.memory_space<vmem>>
        %dma_wait3A_126 = arith.constant 0 : i32
        %dma_wait3A_127 = tpu.memref_slice %arg11[%multiple_of3A_106, %dma_wait3A_126] : memref<10240x128xf32, #tpu.memory_space<vmem_shared>> -> memref<80x128xf32, #tpu.memory_space<vmem_shared>>
        %dma_wait3A_128 = arith.constant 0 : i32
        %dma_wait3A_129 = tpu.memref_slice %arg11[%multiple_of3A_106, %dma_wait3A_128] : memref<10240x128xf32, #tpu.memory_space<vmem_shared>> -> memref<80x128xf32, #tpu.memory_space<vmem_shared>>
        %dma_wait3A_130 = arith.constant 0 : i32
        %dma_wait3A_131 = arith.constant 0 : i32
        %dma_wait3A_132 = tpu.memref_slice %arg10[%run_scoped3A_107, %dma_wait3A_130, %dma_wait3A_131] : memref<2x80x128xf32, #tpu.memory_space<vmem>> -> memref<1x80x128xf32, #tpu.memory_space<vmem>>
        %dma_wait3A_133 = tpu.memref_squeeze %dma_wait3A_132 : memref<1x80x128xf32, #tpu.memory_space<vmem>> -> memref<80x128xf32, #tpu.memory_space<vmem>>
        tpu.wait_dma2 semaphore(%run_scoped3A_109 : memref<!tpu.dma_semaphore, #tpu.memory_space<semaphore_mem>>) src(%dma_wait3A_133 : memref<80x128xf32, #tpu.memory_space<vmem>>) dst(%dma_wait3A_129 : memref<80x128xf32, #tpu.memory_space<vmem_shared>>)
        tpu.yield
      }) : () -> ()
      %scan3A_108 = arith.constant 0 : i32
      scf.yield %scan3A_108 : i32
    }
    %scan3A_16 = arith.constant 8 : i32
    %barrier3A = arith.constant 0 : index
    tpu.barrier barrier_id(%barrier3A)
    %scan3A_17 = arith.constant 0 : i32
    %scan3A_18 = arith.constant 0 : i32
    %scan3A_19 = arith.constant 62 : i32
    %scan3A_20 = arith.addi %scan3A_18, %scan3A_19 : i32
    %scan3A_21 = arith.constant 1 : i32
    %scan3A_22 = scf.for %scan3A_99 = %scan3A_18 to %scan3A_20 step %scan3A_21 iter_args(%scan3A_100 = %scan3A_17) -> (i32)  : i32 {
      %gt3A = arith.constant 0 : i32
      %gt3A_101 = arith.cmpi sgt, %scan3A_99, %gt3A : i32
      %convert_element_type3A = arith.extui %gt3A_101 : i1 to i32
      %cond3A = arith.constant 0 : i32
      %cond3A_102 = arith.cmpi ne, %convert_element_type3A, %cond3A : i32
      scf.if %cond3A_102 {
        %dma_wait3A_389 = arith.constant 0 : i32
        %dma_wait3A_390 = arith.constant 0 : i32
        %dma_wait3A_391 = arith.constant 0 : i32
        %dma_wait3A_392 = arith.constant 0 : i32
        %dma_wait3A_393 = arith.constant 0 : i32
        %dma_wait3A_394 = tpu.memref_slice %arg10[%dma_wait3A_389, %dma_wait3A_392, %dma_wait3A_393] : memref<2x80x128xf32, #tpu.memory_space<vmem>> -> memref<1x80x128xf32, #tpu.memory_space<vmem>>
        %dma_wait3A_395 = tpu.memref_squeeze %dma_wait3A_394 : memref<1x80x128xf32, #tpu.memory_space<vmem>> -> memref<80x128xf32, #tpu.memory_space<vmem>>
        %dma_wait3A_396 = arith.constant 0 : i32
        %dma_wait3A_397 = tpu.memref_slice %arg8[%dma_wait3A_390, %dma_wait3A_396] : memref<2x80xi32, #tpu.memory_space<vmem>> -> memref<1x80xi32, #tpu.memory_space<vmem>>
        %dma_wait3A_398 = tpu.memref_squeeze %dma_wait3A_397 : memref<1x80xi32, #tpu.memory_space<vmem>> -> memref<80xi32, #tpu.memory_space<vmem>>
        %dma_wait3A_399 = arith.constant 0 : i32
        %dma_wait3A_400 = arith.constant 0 : i32
        %dma_wait3A_401 = tpu.memref_slice %arg11[%dma_wait3A_399, %dma_wait3A_400] : memref<10240x128xf32, #tpu.memory_space<vmem_shared>> -> memref<10240x128xf32, #tpu.memory_space<vmem_shared>>
        %dma_wait3A_402 = tpu.memref_slice %arg14[%dma_wait3A_391] : memref<2x!tpu.dma_semaphore, #tpu.memory_space<semaphore_mem>> -> memref<1x!tpu.dma_semaphore, #tpu.memory_space<semaphore_mem>>
        %dma_wait3A_403 = tpu.memref_squeeze %dma_wait3A_402 : memref<1x!tpu.dma_semaphore, #tpu.memory_space<semaphore_mem>> -> memref<!tpu.dma_semaphore, #tpu.memory_space<semaphore_mem>>
        tpu.wait_indirect_dma semaphore(%dma_wait3A_403 : memref<!tpu.dma_semaphore, #tpu.memory_space<semaphore_mem>>) src(%dma_wait3A_395 : memref<80x128xf32, #tpu.memory_space<vmem>>) dst(%dma_wait3A_401 : memref<10240x128xf32, #tpu.memory_space<vmem_shared>>)
      } else {
      }
      %mul3A_103 = arith.constant 2 : i32
      %mul3A_104 = arith.muli %scan3A_99, %mul3A_103 : i32
      %add3A_105 = arith.constant 0 : i32
      %add3A_106 = arith.addi %mul3A_104, %add3A_105 : i32
      %mul3A_107 = arith.constant 80 : i32
      %mul3A_108 = arith.muli %add3A_106, %mul3A_107 : i32
      %add3A_109 = arith.addi %mul3A_2, %mul3A_108 : i32
      %multiple_of3A_110 = tpu.assume_multiple %add3A_109, 8 : i32
      %dma_start3A_111 = arith.constant 0 : i32
      %dma_start3A_112 = arith.constant 0 : i32
      %dma_start3A_113 = arith.constant 0 : i32
      %dma_start3A_114 = tpu.memref_slice %arg7[%dma_start3A_111, %dma_start3A_113] : memref<2x80xi32, #tpu.memory_space<vmem>> -> memref<1x80xi32, #tpu.memory_space<vmem>>
      %dma_start3A_115 = tpu.memref_squeeze %dma_start3A_114 : memref<1x80xi32, #tpu.memory_space<vmem>> -> memref<80xi32, #tpu.memory_space<vmem>>
      %dma_start3A_116 = tpu.memref_slice %arg4[%multiple_of3A_110] : memref<320000xi32, #tpu.memory_space<hbm>> -> memref<80xi32, #tpu.memory_space<hbm>>
      %dma_start3A_117 = tpu.memref_slice %arg12[%dma_start3A_112] : memref<2x!tpu.dma_semaphore, #tpu.memory_space<semaphore_mem>> -> memref<1x!tpu.dma_semaphore, #tpu.memory_space<semaphore_mem>>
      %dma_start3A_118 = tpu.memref_squeeze %dma_start3A_117 : memref<1x!tpu.dma_semaphore, #tpu.memory_space<semaphore_mem>> -> memref<!tpu.dma_semaphore, #tpu.memory_space<semaphore_mem>>
      %dma_start3A_119 = arith.constant 0 : i32
      %dma_start3A_120 = tpu.memref_slice %arg7[%dma_start3A_111, %dma_start3A_119] : memref<2x80xi32, #tpu.memory_space<vmem>> -> memref<1x80xi32, #tpu.memory_space<vmem>>
      %dma_start3A_121 = tpu.memref_squeeze %dma_start3A_120 : memref<1x80xi32, #tpu.memory_space<vmem>> -> memref<80xi32, #tpu.memory_space<vmem>>
      %dma_start3A_122 = tpu.memref_slice %arg4[%multiple_of3A_110] : memref<320000xi32, #tpu.memory_space<hbm>> -> memref<80xi32, #tpu.memory_space<hbm>>
      tpu.enqueue_dma source(%dma_start3A_122 : memref<80xi32, #tpu.memory_space<hbm>>) target(%dma_start3A_121 : memref<80xi32, #tpu.memory_space<vmem>>) target_semaphore(%dma_start3A_118 : memref<!tpu.dma_semaphore, #tpu.memory_space<semaphore_mem>>)
      %dma_start3A_123 = arith.constant 0 : i32
      %dma_start3A_124 = arith.constant 0 : i32
      %dma_start3A_125 = arith.constant 0 : i32
      %dma_start3A_126 = tpu.memref_slice %arg8[%dma_start3A_123, %dma_start3A_125] : memref<2x80xi32, #tpu.memory_space<vmem>> -> memref<1x80xi32, #tpu.memory_space<vmem>>
      %dma_start3A_127 = tpu.memref_squeeze %dma_start3A_126 : memref<1x80xi32, #tpu.memory_space<vmem>> -> memref<80xi32, #tpu.memory_space<vmem>>
      %dma_start3A_128 = tpu.memref_slice %arg5[%multiple_of3A_110] : memref<320000xi32, #tpu.memory_space<hbm>> -> memref<80xi32, #tpu.memory_space<hbm>>
      %dma_start3A_129 = tpu.memref_slice %arg12[%dma_start3A_124] : memref<2x!tpu.dma_semaphore, #tpu.memory_space<semaphore_mem>> -> memref<1x!tpu.dma_semaphore, #tpu.memory_space<semaphore_mem>>
      %dma_start3A_130 = tpu.memref_squeeze %dma_start3A_129 : memref<1x!tpu.dma_semaphore, #tpu.memory_space<semaphore_mem>> -> memref<!tpu.dma_semaphore, #tpu.memory_space<semaphore_mem>>
      %dma_start3A_131 = arith.constant 0 : i32
      %dma_start3A_132 = tpu.memref_slice %arg8[%dma_start3A_123, %dma_start3A_131] : memref<2x80xi32, #tpu.memory_space<vmem>> -> memref<1x80xi32, #tpu.memory_space<vmem>>
      %dma_start3A_133 = tpu.memref_squeeze %dma_start3A_132 : memref<1x80xi32, #tpu.memory_space<vmem>> -> memref<80xi32, #tpu.memory_space<vmem>>
      %dma_start3A_134 = tpu.memref_slice %arg5[%multiple_of3A_110] : memref<320000xi32, #tpu.memory_space<hbm>> -> memref<80xi32, #tpu.memory_space<hbm>>
      tpu.enqueue_dma source(%dma_start3A_134 : memref<80xi32, #tpu.memory_space<hbm>>) target(%dma_start3A_133 : memref<80xi32, #tpu.memory_space<vmem>>) target_semaphore(%dma_start3A_130 : memref<!tpu.dma_semaphore, #tpu.memory_space<semaphore_mem>>)
      %dma_start3A_135 = arith.constant 0 : i32
      %dma_start3A_136 = arith.constant 0 : i32
      %dma_start3A_137 = arith.constant 0 : i32
      %dma_start3A_138 = arith.constant 0 : i32
      %dma_start3A_139 = tpu.memref_slice %arg9[%dma_start3A_135, %dma_start3A_137, %dma_start3A_138] : memref<2x80x128xf32, #tpu.memory_space<vmem>> -> memref<1x80x128xf32, #tpu.memory_space<vmem>>
      %dma_start3A_140 = tpu.memref_squeeze %dma_start3A_139 : memref<1x80x128xf32, #tpu.memory_space<vmem>> -> memref<80x128xf32, #tpu.memory_space<vmem>>
      %dma_start3A_141 = arith.constant 0 : i32
      %dma_start3A_142 = tpu.memref_slice %arg3[%multiple_of3A_110, %dma_start3A_141] : memref<320000x128xf32, #tpu.memory_space<hbm>> -> memref<80x128xf32, #tpu.memory_space<hbm>>
      %dma_start3A_143 = tpu.memref_slice %arg12[%dma_start3A_136] : memref<2x!tpu.dma_semaphore, #tpu.memory_space<semaphore_mem>> -> memref<1x!tpu.dma_semaphore, #tpu.memory_space<semaphore_mem>>
      %dma_start3A_144 = tpu.memref_squeeze %dma_start3A_143 : memref<1x!tpu.dma_semaphore, #tpu.memory_space<semaphore_mem>> -> memref<!tpu.dma_semaphore, #tpu.memory_space<semaphore_mem>>
      %dma_start3A_145 = arith.constant 0 : i32
      %dma_start3A_146 = arith.constant 0 : i32
      %dma_start3A_147 = tpu.memref_slice %arg9[%dma_start3A_135, %dma_start3A_145, %dma_start3A_146] : memref<2x80x128xf32, #tpu.memory_space<vmem>> -> memref<1x80x128xf32, #tpu.memory_space<vmem>>
      %dma_start3A_148 = tpu.memref_squeeze %dma_start3A_147 : memref<1x80x128xf32, #tpu.memory_space<vmem>> -> memref<80x128xf32, #tpu.memory_space<vmem>>
      %dma_start3A_149 = arith.constant 0 : i32
      %dma_start3A_150 = tpu.memref_slice %arg3[%multiple_of3A_110, %dma_start3A_149] : memref<320000x128xf32, #tpu.memory_space<hbm>> -> memref<80x128xf32, #tpu.memory_space<hbm>>
      tpu.enqueue_dma source(%dma_start3A_150 : memref<80x128xf32, #tpu.memory_space<hbm>>) target(%dma_start3A_148 : memref<80x128xf32, #tpu.memory_space<vmem>>) target_semaphore(%dma_start3A_144 : memref<!tpu.dma_semaphore, #tpu.memory_space<semaphore_mem>>)
      %gt3A_151 = arith.constant 0 : i32
      %gt3A_152 = arith.cmpi sgt, %scan3A_99, %gt3A_151 : i32
      %convert_element_type3A_153 = arith.extui %gt3A_152 : i1 to i32
      %cond3A_154 = arith.constant 0 : i32
      %cond3A_155 = arith.cmpi ne, %convert_element_type3A_153, %cond3A_154 : i32
      scf.if %cond3A_155 {
        %dma_wait3A_389 = arith.constant 1 : i32
        %dma_wait3A_390 = arith.constant 1 : i32
        %dma_wait3A_391 = arith.constant 1 : i32
        %dma_wait3A_392 = arith.constant 0 : i32
        %dma_wait3A_393 = arith.constant 0 : i32
        %dma_wait3A_394 = tpu.memref_slice %arg10[%dma_wait3A_389, %dma_wait3A_392, %dma_wait3A_393] : memref<2x80x128xf32, #tpu.memory_space<vmem>> -> memref<1x80x128xf32, #tpu.memory_space<vmem>>
        %dma_wait3A_395 = tpu.memref_squeeze %dma_wait3A_394 : memref<1x80x128xf32, #tpu.memory_space<vmem>> -> memref<80x128xf32, #tpu.memory_space<vmem>>
        %dma_wait3A_396 = arith.constant 0 : i32
        %dma_wait3A_397 = tpu.memref_slice %arg8[%dma_wait3A_390, %dma_wait3A_396] : memref<2x80xi32, #tpu.memory_space<vmem>> -> memref<1x80xi32, #tpu.memory_space<vmem>>
        %dma_wait3A_398 = tpu.memref_squeeze %dma_wait3A_397 : memref<1x80xi32, #tpu.memory_space<vmem>> -> memref<80xi32, #tpu.memory_space<vmem>>
        %dma_wait3A_399 = arith.constant 0 : i32
        %dma_wait3A_400 = arith.constant 0 : i32
        %dma_wait3A_401 = tpu.memref_slice %arg11[%dma_wait3A_399, %dma_wait3A_400] : memref<10240x128xf32, #tpu.memory_space<vmem_shared>> -> memref<10240x128xf32, #tpu.memory_space<vmem_shared>>
        %dma_wait3A_402 = tpu.memref_slice %arg14[%dma_wait3A_391] : memref<2x!tpu.dma_semaphore, #tpu.memory_space<semaphore_mem>> -> memref<1x!tpu.dma_semaphore, #tpu.memory_space<semaphore_mem>>
        %dma_wait3A_403 = tpu.memref_squeeze %dma_wait3A_402 : memref<1x!tpu.dma_semaphore, #tpu.memory_space<semaphore_mem>> -> memref<!tpu.dma_semaphore, #tpu.memory_space<semaphore_mem>>
        tpu.wait_indirect_dma semaphore(%dma_wait3A_403 : memref<!tpu.dma_semaphore, #tpu.memory_space<semaphore_mem>>) src(%dma_wait3A_395 : memref<80x128xf32, #tpu.memory_space<vmem>>) dst(%dma_wait3A_401 : memref<10240x128xf32, #tpu.memory_space<vmem_shared>>)
      } else {
      }
      %mul3A_156 = arith.constant 2 : i32
      %mul3A_157 = arith.muli %scan3A_99, %mul3A_156 : i32
      %add3A_158 = arith.constant 1 : i32
      %add3A_159 = arith.addi %mul3A_157, %add3A_158 : i32
      %mul3A_160 = arith.constant 80 : i32
      %mul3A_161 = arith.muli %add3A_159, %mul3A_160 : i32
      %add3A_162 = arith.addi %mul3A_2, %mul3A_161 : i32
      %multiple_of3A_163 = tpu.assume_multiple %add3A_162, 8 : i32
      %dma_start3A_164 = arith.constant 1 : i32
      %dma_start3A_165 = arith.constant 1 : i32
      %dma_start3A_166 = arith.constant 0 : i32
      %dma_start3A_167 = tpu.memref_slice %arg7[%dma_start3A_164, %dma_start3A_166] : memref<2x80xi32, #tpu.memory_space<vmem>> -> memref<1x80xi32, #tpu.memory_space<vmem>>
      %dma_start3A_168 = tpu.memref_squeeze %dma_start3A_167 : memref<1x80xi32, #tpu.memory_space<vmem>> -> memref<80xi32, #tpu.memory_space<vmem>>
      %dma_start3A_169 = tpu.memref_slice %arg4[%multiple_of3A_163] : memref<320000xi32, #tpu.memory_space<hbm>> -> memref<80xi32, #tpu.memory_space<hbm>>
      %dma_start3A_170 = tpu.memref_slice %arg12[%dma_start3A_165] : memref<2x!tpu.dma_semaphore, #tpu.memory_space<semaphore_mem>> -> memref<1x!tpu.dma_semaphore, #tpu.memory_space<semaphore_mem>>
      %dma_start3A_171 = tpu.memref_squeeze %dma_start3A_170 : memref<1x!tpu.dma_semaphore, #tpu.memory_space<semaphore_mem>> -> memref<!tpu.dma_semaphore, #tpu.memory_space<semaphore_mem>>
      %dma_start3A_172 = arith.constant 0 : i32
      %dma_start3A_173 = tpu.memref_slice %arg7[%dma_start3A_164, %dma_start3A_172] : memref<2x80xi32, #tpu.memory_space<vmem>> -> memref<1x80xi32, #tpu.memory_space<vmem>>
      %dma_start3A_174 = tpu.memref_squeeze %dma_start3A_173 : memref<1x80xi32, #tpu.memory_space<vmem>> -> memref<80xi32, #tpu.memory_space<vmem>>
      %dma_start3A_175 = tpu.memref_slice %arg4[%multiple_of3A_163] : memref<320000xi32, #tpu.memory_space<hbm>> -> memref<80xi32, #tpu.memory_space<hbm>>
      tpu.enqueue_dma source(%dma_start3A_175 : memref<80xi32, #tpu.memory_space<hbm>>) target(%dma_start3A_174 : memref<80xi32, #tpu.memory_space<vmem>>) target_semaphore(%dma_start3A_171 : memref<!tpu.dma_semaphore, #tpu.memory_space<semaphore_mem>>)
      %dma_start3A_176 = arith.constant 1 : i32
      %dma_start3A_177 = arith.constant 1 : i32
      %dma_start3A_178 = arith.constant 0 : i32
      %dma_start3A_179 = tpu.memref_slice %arg8[%dma_start3A_176, %dma_start3A_178] : memref<2x80xi32, #tpu.memory_space<vmem>> -> memref<1x80xi32, #tpu.memory_space<vmem>>
      %dma_start3A_180 = tpu.memref_squeeze %dma_start3A_179 : memref<1x80xi32, #tpu.memory_space<vmem>> -> memref<80xi32, #tpu.memory_space<vmem>>
      %dma_start3A_181 = tpu.memref_slice %arg5[%multiple_of3A_163] : memref<320000xi32, #tpu.memory_space<hbm>> -> memref<80xi32, #tpu.memory_space<hbm>>
      %dma_start3A_182 = tpu.memref_slice %arg12[%dma_start3A_177] : memref<2x!tpu.dma_semaphore, #tpu.memory_space<semaphore_mem>> -> memref<1x!tpu.dma_semaphore, #tpu.memory_space<semaphore_mem>>
      %dma_start3A_183 = tpu.memref_squeeze %dma_start3A_182 : memref<1x!tpu.dma_semaphore, #tpu.memory_space<semaphore_mem>> -> memref<!tpu.dma_semaphore, #tpu.memory_space<semaphore_mem>>
      %dma_start3A_184 = arith.constant 0 : i32
      %dma_start3A_185 = tpu.memref_slice %arg8[%dma_start3A_176, %dma_start3A_184] : memref<2x80xi32, #tpu.memory_space<vmem>> -> memref<1x80xi32, #tpu.memory_space<vmem>>
      %dma_start3A_186 = tpu.memref_squeeze %dma_start3A_185 : memref<1x80xi32, #tpu.memory_space<vmem>> -> memref<80xi32, #tpu.memory_space<vmem>>
      %dma_start3A_187 = tpu.memref_slice %arg5[%multiple_of3A_163] : memref<320000xi32, #tpu.memory_space<hbm>> -> memref<80xi32, #tpu.memory_space<hbm>>
      tpu.enqueue_dma source(%dma_start3A_187 : memref<80xi32, #tpu.memory_space<hbm>>) target(%dma_start3A_186 : memref<80xi32, #tpu.memory_space<vmem>>) target_semaphore(%dma_start3A_183 : memref<!tpu.dma_semaphore, #tpu.memory_space<semaphore_mem>>)
      %dma_start3A_188 = arith.constant 1 : i32
      %dma_start3A_189 = arith.constant 1 : i32
      %dma_start3A_190 = arith.constant 0 : i32
      %dma_start3A_191 = arith.constant 0 : i32
      %dma_start3A_192 = tpu.memref_slice %arg9[%dma_start3A_188, %dma_start3A_190, %dma_start3A_191] : memref<2x80x128xf32, #tpu.memory_space<vmem>> -> memref<1x80x128xf32, #tpu.memory_space<vmem>>
      %dma_start3A_193 = tpu.memref_squeeze %dma_start3A_192 : memref<1x80x128xf32, #tpu.memory_space<vmem>> -> memref<80x128xf32, #tpu.memory_space<vmem>>
      %dma_start3A_194 = arith.constant 0 : i32
      %dma_start3A_195 = tpu.memref_slice %arg3[%multiple_of3A_163, %dma_start3A_194] : memref<320000x128xf32, #tpu.memory_space<hbm>> -> memref<80x128xf32, #tpu.memory_space<hbm>>
      %dma_start3A_196 = tpu.memref_slice %arg12[%dma_start3A_189] : memref<2x!tpu.dma_semaphore, #tpu.memory_space<semaphore_mem>> -> memref<1x!tpu.dma_semaphore, #tpu.memory_space<semaphore_mem>>
      %dma_start3A_197 = tpu.memref_squeeze %dma_start3A_196 : memref<1x!tpu.dma_semaphore, #tpu.memory_space<semaphore_mem>> -> memref<!tpu.dma_semaphore, #tpu.memory_space<semaphore_mem>>
      %dma_start3A_198 = arith.constant 0 : i32
      %dma_start3A_199 = arith.constant 0 : i32
      %dma_start3A_200 = tpu.memref_slice %arg9[%dma_start3A_188, %dma_start3A_198, %dma_start3A_199] : memref<2x80x128xf32, #tpu.memory_space<vmem>> -> memref<1x80x128xf32, #tpu.memory_space<vmem>>
      %dma_start3A_201 = tpu.memref_squeeze %dma_start3A_200 : memref<1x80x128xf32, #tpu.memory_space<vmem>> -> memref<80x128xf32, #tpu.memory_space<vmem>>
      %dma_start3A_202 = arith.constant 0 : i32
      %dma_start3A_203 = tpu.memref_slice %arg3[%multiple_of3A_163, %dma_start3A_202] : memref<320000x128xf32, #tpu.memory_space<hbm>> -> memref<80x128xf32, #tpu.memory_space<hbm>>
      tpu.enqueue_dma source(%dma_start3A_203 : memref<80x128xf32, #tpu.memory_space<hbm>>) target(%dma_start3A_201 : memref<80x128xf32, #tpu.memory_space<vmem>>) target_semaphore(%dma_start3A_197 : memref<!tpu.dma_semaphore, #tpu.memory_space<semaphore_mem>>)
      %dma_wait3A_204 = arith.constant 0 : i32
      %dma_wait3A_205 = arith.constant 0 : i32
      %dma_wait3A_206 = arith.constant 0 : i32
      %dma_wait3A_207 = tpu.memref_slice %arg7[%dma_wait3A_204, %dma_wait3A_206] : memref<2x80xi32, #tpu.memory_space<vmem>> -> memref<1x80xi32, #tpu.memory_space<vmem>>
      %dma_wait3A_208 = tpu.memref_squeeze %dma_wait3A_207 : memref<1x80xi32, #tpu.memory_space<vmem>> -> memref<80xi32, #tpu.memory_space<vmem>>
      %dma_wait3A_209 = tpu.memref_slice %arg4[%multiple_of3A_110] : memref<320000xi32, #tpu.memory_space<hbm>> -> memref<80xi32, #tpu.memory_space<hbm>>
      %dma_wait3A_210 = tpu.memref_slice %arg12[%dma_wait3A_205] : memref<2x!tpu.dma_semaphore, #tpu.memory_space<semaphore_mem>> -> memref<1x!tpu.dma_semaphore, #tpu.memory_space<semaphore_mem>>
      %dma_wait3A_211 = tpu.memref_squeeze %dma_wait3A_210 : memref<1x!tpu.dma_semaphore, #tpu.memory_space<semaphore_mem>> -> memref<!tpu.dma_semaphore, #tpu.memory_space<semaphore_mem>>
      %dma_wait3A_212 = arith.constant 0 : i32
      %dma_wait3A_213 = tpu.memref_slice %arg7[%dma_wait3A_204, %dma_wait3A_212] : memref<2x80xi32, #tpu.memory_space<vmem>> -> memref<1x80xi32, #tpu.memory_space<vmem>>
      %dma_wait3A_214 = tpu.memref_squeeze %dma_wait3A_213 : memref<1x80xi32, #tpu.memory_space<vmem>> -> memref<80xi32, #tpu.memory_space<vmem>>
      %dma_wait3A_215 = tpu.memref_slice %arg4[%multiple_of3A_110] : memref<320000xi32, #tpu.memory_space<hbm>> -> memref<80xi32, #tpu.memory_space<hbm>>
      tpu.wait_dma2 semaphore(%dma_wait3A_211 : memref<!tpu.dma_semaphore, #tpu.memory_space<semaphore_mem>>) src(%dma_wait3A_215 : memref<80xi32, #tpu.memory_space<hbm>>) dst(%dma_wait3A_214 : memref<80xi32, #tpu.memory_space<vmem>>)
      %dma_wait3A_216 = arith.constant 0 : i32
      %dma_wait3A_217 = arith.constant 0 : i32
      %dma_wait3A_218 = arith.constant 0 : i32
      %dma_wait3A_219 = tpu.memref_slice %arg8[%dma_wait3A_216, %dma_wait3A_218] : memref<2x80xi32, #tpu.memory_space<vmem>> -> memref<1x80xi32, #tpu.memory_space<vmem>>
      %dma_wait3A_220 = tpu.memref_squeeze %dma_wait3A_219 : memref<1x80xi32, #tpu.memory_space<vmem>> -> memref<80xi32, #tpu.memory_space<vmem>>
      %dma_wait3A_221 = tpu.memref_slice %arg5[%multiple_of3A_110] : memref<320000xi32, #tpu.memory_space<hbm>> -> memref<80xi32, #tpu.memory_space<hbm>>
      %dma_wait3A_222 = tpu.memref_slice %arg12[%dma_wait3A_217] : memref<2x!tpu.dma_semaphore, #tpu.memory_space<semaphore_mem>> -> memref<1x!tpu.dma_semaphore, #tpu.memory_space<semaphore_mem>>
      %dma_wait3A_223 = tpu.memref_squeeze %dma_wait3A_222 : memref<1x!tpu.dma_semaphore, #tpu.memory_space<semaphore_mem>> -> memref<!tpu.dma_semaphore, #tpu.memory_space<semaphore_mem>>
      %dma_wait3A_224 = arith.constant 0 : i32
      %dma_wait3A_225 = tpu.memref_slice %arg8[%dma_wait3A_216, %dma_wait3A_224] : memref<2x80xi32, #tpu.memory_space<vmem>> -> memref<1x80xi32, #tpu.memory_space<vmem>>
      %dma_wait3A_226 = tpu.memref_squeeze %dma_wait3A_225 : memref<1x80xi32, #tpu.memory_space<vmem>> -> memref<80xi32, #tpu.memory_space<vmem>>
      %dma_wait3A_227 = tpu.memref_slice %arg5[%multiple_of3A_110] : memref<320000xi32, #tpu.memory_space<hbm>> -> memref<80xi32, #tpu.memory_space<hbm>>
      tpu.wait_dma2 semaphore(%dma_wait3A_223 : memref<!tpu.dma_semaphore, #tpu.memory_space<semaphore_mem>>) src(%dma_wait3A_227 : memref<80xi32, #tpu.memory_space<hbm>>) dst(%dma_wait3A_226 : memref<80xi32, #tpu.memory_space<vmem>>)
      %dma_wait3A_228 = arith.constant 0 : i32
      %dma_wait3A_229 = arith.constant 0 : i32
      %dma_wait3A_230 = arith.constant 0 : i32
      %dma_wait3A_231 = arith.constant 0 : i32
      %dma_wait3A_232 = tpu.memref_slice %arg9[%dma_wait3A_228, %dma_wait3A_230, %dma_wait3A_231] : memref<2x80x128xf32, #tpu.memory_space<vmem>> -> memref<1x80x128xf32, #tpu.memory_space<vmem>>
      %dma_wait3A_233 = tpu.memref_squeeze %dma_wait3A_232 : memref<1x80x128xf32, #tpu.memory_space<vmem>> -> memref<80x128xf32, #tpu.memory_space<vmem>>
      %dma_wait3A_234 = arith.constant 0 : i32
      %dma_wait3A_235 = tpu.memref_slice %arg3[%multiple_of3A_110, %dma_wait3A_234] : memref<320000x128xf32, #tpu.memory_space<hbm>> -> memref<80x128xf32, #tpu.memory_space<hbm>>
      %dma_wait3A_236 = tpu.memref_slice %arg12[%dma_wait3A_229] : memref<2x!tpu.dma_semaphore, #tpu.memory_space<semaphore_mem>> -> memref<1x!tpu.dma_semaphore, #tpu.memory_space<semaphore_mem>>
      %dma_wait3A_237 = tpu.memref_squeeze %dma_wait3A_236 : memref<1x!tpu.dma_semaphore, #tpu.memory_space<semaphore_mem>> -> memref<!tpu.dma_semaphore, #tpu.memory_space<semaphore_mem>>
      %dma_wait3A_238 = arith.constant 0 : i32
      %dma_wait3A_239 = arith.constant 0 : i32
      %dma_wait3A_240 = tpu.memref_slice %arg9[%dma_wait3A_228, %dma_wait3A_238, %dma_wait3A_239] : memref<2x80x128xf32, #tpu.memory_space<vmem>> -> memref<1x80x128xf32, #tpu.memory_space<vmem>>
      %dma_wait3A_241 = tpu.memref_squeeze %dma_wait3A_240 : memref<1x80x128xf32, #tpu.memory_space<vmem>> -> memref<80x128xf32, #tpu.memory_space<vmem>>
      %dma_wait3A_242 = arith.constant 0 : i32
      %dma_wait3A_243 = tpu.memref_slice %arg3[%multiple_of3A_110, %dma_wait3A_242] : memref<320000x128xf32, #tpu.memory_space<hbm>> -> memref<80x128xf32, #tpu.memory_space<hbm>>
      tpu.wait_dma2 semaphore(%dma_wait3A_237 : memref<!tpu.dma_semaphore, #tpu.memory_space<semaphore_mem>>) src(%dma_wait3A_243 : memref<80x128xf32, #tpu.memory_space<hbm>>) dst(%dma_wait3A_241 : memref<80x128xf32, #tpu.memory_space<vmem>>)
      %dma_start3A_244 = arith.constant 0 : i32
      %dma_start3A_245 = arith.constant 0 : i32
      %dma_start3A_246 = arith.constant 0 : i32
      %dma_start3A_247 = arith.constant 0 : i32
      %dma_start3A_248 = arith.constant 0 : i32
      %dma_start3A_249 = tpu.memref_slice %arg10[%dma_start3A_245, %dma_start3A_247, %dma_start3A_248] : memref<2x80x128xf32, #tpu.memory_space<vmem>> -> memref<1x80x128xf32, #tpu.memory_space<vmem>>
      %dma_start3A_250 = tpu.memref_squeeze %dma_start3A_249 : memref<1x80x128xf32, #tpu.memory_space<vmem>> -> memref<80x128xf32, #tpu.memory_space<vmem>>
      %dma_start3A_251 = arith.constant 0 : i32
      %dma_start3A_252 = tpu.memref_slice %arg7[%dma_start3A_244, %dma_start3A_251] : memref<2x80xi32, #tpu.memory_space<vmem>> -> memref<1x80xi32, #tpu.memory_space<vmem>>
      %dma_start3A_253 = tpu.memref_squeeze %dma_start3A_252 : memref<1x80xi32, #tpu.memory_space<vmem>> -> memref<80xi32, #tpu.memory_space<vmem>>
      %dma_start3A_254 = arith.constant 0 : i32
      %dma_start3A_255 = arith.constant 0 : i32
      %dma_start3A_256 = tpu.memref_slice %arg2[%dma_start3A_254, %dma_start3A_255] : memref<10000x128xf32, #tpu.memory_space<hbm>> -> memref<10000x128xf32, #tpu.memory_space<hbm>>
      %dma_start3A_257 = tpu.memref_slice %arg13[%dma_start3A_246] : memref<2x!tpu.dma_semaphore, #tpu.memory_space<semaphore_mem>> -> memref<1x!tpu.dma_semaphore, #tpu.memory_space<semaphore_mem>>
      %dma_start3A_258 = tpu.memref_squeeze %dma_start3A_257 : memref<1x!tpu.dma_semaphore, #tpu.memory_space<semaphore_mem>> -> memref<!tpu.dma_semaphore, #tpu.memory_space<semaphore_mem>>
      tpu.enqueue_indirect_dma source(%dma_start3A_256 : memref<10000x128xf32, #tpu.memory_space<hbm>>) target(%dma_start3A_250 : memref<80x128xf32, #tpu.memory_space<vmem>>) offsets(%dma_start3A_253 : memref<80xi32, #tpu.memory_space<vmem>>) semaphore(%dma_start3A_258 : memref<!tpu.dma_semaphore, #tpu.memory_space<semaphore_mem>>)
      %dma_wait3A_259 = arith.constant 1 : i32
      %dma_wait3A_260 = arith.constant 1 : i32
      %dma_wait3A_261 = arith.constant 0 : i32
      %dma_wait3A_262 = tpu.memref_slice %arg7[%dma_wait3A_259, %dma_wait3A_261] : memref<2x80xi32, #tpu.memory_space<vmem>> -> memref<1x80xi32, #tpu.memory_space<vmem>>
      %dma_wait3A_263 = tpu.memref_squeeze %dma_wait3A_262 : memref<1x80xi32, #tpu.memory_space<vmem>> -> memref<80xi32, #tpu.memory_space<vmem>>
      %dma_wait3A_264 = tpu.memref_slice %arg4[%multiple_of3A_163] : memref<320000xi32, #tpu.memory_space<hbm>> -> memref<80xi32, #tpu.memory_space<hbm>>
      %dma_wait3A_265 = tpu.memref_slice %arg12[%dma_wait3A_260] : memref<2x!tpu.dma_semaphore, #tpu.memory_space<semaphore_mem>> -> memref<1x!tpu.dma_semaphore, #tpu.memory_space<semaphore_mem>>
      %dma_wait3A_266 = tpu.memref_squeeze %dma_wait3A_265 : memref<1x!tpu.dma_semaphore, #tpu.memory_space<semaphore_mem>> -> memref<!tpu.dma_semaphore, #tpu.memory_space<semaphore_mem>>
      %dma_wait3A_267 = arith.constant 0 : i32
      %dma_wait3A_268 = tpu.memref_slice %arg7[%dma_wait3A_259, %dma_wait3A_267] : memref<2x80xi32, #tpu.memory_space<vmem>> -> memref<1x80xi32, #tpu.memory_space<vmem>>
      %dma_wait3A_269 = tpu.memref_squeeze %dma_wait3A_268 : memref<1x80xi32, #tpu.memory_space<vmem>> -> memref<80xi32, #tpu.memory_space<vmem>>
      %dma_wait3A_270 = tpu.memref_slice %arg4[%multiple_of3A_163] : memref<320000xi32, #tpu.memory_space<hbm>> -> memref<80xi32, #tpu.memory_space<hbm>>
      tpu.wait_dma2 semaphore(%dma_wait3A_266 : memref<!tpu.dma_semaphore, #tpu.memory_space<semaphore_mem>>) src(%dma_wait3A_270 : memref<80xi32, #tpu.memory_space<hbm>>) dst(%dma_wait3A_269 : memref<80xi32, #tpu.memory_space<vmem>>)
      %dma_wait3A_271 = arith.constant 1 : i32
      %dma_wait3A_272 = arith.constant 1 : i32
      %dma_wait3A_273 = arith.constant 0 : i32
      %dma_wait3A_274 = tpu.memref_slice %arg8[%dma_wait3A_271, %dma_wait3A_273] : memref<2x80xi32, #tpu.memory_space<vmem>> -> memref<1x80xi32, #tpu.memory_space<vmem>>
      %dma_wait3A_275 = tpu.memref_squeeze %dma_wait3A_274 : memref<1x80xi32, #tpu.memory_space<vmem>> -> memref<80xi32, #tpu.memory_space<vmem>>
      %dma_wait3A_276 = tpu.memref_slice %arg5[%multiple_of3A_163] : memref<320000xi32, #tpu.memory_space<hbm>> -> memref<80xi32, #tpu.memory_space<hbm>>
      %dma_wait3A_277 = tpu.memref_slice %arg12[%dma_wait3A_272] : memref<2x!tpu.dma_semaphore, #tpu.memory_space<semaphore_mem>> -> memref<1x!tpu.dma_semaphore, #tpu.memory_space<semaphore_mem>>
      %dma_wait3A_278 = tpu.memref_squeeze %dma_wait3A_277 : memref<1x!tpu.dma_semaphore, #tpu.memory_space<semaphore_mem>> -> memref<!tpu.dma_semaphore, #tpu.memory_space<semaphore_mem>>
      %dma_wait3A_279 = arith.constant 0 : i32
      %dma_wait3A_280 = tpu.memref_slice %arg8[%dma_wait3A_271, %dma_wait3A_279] : memref<2x80xi32, #tpu.memory_space<vmem>> -> memref<1x80xi32, #tpu.memory_space<vmem>>
      %dma_wait3A_281 = tpu.memref_squeeze %dma_wait3A_280 : memref<1x80xi32, #tpu.memory_space<vmem>> -> memref<80xi32, #tpu.memory_space<vmem>>
      %dma_wait3A_282 = tpu.memref_slice %arg5[%multiple_of3A_163] : memref<320000xi32, #tpu.memory_space<hbm>> -> memref<80xi32, #tpu.memory_space<hbm>>
      tpu.wait_dma2 semaphore(%dma_wait3A_278 : memref<!tpu.dma_semaphore, #tpu.memory_space<semaphore_mem>>) src(%dma_wait3A_282 : memref<80xi32, #tpu.memory_space<hbm>>) dst(%dma_wait3A_281 : memref<80xi32, #tpu.memory_space<vmem>>)
      %dma_wait3A_283 = arith.constant 1 : i32
      %dma_wait3A_284 = arith.constant 1 : i32
      %dma_wait3A_285 = arith.constant 0 : i32
      %dma_wait3A_286 = arith.constant 0 : i32
      %dma_wait3A_287 = tpu.memref_slice %arg9[%dma_wait3A_283, %dma_wait3A_285, %dma_wait3A_286] : memref<2x80x128xf32, #tpu.memory_space<vmem>> -> memref<1x80x128xf32, #tpu.memory_space<vmem>>
      %dma_wait3A_288 = tpu.memref_squeeze %dma_wait3A_287 : memref<1x80x128xf32, #tpu.memory_space<vmem>> -> memref<80x128xf32, #tpu.memory_space<vmem>>
      %dma_wait3A_289 = arith.constant 0 : i32
      %dma_wait3A_290 = tpu.memref_slice %arg3[%multiple_of3A_163, %dma_wait3A_289] : memref<320000x128xf32, #tpu.memory_space<hbm>> -> memref<80x128xf32, #tpu.memory_space<hbm>>
      %dma_wait3A_291 = tpu.memref_slice %arg12[%dma_wait3A_284] : memref<2x!tpu.dma_semaphore, #tpu.memory_space<semaphore_mem>> -> memref<1x!tpu.dma_semaphore, #tpu.memory_space<semaphore_mem>>
      %dma_wait3A_292 = tpu.memref_squeeze %dma_wait3A_291 : memref<1x!tpu.dma_semaphore, #tpu.memory_space<semaphore_mem>> -> memref<!tpu.dma_semaphore, #tpu.memory_space<semaphore_mem>>
      %dma_wait3A_293 = arith.constant 0 : i32
      %dma_wait3A_294 = arith.constant 0 : i32
      %dma_wait3A_295 = tpu.memref_slice %arg9[%dma_wait3A_283, %dma_wait3A_293, %dma_wait3A_294] : memref<2x80x128xf32, #tpu.memory_space<vmem>> -> memref<1x80x128xf32, #tpu.memory_space<vmem>>
      %dma_wait3A_296 = tpu.memref_squeeze %dma_wait3A_295 : memref<1x80x128xf32, #tpu.memory_space<vmem>> -> memref<80x128xf32, #tpu.memory_space<vmem>>
      %dma_wait3A_297 = arith.constant 0 : i32
      %dma_wait3A_298 = tpu.memref_slice %arg3[%multiple_of3A_163, %dma_wait3A_297] : memref<320000x128xf32, #tpu.memory_space<hbm>> -> memref<80x128xf32, #tpu.memory_space<hbm>>
      tpu.wait_dma2 semaphore(%dma_wait3A_292 : memref<!tpu.dma_semaphore, #tpu.memory_space<semaphore_mem>>) src(%dma_wait3A_298 : memref<80x128xf32, #tpu.memory_space<hbm>>) dst(%dma_wait3A_296 : memref<80x128xf32, #tpu.memory_space<vmem>>)
      %dma_start3A_299 = arith.constant 1 : i32
      %dma_start3A_300 = arith.constant 1 : i32
      %dma_start3A_301 = arith.constant 1 : i32
      %dma_start3A_302 = arith.constant 0 : i32
      %dma_start3A_303 = arith.constant 0 : i32
      %dma_start3A_304 = tpu.memref_slice %arg10[%dma_start3A_300, %dma_start3A_302, %dma_start3A_303] : memref<2x80x128xf32, #tpu.memory_space<vmem>> -> memref<1x80x128xf32, #tpu.memory_space<vmem>>
      %dma_start3A_305 = tpu.memref_squeeze %dma_start3A_304 : memref<1x80x128xf32, #tpu.memory_space<vmem>> -> memref<80x128xf32, #tpu.memory_space<vmem>>
      %dma_start3A_306 = arith.constant 0 : i32
      %dma_start3A_307 = tpu.memref_slice %arg7[%dma_start3A_299, %dma_start3A_306] : memref<2x80xi32, #tpu.memory_space<vmem>> -> memref<1x80xi32, #tpu.memory_space<vmem>>
      %dma_start3A_308 = tpu.memref_squeeze %dma_start3A_307 : memref<1x80xi32, #tpu.memory_space<vmem>> -> memref<80xi32, #tpu.memory_space<vmem>>
      %dma_start3A_309 = arith.constant 0 : i32
      %dma_start3A_310 = arith.constant 0 : i32
      %dma_start3A_311 = tpu.memref_slice %arg2[%dma_start3A_309, %dma_start3A_310] : memref<10000x128xf32, #tpu.memory_space<hbm>> -> memref<10000x128xf32, #tpu.memory_space<hbm>>
      %dma_start3A_312 = tpu.memref_slice %arg13[%dma_start3A_301] : memref<2x!tpu.dma_semaphore, #tpu.memory_space<semaphore_mem>> -> memref<1x!tpu.dma_semaphore, #tpu.memory_space<semaphore_mem>>
      %dma_start3A_313 = tpu.memref_squeeze %dma_start3A_312 : memref<1x!tpu.dma_semaphore, #tpu.memory_space<semaphore_mem>> -> memref<!tpu.dma_semaphore, #tpu.memory_space<semaphore_mem>>
      tpu.enqueue_indirect_dma source(%dma_start3A_311 : memref<10000x128xf32, #tpu.memory_space<hbm>>) target(%dma_start3A_305 : memref<80x128xf32, #tpu.memory_space<vmem>>) offsets(%dma_start3A_308 : memref<80xi32, #tpu.memory_space<vmem>>) semaphore(%dma_start3A_313 : memref<!tpu.dma_semaphore, #tpu.memory_space<semaphore_mem>>)
      %dma_wait3A_314 = arith.constant 0 : i32
      %dma_wait3A_315 = arith.constant 0 : i32
      %dma_wait3A_316 = arith.constant 0 : i32
      %dma_wait3A_317 = arith.constant 0 : i32
      %dma_wait3A_318 = arith.constant 0 : i32
      %dma_wait3A_319 = tpu.memref_slice %arg10[%dma_wait3A_315, %dma_wait3A_317, %dma_wait3A_318] : memref<2x80x128xf32, #tpu.memory_space<vmem>> -> memref<1x80x128xf32, #tpu.memory_space<vmem>>
      %dma_wait3A_320 = tpu.memref_squeeze %dma_wait3A_319 : memref<1x80x128xf32, #tpu.memory_space<vmem>> -> memref<80x128xf32, #tpu.memory_space<vmem>>
      %dma_wait3A_321 = arith.constant 0 : i32
      %dma_wait3A_322 = tpu.memref_slice %arg7[%dma_wait3A_314, %dma_wait3A_321] : memref<2x80xi32, #tpu.memory_space<vmem>> -> memref<1x80xi32, #tpu.memory_space<vmem>>
      %dma_wait3A_323 = tpu.memref_squeeze %dma_wait3A_322 : memref<1x80xi32, #tpu.memory_space<vmem>> -> memref<80xi32, #tpu.memory_space<vmem>>
      %dma_wait3A_324 = arith.constant 0 : i32
      %dma_wait3A_325 = arith.constant 0 : i32
      %dma_wait3A_326 = tpu.memref_slice %arg2[%dma_wait3A_324, %dma_wait3A_325] : memref<10000x128xf32, #tpu.memory_space<hbm>> -> memref<10000x128xf32, #tpu.memory_space<hbm>>
      %dma_wait3A_327 = tpu.memref_slice %arg13[%dma_wait3A_316] : memref<2x!tpu.dma_semaphore, #tpu.memory_space<semaphore_mem>> -> memref<1x!tpu.dma_semaphore, #tpu.memory_space<semaphore_mem>>
      %dma_wait3A_328 = tpu.memref_squeeze %dma_wait3A_327 : memref<1x!tpu.dma_semaphore, #tpu.memory_space<semaphore_mem>> -> memref<!tpu.dma_semaphore, #tpu.memory_space<semaphore_mem>>
      tpu.wait_indirect_dma semaphore(%dma_wait3A_328 : memref<!tpu.dma_semaphore, #tpu.memory_space<semaphore_mem>>) src(%dma_wait3A_326 : memref<10000x128xf32, #tpu.memory_space<hbm>>) dst(%dma_wait3A_320 : memref<80x128xf32, #tpu.memory_space<vmem>>)
      %scan3A_329 = arith.constant 0 : i32
      %scan3A_330 = arith.constant 0 : i32
      %scan3A_331 = arith.constant 80 : i32
      %scan3A_332 = arith.addi %scan3A_330, %scan3A_331 : i32
      %scan3A_333 = arith.constant 1 : i32
      %scan3A_334 = scf.for %scan3A_389 = %scan3A_330 to %scan3A_332 step %scan3A_333 iter_args(%scan3A_390 = %scan3A_329) -> (i32)  : i32 {
        %get3A = arith.constant 0 : i32
        %get3A_391 = arith.index_cast %get3A : i32 to index
        %get3A_392 = arith.index_cast %scan3A_389 : i32 to index
        %get3A_393 = arith.constant 0 : index
        %get3A_394 = tpu.vector_load %arg10[%get3A_391, %get3A_392, %get3A_393] {strides = array<i32>} : memref<2x80x128xf32, #tpu.memory_space<vmem>>, vector<1x1x16xf32>,
        %get3A_395 = vector.shape_cast %get3A_394 : vector<1x1x16xf32> to vector<16xf32>
        %get3A_396 = arith.constant 0 : i32
        %get3A_397 = arith.index_cast %get3A_396 : i32 to index
        %get3A_398 = arith.index_cast %scan3A_389 : i32 to index
        %get3A_399 = arith.constant 0 : index
        %get3A_400 = tpu.vector_load %arg9[%get3A_397, %get3A_398, %get3A_399] {strides = array<i32>} : memref<2x80x128xf32, #tpu.memory_space<vmem>>, vector<1x1x16xf32>,
        %get3A_401 = vector.shape_cast %get3A_400 : vector<1x1x16xf32> to vector<16xf32>
        %add3A_402 = arith.addf %get3A_395, %get3A_401 : vector<16xf32>
        %max3A = arith.constant 0.000000e+00 : f32
        %max3A_403 = vector.broadcast %max3A : f32 to vector<16xf32>
        %max3A_404 = arith.maximumf %add3A_402, %max3A_403 : vector<16xf32>
        %swap3A = arith.constant 0 : i32
        %swap3A_405 = arith.index_cast %swap3A : i32 to index
        %swap3A_406 = arith.index_cast %scan3A_389 : i32 to index
        %swap3A_407 = arith.constant 0 : index
        %swap3A_408 = tpu.vector_load %arg10[%swap3A_405, %swap3A_406, %swap3A_407] {strides = array<i32>} : memref<2x80x128xf32, #tpu.memory_space<vmem>>, vector<1x1x16xf32>,
        %swap3A_409 = vector.shape_cast %swap3A_408 : vector<1x1x16xf32> to vector<16xf32>
        %swap3A_410 = vector.shape_cast %max3A_404 : vector<16xf32> to vector<1x1x16xf32>
        tpu.vector_store %arg10[%swap3A_405, %swap3A_406, %swap3A_407], %swap3A_410 {strides = array<i32>} : memref<2x80x128xf32, #tpu.memory_space<vmem>>, vector<1x1x16xf32>,
        %get3A_411 = arith.constant 0 : i32
        %get3A_412 = arith.index_cast %get3A_411 : i32 to index
        %get3A_413 = arith.index_cast %scan3A_389 : i32 to index
        %get3A_414 = arith.constant 16 : index
        %get3A_415 = tpu.vector_load %arg10[%get3A_412, %get3A_413, %get3A_414] {strides = array<i32>} : memref<2x80x128xf32, #tpu.memory_space<vmem>>, vector<1x1x16xf32>,
        %get3A_416 = vector.shape_cast %get3A_415 : vector<1x1x16xf32> to vector<16xf32>
        %get3A_417 = arith.constant 0 : i32
        %get3A_418 = arith.index_cast %get3A_417 : i32 to index
        %get3A_419 = arith.index_cast %scan3A_389 : i32 to index
        %get3A_420 = arith.constant 16 : index
        %get3A_421 = tpu.vector_load %arg9[%get3A_418, %get3A_419, %get3A_420] {strides = array<i32>} : memref<2x80x128xf32, #tpu.memory_space<vmem>>, vector<1x1x16xf32>,
        %get3A_422 = vector.shape_cast %get3A_421 : vector<1x1x16xf32> to vector<16xf32>
        %add3A_423 = arith.addf %get3A_416, %get3A_422 : vector<16xf32>
        %max3A_424 = arith.constant 0.000000e+00 : f32
        %max3A_425 = vector.broadcast %max3A_424 : f32 to vector<16xf32>
        %max3A_426 = arith.maximumf %add3A_423, %max3A_425 : vector<16xf32>
        %swap3A_427 = arith.constant 0 : i32
        %swap3A_428 = arith.index_cast %swap3A_427 : i32 to index
        %swap3A_429 = arith.index_cast %scan3A_389 : i32 to index
        %swap3A_430 = arith.constant 16 : index
        %swap3A_431 = tpu.vector_load %arg10[%swap3A_428, %swap3A_429, %swap3A_430] {strides = array<i32>} : memref<2x80x128xf32, #tpu.memory_space<vmem>>, vector<1x1x16xf32>,
        %swap3A_432 = vector.shape_cast %swap3A_431 : vector<1x1x16xf32> to vector<16xf32>
        %swap3A_433 = vector.shape_cast %max3A_426 : vector<16xf32> to vector<1x1x16xf32>
        tpu.vector_store %arg10[%swap3A_428, %swap3A_429, %swap3A_430], %swap3A_433 {strides = array<i32>} : memref<2x80x128xf32, #tpu.memory_space<vmem>>, vector<1x1x16xf32>,
        %get3A_434 = arith.constant 0 : i32
        %get3A_435 = arith.index_cast %get3A_434 : i32 to index
        %get3A_436 = arith.index_cast %scan3A_389 : i32 to index
        %get3A_437 = arith.constant 32 : index
        %get3A_438 = tpu.vector_load %arg10[%get3A_435, %get3A_436, %get3A_437] {strides = array<i32>} : memref<2x80x128xf32, #tpu.memory_space<vmem>>, vector<1x1x16xf32>,
        %get3A_439 = vector.shape_cast %get3A_438 : vector<1x1x16xf32> to vector<16xf32>
        %get3A_440 = arith.constant 0 : i32
        %get3A_441 = arith.index_cast %get3A_440 : i32 to index
        %get3A_442 = arith.index_cast %scan3A_389 : i32 to index
        %get3A_443 = arith.constant 32 : index
        %get3A_444 = tpu.vector_load %arg9[%get3A_441, %get3A_442, %get3A_443] {strides = array<i32>} : memref<2x80x128xf32, #tpu.memory_space<vmem>>, vector<1x1x16xf32>,
        %get3A_445 = vector.shape_cast %get3A_444 : vector<1x1x16xf32> to vector<16xf32>
        %add3A_446 = arith.addf %get3A_439, %get3A_445 : vector<16xf32>
        %max3A_447 = arith.constant 0.000000e+00 : f32
        %max3A_448 = vector.broadcast %max3A_447 : f32 to vector<16xf32>
        %max3A_449 = arith.maximumf %add3A_446, %max3A_448 : vector<16xf32>
        %swap3A_450 = arith.constant 0 : i32
        %swap3A_451 = arith.index_cast %swap3A_450 : i32 to index
        %swap3A_452 = arith.index_cast %scan3A_389 : i32 to index
        %swap3A_453 = arith.constant 32 : index
        %swap3A_454 = tpu.vector_load %arg10[%swap3A_451, %swap3A_452, %swap3A_453] {strides = array<i32>} : memref<2x80x128xf32, #tpu.memory_space<vmem>>, vector<1x1x16xf32>,
        %swap3A_455 = vector.shape_cast %swap3A_454 : vector<1x1x16xf32> to vector<16xf32>
        %swap3A_456 = vector.shape_cast %max3A_449 : vector<16xf32> to vector<1x1x16xf32>
        tpu.vector_store %arg10[%swap3A_451, %swap3A_452, %swap3A_453], %swap3A_456 {strides = array<i32>} : memref<2x80x128xf32, #tpu.memory_space<vmem>>, vector<1x1x16xf32>,
        %get3A_457 = arith.constant 0 : i32
        %get3A_458 = arith.index_cast %get3A_457 : i32 to index
        %get3A_459 = arith.index_cast %scan3A_389 : i32 to index
        %get3A_460 = arith.constant 48 : index
        %get3A_461 = tpu.vector_load %arg10[%get3A_458, %get3A_459, %get3A_460] {strides = array<i32>} : memref<2x80x128xf32, #tpu.memory_space<vmem>>, vector<1x1x16xf32>,
        %get3A_462 = vector.shape_cast %get3A_461 : vector<1x1x16xf32> to vector<16xf32>
        %get3A_463 = arith.constant 0 : i32
        %get3A_464 = arith.index_cast %get3A_463 : i32 to index
        %get3A_465 = arith.index_cast %scan3A_389 : i32 to index
        %get3A_466 = arith.constant 48 : index
        %get3A_467 = tpu.vector_load %arg9[%get3A_464, %get3A_465, %get3A_466] {strides = array<i32>} : memref<2x80x128xf32, #tpu.memory_space<vmem>>, vector<1x1x16xf32>,
        %get3A_468 = vector.shape_cast %get3A_467 : vector<1x1x16xf32> to vector<16xf32>
        %add3A_469 = arith.addf %get3A_462, %get3A_468 : vector<16xf32>
        %max3A_470 = arith.constant 0.000000e+00 : f32
        %max3A_471 = vector.broadcast %max3A_470 : f32 to vector<16xf32>
        %max3A_472 = arith.maximumf %add3A_469, %max3A_471 : vector<16xf32>
        %swap3A_473 = arith.constant 0 : i32
        %swap3A_474 = arith.index_cast %swap3A_473 : i32 to index
        %swap3A_475 = arith.index_cast %scan3A_389 : i32 to index
        %swap3A_476 = arith.constant 48 : index
        %swap3A_477 = tpu.vector_load %arg10[%swap3A_474, %swap3A_475, %swap3A_476] {strides = array<i32>} : memref<2x80x128xf32, #tpu.memory_space<vmem>>, vector<1x1x16xf32>,
        %swap3A_478 = vector.shape_cast %swap3A_477 : vector<1x1x16xf32> to vector<16xf32>
        %swap3A_479 = vector.shape_cast %max3A_472 : vector<16xf32> to vector<1x1x16xf32>
        tpu.vector_store %arg10[%swap3A_474, %swap3A_475, %swap3A_476], %swap3A_479 {strides = array<i32>} : memref<2x80x128xf32, #tpu.memory_space<vmem>>, vector<1x1x16xf32>,
        %get3A_480 = arith.constant 0 : i32
        %get3A_481 = arith.index_cast %get3A_480 : i32 to index
        %get3A_482 = arith.index_cast %scan3A_389 : i32 to index
        %get3A_483 = arith.constant 64 : index
        %get3A_484 = tpu.vector_load %arg10[%get3A_481, %get3A_482, %get3A_483] {strides = array<i32>} : memref<2x80x128xf32, #tpu.memory_space<vmem>>, vector<1x1x16xf32>,
        %get3A_485 = vector.shape_cast %get3A_484 : vector<1x1x16xf32> to vector<16xf32>
        %get3A_486 = arith.constant 0 : i32
        %get3A_487 = arith.index_cast %get3A_486 : i32 to index
        %get3A_488 = arith.index_cast %scan3A_389 : i32 to index
        %get3A_489 = arith.constant 64 : index
        %get3A_490 = tpu.vector_load %arg9[%get3A_487, %get3A_488, %get3A_489] {strides = array<i32>} : memref<2x80x128xf32, #tpu.memory_space<vmem>>, vector<1x1x16xf32>,
        %get3A_491 = vector.shape_cast %get3A_490 : vector<1x1x16xf32> to vector<16xf32>
        %add3A_492 = arith.addf %get3A_485, %get3A_491 : vector<16xf32>
        %max3A_493 = arith.constant 0.000000e+00 : f32
        %max3A_494 = vector.broadcast %max3A_493 : f32 to vector<16xf32>
        %max3A_495 = arith.maximumf %add3A_492, %max3A_494 : vector<16xf32>
        %swap3A_496 = arith.constant 0 : i32
        %swap3A_497 = arith.index_cast %swap3A_496 : i32 to index
        %swap3A_498 = arith.index_cast %scan3A_389 : i32 to index
        %swap3A_499 = arith.constant 64 : index
        %swap3A_500 = tpu.vector_load %arg10[%swap3A_497, %swap3A_498, %swap3A_499] {strides = array<i32>} : memref<2x80x128xf32, #tpu.memory_space<vmem>>, vector<1x1x16xf32>,
        %swap3A_501 = vector.shape_cast %swap3A_500 : vector<1x1x16xf32> to vector<16xf32>
        %swap3A_502 = vector.shape_cast %max3A_495 : vector<16xf32> to vector<1x1x16xf32>
        tpu.vector_store %arg10[%swap3A_497, %swap3A_498, %swap3A_499], %swap3A_502 {strides = array<i32>} : memref<2x80x128xf32, #tpu.memory_space<vmem>>, vector<1x1x16xf32>,
        %get3A_503 = arith.constant 0 : i32
        %get3A_504 = arith.index_cast %get3A_503 : i32 to index
        %get3A_505 = arith.index_cast %scan3A_389 : i32 to index
        %get3A_506 = arith.constant 80 : index
        %get3A_507 = tpu.vector_load %arg10[%get3A_504, %get3A_505, %get3A_506] {strides = array<i32>} : memref<2x80x128xf32, #tpu.memory_space<vmem>>, vector<1x1x16xf32>,
        %get3A_508 = vector.shape_cast %get3A_507 : vector<1x1x16xf32> to vector<16xf32>
        %get3A_509 = arith.constant 0 : i32
        %get3A_510 = arith.index_cast %get3A_509 : i32 to index
        %get3A_511 = arith.index_cast %scan3A_389 : i32 to index
        %get3A_512 = arith.constant 80 : index
        %get3A_513 = tpu.vector_load %arg9[%get3A_510, %get3A_511, %get3A_512] {strides = array<i32>} : memref<2x80x128xf32, #tpu.memory_space<vmem>>, vector<1x1x16xf32>,
        %get3A_514 = vector.shape_cast %get3A_513 : vector<1x1x16xf32> to vector<16xf32>
        %add3A_515 = arith.addf %get3A_508, %get3A_514 : vector<16xf32>
        %max3A_516 = arith.constant 0.000000e+00 : f32
        %max3A_517 = vector.broadcast %max3A_516 : f32 to vector<16xf32>
        %max3A_518 = arith.maximumf %add3A_515, %max3A_517 : vector<16xf32>
        %swap3A_519 = arith.constant 0 : i32
        %swap3A_520 = arith.index_cast %swap3A_519 : i32 to index
        %swap3A_521 = arith.index_cast %scan3A_389 : i32 to index
        %swap3A_522 = arith.constant 80 : index
        %swap3A_523 = tpu.vector_load %arg10[%swap3A_520, %swap3A_521, %swap3A_522] {strides = array<i32>} : memref<2x80x128xf32, #tpu.memory_space<vmem>>, vector<1x1x16xf32>,
        %swap3A_524 = vector.shape_cast %swap3A_523 : vector<1x1x16xf32> to vector<16xf32>
        %swap3A_525 = vector.shape_cast %max3A_518 : vector<16xf32> to vector<1x1x16xf32>
        tpu.vector_store %arg10[%swap3A_520, %swap3A_521, %swap3A_522], %swap3A_525 {strides = array<i32>} : memref<2x80x128xf32, #tpu.memory_space<vmem>>, vector<1x1x16xf32>,
        %get3A_526 = arith.constant 0 : i32
        %get3A_527 = arith.index_cast %get3A_526 : i32 to index
        %get3A_528 = arith.index_cast %scan3A_389 : i32 to index
        %get3A_529 = arith.constant 96 : index
        %get3A_530 = tpu.vector_load %arg10[%get3A_527, %get3A_528, %get3A_529] {strides = array<i32>} : memref<2x80x128xf32, #tpu.memory_space<vmem>>, vector<1x1x16xf32>,
        %get3A_531 = vector.shape_cast %get3A_530 : vector<1x1x16xf32> to vector<16xf32>
        %get3A_532 = arith.constant 0 : i32
        %get3A_533 = arith.index_cast %get3A_532 : i32 to index
        %get3A_534 = arith.index_cast %scan3A_389 : i32 to index
        %get3A_535 = arith.constant 96 : index
        %get3A_536 = tpu.vector_load %arg9[%get3A_533, %get3A_534, %get3A_535] {strides = array<i32>} : memref<2x80x128xf32, #tpu.memory_space<vmem>>, vector<1x1x16xf32>,
        %get3A_537 = vector.shape_cast %get3A_536 : vector<1x1x16xf32> to vector<16xf32>
        %add3A_538 = arith.addf %get3A_531, %get3A_537 : vector<16xf32>
        %max3A_539 = arith.constant 0.000000e+00 : f32
        %max3A_540 = vector.broadcast %max3A_539 : f32 to vector<16xf32>
        %max3A_541 = arith.maximumf %add3A_538, %max3A_540 : vector<16xf32>
        %swap3A_542 = arith.constant 0 : i32
        %swap3A_543 = arith.index_cast %swap3A_542 : i32 to index
        %swap3A_544 = arith.index_cast %scan3A_389 : i32 to index
        %swap3A_545 = arith.constant 96 : index
        %swap3A_546 = tpu.vector_load %arg10[%swap3A_543, %swap3A_544, %swap3A_545] {strides = array<i32>} : memref<2x80x128xf32, #tpu.memory_space<vmem>>, vector<1x1x16xf32>,
        %swap3A_547 = vector.shape_cast %swap3A_546 : vector<1x1x16xf32> to vector<16xf32>
        %swap3A_548 = vector.shape_cast %max3A_541 : vector<16xf32> to vector<1x1x16xf32>
        tpu.vector_store %arg10[%swap3A_543, %swap3A_544, %swap3A_545], %swap3A_548 {strides = array<i32>} : memref<2x80x128xf32, #tpu.memory_space<vmem>>, vector<1x1x16xf32>,
        %get3A_549 = arith.constant 0 : i32
        %get3A_550 = arith.index_cast %get3A_549 : i32 to index
        %get3A_551 = arith.index_cast %scan3A_389 : i32 to index
        %get3A_552 = arith.constant 112 : index
        %get3A_553 = tpu.vector_load %arg10[%get3A_550, %get3A_551, %get3A_552] {strides = array<i32>} : memref<2x80x128xf32, #tpu.memory_space<vmem>>, vector<1x1x16xf32>,
        %get3A_554 = vector.shape_cast %get3A_553 : vector<1x1x16xf32> to vector<16xf32>
        %get3A_555 = arith.constant 0 : i32
        %get3A_556 = arith.index_cast %get3A_555 : i32 to index
        %get3A_557 = arith.index_cast %scan3A_389 : i32 to index
        %get3A_558 = arith.constant 112 : index
        %get3A_559 = tpu.vector_load %arg9[%get3A_556, %get3A_557, %get3A_558] {strides = array<i32>} : memref<2x80x128xf32, #tpu.memory_space<vmem>>, vector<1x1x16xf32>,
        %get3A_560 = vector.shape_cast %get3A_559 : vector<1x1x16xf32> to vector<16xf32>
        %add3A_561 = arith.addf %get3A_554, %get3A_560 : vector<16xf32>
        %max3A_562 = arith.constant 0.000000e+00 : f32
        %max3A_563 = vector.broadcast %max3A_562 : f32 to vector<16xf32>
        %max3A_564 = arith.maximumf %add3A_561, %max3A_563 : vector<16xf32>
        %swap3A_565 = arith.constant 0 : i32
        %swap3A_566 = arith.index_cast %swap3A_565 : i32 to index
        %swap3A_567 = arith.index_cast %scan3A_389 : i32 to index
        %swap3A_568 = arith.constant 112 : index
        %swap3A_569 = tpu.vector_load %arg10[%swap3A_566, %swap3A_567, %swap3A_568] {strides = array<i32>} : memref<2x80x128xf32, #tpu.memory_space<vmem>>, vector<1x1x16xf32>,
        %swap3A_570 = vector.shape_cast %swap3A_569 : vector<1x1x16xf32> to vector<16xf32>
        %swap3A_571 = vector.shape_cast %max3A_564 : vector<16xf32> to vector<1x1x16xf32>
        tpu.vector_store %arg10[%swap3A_566, %swap3A_567, %swap3A_568], %swap3A_571 {strides = array<i32>} : memref<2x80x128xf32, #tpu.memory_space<vmem>>, vector<1x1x16xf32>,
        %scan3A_572 = arith.constant 0 : i32
        scf.yield %scan3A_572 : i32
      }
      %scan3A_335 = arith.constant 80 : i32
      %dma_start3A_336 = arith.constant 0 : i32
      %dma_start3A_337 = arith.constant 0 : i32
      %dma_start3A_338 = arith.constant 0 : i32
      %dma_start3A_339 = arith.constant 0 : i32
      %dma_start3A_340 = arith.constant 0 : i32
      %dma_start3A_341 = tpu.memref_slice %arg10[%dma_start3A_336, %dma_start3A_339, %dma_start3A_340] : memref<2x80x128xf32, #tpu.memory_space<vmem>> -> memref<1x80x128xf32, #tpu.memory_space<vmem>>
      %dma_start3A_342 = tpu.memref_squeeze %dma_start3A_341 : memref<1x80x128xf32, #tpu.memory_space<vmem>> -> memref<80x128xf32, #tpu.memory_space<vmem>>
      %dma_start3A_343 = arith.constant 0 : i32
      %dma_start3A_344 = tpu.memref_slice %arg8[%dma_start3A_337, %dma_start3A_343] : memref<2x80xi32, #tpu.memory_space<vmem>> -> memref<1x80xi32, #tpu.memory_space<vmem>>
      %dma_start3A_345 = tpu.memref_squeeze %dma_start3A_344 : memref<1x80xi32, #tpu.memory_space<vmem>> -> memref<80xi32, #tpu.memory_space<vmem>>
      %dma_start3A_346 = arith.constant 0 : i32
      %dma_start3A_347 = arith.constant 0 : i32
      %dma_start3A_348 = tpu.memref_slice %arg11[%dma_start3A_346, %dma_start3A_347] : memref<10240x128xf32, #tpu.memory_space<vmem_shared>> -> memref<10240x128xf32, #tpu.memory_space<vmem_shared>>
      %dma_start3A_349 = tpu.memref_slice %arg14[%dma_start3A_338] : memref<2x!tpu.dma_semaphore, #tpu.memory_space<semaphore_mem>> -> memref<1x!tpu.dma_semaphore, #tpu.memory_space<semaphore_mem>>
      %dma_start3A_350 = tpu.memref_squeeze %dma_start3A_349 : memref<1x!tpu.dma_semaphore, #tpu.memory_space<semaphore_mem>> -> memref<!tpu.dma_semaphore, #tpu.memory_space<semaphore_mem>>
      tpu.enqueue_indirect_dma source(%dma_start3A_342 : memref<80x128xf32, #tpu.memory_space<vmem>>) target(%dma_start3A_348 : memref<10240x128xf32, #tpu.memory_space<vmem_shared>>) offsets(%dma_start3A_345 : memref<80xi32, #tpu.memory_space<vmem>>) semaphore(%dma_start3A_350 : memref<!tpu.dma_semaphore, #tpu.memory_space<semaphore_mem>>) {add = true}
      %dma_wait3A_351 = arith.constant 1 : i32
      %dma_wait3A_352 = arith.constant 1 : i32
      %dma_wait3A_353 = arith.constant 1 : i32
      %dma_wait3A_354 = arith.constant 0 : i32
      %dma_wait3A_355 = arith.constant 0 : i32
      %dma_wait3A_356 = tpu.memref_slice %arg10[%dma_wait3A_352, %dma_wait3A_354, %dma_wait3A_355] : memref<2x80x128xf32, #tpu.memory_space<vmem>> -> memref<1x80x128xf32, #tpu.memory_space<vmem>>
      %dma_wait3A_357 = tpu.memref_squeeze %dma_wait3A_356 : memref<1x80x128xf32, #tpu.memory_space<vmem>> -> memref<80x128xf32, #tpu.memory_space<vmem>>
      %dma_wait3A_358 = arith.constant 0 : i32
      %dma_wait3A_359 = tpu.memref_slice %arg7[%dma_wait3A_351, %dma_wait3A_358] : memref<2x80xi32, #tpu.memory_space<vmem>> -> memref<1x80xi32, #tpu.memory_space<vmem>>
      %dma_wait3A_360 = tpu.memref_squeeze %dma_wait3A_359 : memref<1x80xi32, #tpu.memory_space<vmem>> -> memref<80xi32, #tpu.memory_space<vmem>>
      %dma_wait3A_361 = arith.constant 0 : i32
      %dma_wait3A_362 = arith.constant 0 : i32
      %dma_wait3A_363 = tpu.memref_slice %arg2[%dma_wait3A_361, %dma_wait3A_362] : memref<10000x128xf32, #tpu.memory_space<hbm>> -> memref<10000x128xf32, #tpu.memory_space<hbm>>
      %dma_wait3A_364 = tpu.memref_slice %arg13[%dma_wait3A_353] : memref<2x!tpu.dma_semaphore, #tpu.memory_space<semaphore_mem>> -> memref<1x!tpu.dma_semaphore, #tpu.memory_space<semaphore_mem>>
      %dma_wait3A_365 = tpu.memref_squeeze %dma_wait3A_364 : memref<1x!tpu.dma_semaphore, #tpu.memory_space<semaphore_mem>> -> memref<!tpu.dma_semaphore, #tpu.memory_space<semaphore_mem>>
      tpu.wait_indirect_dma semaphore(%dma_wait3A_365 : memref<!tpu.dma_semaphore, #tpu.memory_space<semaphore_mem>>) src(%dma_wait3A_363 : memref<10000x128xf32, #tpu.memory_space<hbm>>) dst(%dma_wait3A_357 : memref<80x128xf32, #tpu.memory_space<vmem>>)
      %scan3A_366 = arith.constant 0 : i32
      %scan3A_367 = arith.constant 0 : i32
      %scan3A_368 = arith.constant 80 : i32
      %scan3A_369 = arith.addi %scan3A_367, %scan3A_368 : i32
      %scan3A_370 = arith.constant 1 : i32
      %scan3A_371 = scf.for %scan3A_389 = %scan3A_367 to %scan3A_369 step %scan3A_370 iter_args(%scan3A_390 = %scan3A_366) -> (i32)  : i32 {
        %get3A = arith.constant 1 : i32
        %get3A_391 = arith.index_cast %get3A : i32 to index
        %get3A_392 = arith.index_cast %scan3A_389 : i32 to index
        %get3A_393 = arith.constant 0 : index
        %get3A_394 = tpu.vector_load %arg10[%get3A_391, %get3A_392, %get3A_393] {strides = array<i32>} : memref<2x80x128xf32, #tpu.memory_space<vmem>>, vector<1x1x16xf32>,
        %get3A_395 = vector.shape_cast %get3A_394 : vector<1x1x16xf32> to vector<16xf32>
        %get3A_396 = arith.constant 1 : i32
        %get3A_397 = arith.index_cast %get3A_396 : i32 to index
        %get3A_398 = arith.index_cast %scan3A_389 : i32 to index
        %get3A_399 = arith.constant 0 : index
        %get3A_400 = tpu.vector_load %arg9[%get3A_397, %get3A_398, %get3A_399] {strides = array<i32>} : memref<2x80x128xf32, #tpu.memory_space<vmem>>, vector<1x1x16xf32>,
        %get3A_401 = vector.shape_cast %get3A_400 : vector<1x1x16xf32> to vector<16xf32>
        %add3A_402 = arith.addf %get3A_395, %get3A_401 : vector<16xf32>
        %max3A = arith.constant 0.000000e+00 : f32
        %max3A_403 = vector.broadcast %max3A : f32 to vector<16xf32>
        %max3A_404 = arith.maximumf %add3A_402, %max3A_403 : vector<16xf32>
        %swap3A = arith.constant 1 : i32
        %swap3A_405 = arith.index_cast %swap3A : i32 to index
        %swap3A_406 = arith.index_cast %scan3A_389 : i32 to index
        %swap3A_407 = arith.constant 0 : index
        %swap3A_408 = tpu.vector_load %arg10[%swap3A_405, %swap3A_406, %swap3A_407] {strides = array<i32>} : memref<2x80x128xf32, #tpu.memory_space<vmem>>, vector<1x1x16xf32>,
        %swap3A_409 = vector.shape_cast %swap3A_408 : vector<1x1x16xf32> to vector<16xf32>
        %swap3A_410 = vector.shape_cast %max3A_404 : vector<16xf32> to vector<1x1x16xf32>
        tpu.vector_store %arg10[%swap3A_405, %swap3A_406, %swap3A_407], %swap3A_410 {strides = array<i32>} : memref<2x80x128xf32, #tpu.memory_space<vmem>>, vector<1x1x16xf32>,
        %get3A_411 = arith.constant 1 : i32
        %get3A_412 = arith.index_cast %get3A_411 : i32 to index
        %get3A_413 = arith.index_cast %scan3A_389 : i32 to index
        %get3A_414 = arith.constant 16 : index
        %get3A_415 = tpu.vector_load %arg10[%get3A_412, %get3A_413, %get3A_414] {strides = array<i32>} : memref<2x80x128xf32, #tpu.memory_space<vmem>>, vector<1x1x16xf32>,
        %get3A_416 = vector.shape_cast %get3A_415 : vector<1x1x16xf32> to vector<16xf32>
        %get3A_417 = arith.constant 1 : i32
        %get3A_418 = arith.index_cast %get3A_417 : i32 to index
        %get3A_419 = arith.index_cast %scan3A_389 : i32 to index
        %get3A_420 = arith.constant 16 : index
        %get3A_421 = tpu.vector_load %arg9[%get3A_418, %get3A_419, %get3A_420] {strides = array<i32>} : memref<2x80x128xf32, #tpu.memory_space<vmem>>, vector<1x1x16xf32>,
        %get3A_422 = vector.shape_cast %get3A_421 : vector<1x1x16xf32> to vector<16xf32>
        %add3A_423 = arith.addf %get3A_416, %get3A_422 : vector<16xf32>
        %max3A_424 = arith.constant 0.000000e+00 : f32
        %max3A_425 = vector.broadcast %max3A_424 : f32 to vector<16xf32>
        %max3A_426 = arith.maximumf %add3A_423, %max3A_425 : vector<16xf32>
        %swap3A_427 = arith.constant 1 : i32
        %swap3A_428 = arith.index_cast %swap3A_427 : i32 to index
        %swap3A_429 = arith.index_cast %scan3A_389 : i32 to index
        %swap3A_430 = arith.constant 16 : index
        %swap3A_431 = tpu.vector_load %arg10[%swap3A_428, %swap3A_429, %swap3A_430] {strides = array<i32>} : memref<2x80x128xf32, #tpu.memory_space<vmem>>, vector<1x1x16xf32>,
        %swap3A_432 = vector.shape_cast %swap3A_431 : vector<1x1x16xf32> to vector<16xf32>
        %swap3A_433 = vector.shape_cast %max3A_426 : vector<16xf32> to vector<1x1x16xf32>
        tpu.vector_store %arg10[%swap3A_428, %swap3A_429, %swap3A_430], %swap3A_433 {strides = array<i32>} : memref<2x80x128xf32, #tpu.memory_space<vmem>>, vector<1x1x16xf32>,
        %get3A_434 = arith.constant 1 : i32
        %get3A_435 = arith.index_cast %get3A_434 : i32 to index
        %get3A_436 = arith.index_cast %scan3A_389 : i32 to index
        %get3A_437 = arith.constant 32 : index
        %get3A_438 = tpu.vector_load %arg10[%get3A_435, %get3A_436, %get3A_437] {strides = array<i32>} : memref<2x80x128xf32, #tpu.memory_space<vmem>>, vector<1x1x16xf32>,
        %get3A_439 = vector.shape_cast %get3A_438 : vector<1x1x16xf32> to vector<16xf32>
        %get3A_440 = arith.constant 1 : i32
        %get3A_441 = arith.index_cast %get3A_440 : i32 to index
        %get3A_442 = arith.index_cast %scan3A_389 : i32 to index
        %get3A_443 = arith.constant 32 : index
        %get3A_444 = tpu.vector_load %arg9[%get3A_441, %get3A_442, %get3A_443] {strides = array<i32>} : memref<2x80x128xf32, #tpu.memory_space<vmem>>, vector<1x1x16xf32>,
        %get3A_445 = vector.shape_cast %get3A_444 : vector<1x1x16xf32> to vector<16xf32>
        %add3A_446 = arith.addf %get3A_439, %get3A_445 : vector<16xf32>
        %max3A_447 = arith.constant 0.000000e+00 : f32
        %max3A_448 = vector.broadcast %max3A_447 : f32 to vector<16xf32>
        %max3A_449 = arith.maximumf %add3A_446, %max3A_448 : vector<16xf32>
        %swap3A_450 = arith.constant 1 : i32
        %swap3A_451 = arith.index_cast %swap3A_450 : i32 to index
        %swap3A_452 = arith.index_cast %scan3A_389 : i32 to index
        %swap3A_453 = arith.constant 32 : index
        %swap3A_454 = tpu.vector_load %arg10[%swap3A_451, %swap3A_452, %swap3A_453] {strides = array<i32>} : memref<2x80x128xf32, #tpu.memory_space<vmem>>, vector<1x1x16xf32>,
        %swap3A_455 = vector.shape_cast %swap3A_454 : vector<1x1x16xf32> to vector<16xf32>
        %swap3A_456 = vector.shape_cast %max3A_449 : vector<16xf32> to vector<1x1x16xf32>
        tpu.vector_store %arg10[%swap3A_451, %swap3A_452, %swap3A_453], %swap3A_456 {strides = array<i32>} : memref<2x80x128xf32, #tpu.memory_space<vmem>>, vector<1x1x16xf32>,
        %get3A_457 = arith.constant 1 : i32
        %get3A_458 = arith.index_cast %get3A_457 : i32 to index
        %get3A_459 = arith.index_cast %scan3A_389 : i32 to index
        %get3A_460 = arith.constant 48 : index
        %get3A_461 = tpu.vector_load %arg10[%get3A_458, %get3A_459, %get3A_460] {strides = array<i32>} : memref<2x80x128xf32, #tpu.memory_space<vmem>>, vector<1x1x16xf32>,
        %get3A_462 = vector.shape_cast %get3A_461 : vector<1x1x16xf32> to vector<16xf32>
        %get3A_463 = arith.constant 1 : i32
        %get3A_464 = arith.index_cast %get3A_463 : i32 to index
        %get3A_465 = arith.index_cast %scan3A_389 : i32 to index
        %get3A_466 = arith.constant 48 : index
        %get3A_467 = tpu.vector_load %arg9[%get3A_464, %get3A_465, %get3A_466] {strides = array<i32>} : memref<2x80x128xf32, #tpu.memory_space<vmem>>, vector<1x1x16xf32>,
        %get3A_468 = vector.shape_cast %get3A_467 : vector<1x1x16xf32> to vector<16xf32>
        %add3A_469 = arith.addf %get3A_462, %get3A_468 : vector<16xf32>
        %max3A_470 = arith.constant 0.000000e+00 : f32
        %max3A_471 = vector.broadcast %max3A_470 : f32 to vector<16xf32>
        %max3A_472 = arith.maximumf %add3A_469, %max3A_471 : vector<16xf32>
        %swap3A_473 = arith.constant 1 : i32
        %swap3A_474 = arith.index_cast %swap3A_473 : i32 to index
        %swap3A_475 = arith.index_cast %scan3A_389 : i32 to index
        %swap3A_476 = arith.constant 48 : index
        %swap3A_477 = tpu.vector_load %arg10[%swap3A_474, %swap3A_475, %swap3A_476] {strides = array<i32>} : memref<2x80x128xf32, #tpu.memory_space<vmem>>, vector<1x1x16xf32>,
        %swap3A_478 = vector.shape_cast %swap3A_477 : vector<1x1x16xf32> to vector<16xf32>
        %swap3A_479 = vector.shape_cast %max3A_472 : vector<16xf32> to vector<1x1x16xf32>
        tpu.vector_store %arg10[%swap3A_474, %swap3A_475, %swap3A_476], %swap3A_479 {strides = array<i32>} : memref<2x80x128xf32, #tpu.memory_space<vmem>>, vector<1x1x16xf32>,
        %get3A_480 = arith.constant 1 : i32
        %get3A_481 = arith.index_cast %get3A_480 : i32 to index
        %get3A_482 = arith.index_cast %scan3A_389 : i32 to index
        %get3A_483 = arith.constant 64 : index
        %get3A_484 = tpu.vector_load %arg10[%get3A_481, %get3A_482, %get3A_483] {strides = array<i32>} : memref<2x80x128xf32, #tpu.memory_space<vmem>>, vector<1x1x16xf32>,
        %get3A_485 = vector.shape_cast %get3A_484 : vector<1x1x16xf32> to vector<16xf32>
        %get3A_486 = arith.constant 1 : i32
        %get3A_487 = arith.index_cast %get3A_486 : i32 to index
        %get3A_488 = arith.index_cast %scan3A_389 : i32 to index
        %get3A_489 = arith.constant 64 : index
        %get3A_490 = tpu.vector_load %arg9[%get3A_487, %get3A_488, %get3A_489] {strides = array<i32>} : memref<2x80x128xf32, #tpu.memory_space<vmem>>, vector<1x1x16xf32>,
        %get3A_491 = vector.shape_cast %get3A_490 : vector<1x1x16xf32> to vector<16xf32>
        %add3A_492 = arith.addf %get3A_485, %get3A_491 : vector<16xf32>
        %max3A_493 = arith.constant 0.000000e+00 : f32
        %max3A_494 = vector.broadcast %max3A_493 : f32 to vector<16xf32>
        %max3A_495 = arith.maximumf %add3A_492, %max3A_494 : vector<16xf32>
        %swap3A_496 = arith.constant 1 : i32
        %swap3A_497 = arith.index_cast %swap3A_496 : i32 to index
        %swap3A_498 = arith.index_cast %scan3A_389 : i32 to index
        %swap3A_499 = arith.constant 64 : index
        %swap3A_500 = tpu.vector_load %arg10[%swap3A_497, %swap3A_498, %swap3A_499] {strides = array<i32>} : memref<2x80x128xf32, #tpu.memory_space<vmem>>, vector<1x1x16xf32>,
        %swap3A_501 = vector.shape_cast %swap3A_500 : vector<1x1x16xf32> to vector<16xf32>
        %swap3A_502 = vector.shape_cast %max3A_495 : vector<16xf32> to vector<1x1x16xf32>
        tpu.vector_store %arg10[%swap3A_497, %swap3A_498, %swap3A_499], %swap3A_502 {strides = array<i32>} : memref<2x80x128xf32, #tpu.memory_space<vmem>>, vector<1x1x16xf32>,
        %get3A_503 = arith.constant 1 : i32
        %get3A_504 = arith.index_cast %get3A_503 : i32 to index
        %get3A_505 = arith.index_cast %scan3A_389 : i32 to index
        %get3A_506 = arith.constant 80 : index
        %get3A_507 = tpu.vector_load %arg10[%get3A_504, %get3A_505, %get3A_506] {strides = array<i32>} : memref<2x80x128xf32, #tpu.memory_space<vmem>>, vector<1x1x16xf32>,
        %get3A_508 = vector.shape_cast %get3A_507 : vector<1x1x16xf32> to vector<16xf32>
        %get3A_509 = arith.constant 1 : i32
        %get3A_510 = arith.index_cast %get3A_509 : i32 to index
        %get3A_511 = arith.index_cast %scan3A_389 : i32 to index
        %get3A_512 = arith.constant 80 : index
        %get3A_513 = tpu.vector_load %arg9[%get3A_510, %get3A_511, %get3A_512] {strides = array<i32>} : memref<2x80x128xf32, #tpu.memory_space<vmem>>, vector<1x1x16xf32>,
        %get3A_514 = vector.shape_cast %get3A_513 : vector<1x1x16xf32> to vector<16xf32>
        %add3A_515 = arith.addf %get3A_508, %get3A_514 : vector<16xf32>
        %max3A_516 = arith.constant 0.000000e+00 : f32
        %max3A_517 = vector.broadcast %max3A_516 : f32 to vector<16xf32>
        %max3A_518 = arith.maximumf %add3A_515, %max3A_517 : vector<16xf32>
        %swap3A_519 = arith.constant 1 : i32
        %swap3A_520 = arith.index_cast %swap3A_519 : i32 to index
        %swap3A_521 = arith.index_cast %scan3A_389 : i32 to index
        %swap3A_522 = arith.constant 80 : index
        %swap3A_523 = tpu.vector_load %arg10[%swap3A_520, %swap3A_521, %swap3A_522] {strides = array<i32>} : memref<2x80x128xf32, #tpu.memory_space<vmem>>, vector<1x1x16xf32>,
        %swap3A_524 = vector.shape_cast %swap3A_523 : vector<1x1x16xf32> to vector<16xf32>
        %swap3A_525 = vector.shape_cast %max3A_518 : vector<16xf32> to vector<1x1x16xf32>
        tpu.vector_store %arg10[%swap3A_520, %swap3A_521, %swap3A_522], %swap3A_525 {strides = array<i32>} : memref<2x80x128xf32, #tpu.memory_space<vmem>>, vector<1x1x16xf32>,
        %get3A_526 = arith.constant 1 : i32
        %get3A_527 = arith.index_cast %get3A_526 : i32 to index
        %get3A_528 = arith.index_cast %scan3A_389 : i32 to index
        %get3A_529 = arith.constant 96 : index
        %get3A_530 = tpu.vector_load %arg10[%get3A_527, %get3A_528, %get3A_529] {strides = array<i32>} : memref<2x80x128xf32, #tpu.memory_space<vmem>>, vector<1x1x16xf32>,
        %get3A_531 = vector.shape_cast %get3A_530 : vector<1x1x16xf32> to vector<16xf32>
        %get3A_532 = arith.constant 1 : i32
        %get3A_533 = arith.index_cast %get3A_532 : i32 to index
        %get3A_534 = arith.index_cast %scan3A_389 : i32 to index
        %get3A_535 = arith.constant 96 : index
        %get3A_536 = tpu.vector_load %arg9[%get3A_533, %get3A_534, %get3A_535] {strides = array<i32>} : memref<2x80x128xf32, #tpu.memory_space<vmem>>, vector<1x1x16xf32>,
        %get3A_537 = vector.shape_cast %get3A_536 : vector<1x1x16xf32> to vector<16xf32>
        %add3A_538 = arith.addf %get3A_531, %get3A_537 : vector<16xf32>
        %max3A_539 = arith.constant 0.000000e+00 : f32
        %max3A_540 = vector.broadcast %max3A_539 : f32 to vector<16xf32>
        %max3A_541 = arith.maximumf %add3A_538, %max3A_540 : vector<16xf32>
        %swap3A_542 = arith.constant 1 : i32
        %swap3A_543 = arith.index_cast %swap3A_542 : i32 to index
        %swap3A_544 = arith.index_cast %scan3A_389 : i32 to index
        %swap3A_545 = arith.constant 96 : index
        %swap3A_546 = tpu.vector_load %arg10[%swap3A_543, %swap3A_544, %swap3A_545] {strides = array<i32>} : memref<2x80x128xf32, #tpu.memory_space<vmem>>, vector<1x1x16xf32>,
        %swap3A_547 = vector.shape_cast %swap3A_546 : vector<1x1x16xf32> to vector<16xf32>
        %swap3A_548 = vector.shape_cast %max3A_541 : vector<16xf32> to vector<1x1x16xf32>
        tpu.vector_store %arg10[%swap3A_543, %swap3A_544, %swap3A_545], %swap3A_548 {strides = array<i32>} : memref<2x80x128xf32, #tpu.memory_space<vmem>>, vector<1x1x16xf32>,
        %get3A_549 = arith.constant 1 : i32
        %get3A_550 = arith.index_cast %get3A_549 : i32 to index
        %get3A_551 = arith.index_cast %scan3A_389 : i32 to index
        %get3A_552 = arith.constant 112 : index
        %get3A_553 = tpu.vector_load %arg10[%get3A_550, %get3A_551, %get3A_552] {strides = array<i32>} : memref<2x80x128xf32, #tpu.memory_space<vmem>>, vector<1x1x16xf32>,
        %get3A_554 = vector.shape_cast %get3A_553 : vector<1x1x16xf32> to vector<16xf32>
        %get3A_555 = arith.constant 1 : i32
        %get3A_556 = arith.index_cast %get3A_555 : i32 to index
        %get3A_557 = arith.index_cast %scan3A_389 : i32 to index
        %get3A_558 = arith.constant 112 : index
        %get3A_559 = tpu.vector_load %arg9[%get3A_556, %get3A_557, %get3A_558] {strides = array<i32>} : memref<2x80x128xf32, #tpu.memory_space<vmem>>, vector<1x1x16xf32>,
        %get3A_560 = vector.shape_cast %get3A_559 : vector<1x1x16xf32> to vector<16xf32>
        %add3A_561 = arith.addf %get3A_554, %get3A_560 : vector<16xf32>
        %max3A_562 = arith.constant 0.000000e+00 : f32
        %max3A_563 = vector.broadcast %max3A_562 : f32 to vector<16xf32>
        %max3A_564 = arith.maximumf %add3A_561, %max3A_563 : vector<16xf32>
        %swap3A_565 = arith.constant 1 : i32
        %swap3A_566 = arith.index_cast %swap3A_565 : i32 to index
        %swap3A_567 = arith.index_cast %scan3A_389 : i32 to index
        %swap3A_568 = arith.constant 112 : index
        %swap3A_569 = tpu.vector_load %arg10[%swap3A_566, %swap3A_567, %swap3A_568] {strides = array<i32>} : memref<2x80x128xf32, #tpu.memory_space<vmem>>, vector<1x1x16xf32>,
        %swap3A_570 = vector.shape_cast %swap3A_569 : vector<1x1x16xf32> to vector<16xf32>
        %swap3A_571 = vector.shape_cast %max3A_564 : vector<16xf32> to vector<1x1x16xf32>
        tpu.vector_store %arg10[%swap3A_566, %swap3A_567, %swap3A_568], %swap3A_571 {strides = array<i32>} : memref<2x80x128xf32, #tpu.memory_space<vmem>>, vector<1x1x16xf32>,
        %scan3A_572 = arith.constant 0 : i32
        scf.yield %scan3A_572 : i32
      }
      %scan3A_372 = arith.constant 80 : i32
      %dma_start3A_373 = arith.constant 1 : i32
      %dma_start3A_374 = arith.constant 1 : i32
      %dma_start3A_375 = arith.constant 1 : i32
      %dma_start3A_376 = arith.constant 0 : i32
      %dma_start3A_377 = arith.constant 0 : i32
      %dma_start3A_378 = tpu.memref_slice %arg10[%dma_start3A_373, %dma_start3A_376, %dma_start3A_377] : memref<2x80x128xf32, #tpu.memory_space<vmem>> -> memref<1x80x128xf32, #tpu.memory_space<vmem>>
      %dma_start3A_379 = tpu.memref_squeeze %dma_start3A_378 : memref<1x80x128xf32, #tpu.memory_space<vmem>> -> memref<80x128xf32, #tpu.memory_space<vmem>>
      %dma_start3A_380 = arith.constant 0 : i32
      %dma_start3A_381 = tpu.memref_slice %arg8[%dma_start3A_374, %dma_start3A_380] : memref<2x80xi32, #tpu.memory_space<vmem>> -> memref<1x80xi32, #tpu.memory_space<vmem>>
      %dma_start3A_382 = tpu.memref_squeeze %dma_start3A_381 : memref<1x80xi32, #tpu.memory_space<vmem>> -> memref<80xi32, #tpu.memory_space<vmem>>
      %dma_start3A_383 = arith.constant 0 : i32
      %dma_start3A_384 = arith.constant 0 : i32
      %dma_start3A_385 = tpu.memref_slice %arg11[%dma_start3A_383, %dma_start3A_384] : memref<10240x128xf32, #tpu.memory_space<vmem_shared>> -> memref<10240x128xf32, #tpu.memory_space<vmem_shared>>
      %dma_start3A_386 = tpu.memref_slice %arg14[%dma_start3A_375] : memref<2x!tpu.dma_semaphore, #tpu.memory_space<semaphore_mem>> -> memref<1x!tpu.dma_semaphore, #tpu.memory_space<semaphore_mem>>
      %dma_start3A_387 = tpu.memref_squeeze %dma_start3A_386 : memref<1x!tpu.dma_semaphore, #tpu.memory_space<semaphore_mem>> -> memref<!tpu.dma_semaphore, #tpu.memory_space<semaphore_mem>>
      tpu.enqueue_indirect_dma source(%dma_start3A_379 : memref<80x128xf32, #tpu.memory_space<vmem>>) target(%dma_start3A_385 : memref<10240x128xf32, #tpu.memory_space<vmem_shared>>) offsets(%dma_start3A_382 : memref<80xi32, #tpu.memory_space<vmem>>) semaphore(%dma_start3A_387 : memref<!tpu.dma_semaphore, #tpu.memory_space<semaphore_mem>>) {add = true}
      %scan3A_388 = arith.constant 0 : i32
      scf.yield %scan3A_388 : i32
    }
    %scan3A_23 = arith.constant 62 : i32
    %dma_wait3A = arith.constant 0 : i32
    %dma_wait3A_24 = arith.constant 0 : i32
    %dma_wait3A_25 = arith.constant 0 : i32
    %dma_wait3A_26 = arith.constant 0 : i32
    %dma_wait3A_27 = arith.constant 0 : i32
    %dma_wait3A_28 = tpu.memref_slice %arg10[%dma_wait3A, %dma_wait3A_26, %dma_wait3A_27] : memref<2x80x128xf32, #tpu.memory_space<vmem>> -> memref<1x80x128xf32, #tpu.memory_space<vmem>>
    %dma_wait3A_29 = tpu.memref_squeeze %dma_wait3A_28 : memref<1x80x128xf32, #tpu.memory_space<vmem>> -> memref<80x128xf32, #tpu.memory_space<vmem>>
    %dma_wait3A_30 = arith.constant 0 : i32
    %dma_wait3A_31 = tpu.memref_slice %arg8[%dma_wait3A_24, %dma_wait3A_30] : memref<2x80xi32, #tpu.memory_space<vmem>> -> memref<1x80xi32, #tpu.memory_space<vmem>>
    %dma_wait3A_32 = tpu.memref_squeeze %dma_wait3A_31 : memref<1x80xi32, #tpu.memory_space<vmem>> -> memref<80xi32, #tpu.memory_space<vmem>>
    %dma_wait3A_33 = arith.constant 0 : i32
    %dma_wait3A_34 = arith.constant 0 : i32
    %dma_wait3A_35 = tpu.memref_slice %arg11[%dma_wait3A_33, %dma_wait3A_34] : memref<10240x128xf32, #tpu.memory_space<vmem_shared>> -> memref<10240x128xf32, #tpu.memory_space<vmem_shared>>
    %dma_wait3A_36 = tpu.memref_slice %arg14[%dma_wait3A_25] : memref<2x!tpu.dma_semaphore, #tpu.memory_space<semaphore_mem>> -> memref<1x!tpu.dma_semaphore, #tpu.memory_space<semaphore_mem>>
    %dma_wait3A_37 = tpu.memref_squeeze %dma_wait3A_36 : memref<1x!tpu.dma_semaphore, #tpu.memory_space<semaphore_mem>> -> memref<!tpu.dma_semaphore, #tpu.memory_space<semaphore_mem>>
    tpu.wait_indirect_dma semaphore(%dma_wait3A_37 : memref<!tpu.dma_semaphore, #tpu.memory_space<semaphore_mem>>) src(%dma_wait3A_29 : memref<80x128xf32, #tpu.memory_space<vmem>>) dst(%dma_wait3A_35 : memref<10240x128xf32, #tpu.memory_space<vmem_shared>>)
    %dma_wait3A_38 = arith.constant 1 : i32
    %dma_wait3A_39 = arith.constant 1 : i32
    %dma_wait3A_40 = arith.constant 1 : i32
    %dma_wait3A_41 = arith.constant 0 : i32
    %dma_wait3A_42 = arith.constant 0 : i32
    %dma_wait3A_43 = tpu.memref_slice %arg10[%dma_wait3A_38, %dma_wait3A_41, %dma_wait3A_42] : memref<2x80x128xf32, #tpu.memory_space<vmem>> -> memref<1x80x128xf32, #tpu.memory_space<vmem>>
    %dma_wait3A_44 = tpu.memref_squeeze %dma_wait3A_43 : memref<1x80x128xf32, #tpu.memory_space<vmem>> -> memref<80x128xf32, #tpu.memory_space<vmem>>
    %dma_wait3A_45 = arith.constant 0 : i32
    %dma_wait3A_46 = tpu.memref_slice %arg8[%dma_wait3A_39, %dma_wait3A_45] : memref<2x80xi32, #tpu.memory_space<vmem>> -> memref<1x80xi32, #tpu.memory_space<vmem>>
    %dma_wait3A_47 = tpu.memref_squeeze %dma_wait3A_46 : memref<1x80xi32, #tpu.memory_space<vmem>> -> memref<80xi32, #tpu.memory_space<vmem>>
    %dma_wait3A_48 = arith.constant 0 : i32
    %dma_wait3A_49 = arith.constant 0 : i32
    %dma_wait3A_50 = tpu.memref_slice %arg11[%dma_wait3A_48, %dma_wait3A_49] : memref<10240x128xf32, #tpu.memory_space<vmem_shared>> -> memref<10240x128xf32, #tpu.memory_space<vmem_shared>>
    %dma_wait3A_51 = tpu.memref_slice %arg14[%dma_wait3A_40] : memref<2x!tpu.dma_semaphore, #tpu.memory_space<semaphore_mem>> -> memref<1x!tpu.dma_semaphore, #tpu.memory_space<semaphore_mem>>
    %dma_wait3A_52 = tpu.memref_squeeze %dma_wait3A_51 : memref<1x!tpu.dma_semaphore, #tpu.memory_space<semaphore_mem>> -> memref<!tpu.dma_semaphore, #tpu.memory_space<semaphore_mem>>
    tpu.wait_indirect_dma semaphore(%dma_wait3A_52 : memref<!tpu.dma_semaphore, #tpu.memory_space<semaphore_mem>>) src(%dma_wait3A_44 : memref<80x128xf32, #tpu.memory_space<vmem>>) dst(%dma_wait3A_50 : memref<10240x128xf32, #tpu.memory_space<vmem_shared>>)
    %add3A_53 = arith.constant 9920 : i32
    %add3A_54 = arith.addi %mul3A_2, %add3A_53 : i32
    %multiple_of3A = tpu.assume_multiple %add3A_54, 8 : i32
    %run_scoped3A = arith.constant 0 : i32
    "tpu.region"() ({
      %run_scoped3A_99 = tpu.sem_alloc : memref<!tpu.dma_semaphore, #tpu.memory_space<semaphore_mem>>
      %dma_start3A_100 = arith.constant 0 : i32
      %dma_start3A_101 = tpu.memref_slice %arg7[%run_scoped3A, %dma_start3A_100] : memref<2x80xi32, #tpu.memory_space<vmem>> -> memref<1x80xi32, #tpu.memory_space<vmem>>
      %dma_start3A_102 = tpu.memref_squeeze %dma_start3A_101 : memref<1x80xi32, #tpu.memory_space<vmem>> -> memref<80xi32, #tpu.memory_space<vmem>>
      %dma_start3A_103 = tpu.memref_slice %arg4[%multiple_of3A] : memref<320000xi32, #tpu.memory_space<hbm>> -> memref<80xi32, #tpu.memory_space<hbm>>
      %dma_start3A_104 = arith.constant 0 : i32
      %dma_start3A_105 = tpu.memref_slice %arg7[%run_scoped3A, %dma_start3A_104] : memref<2x80xi32, #tpu.memory_space<vmem>> -> memref<1x80xi32, #tpu.memory_space<vmem>>
      %dma_start3A_106 = tpu.memref_squeeze %dma_start3A_105 : memref<1x80xi32, #tpu.memory_space<vmem>> -> memref<80xi32, #tpu.memory_space<vmem>>
      %dma_start3A_107 = tpu.memref_slice %arg4[%multiple_of3A] : memref<320000xi32, #tpu.memory_space<hbm>> -> memref<80xi32, #tpu.memory_space<hbm>>
      tpu.enqueue_dma source(%dma_start3A_107 : memref<80xi32, #tpu.memory_space<hbm>>) target(%dma_start3A_106 : memref<80xi32, #tpu.memory_space<vmem>>) target_semaphore(%run_scoped3A_99 : memref<!tpu.dma_semaphore, #tpu.memory_space<semaphore_mem>>)
      %dma_wait3A_108 = arith.constant 0 : i32
      %dma_wait3A_109 = tpu.memref_slice %arg7[%run_scoped3A, %dma_wait3A_108] : memref<2x80xi32, #tpu.memory_space<vmem>> -> memref<1x80xi32, #tpu.memory_space<vmem>>
      %dma_wait3A_110 = tpu.memref_squeeze %dma_wait3A_109 : memref<1x80xi32, #tpu.memory_space<vmem>> -> memref<80xi32, #tpu.memory_space<vmem>>
      %dma_wait3A_111 = tpu.memref_slice %arg4[%multiple_of3A] : memref<320000xi32, #tpu.memory_space<hbm>> -> memref<80xi32, #tpu.memory_space<hbm>>
      %dma_wait3A_112 = arith.constant 0 : i32
      %dma_wait3A_113 = tpu.memref_slice %arg7[%run_scoped3A, %dma_wait3A_112] : memref<2x80xi32, #tpu.memory_space<vmem>> -> memref<1x80xi32, #tpu.memory_space<vmem>>
      %dma_wait3A_114 = tpu.memref_squeeze %dma_wait3A_113 : memref<1x80xi32, #tpu.memory_space<vmem>> -> memref<80xi32, #tpu.memory_space<vmem>>
      %dma_wait3A_115 = tpu.memref_slice %arg4[%multiple_of3A] : memref<320000xi32, #tpu.memory_space<hbm>> -> memref<80xi32, #tpu.memory_space<hbm>>
      tpu.wait_dma2 semaphore(%run_scoped3A_99 : memref<!tpu.dma_semaphore, #tpu.memory_space<semaphore_mem>>) src(%dma_wait3A_115 : memref<80xi32, #tpu.memory_space<hbm>>) dst(%dma_wait3A_114 : memref<80xi32, #tpu.memory_space<vmem>>)
      tpu.yield
    }) : () -> ()
    %run_scoped3A_55 = arith.constant 0 : i32
    "tpu.region"() ({
      %run_scoped3A_99 = tpu.sem_alloc : memref<!tpu.dma_semaphore, #tpu.memory_space<semaphore_mem>>
      %dma_start3A_100 = arith.constant 0 : i32
      %dma_start3A_101 = tpu.memref_slice %arg8[%run_scoped3A_55, %dma_start3A_100] : memref<2x80xi32, #tpu.memory_space<vmem>> -> memref<1x80xi32, #tpu.memory_space<vmem>>
      %dma_start3A_102 = tpu.memref_squeeze %dma_start3A_101 : memref<1x80xi32, #tpu.memory_space<vmem>> -> memref<80xi32, #tpu.memory_space<vmem>>
      %dma_start3A_103 = tpu.memref_slice %arg5[%multiple_of3A] : memref<320000xi32, #tpu.memory_space<hbm>> -> memref<80xi32, #tpu.memory_space<hbm>>
      %dma_start3A_104 = arith.constant 0 : i32
      %dma_start3A_105 = tpu.memref_slice %arg8[%run_scoped3A_55, %dma_start3A_104] : memref<2x80xi32, #tpu.memory_space<vmem>> -> memref<1x80xi32, #tpu.memory_space<vmem>>
      %dma_start3A_106 = tpu.memref_squeeze %dma_start3A_105 : memref<1x80xi32, #tpu.memory_space<vmem>> -> memref<80xi32, #tpu.memory_space<vmem>>
      %dma_start3A_107 = tpu.memref_slice %arg5[%multiple_of3A] : memref<320000xi32, #tpu.memory_space<hbm>> -> memref<80xi32, #tpu.memory_space<hbm>>
      tpu.enqueue_dma source(%dma_start3A_107 : memref<80xi32, #tpu.memory_space<hbm>>) target(%dma_start3A_106 : memref<80xi32, #tpu.memory_space<vmem>>) target_semaphore(%run_scoped3A_99 : memref<!tpu.dma_semaphore, #tpu.memory_space<semaphore_mem>>)
      %dma_wait3A_108 = arith.constant 0 : i32
      %dma_wait3A_109 = tpu.memref_slice %arg8[%run_scoped3A_55, %dma_wait3A_108] : memref<2x80xi32, #tpu.memory_space<vmem>> -> memref<1x80xi32, #tpu.memory_space<vmem>>
      %dma_wait3A_110 = tpu.memref_squeeze %dma_wait3A_109 : memref<1x80xi32, #tpu.memory_space<vmem>> -> memref<80xi32, #tpu.memory_space<vmem>>
      %dma_wait3A_111 = tpu.memref_slice %arg5[%multiple_of3A] : memref<320000xi32, #tpu.memory_space<hbm>> -> memref<80xi32, #tpu.memory_space<hbm>>
      %dma_wait3A_112 = arith.constant 0 : i32
      %dma_wait3A_113 = tpu.memref_slice %arg8[%run_scoped3A_55, %dma_wait3A_112] : memref<2x80xi32, #tpu.memory_space<vmem>> -> memref<1x80xi32, #tpu.memory_space<vmem>>
      %dma_wait3A_114 = tpu.memref_squeeze %dma_wait3A_113 : memref<1x80xi32, #tpu.memory_space<vmem>> -> memref<80xi32, #tpu.memory_space<vmem>>
      %dma_wait3A_115 = tpu.memref_slice %arg5[%multiple_of3A] : memref<320000xi32, #tpu.memory_space<hbm>> -> memref<80xi32, #tpu.memory_space<hbm>>
      tpu.wait_dma2 semaphore(%run_scoped3A_99 : memref<!tpu.dma_semaphore, #tpu.memory_space<semaphore_mem>>) src(%dma_wait3A_115 : memref<80xi32, #tpu.memory_space<hbm>>) dst(%dma_wait3A_114 : memref<80xi32, #tpu.memory_space<vmem>>)
      tpu.yield
    }) : () -> ()
    %run_scoped3A_56 = arith.constant 0 : i32
    "tpu.region"() ({
      %run_scoped3A_99 = tpu.sem_alloc : memref<!tpu.dma_semaphore, #tpu.memory_space<semaphore_mem>>
      %dma_start3A_100 = arith.constant 0 : i32
      %dma_start3A_101 = arith.constant 0 : i32
      %dma_start3A_102 = tpu.memref_slice %arg9[%run_scoped3A_56, %dma_start3A_100, %dma_start3A_101] : memref<2x80x128xf32, #tpu.memory_space<vmem>> -> memref<1x80x128xf32, #tpu.memory_space<vmem>>
      %dma_start3A_103 = tpu.memref_squeeze %dma_start3A_102 : memref<1x80x128xf32, #tpu.memory_space<vmem>> -> memref<80x128xf32, #tpu.memory_space<vmem>>
      %dma_start3A_104 = arith.constant 0 : i32
      %dma_start3A_105 = tpu.memref_slice %arg3[%multiple_of3A, %dma_start3A_104] : memref<320000x128xf32, #tpu.memory_space<hbm>> -> memref<80x128xf32, #tpu.memory_space<hbm>>
      %dma_start3A_106 = arith.constant 0 : i32
      %dma_start3A_107 = arith.constant 0 : i32
      %dma_start3A_108 = tpu.memref_slice %arg9[%run_scoped3A_56, %dma_start3A_106, %dma_start3A_107] : memref<2x80x128xf32, #tpu.memory_space<vmem>> -> memref<1x80x128xf32, #tpu.memory_space<vmem>>
      %dma_start3A_109 = tpu.memref_squeeze %dma_start3A_108 : memref<1x80x128xf32, #tpu.memory_space<vmem>> -> memref<80x128xf32, #tpu.memory_space<vmem>>
      %dma_start3A_110 = arith.constant 0 : i32
      %dma_start3A_111 = tpu.memref_slice %arg3[%multiple_of3A, %dma_start3A_110] : memref<320000x128xf32, #tpu.memory_space<hbm>> -> memref<80x128xf32, #tpu.memory_space<hbm>>
      tpu.enqueue_dma source(%dma_start3A_111 : memref<80x128xf32, #tpu.memory_space<hbm>>) target(%dma_start3A_109 : memref<80x128xf32, #tpu.memory_space<vmem>>) target_semaphore(%run_scoped3A_99 : memref<!tpu.dma_semaphore, #tpu.memory_space<semaphore_mem>>)
      %dma_wait3A_112 = arith.constant 0 : i32
      %dma_wait3A_113 = arith.constant 0 : i32
      %dma_wait3A_114 = tpu.memref_slice %arg9[%run_scoped3A_56, %dma_wait3A_112, %dma_wait3A_113] : memref<2x80x128xf32, #tpu.memory_space<vmem>> -> memref<1x80x128xf32, #tpu.memory_space<vmem>>
      %dma_wait3A_115 = tpu.memref_squeeze %dma_wait3A_114 : memref<1x80x128xf32, #tpu.memory_space<vmem>> -> memref<80x128xf32, #tpu.memory_space<vmem>>
      %dma_wait3A_116 = arith.constant 0 : i32
      %dma_wait3A_117 = tpu.memref_slice %arg3[%multiple_of3A, %dma_wait3A_116] : memref<320000x128xf32, #tpu.memory_space<hbm>> -> memref<80x128xf32, #tpu.memory_space<hbm>>
      %dma_wait3A_118 = arith.constant 0 : i32
      %dma_wait3A_119 = arith.constant 0 : i32
      %dma_wait3A_120 = tpu.memref_slice %arg9[%run_scoped3A_56, %dma_wait3A_118, %dma_wait3A_119] : memref<2x80x128xf32, #tpu.memory_space<vmem>> -> memref<1x80x128xf32, #tpu.memory_space<vmem>>
      %dma_wait3A_121 = tpu.memref_squeeze %dma_wait3A_120 : memref<1x80x128xf32, #tpu.memory_space<vmem>> -> memref<80x128xf32, #tpu.memory_space<vmem>>
      %dma_wait3A_122 = arith.constant 0 : i32
      %dma_wait3A_123 = tpu.memref_slice %arg3[%multiple_of3A, %dma_wait3A_122] : memref<320000x128xf32, #tpu.memory_space<hbm>> -> memref<80x128xf32, #tpu.memory_space<hbm>>
      tpu.wait_dma2 semaphore(%run_scoped3A_99 : memref<!tpu.dma_semaphore, #tpu.memory_space<semaphore_mem>>) src(%dma_wait3A_123 : memref<80x128xf32, #tpu.memory_space<hbm>>) dst(%dma_wait3A_121 : memref<80x128xf32, #tpu.memory_space<vmem>>)
      tpu.yield
    }) : () -> ()
    %dma_start3A = arith.constant 0 : i32
    %dma_start3A_57 = arith.constant 0 : i32
    %dma_start3A_58 = arith.constant 0 : i32
    %dma_start3A_59 = arith.constant 0 : i32
    %dma_start3A_60 = arith.constant 0 : i32
    %dma_start3A_61 = tpu.memref_slice %arg10[%dma_start3A_57, %dma_start3A_59, %dma_start3A_60] : memref<2x80x128xf32, #tpu.memory_space<vmem>> -> memref<1x80x128xf32, #tpu.memory_space<vmem>>
    %dma_start3A_62 = tpu.memref_squeeze %dma_start3A_61 : memref<1x80x128xf32, #tpu.memory_space<vmem>> -> memref<80x128xf32, #tpu.memory_space<vmem>>
    %dma_start3A_63 = arith.constant 0 : i32
    %dma_start3A_64 = tpu.memref_slice %arg7[%dma_start3A, %dma_start3A_63] : memref<2x80xi32, #tpu.memory_space<vmem>> -> memref<1x80xi32, #tpu.memory_space<vmem>>
    %dma_start3A_65 = tpu.memref_squeeze %dma_start3A_64 : memref<1x80xi32, #tpu.memory_space<vmem>> -> memref<80xi32, #tpu.memory_space<vmem>>
    %dma_start3A_66 = arith.constant 0 : i32
    %dma_start3A_67 = arith.constant 0 : i32
    %dma_start3A_68 = tpu.memref_slice %arg2[%dma_start3A_66, %dma_start3A_67] : memref<10000x128xf32, #tpu.memory_space<hbm>> -> memref<10000x128xf32, #tpu.memory_space<hbm>>
    %dma_start3A_69 = tpu.memref_slice %arg13[%dma_start3A_58] : memref<2x!tpu.dma_semaphore, #tpu.memory_space<semaphore_mem>> -> memref<1x!tpu.dma_semaphore, #tpu.memory_space<semaphore_mem>>
    %dma_start3A_70 = tpu.memref_squeeze %dma_start3A_69 : memref<1x!tpu.dma_semaphore, #tpu.memory_space<semaphore_mem>> -> memref<!tpu.dma_semaphore, #tpu.memory_space<semaphore_mem>>
    tpu.enqueue_indirect_dma source(%dma_start3A_68 : memref<10000x128xf32, #tpu.memory_space<hbm>>) target(%dma_start3A_62 : memref<80x128xf32, #tpu.memory_space<vmem>>) offsets(%dma_start3A_65 : memref<80xi32, #tpu.memory_space<vmem>>) semaphore(%dma_start3A_70 : memref<!tpu.dma_semaphore, #tpu.memory_space<semaphore_mem>>)
    %dma_wait3A_71 = arith.constant 0 : i32
    %dma_wait3A_72 = arith.constant 0 : i32
    %dma_wait3A_73 = arith.constant 0 : i32
    %dma_wait3A_74 = arith.constant 0 : i32
    %dma_wait3A_75 = arith.constant 0 : i32
    %dma_wait3A_76 = tpu.memref_slice %arg10[%dma_wait3A_72, %dma_wait3A_74, %dma_wait3A_75] : memref<2x80x128xf32, #tpu.memory_space<vmem>> -> memref<1x80x128xf32, #tpu.memory_space<vmem>>
    %dma_wait3A_77 = tpu.memref_squeeze %dma_wait3A_76 : memref<1x80x128xf32, #tpu.memory_space<vmem>> -> memref<80x128xf32, #tpu.memory_space<vmem>>
    %dma_wait3A_78 = arith.constant 0 : i32
    %dma_wait3A_79 = tpu.memref_slice %arg7[%dma_wait3A_71, %dma_wait3A_78] : memref<2x80xi32, #tpu.memory_space<vmem>> -> memref<1x80xi32, #tpu.memory_space<vmem>>
    %dma_wait3A_80 = tpu.memref_squeeze %dma_wait3A_79 : memref<1x80xi32, #tpu.memory_space<vmem>> -> memref<80xi32, #tpu.memory_space<vmem>>
    %dma_wait3A_81 = arith.constant 0 : i32
    %dma_wait3A_82 = arith.constant 0 : i32
    %dma_wait3A_83 = tpu.memref_slice %arg2[%dma_wait3A_81, %dma_wait3A_82] : memref<10000x128xf32, #tpu.memory_space<hbm>> -> memref<10000x128xf32, #tpu.memory_space<hbm>>
    %dma_wait3A_84 = tpu.memref_slice %arg13[%dma_wait3A_73] : memref<2x!tpu.dma_semaphore, #tpu.memory_space<semaphore_mem>> -> memref<1x!tpu.dma_semaphore, #tpu.memory_space<semaphore_mem>>
    %dma_wait3A_85 = tpu.memref_squeeze %dma_wait3A_84 : memref<1x!tpu.dma_semaphore, #tpu.memory_space<semaphore_mem>> -> memref<!tpu.dma_semaphore, #tpu.memory_space<semaphore_mem>>
    tpu.wait_indirect_dma semaphore(%dma_wait3A_85 : memref<!tpu.dma_semaphore, #tpu.memory_space<semaphore_mem>>) src(%dma_wait3A_83 : memref<10000x128xf32, #tpu.memory_space<hbm>>) dst(%dma_wait3A_77 : memref<80x128xf32, #tpu.memory_space<vmem>>)
    %scan3A_86 = arith.constant 0 : i32
    %scan3A_87 = arith.constant 0 : i32
    %scan3A_88 = arith.constant 80 : i32
    %scan3A_89 = arith.addi %scan3A_87, %scan3A_88 : i32
    %scan3A_90 = arith.constant 1 : i32
    %scan3A_91 = scf.for %scan3A_99 = %scan3A_87 to %scan3A_89 step %scan3A_90 iter_args(%scan3A_100 = %scan3A_86) -> (i32)  : i32 {
      %get3A = arith.constant 0 : i32
      %get3A_101 = arith.index_cast %get3A : i32 to index
      %get3A_102 = arith.index_cast %scan3A_99 : i32 to index
      %get3A_103 = arith.constant 0 : index
      %get3A_104 = tpu.vector_load %arg10[%get3A_101, %get3A_102, %get3A_103] {strides = array<i32>} : memref<2x80x128xf32, #tpu.memory_space<vmem>>, vector<1x1x16xf32>,
      %get3A_105 = vector.shape_cast %get3A_104 : vector<1x1x16xf32> to vector<16xf32>
      %get3A_106 = arith.constant 0 : i32
      %get3A_107 = arith.index_cast %get3A_106 : i32 to index
      %get3A_108 = arith.index_cast %scan3A_99 : i32 to index
      %get3A_109 = arith.constant 0 : index
      %get3A_110 = tpu.vector_load %arg9[%get3A_107, %get3A_108, %get3A_109] {strides = array<i32>} : memref<2x80x128xf32, #tpu.memory_space<vmem>>, vector<1x1x16xf32>,
      %get3A_111 = vector.shape_cast %get3A_110 : vector<1x1x16xf32> to vector<16xf32>
      %add3A_112 = arith.addf %get3A_105, %get3A_111 : vector<16xf32>
      %max3A = arith.constant 0.000000e+00 : f32
      %max3A_113 = vector.broadcast %max3A : f32 to vector<16xf32>
      %max3A_114 = arith.maximumf %add3A_112, %max3A_113 : vector<16xf32>
      %swap3A = arith.constant 0 : i32
      %swap3A_115 = arith.index_cast %swap3A : i32 to index
      %swap3A_116 = arith.index_cast %scan3A_99 : i32 to index
      %swap3A_117 = arith.constant 0 : index
      %swap3A_118 = tpu.vector_load %arg10[%swap3A_115, %swap3A_116, %swap3A_117] {strides = array<i32>} : memref<2x80x128xf32, #tpu.memory_space<vmem>>, vector<1x1x16xf32>,
      %swap3A_119 = vector.shape_cast %swap3A_118 : vector<1x1x16xf32> to vector<16xf32>
      %swap3A_120 = vector.shape_cast %max3A_114 : vector<16xf32> to vector<1x1x16xf32>
      tpu.vector_store %arg10[%swap3A_115, %swap3A_116, %swap3A_117], %swap3A_120 {strides = array<i32>} : memref<2x80x128xf32, #tpu.memory_space<vmem>>, vector<1x1x16xf32>,
      %get3A_121 = arith.constant 0 : i32
      %get3A_122 = arith.index_cast %get3A_121 : i32 to index
      %get3A_123 = arith.index_cast %scan3A_99 : i32 to index
      %get3A_124 = arith.constant 16 : index
      %get3A_125 = tpu.vector_load %arg10[%get3A_122, %get3A_123, %get3A_124] {strides = array<i32>} : memref<2x80x128xf32, #tpu.memory_space<vmem>>, vector<1x1x16xf32>,
      %get3A_126 = vector.shape_cast %get3A_125 : vector<1x1x16xf32> to vector<16xf32>
      %get3A_127 = arith.constant 0 : i32
      %get3A_128 = arith.index_cast %get3A_127 : i32 to index
      %get3A_129 = arith.index_cast %scan3A_99 : i32 to index
      %get3A_130 = arith.constant 16 : index
      %get3A_131 = tpu.vector_load %arg9[%get3A_128, %get3A_129, %get3A_130] {strides = array<i32>} : memref<2x80x128xf32, #tpu.memory_space<vmem>>, vector<1x1x16xf32>,
      %get3A_132 = vector.shape_cast %get3A_131 : vector<1x1x16xf32> to vector<16xf32>
      %add3A_133 = arith.addf %get3A_126, %get3A_132 : vector<16xf32>
      %max3A_134 = arith.constant 0.000000e+00 : f32
      %max3A_135 = vector.broadcast %max3A_134 : f32 to vector<16xf32>
      %max3A_136 = arith.maximumf %add3A_133, %max3A_135 : vector<16xf32>
      %swap3A_137 = arith.constant 0 : i32
      %swap3A_138 = arith.index_cast %swap3A_137 : i32 to index
      %swap3A_139 = arith.index_cast %scan3A_99 : i32 to index
      %swap3A_140 = arith.constant 16 : index
      %swap3A_141 = tpu.vector_load %arg10[%swap3A_138, %swap3A_139, %swap3A_140] {strides = array<i32>} : memref<2x80x128xf32, #tpu.memory_space<vmem>>, vector<1x1x16xf32>,
      %swap3A_142 = vector.shape_cast %swap3A_141 : vector<1x1x16xf32> to vector<16xf32>
      %swap3A_143 = vector.shape_cast %max3A_136 : vector<16xf32> to vector<1x1x16xf32>
      tpu.vector_store %arg10[%swap3A_138, %swap3A_139, %swap3A_140], %swap3A_143 {strides = array<i32>} : memref<2x80x128xf32, #tpu.memory_space<vmem>>, vector<1x1x16xf32>,
      %get3A_144 = arith.constant 0 : i32
      %get3A_145 = arith.index_cast %get3A_144 : i32 to index
      %get3A_146 = arith.index_cast %scan3A_99 : i32 to index
      %get3A_147 = arith.constant 32 : index
      %get3A_148 = tpu.vector_load %arg10[%get3A_145, %get3A_146, %get3A_147] {strides = array<i32>} : memref<2x80x128xf32, #tpu.memory_space<vmem>>, vector<1x1x16xf32>,
      %get3A_149 = vector.shape_cast %get3A_148 : vector<1x1x16xf32> to vector<16xf32>
      %get3A_150 = arith.constant 0 : i32
      %get3A_151 = arith.index_cast %get3A_150 : i32 to index
      %get3A_152 = arith.index_cast %scan3A_99 : i32 to index
      %get3A_153 = arith.constant 32 : index
      %get3A_154 = tpu.vector_load %arg9[%get3A_151, %get3A_152, %get3A_153] {strides = array<i32>} : memref<2x80x128xf32, #tpu.memory_space<vmem>>, vector<1x1x16xf32>,
      %get3A_155 = vector.shape_cast %get3A_154 : vector<1x1x16xf32> to vector<16xf32>
      %add3A_156 = arith.addf %get3A_149, %get3A_155 : vector<16xf32>
      %max3A_157 = arith.constant 0.000000e+00 : f32
      %max3A_158 = vector.broadcast %max3A_157 : f32 to vector<16xf32>
      %max3A_159 = arith.maximumf %add3A_156, %max3A_158 : vector<16xf32>
      %swap3A_160 = arith.constant 0 : i32
      %swap3A_161 = arith.index_cast %swap3A_160 : i32 to index
      %swap3A_162 = arith.index_cast %scan3A_99 : i32 to index
      %swap3A_163 = arith.constant 32 : index
      %swap3A_164 = tpu.vector_load %arg10[%swap3A_161, %swap3A_162, %swap3A_163] {strides = array<i32>} : memref<2x80x128xf32, #tpu.memory_space<vmem>>, vector<1x1x16xf32>,
      %swap3A_165 = vector.shape_cast %swap3A_164 : vector<1x1x16xf32> to vector<16xf32>
      %swap3A_166 = vector.shape_cast %max3A_159 : vector<16xf32> to vector<1x1x16xf32>
      tpu.vector_store %arg10[%swap3A_161, %swap3A_162, %swap3A_163], %swap3A_166 {strides = array<i32>} : memref<2x80x128xf32, #tpu.memory_space<vmem>>, vector<1x1x16xf32>,
      %get3A_167 = arith.constant 0 : i32
      %get3A_168 = arith.index_cast %get3A_167 : i32 to index
      %get3A_169 = arith.index_cast %scan3A_99 : i32 to index
      %get3A_170 = arith.constant 48 : index
      %get3A_171 = tpu.vector_load %arg10[%get3A_168, %get3A_169, %get3A_170] {strides = array<i32>} : memref<2x80x128xf32, #tpu.memory_space<vmem>>, vector<1x1x16xf32>,
      %get3A_172 = vector.shape_cast %get3A_171 : vector<1x1x16xf32> to vector<16xf32>
      %get3A_173 = arith.constant 0 : i32
      %get3A_174 = arith.index_cast %get3A_173 : i32 to index
      %get3A_175 = arith.index_cast %scan3A_99 : i32 to index
      %get3A_176 = arith.constant 48 : index
      %get3A_177 = tpu.vector_load %arg9[%get3A_174, %get3A_175, %get3A_176] {strides = array<i32>} : memref<2x80x128xf32, #tpu.memory_space<vmem>>, vector<1x1x16xf32>,
      %get3A_178 = vector.shape_cast %get3A_177 : vector<1x1x16xf32> to vector<16xf32>
      %add3A_179 = arith.addf %get3A_172, %get3A_178 : vector<16xf32>
      %max3A_180 = arith.constant 0.000000e+00 : f32
      %max3A_181 = vector.broadcast %max3A_180 : f32 to vector<16xf32>
      %max3A_182 = arith.maximumf %add3A_179, %max3A_181 : vector<16xf32>
      %swap3A_183 = arith.constant 0 : i32
      %swap3A_184 = arith.index_cast %swap3A_183 : i32 to index
      %swap3A_185 = arith.index_cast %scan3A_99 : i32 to index
      %swap3A_186 = arith.constant 48 : index
      %swap3A_187 = tpu.vector_load %arg10[%swap3A_184, %swap3A_185, %swap3A_186] {strides = array<i32>} : memref<2x80x128xf32, #tpu.memory_space<vmem>>, vector<1x1x16xf32>,
      %swap3A_188 = vector.shape_cast %swap3A_187 : vector<1x1x16xf32> to vector<16xf32>
      %swap3A_189 = vector.shape_cast %max3A_182 : vector<16xf32> to vector<1x1x16xf32>
      tpu.vector_store %arg10[%swap3A_184, %swap3A_185, %swap3A_186], %swap3A_189 {strides = array<i32>} : memref<2x80x128xf32, #tpu.memory_space<vmem>>, vector<1x1x16xf32>,
      %get3A_190 = arith.constant 0 : i32
      %get3A_191 = arith.index_cast %get3A_190 : i32 to index
      %get3A_192 = arith.index_cast %scan3A_99 : i32 to index
      %get3A_193 = arith.constant 64 : index
      %get3A_194 = tpu.vector_load %arg10[%get3A_191, %get3A_192, %get3A_193] {strides = array<i32>} : memref<2x80x128xf32, #tpu.memory_space<vmem>>, vector<1x1x16xf32>,
      %get3A_195 = vector.shape_cast %get3A_194 : vector<1x1x16xf32> to vector<16xf32>
      %get3A_196 = arith.constant 0 : i32
      %get3A_197 = arith.index_cast %get3A_196 : i32 to index
      %get3A_198 = arith.index_cast %scan3A_99 : i32 to index
      %get3A_199 = arith.constant 64 : index
      %get3A_200 = tpu.vector_load %arg9[%get3A_197, %get3A_198, %get3A_199] {strides = array<i32>} : memref<2x80x128xf32, #tpu.memory_space<vmem>>, vector<1x1x16xf32>,
      %get3A_201 = vector.shape_cast %get3A_200 : vector<1x1x16xf32> to vector<16xf32>
      %add3A_202 = arith.addf %get3A_195, %get3A_201 : vector<16xf32>
      %max3A_203 = arith.constant 0.000000e+00 : f32
      %max3A_204 = vector.broadcast %max3A_203 : f32 to vector<16xf32>
      %max3A_205 = arith.maximumf %add3A_202, %max3A_204 : vector<16xf32>
      %swap3A_206 = arith.constant 0 : i32
      %swap3A_207 = arith.index_cast %swap3A_206 : i32 to index
      %swap3A_208 = arith.index_cast %scan3A_99 : i32 to index
      %swap3A_209 = arith.constant 64 : index
      %swap3A_210 = tpu.vector_load %arg10[%swap3A_207, %swap3A_208, %swap3A_209] {strides = array<i32>} : memref<2x80x128xf32, #tpu.memory_space<vmem>>, vector<1x1x16xf32>,
      %swap3A_211 = vector.shape_cast %swap3A_210 : vector<1x1x16xf32> to vector<16xf32>
      %swap3A_212 = vector.shape_cast %max3A_205 : vector<16xf32> to vector<1x1x16xf32>
      tpu.vector_store %arg10[%swap3A_207, %swap3A_208, %swap3A_209], %swap3A_212 {strides = array<i32>} : memref<2x80x128xf32, #tpu.memory_space<vmem>>, vector<1x1x16xf32>,
      %get3A_213 = arith.constant 0 : i32
      %get3A_214 = arith.index_cast %get3A_213 : i32 to index
      %get3A_215 = arith.index_cast %scan3A_99 : i32 to index
      %get3A_216 = arith.constant 80 : index
      %get3A_217 = tpu.vector_load %arg10[%get3A_214, %get3A_215, %get3A_216] {strides = array<i32>} : memref<2x80x128xf32, #tpu.memory_space<vmem>>, vector<1x1x16xf32>,
      %get3A_218 = vector.shape_cast %get3A_217 : vector<1x1x16xf32> to vector<16xf32>
      %get3A_219 = arith.constant 0 : i32
      %get3A_220 = arith.index_cast %get3A_219 : i32 to index
      %get3A_221 = arith.index_cast %scan3A_99 : i32 to index
      %get3A_222 = arith.constant 80 : index
      %get3A_223 = tpu.vector_load %arg9[%get3A_220, %get3A_221, %get3A_222] {strides = array<i32>} : memref<2x80x128xf32, #tpu.memory_space<vmem>>, vector<1x1x16xf32>,
      %get3A_224 = vector.shape_cast %get3A_223 : vector<1x1x16xf32> to vector<16xf32>
      %add3A_225 = arith.addf %get3A_218, %get3A_224 : vector<16xf32>
      %max3A_226 = arith.constant 0.000000e+00 : f32
      %max3A_227 = vector.broadcast %max3A_226 : f32 to vector<16xf32>
      %max3A_228 = arith.maximumf %add3A_225, %max3A_227 : vector<16xf32>
      %swap3A_229 = arith.constant 0 : i32
      %swap3A_230 = arith.index_cast %swap3A_229 : i32 to index
      %swap3A_231 = arith.index_cast %scan3A_99 : i32 to index
      %swap3A_232 = arith.constant 80 : index
      %swap3A_233 = tpu.vector_load %arg10[%swap3A_230, %swap3A_231, %swap3A_232] {strides = array<i32>} : memref<2x80x128xf32, #tpu.memory_space<vmem>>, vector<1x1x16xf32>,
      %swap3A_234 = vector.shape_cast %swap3A_233 : vector<1x1x16xf32> to vector<16xf32>
      %swap3A_235 = vector.shape_cast %max3A_228 : vector<16xf32> to vector<1x1x16xf32>
      tpu.vector_store %arg10[%swap3A_230, %swap3A_231, %swap3A_232], %swap3A_235 {strides = array<i32>} : memref<2x80x128xf32, #tpu.memory_space<vmem>>, vector<1x1x16xf32>,
      %get3A_236 = arith.constant 0 : i32
      %get3A_237 = arith.index_cast %get3A_236 : i32 to index
      %get3A_238 = arith.index_cast %scan3A_99 : i32 to index
      %get3A_239 = arith.constant 96 : index
      %get3A_240 = tpu.vector_load %arg10[%get3A_237, %get3A_238, %get3A_239] {strides = array<i32>} : memref<2x80x128xf32, #tpu.memory_space<vmem>>, vector<1x1x16xf32>,
      %get3A_241 = vector.shape_cast %get3A_240 : vector<1x1x16xf32> to vector<16xf32>
      %get3A_242 = arith.constant 0 : i32
      %get3A_243 = arith.index_cast %get3A_242 : i32 to index
      %get3A_244 = arith.index_cast %scan3A_99 : i32 to index
      %get3A_245 = arith.constant 96 : index
      %get3A_246 = tpu.vector_load %arg9[%get3A_243, %get3A_244, %get3A_245] {strides = array<i32>} : memref<2x80x128xf32, #tpu.memory_space<vmem>>, vector<1x1x16xf32>,
      %get3A_247 = vector.shape_cast %get3A_246 : vector<1x1x16xf32> to vector<16xf32>
      %add3A_248 = arith.addf %get3A_241, %get3A_247 : vector<16xf32>
      %max3A_249 = arith.constant 0.000000e+00 : f32
      %max3A_250 = vector.broadcast %max3A_249 : f32 to vector<16xf32>
      %max3A_251 = arith.maximumf %add3A_248, %max3A_250 : vector<16xf32>
      %swap3A_252 = arith.constant 0 : i32
      %swap3A_253 = arith.index_cast %swap3A_252 : i32 to index
      %swap3A_254 = arith.index_cast %scan3A_99 : i32 to index
      %swap3A_255 = arith.constant 96 : index
      %swap3A_256 = tpu.vector_load %arg10[%swap3A_253, %swap3A_254, %swap3A_255] {strides = array<i32>} : memref<2x80x128xf32, #tpu.memory_space<vmem>>, vector<1x1x16xf32>,
      %swap3A_257 = vector.shape_cast %swap3A_256 : vector<1x1x16xf32> to vector<16xf32>
      %swap3A_258 = vector.shape_cast %max3A_251 : vector<16xf32> to vector<1x1x16xf32>
      tpu.vector_store %arg10[%swap3A_253, %swap3A_254, %swap3A_255], %swap3A_258 {strides = array<i32>} : memref<2x80x128xf32, #tpu.memory_space<vmem>>, vector<1x1x16xf32>,
      %get3A_259 = arith.constant 0 : i32
      %get3A_260 = arith.index_cast %get3A_259 : i32 to index
      %get3A_261 = arith.index_cast %scan3A_99 : i32 to index
      %get3A_262 = arith.constant 112 : index
      %get3A_263 = tpu.vector_load %arg10[%get3A_260, %get3A_261, %get3A_262] {strides = array<i32>} : memref<2x80x128xf32, #tpu.memory_space<vmem>>, vector<1x1x16xf32>,
      %get3A_264 = vector.shape_cast %get3A_263 : vector<1x1x16xf32> to vector<16xf32>
      %get3A_265 = arith.constant 0 : i32
      %get3A_266 = arith.index_cast %get3A_265 : i32 to index
      %get3A_267 = arith.index_cast %scan3A_99 : i32 to index
      %get3A_268 = arith.constant 112 : index
      %get3A_269 = tpu.vector_load %arg9[%get3A_266, %get3A_267, %get3A_268] {strides = array<i32>} : memref<2x80x128xf32, #tpu.memory_space<vmem>>, vector<1x1x16xf32>,
      %get3A_270 = vector.shape_cast %get3A_269 : vector<1x1x16xf32> to vector<16xf32>
      %add3A_271 = arith.addf %get3A_264, %get3A_270 : vector<16xf32>
      %max3A_272 = arith.constant 0.000000e+00 : f32
      %max3A_273 = vector.broadcast %max3A_272 : f32 to vector<16xf32>
      %max3A_274 = arith.maximumf %add3A_271, %max3A_273 : vector<16xf32>
      %swap3A_275 = arith.constant 0 : i32
      %swap3A_276 = arith.index_cast %swap3A_275 : i32 to index
      %swap3A_277 = arith.index_cast %scan3A_99 : i32 to index
      %swap3A_278 = arith.constant 112 : index
      %swap3A_279 = tpu.vector_load %arg10[%swap3A_276, %swap3A_277, %swap3A_278] {strides = array<i32>} : memref<2x80x128xf32, #tpu.memory_space<vmem>>, vector<1x1x16xf32>,
      %swap3A_280 = vector.shape_cast %swap3A_279 : vector<1x1x16xf32> to vector<16xf32>
      %swap3A_281 = vector.shape_cast %max3A_274 : vector<16xf32> to vector<1x1x16xf32>
      tpu.vector_store %arg10[%swap3A_276, %swap3A_277, %swap3A_278], %swap3A_281 {strides = array<i32>} : memref<2x80x128xf32, #tpu.memory_space<vmem>>, vector<1x1x16xf32>,
      %scan3A_282 = arith.constant 0 : i32
      scf.yield %scan3A_282 : i32
    }
    %scan3A_92 = arith.constant 80 : i32
    %run_scoped3A_93 = arith.constant 0 : i32
    %run_scoped3A_94 = arith.constant 0 : i32
    "tpu.region"() ({
      %run_scoped3A_99 = tpu.sem_alloc : memref<!tpu.dma_semaphore, #tpu.memory_space<semaphore_mem>>
      %dma_start3A_100 = arith.constant 0 : i32
      %dma_start3A_101 = arith.constant 0 : i32
      %dma_start3A_102 = tpu.memref_slice %arg10[%run_scoped3A_93, %dma_start3A_100, %dma_start3A_101] : memref<2x80x128xf32, #tpu.memory_space<vmem>> -> memref<1x80x128xf32, #tpu.memory_space<vmem>>
      %dma_start3A_103 = tpu.memref_squeeze %dma_start3A_102 : memref<1x80x128xf32, #tpu.memory_space<vmem>> -> memref<80x128xf32, #tpu.memory_space<vmem>>
      %dma_start3A_104 = arith.constant 0 : i32
      %dma_start3A_105 = tpu.memref_slice %arg8[%run_scoped3A_94, %dma_start3A_104] : memref<2x80xi32, #tpu.memory_space<vmem>> -> memref<1x80xi32, #tpu.memory_space<vmem>>
      %dma_start3A_106 = tpu.memref_squeeze %dma_start3A_105 : memref<1x80xi32, #tpu.memory_space<vmem>> -> memref<80xi32, #tpu.memory_space<vmem>>
      %dma_start3A_107 = arith.constant 0 : i32
      %dma_start3A_108 = arith.constant 0 : i32
      %dma_start3A_109 = tpu.memref_slice %arg11[%dma_start3A_107, %dma_start3A_108] : memref<10240x128xf32, #tpu.memory_space<vmem_shared>> -> memref<10240x128xf32, #tpu.memory_space<vmem_shared>>
      tpu.enqueue_indirect_dma source(%dma_start3A_103 : memref<80x128xf32, #tpu.memory_space<vmem>>) target(%dma_start3A_109 : memref<10240x128xf32, #tpu.memory_space<vmem_shared>>) offsets(%dma_start3A_106 : memref<80xi32, #tpu.memory_space<vmem>>) semaphore(%run_scoped3A_99 : memref<!tpu.dma_semaphore, #tpu.memory_space<semaphore_mem>>) {add = true}
      %dma_wait3A_110 = arith.constant 0 : i32
      %dma_wait3A_111 = arith.constant 0 : i32
      %dma_wait3A_112 = tpu.memref_slice %arg10[%run_scoped3A_93, %dma_wait3A_110, %dma_wait3A_111] : memref<2x80x128xf32, #tpu.memory_space<vmem>> -> memref<1x80x128xf32, #tpu.memory_space<vmem>>
      %dma_wait3A_113 = tpu.memref_squeeze %dma_wait3A_112 : memref<1x80x128xf32, #tpu.memory_space<vmem>> -> memref<80x128xf32, #tpu.memory_space<vmem>>
      %dma_wait3A_114 = arith.constant 0 : i32
      %dma_wait3A_115 = tpu.memref_slice %arg8[%run_scoped3A_94, %dma_wait3A_114] : memref<2x80xi32, #tpu.memory_space<vmem>> -> memref<1x80xi32, #tpu.memory_space<vmem>>
      %dma_wait3A_116 = tpu.memref_squeeze %dma_wait3A_115 : memref<1x80xi32, #tpu.memory_space<vmem>> -> memref<80xi32, #tpu.memory_space<vmem>>
      %dma_wait3A_117 = arith.constant 0 : i32
      %dma_wait3A_118 = arith.constant 0 : i32
      %dma_wait3A_119 = tpu.memref_slice %arg11[%dma_wait3A_117, %dma_wait3A_118] : memref<10240x128xf32, #tpu.memory_space<vmem_shared>> -> memref<10240x128xf32, #tpu.memory_space<vmem_shared>>
      tpu.wait_indirect_dma semaphore(%run_scoped3A_99 : memref<!tpu.dma_semaphore, #tpu.memory_space<semaphore_mem>>) src(%dma_wait3A_113 : memref<80x128xf32, #tpu.memory_space<vmem>>) dst(%dma_wait3A_119 : memref<10240x128xf32, #tpu.memory_space<vmem_shared>>)
      tpu.yield
    }) : () -> ()
    %barrier3A_95 = arith.constant 0 : index
    tpu.barrier barrier_id(%barrier3A_95)
    %mul3A_96 = arith.constant 640 : i32
    %mul3A_97 = arith.muli %arg1, %mul3A_96 : i32
    %multiple_of3A_98 = tpu.assume_multiple %mul3A_97, 8 : i32
    "tpu.region"() ({
      %run_scoped3A_99 = tpu.sem_alloc : memref<!tpu.dma_semaphore, #tpu.memory_space<semaphore_mem>>
      %dma_start3A_100 = arith.constant 0 : i32
      %dma_start3A_101 = tpu.memref_slice %arg6[%arg0, %multiple_of3A_98, %dma_start3A_100] : memref<2x10240x128xf32, #tpu.memory_space<hbm>> -> memref<1x640x128xf32, #tpu.memory_space<hbm>>
      %dma_start3A_102 = tpu.memref_squeeze %dma_start3A_101 : memref<1x640x128xf32, #tpu.memory_space<hbm>> -> memref<640x128xf32, #tpu.memory_space<hbm>>
      %dma_start3A_103 = arith.constant 0 : i32
      %dma_start3A_104 = tpu.memref_slice %arg11[%multiple_of3A_98, %dma_start3A_103] : memref<10240x128xf32, #tpu.memory_space<vmem_shared>> -> memref<640x128xf32, #tpu.memory_space<vmem_shared>>
      tpu.enqueue_dma source(%dma_start3A_104 : memref<640x128xf32, #tpu.memory_space<vmem_shared>>) target(%dma_start3A_102 : memref<640x128xf32, #tpu.memory_space<hbm>>) target_semaphore(%run_scoped3A_99 : memref<!tpu.dma_semaphore, #tpu.memory_space<semaphore_mem>>)
      %dma_wait3A_105 = arith.constant 0 : i32
      %dma_wait3A_106 = tpu.memref_slice %arg6[%arg0, %multiple_of3A_98, %dma_wait3A_105] : memref<2x10240x128xf32, #tpu.memory_space<hbm>> -> memref<1x640x128xf32, #tpu.memory_space<hbm>>
      %dma_wait3A_107 = tpu.memref_squeeze %dma_wait3A_106 : memref<1x640x128xf32, #tpu.memory_space<hbm>> -> memref<640x128xf32, #tpu.memory_space<hbm>>
      %dma_wait3A_108 = arith.constant 0 : i32
      %dma_wait3A_109 = tpu.memref_slice %arg11[%multiple_of3A_98, %dma_wait3A_108] : memref<10240x128xf32, #tpu.memory_space<vmem_shared>> -> memref<640x128xf32, #tpu.memory_space<vmem_shared>>
      tpu.wait_dma2 semaphore(%run_scoped3A_99 : memref<!tpu.dma_semaphore, #tpu.memory_space<semaphore_mem>>) src(%dma_wait3A_109 : memref<640x128xf32, #tpu.memory_space<vmem_shared>>) dst(%dma_wait3A_107 : memref<640x128xf32, #tpu.memory_space<hbm>>)
      tpu.yield
    }) : () -> ()
    return
  }
}

#map = affine_map<(d0, d1) -> (0, 0)>
#map1 = affine_map<(d0, d1) -> (0)>
#map2 = affine_map<(d0, d1) -> (0, 0, 0)>
module attributes {stable_mosaic.version = 14 : i64} {
  func.func @_edge_body(%arg0: i32, %arg1: i32, %arg2: memref<10000x128xf32, #tpu.memory_space<hbm>>, %arg3: memref<320000x128xf32, #tpu.memory_space<hbm>>, %arg4: memref<320000xi32, #tpu.memory_space<hbm>>, %arg5: memref<320000xi32, #tpu.memory_space<hbm>>, %arg6: memref<2x10240x128xf32, #tpu.memory_space<hbm>>, %arg7: memref<2x80xi32, #tpu.memory_space<vmem>>, %arg8: memref<2x80xi32, #tpu.memory_space<vmem>>, %arg9: memref<2x80x128xf32, #tpu.memory_space<vmem>>, %arg10: memref<2x80x128xf32, #tpu.memory_space<vmem>>, %arg11: memref<10240x128xf32, #tpu.memory_space<vmem_shared>>, %arg12: memref<2x!tpu.dma_semaphore, #tpu.memory_space<semaphore_mem>>, %arg13: memref<2x!tpu.dma_semaphore, #tpu.memory_space<semaphore_mem>>, %arg14: memref<2x!tpu.dma_semaphore, #tpu.memory_space<semaphore_mem>>) attributes {dimension_semantics = [#tpu.dimension_semantics<core_parallel>, #tpu.dimension_semantics<subcore_parallel>], iteration_bounds = array<i64: 2, 16>, scalar_prefetch = 0 : i64, scratch_operands = 8 : i64, tpu.core_type = #tpu.core_type<sc_vector_subcore>, window_params = [{transform_indices = #map}, {transform_indices = #map}, {transform_indices = #map1}, {transform_indices = #map1}, {transform_indices = #map2}]} {
    %mul3A = arith.constant 2 : i32
    %mul3A_0 = arith.muli %arg1, %mul3A : i32
    %add3A = arith.addi %mul3A_0, %arg0 : i32
    %mul3A_1 = arith.constant 10000 : i32
    %mul3A_2 = arith.muli %add3A, %mul3A_1 : i32
    %broadcast_in_dim3A = arith.constant 0.000000e+00 : f32
    %broadcast_in_dim3A_3 = vector.broadcast %broadcast_in_dim3A : f32 to vector<16xf32>
    %scan3A = arith.constant 0 : i32
    %scan3A_4 = arith.constant 0 : i32
    %scan3A_5 = arith.constant 80 : i32
    %scan3A_6 = arith.addi %scan3A_4, %scan3A_5 : i32
    %scan3A_7 = arith.constant 1 : i32
    %scan3A_8 = scf.for %scan3A_99 = %scan3A_4 to %scan3A_6 step %scan3A_7 iter_args(%scan3A_100 = %scan3A) -> (i32)  : i32 {
      %swap3A = arith.constant 0 : i32
      %swap3A_101 = arith.index_cast %swap3A : i32 to index
      %swap3A_102 = arith.index_cast %scan3A_99 : i32 to index
      %swap3A_103 = arith.constant 0 : index
      %swap3A_104 = tpu.vector_load %arg10[%swap3A_101, %swap3A_102, %swap3A_103] {strides = array<i32>} : memref<2x80x128xf32, #tpu.memory_space<vmem>>, vector<1x1x16xf32>,
      %swap3A_105 = vector.shape_cast %swap3A_104 : vector<1x1x16xf32> to vector<16xf32>
      %swap3A_106 = vector.shape_cast %broadcast_in_dim3A_3 : vector<16xf32> to vector<1x1x16xf32>
      tpu.vector_store %arg10[%swap3A_101, %swap3A_102, %swap3A_103], %swap3A_106 {strides = array<i32>} : memref<2x80x128xf32, #tpu.memory_space<vmem>>, vector<1x1x16xf32>,
      %swap3A_107 = arith.constant 0 : i32
      %swap3A_108 = arith.index_cast %swap3A_107 : i32 to index
      %swap3A_109 = arith.index_cast %scan3A_99 : i32 to index
      %swap3A_110 = arith.constant 16 : index
      %swap3A_111 = tpu.vector_load %arg10[%swap3A_108, %swap3A_109, %swap3A_110] {strides = array<i32>} : memref<2x80x128xf32, #tpu.memory_space<vmem>>, vector<1x1x16xf32>,
      %swap3A_112 = vector.shape_cast %swap3A_111 : vector<1x1x16xf32> to vector<16xf32>
      %swap3A_113 = vector.shape_cast %broadcast_in_dim3A_3 : vector<16xf32> to vector<1x1x16xf32>
      tpu.vector_store %arg10[%swap3A_108, %swap3A_109, %swap3A_110], %swap3A_113 {strides = array<i32>} : memref<2x80x128xf32, #tpu.memory_space<vmem>>, vector<1x1x16xf32>,
      %swap3A_114 = arith.constant 0 : i32
      %swap3A_115 = arith.index_cast %swap3A_114 : i32 to index
      %swap3A_116 = arith.index_cast %scan3A_99 : i32 to index
      %swap3A_117 = arith.constant 32 : index
      %swap3A_118 = tpu.vector_load %arg10[%swap3A_115, %swap3A_116, %swap3A_117] {strides = array<i32>} : memref<2x80x128xf32, #tpu.memory_space<vmem>>, vector<1x1x16xf32>,
      %swap3A_119 = vector.shape_cast %swap3A_118 : vector<1x1x16xf32> to vector<16xf32>
      %swap3A_120 = vector.shape_cast %broadcast_in_dim3A_3 : vector<16xf32> to vector<1x1x16xf32>
      tpu.vector_store %arg10[%swap3A_115, %swap3A_116, %swap3A_117], %swap3A_120 {strides = array<i32>} : memref<2x80x128xf32, #tpu.memory_space<vmem>>, vector<1x1x16xf32>,
      %swap3A_121 = arith.constant 0 : i32
      %swap3A_122 = arith.index_cast %swap3A_121 : i32 to index
      %swap3A_123 = arith.index_cast %scan3A_99 : i32 to index
      %swap3A_124 = arith.constant 48 : index
      %swap3A_125 = tpu.vector_load %arg10[%swap3A_122, %swap3A_123, %swap3A_124] {strides = array<i32>} : memref<2x80x128xf32, #tpu.memory_space<vmem>>, vector<1x1x16xf32>,
      %swap3A_126 = vector.shape_cast %swap3A_125 : vector<1x1x16xf32> to vector<16xf32>
      %swap3A_127 = vector.shape_cast %broadcast_in_dim3A_3 : vector<16xf32> to vector<1x1x16xf32>
      tpu.vector_store %arg10[%swap3A_122, %swap3A_123, %swap3A_124], %swap3A_127 {strides = array<i32>} : memref<2x80x128xf32, #tpu.memory_space<vmem>>, vector<1x1x16xf32>,
      %swap3A_128 = arith.constant 0 : i32
      %swap3A_129 = arith.index_cast %swap3A_128 : i32 to index
      %swap3A_130 = arith.index_cast %scan3A_99 : i32 to index
      %swap3A_131 = arith.constant 64 : index
      %swap3A_132 = tpu.vector_load %arg10[%swap3A_129, %swap3A_130, %swap3A_131] {strides = array<i32>} : memref<2x80x128xf32, #tpu.memory_space<vmem>>, vector<1x1x16xf32>,
      %swap3A_133 = vector.shape_cast %swap3A_132 : vector<1x1x16xf32> to vector<16xf32>
      %swap3A_134 = vector.shape_cast %broadcast_in_dim3A_3 : vector<16xf32> to vector<1x1x16xf32>
      tpu.vector_store %arg10[%swap3A_129, %swap3A_130, %swap3A_131], %swap3A_134 {strides = array<i32>} : memref<2x80x128xf32, #tpu.memory_space<vmem>>, vector<1x1x16xf32>,
      %swap3A_135 = arith.constant 0 : i32
      %swap3A_136 = arith.index_cast %swap3A_135 : i32 to index
      %swap3A_137 = arith.index_cast %scan3A_99 : i32 to index
      %swap3A_138 = arith.constant 80 : index
      %swap3A_139 = tpu.vector_load %arg10[%swap3A_136, %swap3A_137, %swap3A_138] {strides = array<i32>} : memref<2x80x128xf32, #tpu.memory_space<vmem>>, vector<1x1x16xf32>,
      %swap3A_140 = vector.shape_cast %swap3A_139 : vector<1x1x16xf32> to vector<16xf32>
      %swap3A_141 = vector.shape_cast %broadcast_in_dim3A_3 : vector<16xf32> to vector<1x1x16xf32>
      tpu.vector_store %arg10[%swap3A_136, %swap3A_137, %swap3A_138], %swap3A_141 {strides = array<i32>} : memref<2x80x128xf32, #tpu.memory_space<vmem>>, vector<1x1x16xf32>,
      %swap3A_142 = arith.constant 0 : i32
      %swap3A_143 = arith.index_cast %swap3A_142 : i32 to index
      %swap3A_144 = arith.index_cast %scan3A_99 : i32 to index
      %swap3A_145 = arith.constant 96 : index
      %swap3A_146 = tpu.vector_load %arg10[%swap3A_143, %swap3A_144, %swap3A_145] {strides = array<i32>} : memref<2x80x128xf32, #tpu.memory_space<vmem>>, vector<1x1x16xf32>,
      %swap3A_147 = vector.shape_cast %swap3A_146 : vector<1x1x16xf32> to vector<16xf32>
      %swap3A_148 = vector.shape_cast %broadcast_in_dim3A_3 : vector<16xf32> to vector<1x1x16xf32>
      tpu.vector_store %arg10[%swap3A_143, %swap3A_144, %swap3A_145], %swap3A_148 {strides = array<i32>} : memref<2x80x128xf32, #tpu.memory_space<vmem>>, vector<1x1x16xf32>,
      %swap3A_149 = arith.constant 0 : i32
      %swap3A_150 = arith.index_cast %swap3A_149 : i32 to index
      %swap3A_151 = arith.index_cast %scan3A_99 : i32 to index
      %swap3A_152 = arith.constant 112 : index
      %swap3A_153 = tpu.vector_load %arg10[%swap3A_150, %swap3A_151, %swap3A_152] {strides = array<i32>} : memref<2x80x128xf32, #tpu.memory_space<vmem>>, vector<1x1x16xf32>,
      %swap3A_154 = vector.shape_cast %swap3A_153 : vector<1x1x16xf32> to vector<16xf32>
      %swap3A_155 = vector.shape_cast %broadcast_in_dim3A_3 : vector<16xf32> to vector<1x1x16xf32>
      tpu.vector_store %arg10[%swap3A_150, %swap3A_151, %swap3A_152], %swap3A_155 {strides = array<i32>} : memref<2x80x128xf32, #tpu.memory_space<vmem>>, vector<1x1x16xf32>,
      %scan3A_156 = arith.constant 0 : i32
      scf.yield %scan3A_156 : i32
    }
    %scan3A_9 = arith.constant 80 : i32
    %scan3A_10 = arith.constant 0 : i32
    %scan3A_11 = arith.constant 0 : i32
    %scan3A_12 = arith.constant 8 : i32
    %scan3A_13 = arith.addi %scan3A_11, %scan3A_12 : i32
    %scan3A_14 = arith.constant 1 : i32
    %scan3A_15 = scf.for %scan3A_99 = %scan3A_11 to %scan3A_13 step %scan3A_14 iter_args(%scan3A_100 = %scan3A_10) -> (i32)  : i32 {
      %mul3A_101 = arith.constant 640 : i32
      %mul3A_102 = arith.muli %arg1, %mul3A_101 : i32
      %mul3A_103 = arith.constant 80 : i32
      %mul3A_104 = arith.muli %scan3A_99, %mul3A_103 : i32
      %add3A_105 = arith.addi %mul3A_102, %mul3A_104 : i32
      %multiple_of3A_106 = tpu.assume_multiple %add3A_105, 8 : i32
      %run_scoped3A_107 = arith.constant 0 : i32
      "tpu.region"() ({
        %run_scoped3A_109 = tpu.sem_alloc : memref<!tpu.dma_semaphore, #tpu.memory_space<semaphore_mem>>
        %dma_start3A_110 = arith.constant 0 : i32
        %dma_start3A_111 = arith.constant 0 : i32
        %dma_start3A_112 = tpu.memref_slice %arg10[%run_scoped3A_107, %dma_start3A_110, %dma_start3A_111] : memref<2x80x128xf32, #tpu.memory_space<vmem>> -> memref<1x80x128xf32, #tpu.memory_space<vmem>>
        %dma_start3A_113 = tpu.memref_squeeze %dma_start3A_112 : memref<1x80x128xf32, #tpu.memory_space<vmem>> -> memref<80x128xf32, #tpu.memory_space<vmem>>
        %dma_start3A_114 = arith.constant 0 : i32
        %dma_start3A_115 = tpu.memref_slice %arg11[%multiple_of3A_106, %dma_start3A_114] : memref<10240x128xf32, #tpu.memory_space<vmem_shared>> -> memref<80x128xf32, #tpu.memory_space<vmem_shared>>
        %dma_start3A_116 = arith.constant 0 : i32
        %dma_start3A_117 = tpu.memref_slice %arg11[%multiple_of3A_106, %dma_start3A_116] : memref<10240x128xf32, #tpu.memory_space<vmem_shared>> -> memref<80x128xf32, #tpu.memory_space<vmem_shared>>
        %dma_start3A_118 = arith.constant 0 : i32
        %dma_start3A_119 = arith.constant 0 : i32
        %dma_start3A_120 = tpu.memref_slice %arg10[%run_scoped3A_107, %dma_start3A_118, %dma_start3A_119] : memref<2x80x128xf32, #tpu.memory_space<vmem>> -> memref<1x80x128xf32, #tpu.memory_space<vmem>>
        %dma_start3A_121 = tpu.memref_squeeze %dma_start3A_120 : memref<1x80x128xf32, #tpu.memory_space<vmem>> -> memref<80x128xf32, #tpu.memory_space<vmem>>
        tpu.enqueue_dma source(%dma_start3A_121 : memref<80x128xf32, #tpu.memory_space<vmem>>) target(%dma_start3A_117 : memref<80x128xf32, #tpu.memory_space<vmem_shared>>) target_semaphore(%run_scoped3A_109 : memref<!tpu.dma_semaphore, #tpu.memory_space<semaphore_mem>>)
        %dma_wait3A_122 = arith.constant 0 : i32
        %dma_wait3A_123 = arith.constant 0 : i32
        %dma_wait3A_124 = tpu.memref_slice %arg10[%run_scoped3A_107, %dma_wait3A_122, %dma_wait3A_123] : memref<2x80x128xf32, #tpu.memory_space<vmem>> -> memref<1x80x128xf32, #tpu.memory_space<vmem>>
        %dma_wait3A_125 = tpu.memref_squeeze %dma_wait3A_124 : memref<1x80x128xf32, #tpu.memory_space<vmem>> -> memref<80x128xf32, #tpu.memory_space<vmem>>
        %dma_wait3A_126 = arith.constant 0 : i32
        %dma_wait3A_127 = tpu.memref_slice %arg11[%multiple_of3A_106, %dma_wait3A_126] : memref<10240x128xf32, #tpu.memory_space<vmem_shared>> -> memref<80x128xf32, #tpu.memory_space<vmem_shared>>
        %dma_wait3A_128 = arith.constant 0 : i32
        %dma_wait3A_129 = tpu.memref_slice %arg11[%multiple_of3A_106, %dma_wait3A_128] : memref<10240x128xf32, #tpu.memory_space<vmem_shared>> -> memref<80x128xf32, #tpu.memory_space<vmem_shared>>
        %dma_wait3A_130 = arith.constant 0 : i32
        %dma_wait3A_131 = arith.constant 0 : i32
        %dma_wait3A_132 = tpu.memref_slice %arg10[%run_scoped3A_107, %dma_wait3A_130, %dma_wait3A_131] : memref<2x80x128xf32, #tpu.memory_space<vmem>> -> memref<1x80x128xf32, #tpu.memory_space<vmem>>
        %dma_wait3A_133 = tpu.memref_squeeze %dma_wait3A_132 : memref<1x80x128xf32, #tpu.memory_space<vmem>> -> memref<80x128xf32, #tpu.memory_space<vmem>>
        tpu.wait_dma2 semaphore(%run_scoped3A_109 : memref<!tpu.dma_semaphore, #tpu.memory_space<semaphore_mem>>) src(%dma_wait3A_133 : memref<80x128xf32, #tpu.memory_space<vmem>>) dst(%dma_wait3A_129 : memref<80x128xf32, #tpu.memory_space<vmem_shared>>)
        tpu.yield
      }) : () -> ()
      %scan3A_108 = arith.constant 0 : i32
      scf.yield %scan3A_108 : i32
    }
    %scan3A_16 = arith.constant 8 : i32
    %barrier3A = arith.constant 0 : index
    tpu.barrier barrier_id(%barrier3A)
    %scan3A_17 = arith.constant 0 : i32
    %scan3A_18 = arith.constant 0 : i32
    %scan3A_19 = arith.constant 62 : i32
    %scan3A_20 = arith.addi %scan3A_18, %scan3A_19 : i32
    %scan3A_21 = arith.constant 1 : i32
    %scan3A_22 = scf.for %scan3A_99 = %scan3A_18 to %scan3A_20 step %scan3A_21 iter_args(%scan3A_100 = %scan3A_17) -> (i32)  : i32 {
      %gt3A = arith.constant 0 : i32
      %gt3A_101 = arith.cmpi sgt, %scan3A_99, %gt3A : i32
      %convert_element_type3A = arith.extui %gt3A_101 : i1 to i32
      %cond3A = arith.constant 0 : i32
      %cond3A_102 = arith.cmpi ne, %convert_element_type3A, %cond3A : i32
      scf.if %cond3A_102 {
        %dma_wait3A_389 = arith.constant 0 : i32
        %dma_wait3A_390 = arith.constant 0 : i32
        %dma_wait3A_391 = arith.constant 0 : i32
        %dma_wait3A_392 = arith.constant 0 : i32
        %dma_wait3A_393 = arith.constant 0 : i32
        %dma_wait3A_394 = tpu.memref_slice %arg10[%dma_wait3A_389, %dma_wait3A_392, %dma_wait3A_393] : memref<2x80x128xf32, #tpu.memory_space<vmem>> -> memref<1x80x128xf32, #tpu.memory_space<vmem>>
        %dma_wait3A_395 = tpu.memref_squeeze %dma_wait3A_394 : memref<1x80x128xf32, #tpu.memory_space<vmem>> -> memref<80x128xf32, #tpu.memory_space<vmem>>
        %dma_wait3A_396 = arith.constant 0 : i32
        %dma_wait3A_397 = tpu.memref_slice %arg8[%dma_wait3A_390, %dma_wait3A_396] : memref<2x80xi32, #tpu.memory_space<vmem>> -> memref<1x80xi32, #tpu.memory_space<vmem>>
        %dma_wait3A_398 = tpu.memref_squeeze %dma_wait3A_397 : memref<1x80xi32, #tpu.memory_space<vmem>> -> memref<80xi32, #tpu.memory_space<vmem>>
        %dma_wait3A_399 = arith.constant 0 : i32
        %dma_wait3A_400 = arith.constant 0 : i32
        %dma_wait3A_401 = tpu.memref_slice %arg11[%dma_wait3A_399, %dma_wait3A_400] : memref<10240x128xf32, #tpu.memory_space<vmem_shared>> -> memref<10240x128xf32, #tpu.memory_space<vmem_shared>>
        %dma_wait3A_402 = tpu.memref_slice %arg14[%dma_wait3A_391] : memref<2x!tpu.dma_semaphore, #tpu.memory_space<semaphore_mem>> -> memref<1x!tpu.dma_semaphore, #tpu.memory_space<semaphore_mem>>
        %dma_wait3A_403 = tpu.memref_squeeze %dma_wait3A_402 : memref<1x!tpu.dma_semaphore, #tpu.memory_space<semaphore_mem>> -> memref<!tpu.dma_semaphore, #tpu.memory_space<semaphore_mem>>
        tpu.wait_indirect_dma semaphore(%dma_wait3A_403 : memref<!tpu.dma_semaphore, #tpu.memory_space<semaphore_mem>>) src(%dma_wait3A_395 : memref<80x128xf32, #tpu.memory_space<vmem>>) dst(%dma_wait3A_401 : memref<10240x128xf32, #tpu.memory_space<vmem_shared>>)
      } else {
      }
      %mul3A_103 = arith.constant 2 : i32
      %mul3A_104 = arith.muli %scan3A_99, %mul3A_103 : i32
      %add3A_105 = arith.constant 0 : i32
      %add3A_106 = arith.addi %mul3A_104, %add3A_105 : i32
      %mul3A_107 = arith.constant 80 : i32
      %mul3A_108 = arith.muli %add3A_106, %mul3A_107 : i32
      %add3A_109 = arith.addi %mul3A_2, %mul3A_108 : i32
      %multiple_of3A_110 = tpu.assume_multiple %add3A_109, 8 : i32
      %dma_start3A_111 = arith.constant 0 : i32
      %dma_start3A_112 = arith.constant 0 : i32
      %dma_start3A_113 = arith.constant 0 : i32
      %dma_start3A_114 = tpu.memref_slice %arg7[%dma_start3A_111, %dma_start3A_113] : memref<2x80xi32, #tpu.memory_space<vmem>> -> memref<1x80xi32, #tpu.memory_space<vmem>>
      %dma_start3A_115 = tpu.memref_squeeze %dma_start3A_114 : memref<1x80xi32, #tpu.memory_space<vmem>> -> memref<80xi32, #tpu.memory_space<vmem>>
      %dma_start3A_116 = tpu.memref_slice %arg4[%multiple_of3A_110] : memref<320000xi32, #tpu.memory_space<hbm>> -> memref<80xi32, #tpu.memory_space<hbm>>
      %dma_start3A_117 = tpu.memref_slice %arg12[%dma_start3A_112] : memref<2x!tpu.dma_semaphore, #tpu.memory_space<semaphore_mem>> -> memref<1x!tpu.dma_semaphore, #tpu.memory_space<semaphore_mem>>
      %dma_start3A_118 = tpu.memref_squeeze %dma_start3A_117 : memref<1x!tpu.dma_semaphore, #tpu.memory_space<semaphore_mem>> -> memref<!tpu.dma_semaphore, #tpu.memory_space<semaphore_mem>>
      %dma_start3A_119 = arith.constant 0 : i32
      %dma_start3A_120 = tpu.memref_slice %arg7[%dma_start3A_111, %dma_start3A_119] : memref<2x80xi32, #tpu.memory_space<vmem>> -> memref<1x80xi32, #tpu.memory_space<vmem>>
      %dma_start3A_121 = tpu.memref_squeeze %dma_start3A_120 : memref<1x80xi32, #tpu.memory_space<vmem>> -> memref<80xi32, #tpu.memory_space<vmem>>
      %dma_start3A_122 = tpu.memref_slice %arg4[%multiple_of3A_110] : memref<320000xi32, #tpu.memory_space<hbm>> -> memref<80xi32, #tpu.memory_space<hbm>>
      tpu.enqueue_dma source(%dma_start3A_122 : memref<80xi32, #tpu.memory_space<hbm>>) target(%dma_start3A_121 : memref<80xi32, #tpu.memory_space<vmem>>) target_semaphore(%dma_start3A_118 : memref<!tpu.dma_semaphore, #tpu.memory_space<semaphore_mem>>)
      %dma_start3A_123 = arith.constant 0 : i32
      %dma_start3A_124 = arith.constant 0 : i32
      %dma_start3A_125 = arith.constant 0 : i32
      %dma_start3A_126 = tpu.memref_slice %arg8[%dma_start3A_123, %dma_start3A_125] : memref<2x80xi32, #tpu.memory_space<vmem>> -> memref<1x80xi32, #tpu.memory_space<vmem>>
      %dma_start3A_127 = tpu.memref_squeeze %dma_start3A_126 : memref<1x80xi32, #tpu.memory_space<vmem>> -> memref<80xi32, #tpu.memory_space<vmem>>
      %dma_start3A_128 = tpu.memref_slice %arg5[%multiple_of3A_110] : memref<320000xi32, #tpu.memory_space<hbm>> -> memref<80xi32, #tpu.memory_space<hbm>>
      %dma_start3A_129 = tpu.memref_slice %arg12[%dma_start3A_124] : memref<2x!tpu.dma_semaphore, #tpu.memory_space<semaphore_mem>> -> memref<1x!tpu.dma_semaphore, #tpu.memory_space<semaphore_mem>>
      %dma_start3A_130 = tpu.memref_squeeze %dma_start3A_129 : memref<1x!tpu.dma_semaphore, #tpu.memory_space<semaphore_mem>> -> memref<!tpu.dma_semaphore, #tpu.memory_space<semaphore_mem>>
      %dma_start3A_131 = arith.constant 0 : i32
      %dma_start3A_132 = tpu.memref_slice %arg8[%dma_start3A_123, %dma_start3A_131] : memref<2x80xi32, #tpu.memory_space<vmem>> -> memref<1x80xi32, #tpu.memory_space<vmem>>
      %dma_start3A_133 = tpu.memref_squeeze %dma_start3A_132 : memref<1x80xi32, #tpu.memory_space<vmem>> -> memref<80xi32, #tpu.memory_space<vmem>>
      %dma_start3A_134 = tpu.memref_slice %arg5[%multiple_of3A_110] : memref<320000xi32, #tpu.memory_space<hbm>> -> memref<80xi32, #tpu.memory_space<hbm>>
      tpu.enqueue_dma source(%dma_start3A_134 : memref<80xi32, #tpu.memory_space<hbm>>) target(%dma_start3A_133 : memref<80xi32, #tpu.memory_space<vmem>>) target_semaphore(%dma_start3A_130 : memref<!tpu.dma_semaphore, #tpu.memory_space<semaphore_mem>>)
      %dma_start3A_135 = arith.constant 0 : i32
      %dma_start3A_136 = arith.constant 0 : i32
      %dma_start3A_137 = arith.constant 0 : i32
      %dma_start3A_138 = arith.constant 0 : i32
      %dma_start3A_139 = tpu.memref_slice %arg9[%dma_start3A_135, %dma_start3A_137, %dma_start3A_138] : memref<2x80x128xf32, #tpu.memory_space<vmem>> -> memref<1x80x128xf32, #tpu.memory_space<vmem>>
      %dma_start3A_140 = tpu.memref_squeeze %dma_start3A_139 : memref<1x80x128xf32, #tpu.memory_space<vmem>> -> memref<80x128xf32, #tpu.memory_space<vmem>>
      %dma_start3A_141 = arith.constant 0 : i32
      %dma_start3A_142 = tpu.memref_slice %arg3[%multiple_of3A_110, %dma_start3A_141] : memref<320000x128xf32, #tpu.memory_space<hbm>> -> memref<80x128xf32, #tpu.memory_space<hbm>>
      %dma_start3A_143 = tpu.memref_slice %arg12[%dma_start3A_136] : memref<2x!tpu.dma_semaphore, #tpu.memory_space<semaphore_mem>> -> memref<1x!tpu.dma_semaphore, #tpu.memory_space<semaphore_mem>>
      %dma_start3A_144 = tpu.memref_squeeze %dma_start3A_143 : memref<1x!tpu.dma_semaphore, #tpu.memory_space<semaphore_mem>> -> memref<!tpu.dma_semaphore, #tpu.memory_space<semaphore_mem>>
      %dma_start3A_145 = arith.constant 0 : i32
      %dma_start3A_146 = arith.constant 0 : i32
      %dma_start3A_147 = tpu.memref_slice %arg9[%dma_start3A_135, %dma_start3A_145, %dma_start3A_146] : memref<2x80x128xf32, #tpu.memory_space<vmem>> -> memref<1x80x128xf32, #tpu.memory_space<vmem>>
      %dma_start3A_148 = tpu.memref_squeeze %dma_start3A_147 : memref<1x80x128xf32, #tpu.memory_space<vmem>> -> memref<80x128xf32, #tpu.memory_space<vmem>>
      %dma_start3A_149 = arith.constant 0 : i32
      %dma_start3A_150 = tpu.memref_slice %arg3[%multiple_of3A_110, %dma_start3A_149] : memref<320000x128xf32, #tpu.memory_space<hbm>> -> memref<80x128xf32, #tpu.memory_space<hbm>>
      tpu.enqueue_dma source(%dma_start3A_150 : memref<80x128xf32, #tpu.memory_space<hbm>>) target(%dma_start3A_148 : memref<80x128xf32, #tpu.memory_space<vmem>>) target_semaphore(%dma_start3A_144 : memref<!tpu.dma_semaphore, #tpu.memory_space<semaphore_mem>>)
      %gt3A_151 = arith.constant 0 : i32
      %gt3A_152 = arith.cmpi sgt, %scan3A_99, %gt3A_151 : i32
      %convert_element_type3A_153 = arith.extui %gt3A_152 : i1 to i32
      %cond3A_154 = arith.constant 0 : i32
      %cond3A_155 = arith.cmpi ne, %convert_element_type3A_153, %cond3A_154 : i32
      scf.if %cond3A_155 {
        %dma_wait3A_389 = arith.constant 1 : i32
        %dma_wait3A_390 = arith.constant 1 : i32
        %dma_wait3A_391 = arith.constant 1 : i32
        %dma_wait3A_392 = arith.constant 0 : i32
        %dma_wait3A_393 = arith.constant 0 : i32
        %dma_wait3A_394 = tpu.memref_slice %arg10[%dma_wait3A_389, %dma_wait3A_392, %dma_wait3A_393] : memref<2x80x128xf32, #tpu.memory_space<vmem>> -> memref<1x80x128xf32, #tpu.memory_space<vmem>>
        %dma_wait3A_395 = tpu.memref_squeeze %dma_wait3A_394 : memref<1x80x128xf32, #tpu.memory_space<vmem>> -> memref<80x128xf32, #tpu.memory_space<vmem>>
        %dma_wait3A_396 = arith.constant 0 : i32
        %dma_wait3A_397 = tpu.memref_slice %arg8[%dma_wait3A_390, %dma_wait3A_396] : memref<2x80xi32, #tpu.memory_space<vmem>> -> memref<1x80xi32, #tpu.memory_space<vmem>>
        %dma_wait3A_398 = tpu.memref_squeeze %dma_wait3A_397 : memref<1x80xi32, #tpu.memory_space<vmem>> -> memref<80xi32, #tpu.memory_space<vmem>>
        %dma_wait3A_399 = arith.constant 0 : i32
        %dma_wait3A_400 = arith.constant 0 : i32
        %dma_wait3A_401 = tpu.memref_slice %arg11[%dma_wait3A_399, %dma_wait3A_400] : memref<10240x128xf32, #tpu.memory_space<vmem_shared>> -> memref<10240x128xf32, #tpu.memory_space<vmem_shared>>
        %dma_wait3A_402 = tpu.memref_slice %arg14[%dma_wait3A_391] : memref<2x!tpu.dma_semaphore, #tpu.memory_space<semaphore_mem>> -> memref<1x!tpu.dma_semaphore, #tpu.memory_space<semaphore_mem>>
        %dma_wait3A_403 = tpu.memref_squeeze %dma_wait3A_402 : memref<1x!tpu.dma_semaphore, #tpu.memory_space<semaphore_mem>> -> memref<!tpu.dma_semaphore, #tpu.memory_space<semaphore_mem>>
        tpu.wait_indirect_dma semaphore(%dma_wait3A_403 : memref<!tpu.dma_semaphore, #tpu.memory_space<semaphore_mem>>) src(%dma_wait3A_395 : memref<80x128xf32, #tpu.memory_space<vmem>>) dst(%dma_wait3A_401 : memref<10240x128xf32, #tpu.memory_space<vmem_shared>>)
      } else {
      }
      %mul3A_156 = arith.constant 2 : i32
      %mul3A_157 = arith.muli %scan3A_99, %mul3A_156 : i32
      %add3A_158 = arith.constant 1 : i32
      %add3A_159 = arith.addi %mul3A_157, %add3A_158 : i32
      %mul3A_160 = arith.constant 80 : i32
      %mul3A_161 = arith.muli %add3A_159, %mul3A_160 : i32
      %add3A_162 = arith.addi %mul3A_2, %mul3A_161 : i32
      %multiple_of3A_163 = tpu.assume_multiple %add3A_162, 8 : i32
      %dma_start3A_164 = arith.constant 1 : i32
      %dma_start3A_165 = arith.constant 1 : i32
      %dma_start3A_166 = arith.constant 0 : i32
      %dma_start3A_167 = tpu.memref_slice %arg7[%dma_start3A_164, %dma_start3A_166] : memref<2x80xi32, #tpu.memory_space<vmem>> -> memref<1x80xi32, #tpu.memory_space<vmem>>
      %dma_start3A_168 = tpu.memref_squeeze %dma_start3A_167 : memref<1x80xi32, #tpu.memory_space<vmem>> -> memref<80xi32, #tpu.memory_space<vmem>>
      %dma_start3A_169 = tpu.memref_slice %arg4[%multiple_of3A_163] : memref<320000xi32, #tpu.memory_space<hbm>> -> memref<80xi32, #tpu.memory_space<hbm>>
      %dma_start3A_170 = tpu.memref_slice %arg12[%dma_start3A_165] : memref<2x!tpu.dma_semaphore, #tpu.memory_space<semaphore_mem>> -> memref<1x!tpu.dma_semaphore, #tpu.memory_space<semaphore_mem>>
      %dma_start3A_171 = tpu.memref_squeeze %dma_start3A_170 : memref<1x!tpu.dma_semaphore, #tpu.memory_space<semaphore_mem>> -> memref<!tpu.dma_semaphore, #tpu.memory_space<semaphore_mem>>
      %dma_start3A_172 = arith.constant 0 : i32
      %dma_start3A_173 = tpu.memref_slice %arg7[%dma_start3A_164, %dma_start3A_172] : memref<2x80xi32, #tpu.memory_space<vmem>> -> memref<1x80xi32, #tpu.memory_space<vmem>>
      %dma_start3A_174 = tpu.memref_squeeze %dma_start3A_173 : memref<1x80xi32, #tpu.memory_space<vmem>> -> memref<80xi32, #tpu.memory_space<vmem>>
      %dma_start3A_175 = tpu.memref_slice %arg4[%multiple_of3A_163] : memref<320000xi32, #tpu.memory_space<hbm>> -> memref<80xi32, #tpu.memory_space<hbm>>
      tpu.enqueue_dma source(%dma_start3A_175 : memref<80xi32, #tpu.memory_space<hbm>>) target(%dma_start3A_174 : memref<80xi32, #tpu.memory_space<vmem>>) target_semaphore(%dma_start3A_171 : memref<!tpu.dma_semaphore, #tpu.memory_space<semaphore_mem>>)
      %dma_start3A_176 = arith.constant 1 : i32
      %dma_start3A_177 = arith.constant 1 : i32
      %dma_start3A_178 = arith.constant 0 : i32
      %dma_start3A_179 = tpu.memref_slice %arg8[%dma_start3A_176, %dma_start3A_178] : memref<2x80xi32, #tpu.memory_space<vmem>> -> memref<1x80xi32, #tpu.memory_space<vmem>>
      %dma_start3A_180 = tpu.memref_squeeze %dma_start3A_179 : memref<1x80xi32, #tpu.memory_space<vmem>> -> memref<80xi32, #tpu.memory_space<vmem>>
      %dma_start3A_181 = tpu.memref_slice %arg5[%multiple_of3A_163] : memref<320000xi32, #tpu.memory_space<hbm>> -> memref<80xi32, #tpu.memory_space<hbm>>
      %dma_start3A_182 = tpu.memref_slice %arg12[%dma_start3A_177] : memref<2x!tpu.dma_semaphore, #tpu.memory_space<semaphore_mem>> -> memref<1x!tpu.dma_semaphore, #tpu.memory_space<semaphore_mem>>
      %dma_start3A_183 = tpu.memref_squeeze %dma_start3A_182 : memref<1x!tpu.dma_semaphore, #tpu.memory_space<semaphore_mem>> -> memref<!tpu.dma_semaphore, #tpu.memory_space<semaphore_mem>>
      %dma_start3A_184 = arith.constant 0 : i32
      %dma_start3A_185 = tpu.memref_slice %arg8[%dma_start3A_176, %dma_start3A_184] : memref<2x80xi32, #tpu.memory_space<vmem>> -> memref<1x80xi32, #tpu.memory_space<vmem>>
      %dma_start3A_186 = tpu.memref_squeeze %dma_start3A_185 : memref<1x80xi32, #tpu.memory_space<vmem>> -> memref<80xi32, #tpu.memory_space<vmem>>
      %dma_start3A_187 = tpu.memref_slice %arg5[%multiple_of3A_163] : memref<320000xi32, #tpu.memory_space<hbm>> -> memref<80xi32, #tpu.memory_space<hbm>>
      tpu.enqueue_dma source(%dma_start3A_187 : memref<80xi32, #tpu.memory_space<hbm>>) target(%dma_start3A_186 : memref<80xi32, #tpu.memory_space<vmem>>) target_semaphore(%dma_start3A_183 : memref<!tpu.dma_semaphore, #tpu.memory_space<semaphore_mem>>)
      %dma_start3A_188 = arith.constant 1 : i32
      %dma_start3A_189 = arith.constant 1 : i32
      %dma_start3A_190 = arith.constant 0 : i32
      %dma_start3A_191 = arith.constant 0 : i32
      %dma_start3A_192 = tpu.memref_slice %arg9[%dma_start3A_188, %dma_start3A_190, %dma_start3A_191] : memref<2x80x128xf32, #tpu.memory_space<vmem>> -> memref<1x80x128xf32, #tpu.memory_space<vmem>>
      %dma_start3A_193 = tpu.memref_squeeze %dma_start3A_192 : memref<1x80x128xf32, #tpu.memory_space<vmem>> -> memref<80x128xf32, #tpu.memory_space<vmem>>
      %dma_start3A_194 = arith.constant 0 : i32
      %dma_start3A_195 = tpu.memref_slice %arg3[%multiple_of3A_163, %dma_start3A_194] : memref<320000x128xf32, #tpu.memory_space<hbm>> -> memref<80x128xf32, #tpu.memory_space<hbm>>
      %dma_start3A_196 = tpu.memref_slice %arg12[%dma_start3A_189] : memref<2x!tpu.dma_semaphore, #tpu.memory_space<semaphore_mem>> -> memref<1x!tpu.dma_semaphore, #tpu.memory_space<semaphore_mem>>
      %dma_start3A_197 = tpu.memref_squeeze %dma_start3A_196 : memref<1x!tpu.dma_semaphore, #tpu.memory_space<semaphore_mem>> -> memref<!tpu.dma_semaphore, #tpu.memory_space<semaphore_mem>>
      %dma_start3A_198 = arith.constant 0 : i32
      %dma_start3A_199 = arith.constant 0 : i32
      %dma_start3A_200 = tpu.memref_slice %arg9[%dma_start3A_188, %dma_start3A_198, %dma_start3A_199] : memref<2x80x128xf32, #tpu.memory_space<vmem>> -> memref<1x80x128xf32, #tpu.memory_space<vmem>>
      %dma_start3A_201 = tpu.memref_squeeze %dma_start3A_200 : memref<1x80x128xf32, #tpu.memory_space<vmem>> -> memref<80x128xf32, #tpu.memory_space<vmem>>
      %dma_start3A_202 = arith.constant 0 : i32
      %dma_start3A_203 = tpu.memref_slice %arg3[%multiple_of3A_163, %dma_start3A_202] : memref<320000x128xf32, #tpu.memory_space<hbm>> -> memref<80x128xf32, #tpu.memory_space<hbm>>
      tpu.enqueue_dma source(%dma_start3A_203 : memref<80x128xf32, #tpu.memory_space<hbm>>) target(%dma_start3A_201 : memref<80x128xf32, #tpu.memory_space<vmem>>) target_semaphore(%dma_start3A_197 : memref<!tpu.dma_semaphore, #tpu.memory_space<semaphore_mem>>)
      %dma_wait3A_204 = arith.constant 0 : i32
      %dma_wait3A_205 = arith.constant 0 : i32
      %dma_wait3A_206 = arith.constant 0 : i32
      %dma_wait3A_207 = tpu.memref_slice %arg7[%dma_wait3A_204, %dma_wait3A_206] : memref<2x80xi32, #tpu.memory_space<vmem>> -> memref<1x80xi32, #tpu.memory_space<vmem>>
      %dma_wait3A_208 = tpu.memref_squeeze %dma_wait3A_207 : memref<1x80xi32, #tpu.memory_space<vmem>> -> memref<80xi32, #tpu.memory_space<vmem>>
      %dma_wait3A_209 = tpu.memref_slice %arg4[%multiple_of3A_110] : memref<320000xi32, #tpu.memory_space<hbm>> -> memref<80xi32, #tpu.memory_space<hbm>>
      %dma_wait3A_210 = tpu.memref_slice %arg12[%dma_wait3A_205] : memref<2x!tpu.dma_semaphore, #tpu.memory_space<semaphore_mem>> -> memref<1x!tpu.dma_semaphore, #tpu.memory_space<semaphore_mem>>
      %dma_wait3A_211 = tpu.memref_squeeze %dma_wait3A_210 : memref<1x!tpu.dma_semaphore, #tpu.memory_space<semaphore_mem>> -> memref<!tpu.dma_semaphore, #tpu.memory_space<semaphore_mem>>
      %dma_wait3A_212 = arith.constant 0 : i32
      %dma_wait3A_213 = tpu.memref_slice %arg7[%dma_wait3A_204, %dma_wait3A_212] : memref<2x80xi32, #tpu.memory_space<vmem>> -> memref<1x80xi32, #tpu.memory_space<vmem>>
      %dma_wait3A_214 = tpu.memref_squeeze %dma_wait3A_213 : memref<1x80xi32, #tpu.memory_space<vmem>> -> memref<80xi32, #tpu.memory_space<vmem>>
      %dma_wait3A_215 = tpu.memref_slice %arg4[%multiple_of3A_110] : memref<320000xi32, #tpu.memory_space<hbm>> -> memref<80xi32, #tpu.memory_space<hbm>>
      tpu.wait_dma2 semaphore(%dma_wait3A_211 : memref<!tpu.dma_semaphore, #tpu.memory_space<semaphore_mem>>) src(%dma_wait3A_215 : memref<80xi32, #tpu.memory_space<hbm>>) dst(%dma_wait3A_214 : memref<80xi32, #tpu.memory_space<vmem>>)
      %dma_wait3A_216 = arith.constant 0 : i32
      %dma_wait3A_217 = arith.constant 0 : i32
      %dma_wait3A_218 = arith.constant 0 : i32
      %dma_wait3A_219 = tpu.memref_slice %arg8[%dma_wait3A_216, %dma_wait3A_218] : memref<2x80xi32, #tpu.memory_space<vmem>> -> memref<1x80xi32, #tpu.memory_space<vmem>>
      %dma_wait3A_220 = tpu.memref_squeeze %dma_wait3A_219 : memref<1x80xi32, #tpu.memory_space<vmem>> -> memref<80xi32, #tpu.memory_space<vmem>>
      %dma_wait3A_221 = tpu.memref_slice %arg5[%multiple_of3A_110] : memref<320000xi32, #tpu.memory_space<hbm>> -> memref<80xi32, #tpu.memory_space<hbm>>
      %dma_wait3A_222 = tpu.memref_slice %arg12[%dma_wait3A_217] : memref<2x!tpu.dma_semaphore, #tpu.memory_space<semaphore_mem>> -> memref<1x!tpu.dma_semaphore, #tpu.memory_space<semaphore_mem>>
      %dma_wait3A_223 = tpu.memref_squeeze %dma_wait3A_222 : memref<1x!tpu.dma_semaphore, #tpu.memory_space<semaphore_mem>> -> memref<!tpu.dma_semaphore, #tpu.memory_space<semaphore_mem>>
      %dma_wait3A_224 = arith.constant 0 : i32
      %dma_wait3A_225 = tpu.memref_slice %arg8[%dma_wait3A_216, %dma_wait3A_224] : memref<2x80xi32, #tpu.memory_space<vmem>> -> memref<1x80xi32, #tpu.memory_space<vmem>>
      %dma_wait3A_226 = tpu.memref_squeeze %dma_wait3A_225 : memref<1x80xi32, #tpu.memory_space<vmem>> -> memref<80xi32, #tpu.memory_space<vmem>>
      %dma_wait3A_227 = tpu.memref_slice %arg5[%multiple_of3A_110] : memref<320000xi32, #tpu.memory_space<hbm>> -> memref<80xi32, #tpu.memory_space<hbm>>
      tpu.wait_dma2 semaphore(%dma_wait3A_223 : memref<!tpu.dma_semaphore, #tpu.memory_space<semaphore_mem>>) src(%dma_wait3A_227 : memref<80xi32, #tpu.memory_space<hbm>>) dst(%dma_wait3A_226 : memref<80xi32, #tpu.memory_space<vmem>>)
      %dma_wait3A_228 = arith.constant 0 : i32
      %dma_wait3A_229 = arith.constant 0 : i32
      %dma_wait3A_230 = arith.constant 0 : i32
      %dma_wait3A_231 = arith.constant 0 : i32
      %dma_wait3A_232 = tpu.memref_slice %arg9[%dma_wait3A_228, %dma_wait3A_230, %dma_wait3A_231] : memref<2x80x128xf32, #tpu.memory_space<vmem>> -> memref<1x80x128xf32, #tpu.memory_space<vmem>>
      %dma_wait3A_233 = tpu.memref_squeeze %dma_wait3A_232 : memref<1x80x128xf32, #tpu.memory_space<vmem>> -> memref<80x128xf32, #tpu.memory_space<vmem>>
      %dma_wait3A_234 = arith.constant 0 : i32
      %dma_wait3A_235 = tpu.memref_slice %arg3[%multiple_of3A_110, %dma_wait3A_234] : memref<320000x128xf32, #tpu.memory_space<hbm>> -> memref<80x128xf32, #tpu.memory_space<hbm>>
      %dma_wait3A_236 = tpu.memref_slice %arg12[%dma_wait3A_229] : memref<2x!tpu.dma_semaphore, #tpu.memory_space<semaphore_mem>> -> memref<1x!tpu.dma_semaphore, #tpu.memory_space<semaphore_mem>>
      %dma_wait3A_237 = tpu.memref_squeeze %dma_wait3A_236 : memref<1x!tpu.dma_semaphore, #tpu.memory_space<semaphore_mem>> -> memref<!tpu.dma_semaphore, #tpu.memory_space<semaphore_mem>>
      %dma_wait3A_238 = arith.constant 0 : i32
      %dma_wait3A_239 = arith.constant 0 : i32
      %dma_wait3A_240 = tpu.memref_slice %arg9[%dma_wait3A_228, %dma_wait3A_238, %dma_wait3A_239] : memref<2x80x128xf32, #tpu.memory_space<vmem>> -> memref<1x80x128xf32, #tpu.memory_space<vmem>>
      %dma_wait3A_241 = tpu.memref_squeeze %dma_wait3A_240 : memref<1x80x128xf32, #tpu.memory_space<vmem>> -> memref<80x128xf32, #tpu.memory_space<vmem>>
      %dma_wait3A_242 = arith.constant 0 : i32
      %dma_wait3A_243 = tpu.memref_slice %arg3[%multiple_of3A_110, %dma_wait3A_242] : memref<320000x128xf32, #tpu.memory_space<hbm>> -> memref<80x128xf32, #tpu.memory_space<hbm>>
      tpu.wait_dma2 semaphore(%dma_wait3A_237 : memref<!tpu.dma_semaphore, #tpu.memory_space<semaphore_mem>>) src(%dma_wait3A_243 : memref<80x128xf32, #tpu.memory_space<hbm>>) dst(%dma_wait3A_241 : memref<80x128xf32, #tpu.memory_space<vmem>>)
      %dma_start3A_244 = arith.constant 0 : i32
      %dma_start3A_245 = arith.constant 0 : i32
      %dma_start3A_246 = arith.constant 0 : i32
      %dma_start3A_247 = arith.constant 0 : i32
      %dma_start3A_248 = arith.constant 0 : i32
      %dma_start3A_249 = tpu.memref_slice %arg10[%dma_start3A_245, %dma_start3A_247, %dma_start3A_248] : memref<2x80x128xf32, #tpu.memory_space<vmem>> -> memref<1x80x128xf32, #tpu.memory_space<vmem>>
      %dma_start3A_250 = tpu.memref_squeeze %dma_start3A_249 : memref<1x80x128xf32, #tpu.memory_space<vmem>> -> memref<80x128xf32, #tpu.memory_space<vmem>>
      %dma_start3A_251 = arith.constant 0 : i32
      %dma_start3A_252 = tpu.memref_slice %arg7[%dma_start3A_244, %dma_start3A_251] : memref<2x80xi32, #tpu.memory_space<vmem>> -> memref<1x80xi32, #tpu.memory_space<vmem>>
      %dma_start3A_253 = tpu.memref_squeeze %dma_start3A_252 : memref<1x80xi32, #tpu.memory_space<vmem>> -> memref<80xi32, #tpu.memory_space<vmem>>
      %dma_start3A_254 = arith.constant 0 : i32
      %dma_start3A_255 = arith.constant 0 : i32
      %dma_start3A_256 = tpu.memref_slice %arg2[%dma_start3A_254, %dma_start3A_255] : memref<10000x128xf32, #tpu.memory_space<hbm>> -> memref<10000x128xf32, #tpu.memory_space<hbm>>
      %dma_start3A_257 = tpu.memref_slice %arg13[%dma_start3A_246] : memref<2x!tpu.dma_semaphore, #tpu.memory_space<semaphore_mem>> -> memref<1x!tpu.dma_semaphore, #tpu.memory_space<semaphore_mem>>
      %dma_start3A_258 = tpu.memref_squeeze %dma_start3A_257 : memref<1x!tpu.dma_semaphore, #tpu.memory_space<semaphore_mem>> -> memref<!tpu.dma_semaphore, #tpu.memory_space<semaphore_mem>>
      tpu.enqueue_indirect_dma source(%dma_start3A_256 : memref<10000x128xf32, #tpu.memory_space<hbm>>) target(%dma_start3A_250 : memref<80x128xf32, #tpu.memory_space<vmem>>) offsets(%dma_start3A_253 : memref<80xi32, #tpu.memory_space<vmem>>) semaphore(%dma_start3A_258 : memref<!tpu.dma_semaphore, #tpu.memory_space<semaphore_mem>>)
      %dma_wait3A_259 = arith.constant 1 : i32
      %dma_wait3A_260 = arith.constant 1 : i32
      %dma_wait3A_261 = arith.constant 0 : i32
      %dma_wait3A_262 = tpu.memref_slice %arg7[%dma_wait3A_259, %dma_wait3A_261] : memref<2x80xi32, #tpu.memory_space<vmem>> -> memref<1x80xi32, #tpu.memory_space<vmem>>
      %dma_wait3A_263 = tpu.memref_squeeze %dma_wait3A_262 : memref<1x80xi32, #tpu.memory_space<vmem>> -> memref<80xi32, #tpu.memory_space<vmem>>
      %dma_wait3A_264 = tpu.memref_slice %arg4[%multiple_of3A_163] : memref<320000xi32, #tpu.memory_space<hbm>> -> memref<80xi32, #tpu.memory_space<hbm>>
      %dma_wait3A_265 = tpu.memref_slice %arg12[%dma_wait3A_260] : memref<2x!tpu.dma_semaphore, #tpu.memory_space<semaphore_mem>> -> memref<1x!tpu.dma_semaphore, #tpu.memory_space<semaphore_mem>>
      %dma_wait3A_266 = tpu.memref_squeeze %dma_wait3A_265 : memref<1x!tpu.dma_semaphore, #tpu.memory_space<semaphore_mem>> -> memref<!tpu.dma_semaphore, #tpu.memory_space<semaphore_mem>>
      %dma_wait3A_267 = arith.constant 0 : i32
      %dma_wait3A_268 = tpu.memref_slice %arg7[%dma_wait3A_259, %dma_wait3A_267] : memref<2x80xi32, #tpu.memory_space<vmem>> -> memref<1x80xi32, #tpu.memory_space<vmem>>
      %dma_wait3A_269 = tpu.memref_squeeze %dma_wait3A_268 : memref<1x80xi32, #tpu.memory_space<vmem>> -> memref<80xi32, #tpu.memory_space<vmem>>
      %dma_wait3A_270 = tpu.memref_slice %arg4[%multiple_of3A_163] : memref<320000xi32, #tpu.memory_space<hbm>> -> memref<80xi32, #tpu.memory_space<hbm>>
      tpu.wait_dma2 semaphore(%dma_wait3A_266 : memref<!tpu.dma_semaphore, #tpu.memory_space<semaphore_mem>>) src(%dma_wait3A_270 : memref<80xi32, #tpu.memory_space<hbm>>) dst(%dma_wait3A_269 : memref<80xi32, #tpu.memory_space<vmem>>)
      %dma_wait3A_271 = arith.constant 1 : i32
      %dma_wait3A_272 = arith.constant 1 : i32
      %dma_wait3A_273 = arith.constant 0 : i32
      %dma_wait3A_274 = tpu.memref_slice %arg8[%dma_wait3A_271, %dma_wait3A_273] : memref<2x80xi32, #tpu.memory_space<vmem>> -> memref<1x80xi32, #tpu.memory_space<vmem>>
      %dma_wait3A_275 = tpu.memref_squeeze %dma_wait3A_274 : memref<1x80xi32, #tpu.memory_space<vmem>> -> memref<80xi32, #tpu.memory_space<vmem>>
      %dma_wait3A_276 = tpu.memref_slice %arg5[%multiple_of3A_163] : memref<320000xi32, #tpu.memory_space<hbm>> -> memref<80xi32, #tpu.memory_space<hbm>>
      %dma_wait3A_277 = tpu.memref_slice %arg12[%dma_wait3A_272] : memref<2x!tpu.dma_semaphore, #tpu.memory_space<semaphore_mem>> -> memref<1x!tpu.dma_semaphore, #tpu.memory_space<semaphore_mem>>
      %dma_wait3A_278 = tpu.memref_squeeze %dma_wait3A_277 : memref<1x!tpu.dma_semaphore, #tpu.memory_space<semaphore_mem>> -> memref<!tpu.dma_semaphore, #tpu.memory_space<semaphore_mem>>
      %dma_wait3A_279 = arith.constant 0 : i32
      %dma_wait3A_280 = tpu.memref_slice %arg8[%dma_wait3A_271, %dma_wait3A_279] : memref<2x80xi32, #tpu.memory_space<vmem>> -> memref<1x80xi32, #tpu.memory_space<vmem>>
      %dma_wait3A_281 = tpu.memref_squeeze %dma_wait3A_280 : memref<1x80xi32, #tpu.memory_space<vmem>> -> memref<80xi32, #tpu.memory_space<vmem>>
      %dma_wait3A_282 = tpu.memref_slice %arg5[%multiple_of3A_163] : memref<320000xi32, #tpu.memory_space<hbm>> -> memref<80xi32, #tpu.memory_space<hbm>>
      tpu.wait_dma2 semaphore(%dma_wait3A_278 : memref<!tpu.dma_semaphore, #tpu.memory_space<semaphore_mem>>) src(%dma_wait3A_282 : memref<80xi32, #tpu.memory_space<hbm>>) dst(%dma_wait3A_281 : memref<80xi32, #tpu.memory_space<vmem>>)
      %dma_wait3A_283 = arith.constant 1 : i32
      %dma_wait3A_284 = arith.constant 1 : i32
      %dma_wait3A_285 = arith.constant 0 : i32
      %dma_wait3A_286 = arith.constant 0 : i32
      %dma_wait3A_287 = tpu.memref_slice %arg9[%dma_wait3A_283, %dma_wait3A_285, %dma_wait3A_286] : memref<2x80x128xf32, #tpu.memory_space<vmem>> -> memref<1x80x128xf32, #tpu.memory_space<vmem>>
      %dma_wait3A_288 = tpu.memref_squeeze %dma_wait3A_287 : memref<1x80x128xf32, #tpu.memory_space<vmem>> -> memref<80x128xf32, #tpu.memory_space<vmem>>
      %dma_wait3A_289 = arith.constant 0 : i32
      %dma_wait3A_290 = tpu.memref_slice %arg3[%multiple_of3A_163, %dma_wait3A_289] : memref<320000x128xf32, #tpu.memory_space<hbm>> -> memref<80x128xf32, #tpu.memory_space<hbm>>
      %dma_wait3A_291 = tpu.memref_slice %arg12[%dma_wait3A_284] : memref<2x!tpu.dma_semaphore, #tpu.memory_space<semaphore_mem>> -> memref<1x!tpu.dma_semaphore, #tpu.memory_space<semaphore_mem>>
      %dma_wait3A_292 = tpu.memref_squeeze %dma_wait3A_291 : memref<1x!tpu.dma_semaphore, #tpu.memory_space<semaphore_mem>> -> memref<!tpu.dma_semaphore, #tpu.memory_space<semaphore_mem>>
      %dma_wait3A_293 = arith.constant 0 : i32
      %dma_wait3A_294 = arith.constant 0 : i32
      %dma_wait3A_295 = tpu.memref_slice %arg9[%dma_wait3A_283, %dma_wait3A_293, %dma_wait3A_294] : memref<2x80x128xf32, #tpu.memory_space<vmem>> -> memref<1x80x128xf32, #tpu.memory_space<vmem>>
      %dma_wait3A_296 = tpu.memref_squeeze %dma_wait3A_295 : memref<1x80x128xf32, #tpu.memory_space<vmem>> -> memref<80x128xf32, #tpu.memory_space<vmem>>
      %dma_wait3A_297 = arith.constant 0 : i32
      %dma_wait3A_298 = tpu.memref_slice %arg3[%multiple_of3A_163, %dma_wait3A_297] : memref<320000x128xf32, #tpu.memory_space<hbm>> -> memref<80x128xf32, #tpu.memory_space<hbm>>
      tpu.wait_dma2 semaphore(%dma_wait3A_292 : memref<!tpu.dma_semaphore, #tpu.memory_space<semaphore_mem>>) src(%dma_wait3A_298 : memref<80x128xf32, #tpu.memory_space<hbm>>) dst(%dma_wait3A_296 : memref<80x128xf32, #tpu.memory_space<vmem>>)
      %dma_start3A_299 = arith.constant 1 : i32
      %dma_start3A_300 = arith.constant 1 : i32
      %dma_start3A_301 = arith.constant 1 : i32
      %dma_start3A_302 = arith.constant 0 : i32
      %dma_start3A_303 = arith.constant 0 : i32
      %dma_start3A_304 = tpu.memref_slice %arg10[%dma_start3A_300, %dma_start3A_302, %dma_start3A_303] : memref<2x80x128xf32, #tpu.memory_space<vmem>> -> memref<1x80x128xf32, #tpu.memory_space<vmem>>
      %dma_start3A_305 = tpu.memref_squeeze %dma_start3A_304 : memref<1x80x128xf32, #tpu.memory_space<vmem>> -> memref<80x128xf32, #tpu.memory_space<vmem>>
      %dma_start3A_306 = arith.constant 0 : i32
      %dma_start3A_307 = tpu.memref_slice %arg7[%dma_start3A_299, %dma_start3A_306] : memref<2x80xi32, #tpu.memory_space<vmem>> -> memref<1x80xi32, #tpu.memory_space<vmem>>
      %dma_start3A_308 = tpu.memref_squeeze %dma_start3A_307 : memref<1x80xi32, #tpu.memory_space<vmem>> -> memref<80xi32, #tpu.memory_space<vmem>>
      %dma_start3A_309 = arith.constant 0 : i32
      %dma_start3A_310 = arith.constant 0 : i32
      %dma_start3A_311 = tpu.memref_slice %arg2[%dma_start3A_309, %dma_start3A_310] : memref<10000x128xf32, #tpu.memory_space<hbm>> -> memref<10000x128xf32, #tpu.memory_space<hbm>>
      %dma_start3A_312 = tpu.memref_slice %arg13[%dma_start3A_301] : memref<2x!tpu.dma_semaphore, #tpu.memory_space<semaphore_mem>> -> memref<1x!tpu.dma_semaphore, #tpu.memory_space<semaphore_mem>>
      %dma_start3A_313 = tpu.memref_squeeze %dma_start3A_312 : memref<1x!tpu.dma_semaphore, #tpu.memory_space<semaphore_mem>> -> memref<!tpu.dma_semaphore, #tpu.memory_space<semaphore_mem>>
      tpu.enqueue_indirect_dma source(%dma_start3A_311 : memref<10000x128xf32, #tpu.memory_space<hbm>>) target(%dma_start3A_305 : memref<80x128xf32, #tpu.memory_space<vmem>>) offsets(%dma_start3A_308 : memref<80xi32, #tpu.memory_space<vmem>>) semaphore(%dma_start3A_313 : memref<!tpu.dma_semaphore, #tpu.memory_space<semaphore_mem>>)
      %dma_wait3A_314 = arith.constant 0 : i32
      %dma_wait3A_315 = arith.constant 0 : i32
      %dma_wait3A_316 = arith.constant 0 : i32
      %dma_wait3A_317 = arith.constant 0 : i32
      %dma_wait3A_318 = arith.constant 0 : i32
      %dma_wait3A_319 = tpu.memref_slice %arg10[%dma_wait3A_315, %dma_wait3A_317, %dma_wait3A_318] : memref<2x80x128xf32, #tpu.memory_space<vmem>> -> memref<1x80x128xf32, #tpu.memory_space<vmem>>
      %dma_wait3A_320 = tpu.memref_squeeze %dma_wait3A_319 : memref<1x80x128xf32, #tpu.memory_space<vmem>> -> memref<80x128xf32, #tpu.memory_space<vmem>>
      %dma_wait3A_321 = arith.constant 0 : i32
      %dma_wait3A_322 = tpu.memref_slice %arg7[%dma_wait3A_314, %dma_wait3A_321] : memref<2x80xi32, #tpu.memory_space<vmem>> -> memref<1x80xi32, #tpu.memory_space<vmem>>
      %dma_wait3A_323 = tpu.memref_squeeze %dma_wait3A_322 : memref<1x80xi32, #tpu.memory_space<vmem>> -> memref<80xi32, #tpu.memory_space<vmem>>
      %dma_wait3A_324 = arith.constant 0 : i32
      %dma_wait3A_325 = arith.constant 0 : i32
      %dma_wait3A_326 = tpu.memref_slice %arg2[%dma_wait3A_324, %dma_wait3A_325] : memref<10000x128xf32, #tpu.memory_space<hbm>> -> memref<10000x128xf32, #tpu.memory_space<hbm>>
      %dma_wait3A_327 = tpu.memref_slice %arg13[%dma_wait3A_316] : memref<2x!tpu.dma_semaphore, #tpu.memory_space<semaphore_mem>> -> memref<1x!tpu.dma_semaphore, #tpu.memory_space<semaphore_mem>>
      %dma_wait3A_328 = tpu.memref_squeeze %dma_wait3A_327 : memref<1x!tpu.dma_semaphore, #tpu.memory_space<semaphore_mem>> -> memref<!tpu.dma_semaphore, #tpu.memory_space<semaphore_mem>>
      tpu.wait_indirect_dma semaphore(%dma_wait3A_328 : memref<!tpu.dma_semaphore, #tpu.memory_space<semaphore_mem>>) src(%dma_wait3A_326 : memref<10000x128xf32, #tpu.memory_space<hbm>>) dst(%dma_wait3A_320 : memref<80x128xf32, #tpu.memory_space<vmem>>)
      %scan3A_329 = arith.constant 0 : i32
      %scan3A_330 = arith.constant 0 : i32
      %scan3A_331 = arith.constant 80 : i32
      %scan3A_332 = arith.addi %scan3A_330, %scan3A_331 : i32
      %scan3A_333 = arith.constant 1 : i32
      %scan3A_334 = scf.for %scan3A_389 = %scan3A_330 to %scan3A_332 step %scan3A_333 iter_args(%scan3A_390 = %scan3A_329) -> (i32)  : i32 {
        %get3A = arith.constant 0 : i32
        %get3A_391 = arith.index_cast %get3A : i32 to index
        %get3A_392 = arith.index_cast %scan3A_389 : i32 to index
        %get3A_393 = arith.constant 0 : index
        %get3A_394 = tpu.vector_load %arg10[%get3A_391, %get3A_392, %get3A_393] {strides = array<i32>} : memref<2x80x128xf32, #tpu.memory_space<vmem>>, vector<1x1x16xf32>,
        %get3A_395 = vector.shape_cast %get3A_394 : vector<1x1x16xf32> to vector<16xf32>
        %get3A_396 = arith.constant 0 : i32
        %get3A_397 = arith.index_cast %get3A_396 : i32 to index
        %get3A_398 = arith.index_cast %scan3A_389 : i32 to index
        %get3A_399 = arith.constant 0 : index
        %get3A_400 = tpu.vector_load %arg9[%get3A_397, %get3A_398, %get3A_399] {strides = array<i32>} : memref<2x80x128xf32, #tpu.memory_space<vmem>>, vector<1x1x16xf32>,
        %get3A_401 = vector.shape_cast %get3A_400 : vector<1x1x16xf32> to vector<16xf32>
        %add3A_402 = arith.addf %get3A_395, %get3A_401 : vector<16xf32>
        %max3A = arith.constant 0.000000e+00 : f32
        %max3A_403 = vector.broadcast %max3A : f32 to vector<16xf32>
        %max3A_404 = arith.maximumf %add3A_402, %max3A_403 : vector<16xf32>
        %swap3A = arith.constant 0 : i32
        %swap3A_405 = arith.index_cast %swap3A : i32 to index
        %swap3A_406 = arith.index_cast %scan3A_389 : i32 to index
        %swap3A_407 = arith.constant 0 : index
        %swap3A_408 = tpu.vector_load %arg10[%swap3A_405, %swap3A_406, %swap3A_407] {strides = array<i32>} : memref<2x80x128xf32, #tpu.memory_space<vmem>>, vector<1x1x16xf32>,
        %swap3A_409 = vector.shape_cast %swap3A_408 : vector<1x1x16xf32> to vector<16xf32>
        %swap3A_410 = vector.shape_cast %max3A_404 : vector<16xf32> to vector<1x1x16xf32>
        tpu.vector_store %arg10[%swap3A_405, %swap3A_406, %swap3A_407], %swap3A_410 {strides = array<i32>} : memref<2x80x128xf32, #tpu.memory_space<vmem>>, vector<1x1x16xf32>,
        %get3A_411 = arith.constant 0 : i32
        %get3A_412 = arith.index_cast %get3A_411 : i32 to index
        %get3A_413 = arith.index_cast %scan3A_389 : i32 to index
        %get3A_414 = arith.constant 16 : index
        %get3A_415 = tpu.vector_load %arg10[%get3A_412, %get3A_413, %get3A_414] {strides = array<i32>} : memref<2x80x128xf32, #tpu.memory_space<vmem>>, vector<1x1x16xf32>,
        %get3A_416 = vector.shape_cast %get3A_415 : vector<1x1x16xf32> to vector<16xf32>
        %get3A_417 = arith.constant 0 : i32
        %get3A_418 = arith.index_cast %get3A_417 : i32 to index
        %get3A_419 = arith.index_cast %scan3A_389 : i32 to index
        %get3A_420 = arith.constant 16 : index
        %get3A_421 = tpu.vector_load %arg9[%get3A_418, %get3A_419, %get3A_420] {strides = array<i32>} : memref<2x80x128xf32, #tpu.memory_space<vmem>>, vector<1x1x16xf32>,
        %get3A_422 = vector.shape_cast %get3A_421 : vector<1x1x16xf32> to vector<16xf32>
        %add3A_423 = arith.addf %get3A_416, %get3A_422 : vector<16xf32>
        %max3A_424 = arith.constant 0.000000e+00 : f32
        %max3A_425 = vector.broadcast %max3A_424 : f32 to vector<16xf32>
        %max3A_426 = arith.maximumf %add3A_423, %max3A_425 : vector<16xf32>
        %swap3A_427 = arith.constant 0 : i32
        %swap3A_428 = arith.index_cast %swap3A_427 : i32 to index
        %swap3A_429 = arith.index_cast %scan3A_389 : i32 to index
        %swap3A_430 = arith.constant 16 : index
        %swap3A_431 = tpu.vector_load %arg10[%swap3A_428, %swap3A_429, %swap3A_430] {strides = array<i32>} : memref<2x80x128xf32, #tpu.memory_space<vmem>>, vector<1x1x16xf32>,
        %swap3A_432 = vector.shape_cast %swap3A_431 : vector<1x1x16xf32> to vector<16xf32>
        %swap3A_433 = vector.shape_cast %max3A_426 : vector<16xf32> to vector<1x1x16xf32>
        tpu.vector_store %arg10[%swap3A_428, %swap3A_429, %swap3A_430], %swap3A_433 {strides = array<i32>} : memref<2x80x128xf32, #tpu.memory_space<vmem>>, vector<1x1x16xf32>,
        %get3A_434 = arith.constant 0 : i32
        %get3A_435 = arith.index_cast %get3A_434 : i32 to index
        %get3A_436 = arith.index_cast %scan3A_389 : i32 to index
        %get3A_437 = arith.constant 32 : index
        %get3A_438 = tpu.vector_load %arg10[%get3A_435, %get3A_436, %get3A_437] {strides = array<i32>} : memref<2x80x128xf32, #tpu.memory_space<vmem>>, vector<1x1x16xf32>,
        %get3A_439 = vector.shape_cast %get3A_438 : vector<1x1x16xf32> to vector<16xf32>
        %get3A_440 = arith.constant 0 : i32
        %get3A_441 = arith.index_cast %get3A_440 : i32 to index
        %get3A_442 = arith.index_cast %scan3A_389 : i32 to index
        %get3A_443 = arith.constant 32 : index
        %get3A_444 = tpu.vector_load %arg9[%get3A_441, %get3A_442, %get3A_443] {strides = array<i32>} : memref<2x80x128xf32, #tpu.memory_space<vmem>>, vector<1x1x16xf32>,
        %get3A_445 = vector.shape_cast %get3A_444 : vector<1x1x16xf32> to vector<16xf32>
        %add3A_446 = arith.addf %get3A_439, %get3A_445 : vector<16xf32>
        %max3A_447 = arith.constant 0.000000e+00 : f32
        %max3A_448 = vector.broadcast %max3A_447 : f32 to vector<16xf32>
        %max3A_449 = arith.maximumf %add3A_446, %max3A_448 : vector<16xf32>
        %swap3A_450 = arith.constant 0 : i32
        %swap3A_451 = arith.index_cast %swap3A_450 : i32 to index
        %swap3A_452 = arith.index_cast %scan3A_389 : i32 to index
        %swap3A_453 = arith.constant 32 : index
        %swap3A_454 = tpu.vector_load %arg10[%swap3A_451, %swap3A_452, %swap3A_453] {strides = array<i32>} : memref<2x80x128xf32, #tpu.memory_space<vmem>>, vector<1x1x16xf32>,
        %swap3A_455 = vector.shape_cast %swap3A_454 : vector<1x1x16xf32> to vector<16xf32>
        %swap3A_456 = vector.shape_cast %max3A_449 : vector<16xf32> to vector<1x1x16xf32>
        tpu.vector_store %arg10[%swap3A_451, %swap3A_452, %swap3A_453], %swap3A_456 {strides = array<i32>} : memref<2x80x128xf32, #tpu.memory_space<vmem>>, vector<1x1x16xf32>,
        %get3A_457 = arith.constant 0 : i32
        %get3A_458 = arith.index_cast %get3A_457 : i32 to index
        %get3A_459 = arith.index_cast %scan3A_389 : i32 to index
        %get3A_460 = arith.constant 48 : index
        %get3A_461 = tpu.vector_load %arg10[%get3A_458, %get3A_459, %get3A_460] {strides = array<i32>} : memref<2x80x128xf32, #tpu.memory_space<vmem>>, vector<1x1x16xf32>,
        %get3A_462 = vector.shape_cast %get3A_461 : vector<1x1x16xf32> to vector<16xf32>
        %get3A_463 = arith.constant 0 : i32
        %get3A_464 = arith.index_cast %get3A_463 : i32 to index
        %get3A_465 = arith.index_cast %scan3A_389 : i32 to index
        %get3A_466 = arith.constant 48 : index
        %get3A_467 = tpu.vector_load %arg9[%get3A_464, %get3A_465, %get3A_466] {strides = array<i32>} : memref<2x80x128xf32, #tpu.memory_space<vmem>>, vector<1x1x16xf32>,
        %get3A_468 = vector.shape_cast %get3A_467 : vector<1x1x16xf32> to vector<16xf32>
        %add3A_469 = arith.addf %get3A_462, %get3A_468 : vector<16xf32>
        %max3A_470 = arith.constant 0.000000e+00 : f32
        %max3A_471 = vector.broadcast %max3A_470 : f32 to vector<16xf32>
        %max3A_472 = arith.maximumf %add3A_469, %max3A_471 : vector<16xf32>
        %swap3A_473 = arith.constant 0 : i32
        %swap3A_474 = arith.index_cast %swap3A_473 : i32 to index
        %swap3A_475 = arith.index_cast %scan3A_389 : i32 to index
        %swap3A_476 = arith.constant 48 : index
        %swap3A_477 = tpu.vector_load %arg10[%swap3A_474, %swap3A_475, %swap3A_476] {strides = array<i32>} : memref<2x80x128xf32, #tpu.memory_space<vmem>>, vector<1x1x16xf32>,
        %swap3A_478 = vector.shape_cast %swap3A_477 : vector<1x1x16xf32> to vector<16xf32>
        %swap3A_479 = vector.shape_cast %max3A_472 : vector<16xf32> to vector<1x1x16xf32>
        tpu.vector_store %arg10[%swap3A_474, %swap3A_475, %swap3A_476], %swap3A_479 {strides = array<i32>} : memref<2x80x128xf32, #tpu.memory_space<vmem>>, vector<1x1x16xf32>,
        %get3A_480 = arith.constant 0 : i32
        %get3A_481 = arith.index_cast %get3A_480 : i32 to index
        %get3A_482 = arith.index_cast %scan3A_389 : i32 to index
        %get3A_483 = arith.constant 64 : index
        %get3A_484 = tpu.vector_load %arg10[%get3A_481, %get3A_482, %get3A_483] {strides = array<i32>} : memref<2x80x128xf32, #tpu.memory_space<vmem>>, vector<1x1x16xf32>,
        %get3A_485 = vector.shape_cast %get3A_484 : vector<1x1x16xf32> to vector<16xf32>
        %get3A_486 = arith.constant 0 : i32
        %get3A_487 = arith.index_cast %get3A_486 : i32 to index
        %get3A_488 = arith.index_cast %scan3A_389 : i32 to index
        %get3A_489 = arith.constant 64 : index
        %get3A_490 = tpu.vector_load %arg9[%get3A_487, %get3A_488, %get3A_489] {strides = array<i32>} : memref<2x80x128xf32, #tpu.memory_space<vmem>>, vector<1x1x16xf32>,
        %get3A_491 = vector.shape_cast %get3A_490 : vector<1x1x16xf32> to vector<16xf32>
        %add3A_492 = arith.addf %get3A_485, %get3A_491 : vector<16xf32>
        %max3A_493 = arith.constant 0.000000e+00 : f32
        %max3A_494 = vector.broadcast %max3A_493 : f32 to vector<16xf32>
        %max3A_495 = arith.maximumf %add3A_492, %max3A_494 : vector<16xf32>
        %swap3A_496 = arith.constant 0 : i32
        %swap3A_497 = arith.index_cast %swap3A_496 : i32 to index
        %swap3A_498 = arith.index_cast %scan3A_389 : i32 to index
        %swap3A_499 = arith.constant 64 : index
        %swap3A_500 = tpu.vector_load %arg10[%swap3A_497, %swap3A_498, %swap3A_499] {strides = array<i32>} : memref<2x80x128xf32, #tpu.memory_space<vmem>>, vector<1x1x16xf32>,
        %swap3A_501 = vector.shape_cast %swap3A_500 : vector<1x1x16xf32> to vector<16xf32>
        %swap3A_502 = vector.shape_cast %max3A_495 : vector<16xf32> to vector<1x1x16xf32>
        tpu.vector_store %arg10[%swap3A_497, %swap3A_498, %swap3A_499], %swap3A_502 {strides = array<i32>} : memref<2x80x128xf32, #tpu.memory_space<vmem>>, vector<1x1x16xf32>,
        %get3A_503 = arith.constant 0 : i32
        %get3A_504 = arith.index_cast %get3A_503 : i32 to index
        %get3A_505 = arith.index_cast %scan3A_389 : i32 to index
        %get3A_506 = arith.constant 80 : index
        %get3A_507 = tpu.vector_load %arg10[%get3A_504, %get3A_505, %get3A_506] {strides = array<i32>} : memref<2x80x128xf32, #tpu.memory_space<vmem>>, vector<1x1x16xf32>,
        %get3A_508 = vector.shape_cast %get3A_507 : vector<1x1x16xf32> to vector<16xf32>
        %get3A_509 = arith.constant 0 : i32
        %get3A_510 = arith.index_cast %get3A_509 : i32 to index
        %get3A_511 = arith.index_cast %scan3A_389 : i32 to index
        %get3A_512 = arith.constant 80 : index
        %get3A_513 = tpu.vector_load %arg9[%get3A_510, %get3A_511, %get3A_512] {strides = array<i32>} : memref<2x80x128xf32, #tpu.memory_space<vmem>>, vector<1x1x16xf32>,
        %get3A_514 = vector.shape_cast %get3A_513 : vector<1x1x16xf32> to vector<16xf32>
        %add3A_515 = arith.addf %get3A_508, %get3A_514 : vector<16xf32>
        %max3A_516 = arith.constant 0.000000e+00 : f32
        %max3A_517 = vector.broadcast %max3A_516 : f32 to vector<16xf32>
        %max3A_518 = arith.maximumf %add3A_515, %max3A_517 : vector<16xf32>
        %swap3A_519 = arith.constant 0 : i32
        %swap3A_520 = arith.index_cast %swap3A_519 : i32 to index
        %swap3A_521 = arith.index_cast %scan3A_389 : i32 to index
        %swap3A_522 = arith.constant 80 : index
        %swap3A_523 = tpu.vector_load %arg10[%swap3A_520, %swap3A_521, %swap3A_522] {strides = array<i32>} : memref<2x80x128xf32, #tpu.memory_space<vmem>>, vector<1x1x16xf32>,
        %swap3A_524 = vector.shape_cast %swap3A_523 : vector<1x1x16xf32> to vector<16xf32>
        %swap3A_525 = vector.shape_cast %max3A_518 : vector<16xf32> to vector<1x1x16xf32>
        tpu.vector_store %arg10[%swap3A_520, %swap3A_521, %swap3A_522], %swap3A_525 {strides = array<i32>} : memref<2x80x128xf32, #tpu.memory_space<vmem>>, vector<1x1x16xf32>,
        %get3A_526 = arith.constant 0 : i32
        %get3A_527 = arith.index_cast %get3A_526 : i32 to index
        %get3A_528 = arith.index_cast %scan3A_389 : i32 to index
        %get3A_529 = arith.constant 96 : index
        %get3A_530 = tpu.vector_load %arg10[%get3A_527, %get3A_528, %get3A_529] {strides = array<i32>} : memref<2x80x128xf32, #tpu.memory_space<vmem>>, vector<1x1x16xf32>,
        %get3A_531 = vector.shape_cast %get3A_530 : vector<1x1x16xf32> to vector<16xf32>
        %get3A_532 = arith.constant 0 : i32
        %get3A_533 = arith.index_cast %get3A_532 : i32 to index
        %get3A_534 = arith.index_cast %scan3A_389 : i32 to index
        %get3A_535 = arith.constant 96 : index
        %get3A_536 = tpu.vector_load %arg9[%get3A_533, %get3A_534, %get3A_535] {strides = array<i32>} : memref<2x80x128xf32, #tpu.memory_space<vmem>>, vector<1x1x16xf32>,
        %get3A_537 = vector.shape_cast %get3A_536 : vector<1x1x16xf32> to vector<16xf32>
        %add3A_538 = arith.addf %get3A_531, %get3A_537 : vector<16xf32>
        %max3A_539 = arith.constant 0.000000e+00 : f32
        %max3A_540 = vector.broadcast %max3A_539 : f32 to vector<16xf32>
        %max3A_541 = arith.maximumf %add3A_538, %max3A_540 : vector<16xf32>
        %swap3A_542 = arith.constant 0 : i32
        %swap3A_543 = arith.index_cast %swap3A_542 : i32 to index
        %swap3A_544 = arith.index_cast %scan3A_389 : i32 to index
        %swap3A_545 = arith.constant 96 : index
        %swap3A_546 = tpu.vector_load %arg10[%swap3A_543, %swap3A_544, %swap3A_545] {strides = array<i32>} : memref<2x80x128xf32, #tpu.memory_space<vmem>>, vector<1x1x16xf32>,
        %swap3A_547 = vector.shape_cast %swap3A_546 : vector<1x1x16xf32> to vector<16xf32>
        %swap3A_548 = vector.shape_cast %max3A_541 : vector<16xf32> to vector<1x1x16xf32>
        tpu.vector_store %arg10[%swap3A_543, %swap3A_544, %swap3A_545], %swap3A_548 {strides = array<i32>} : memref<2x80x128xf32, #tpu.memory_space<vmem>>, vector<1x1x16xf32>,
        %get3A_549 = arith.constant 0 : i32
        %get3A_550 = arith.index_cast %get3A_549 : i32 to index
        %get3A_551 = arith.index_cast %scan3A_389 : i32 to index
        %get3A_552 = arith.constant 112 : index
        %get3A_553 = tpu.vector_load %arg10[%get3A_550, %get3A_551, %get3A_552] {strides = array<i32>} : memref<2x80x128xf32, #tpu.memory_space<vmem>>, vector<1x1x16xf32>,
        %get3A_554 = vector.shape_cast %get3A_553 : vector<1x1x16xf32> to vector<16xf32>
        %get3A_555 = arith.constant 0 : i32
        %get3A_556 = arith.index_cast %get3A_555 : i32 to index
        %get3A_557 = arith.index_cast %scan3A_389 : i32 to index
        %get3A_558 = arith.constant 112 : index
        %get3A_559 = tpu.vector_load %arg9[%get3A_556, %get3A_557, %get3A_558] {strides = array<i32>} : memref<2x80x128xf32, #tpu.memory_space<vmem>>, vector<1x1x16xf32>,
        %get3A_560 = vector.shape_cast %get3A_559 : vector<1x1x16xf32> to vector<16xf32>
        %add3A_561 = arith.addf %get3A_554, %get3A_560 : vector<16xf32>
        %max3A_562 = arith.constant 0.000000e+00 : f32
        %max3A_563 = vector.broadcast %max3A_562 : f32 to vector<16xf32>
        %max3A_564 = arith.maximumf %add3A_561, %max3A_563 : vector<16xf32>
        %swap3A_565 = arith.constant 0 : i32
        %swap3A_566 = arith.index_cast %swap3A_565 : i32 to index
        %swap3A_567 = arith.index_cast %scan3A_389 : i32 to index
        %swap3A_568 = arith.constant 112 : index
        %swap3A_569 = tpu.vector_load %arg10[%swap3A_566, %swap3A_567, %swap3A_568] {strides = array<i32>} : memref<2x80x128xf32, #tpu.memory_space<vmem>>, vector<1x1x16xf32>,
        %swap3A_570 = vector.shape_cast %swap3A_569 : vector<1x1x16xf32> to vector<16xf32>
        %swap3A_571 = vector.shape_cast %max3A_564 : vector<16xf32> to vector<1x1x16xf32>
        tpu.vector_store %arg10[%swap3A_566, %swap3A_567, %swap3A_568], %swap3A_571 {strides = array<i32>} : memref<2x80x128xf32, #tpu.memory_space<vmem>>, vector<1x1x16xf32>,
        %scan3A_572 = arith.constant 0 : i32
        scf.yield %scan3A_572 : i32
      }
      %scan3A_335 = arith.constant 80 : i32
      %dma_start3A_336 = arith.constant 0 : i32
      %dma_start3A_337 = arith.constant 0 : i32
      %dma_start3A_338 = arith.constant 0 : i32
      %dma_start3A_339 = arith.constant 0 : i32
      %dma_start3A_340 = arith.constant 0 : i32
      %dma_start3A_341 = tpu.memref_slice %arg10[%dma_start3A_336, %dma_start3A_339, %dma_start3A_340] : memref<2x80x128xf32, #tpu.memory_space<vmem>> -> memref<1x80x128xf32, #tpu.memory_space<vmem>>
      %dma_start3A_342 = tpu.memref_squeeze %dma_start3A_341 : memref<1x80x128xf32, #tpu.memory_space<vmem>> -> memref<80x128xf32, #tpu.memory_space<vmem>>
      %dma_start3A_343 = arith.constant 0 : i32
      %dma_start3A_344 = tpu.memref_slice %arg8[%dma_start3A_337, %dma_start3A_343] : memref<2x80xi32, #tpu.memory_space<vmem>> -> memref<1x80xi32, #tpu.memory_space<vmem>>
      %dma_start3A_345 = tpu.memref_squeeze %dma_start3A_344 : memref<1x80xi32, #tpu.memory_space<vmem>> -> memref<80xi32, #tpu.memory_space<vmem>>
      %dma_start3A_346 = arith.constant 0 : i32
      %dma_start3A_347 = arith.constant 0 : i32
      %dma_start3A_348 = tpu.memref_slice %arg11[%dma_start3A_346, %dma_start3A_347] : memref<10240x128xf32, #tpu.memory_space<vmem_shared>> -> memref<10240x128xf32, #tpu.memory_space<vmem_shared>>
      %dma_start3A_349 = tpu.memref_slice %arg14[%dma_start3A_338] : memref<2x!tpu.dma_semaphore, #tpu.memory_space<semaphore_mem>> -> memref<1x!tpu.dma_semaphore, #tpu.memory_space<semaphore_mem>>
      %dma_start3A_350 = tpu.memref_squeeze %dma_start3A_349 : memref<1x!tpu.dma_semaphore, #tpu.memory_space<semaphore_mem>> -> memref<!tpu.dma_semaphore, #tpu.memory_space<semaphore_mem>>
      tpu.enqueue_indirect_dma source(%dma_start3A_342 : memref<80x128xf32, #tpu.memory_space<vmem>>) target(%dma_start3A_348 : memref<10240x128xf32, #tpu.memory_space<vmem_shared>>) offsets(%dma_start3A_345 : memref<80xi32, #tpu.memory_space<vmem>>) semaphore(%dma_start3A_350 : memref<!tpu.dma_semaphore, #tpu.memory_space<semaphore_mem>>) {add = true}
      %dma_wait3A_351 = arith.constant 1 : i32
      %dma_wait3A_352 = arith.constant 1 : i32
      %dma_wait3A_353 = arith.constant 1 : i32
      %dma_wait3A_354 = arith.constant 0 : i32
      %dma_wait3A_355 = arith.constant 0 : i32
      %dma_wait3A_356 = tpu.memref_slice %arg10[%dma_wait3A_352, %dma_wait3A_354, %dma_wait3A_355] : memref<2x80x128xf32, #tpu.memory_space<vmem>> -> memref<1x80x128xf32, #tpu.memory_space<vmem>>
      %dma_wait3A_357 = tpu.memref_squeeze %dma_wait3A_356 : memref<1x80x128xf32, #tpu.memory_space<vmem>> -> memref<80x128xf32, #tpu.memory_space<vmem>>
      %dma_wait3A_358 = arith.constant 0 : i32
      %dma_wait3A_359 = tpu.memref_slice %arg7[%dma_wait3A_351, %dma_wait3A_358] : memref<2x80xi32, #tpu.memory_space<vmem>> -> memref<1x80xi32, #tpu.memory_space<vmem>>
      %dma_wait3A_360 = tpu.memref_squeeze %dma_wait3A_359 : memref<1x80xi32, #tpu.memory_space<vmem>> -> memref<80xi32, #tpu.memory_space<vmem>>
      %dma_wait3A_361 = arith.constant 0 : i32
      %dma_wait3A_362 = arith.constant 0 : i32
      %dma_wait3A_363 = tpu.memref_slice %arg2[%dma_wait3A_361, %dma_wait3A_362] : memref<10000x128xf32, #tpu.memory_space<hbm>> -> memref<10000x128xf32, #tpu.memory_space<hbm>>
      %dma_wait3A_364 = tpu.memref_slice %arg13[%dma_wait3A_353] : memref<2x!tpu.dma_semaphore, #tpu.memory_space<semaphore_mem>> -> memref<1x!tpu.dma_semaphore, #tpu.memory_space<semaphore_mem>>
      %dma_wait3A_365 = tpu.memref_squeeze %dma_wait3A_364 : memref<1x!tpu.dma_semaphore, #tpu.memory_space<semaphore_mem>> -> memref<!tpu.dma_semaphore, #tpu.memory_space<semaphore_mem>>
      tpu.wait_indirect_dma semaphore(%dma_wait3A_365 : memref<!tpu.dma_semaphore, #tpu.memory_space<semaphore_mem>>) src(%dma_wait3A_363 : memref<10000x128xf32, #tpu.memory_space<hbm>>) dst(%dma_wait3A_357 : memref<80x128xf32, #tpu.memory_space<vmem>>)
      %scan3A_366 = arith.constant 0 : i32
      %scan3A_367 = arith.constant 0 : i32
      %scan3A_368 = arith.constant 80 : i32
      %scan3A_369 = arith.addi %scan3A_367, %scan3A_368 : i32
      %scan3A_370 = arith.constant 1 : i32
      %scan3A_371 = scf.for %scan3A_389 = %scan3A_367 to %scan3A_369 step %scan3A_370 iter_args(%scan3A_390 = %scan3A_366) -> (i32)  : i32 {
        %get3A = arith.constant 1 : i32
        %get3A_391 = arith.index_cast %get3A : i32 to index
        %get3A_392 = arith.index_cast %scan3A_389 : i32 to index
        %get3A_393 = arith.constant 0 : index
        %get3A_394 = tpu.vector_load %arg10[%get3A_391, %get3A_392, %get3A_393] {strides = array<i32>} : memref<2x80x128xf32, #tpu.memory_space<vmem>>, vector<1x1x16xf32>,
        %get3A_395 = vector.shape_cast %get3A_394 : vector<1x1x16xf32> to vector<16xf32>
        %get3A_396 = arith.constant 1 : i32
        %get3A_397 = arith.index_cast %get3A_396 : i32 to index
        %get3A_398 = arith.index_cast %scan3A_389 : i32 to index
        %get3A_399 = arith.constant 0 : index
        %get3A_400 = tpu.vector_load %arg9[%get3A_397, %get3A_398, %get3A_399] {strides = array<i32>} : memref<2x80x128xf32, #tpu.memory_space<vmem>>, vector<1x1x16xf32>,
        %get3A_401 = vector.shape_cast %get3A_400 : vector<1x1x16xf32> to vector<16xf32>
        %add3A_402 = arith.addf %get3A_395, %get3A_401 : vector<16xf32>
        %max3A = arith.constant 0.000000e+00 : f32
        %max3A_403 = vector.broadcast %max3A : f32 to vector<16xf32>
        %max3A_404 = arith.maximumf %add3A_402, %max3A_403 : vector<16xf32>
        %swap3A = arith.constant 1 : i32
        %swap3A_405 = arith.index_cast %swap3A : i32 to index
        %swap3A_406 = arith.index_cast %scan3A_389 : i32 to index
        %swap3A_407 = arith.constant 0 : index
        %swap3A_408 = tpu.vector_load %arg10[%swap3A_405, %swap3A_406, %swap3A_407] {strides = array<i32>} : memref<2x80x128xf32, #tpu.memory_space<vmem>>, vector<1x1x16xf32>,
        %swap3A_409 = vector.shape_cast %swap3A_408 : vector<1x1x16xf32> to vector<16xf32>
        %swap3A_410 = vector.shape_cast %max3A_404 : vector<16xf32> to vector<1x1x16xf32>
        tpu.vector_store %arg10[%swap3A_405, %swap3A_406, %swap3A_407], %swap3A_410 {strides = array<i32>} : memref<2x80x128xf32, #tpu.memory_space<vmem>>, vector<1x1x16xf32>,
        %get3A_411 = arith.constant 1 : i32
        %get3A_412 = arith.index_cast %get3A_411 : i32 to index
        %get3A_413 = arith.index_cast %scan3A_389 : i32 to index
        %get3A_414 = arith.constant 16 : index
        %get3A_415 = tpu.vector_load %arg10[%get3A_412, %get3A_413, %get3A_414] {strides = array<i32>} : memref<2x80x128xf32, #tpu.memory_space<vmem>>, vector<1x1x16xf32>,
        %get3A_416 = vector.shape_cast %get3A_415 : vector<1x1x16xf32> to vector<16xf32>
        %get3A_417 = arith.constant 1 : i32
        %get3A_418 = arith.index_cast %get3A_417 : i32 to index
        %get3A_419 = arith.index_cast %scan3A_389 : i32 to index
        %get3A_420 = arith.constant 16 : index
        %get3A_421 = tpu.vector_load %arg9[%get3A_418, %get3A_419, %get3A_420] {strides = array<i32>} : memref<2x80x128xf32, #tpu.memory_space<vmem>>, vector<1x1x16xf32>,
        %get3A_422 = vector.shape_cast %get3A_421 : vector<1x1x16xf32> to vector<16xf32>
        %add3A_423 = arith.addf %get3A_416, %get3A_422 : vector<16xf32>
        %max3A_424 = arith.constant 0.000000e+00 : f32
        %max3A_425 = vector.broadcast %max3A_424 : f32 to vector<16xf32>
        %max3A_426 = arith.maximumf %add3A_423, %max3A_425 : vector<16xf32>
        %swap3A_427 = arith.constant 1 : i32
        %swap3A_428 = arith.index_cast %swap3A_427 : i32 to index
        %swap3A_429 = arith.index_cast %scan3A_389 : i32 to index
        %swap3A_430 = arith.constant 16 : index
        %swap3A_431 = tpu.vector_load %arg10[%swap3A_428, %swap3A_429, %swap3A_430] {strides = array<i32>} : memref<2x80x128xf32, #tpu.memory_space<vmem>>, vector<1x1x16xf32>,
        %swap3A_432 = vector.shape_cast %swap3A_431 : vector<1x1x16xf32> to vector<16xf32>
        %swap3A_433 = vector.shape_cast %max3A_426 : vector<16xf32> to vector<1x1x16xf32>
        tpu.vector_store %arg10[%swap3A_428, %swap3A_429, %swap3A_430], %swap3A_433 {strides = array<i32>} : memref<2x80x128xf32, #tpu.memory_space<vmem>>, vector<1x1x16xf32>,
        %get3A_434 = arith.constant 1 : i32
        %get3A_435 = arith.index_cast %get3A_434 : i32 to index
        %get3A_436 = arith.index_cast %scan3A_389 : i32 to index
        %get3A_437 = arith.constant 32 : index
        %get3A_438 = tpu.vector_load %arg10[%get3A_435, %get3A_436, %get3A_437] {strides = array<i32>} : memref<2x80x128xf32, #tpu.memory_space<vmem>>, vector<1x1x16xf32>,
        %get3A_439 = vector.shape_cast %get3A_438 : vector<1x1x16xf32> to vector<16xf32>
        %get3A_440 = arith.constant 1 : i32
        %get3A_441 = arith.index_cast %get3A_440 : i32 to index
        %get3A_442 = arith.index_cast %scan3A_389 : i32 to index
        %get3A_443 = arith.constant 32 : index
        %get3A_444 = tpu.vector_load %arg9[%get3A_441, %get3A_442, %get3A_443] {strides = array<i32>} : memref<2x80x128xf32, #tpu.memory_space<vmem>>, vector<1x1x16xf32>,
        %get3A_445 = vector.shape_cast %get3A_444 : vector<1x1x16xf32> to vector<16xf32>
        %add3A_446 = arith.addf %get3A_439, %get3A_445 : vector<16xf32>
        %max3A_447 = arith.constant 0.000000e+00 : f32
        %max3A_448 = vector.broadcast %max3A_447 : f32 to vector<16xf32>
        %max3A_449 = arith.maximumf %add3A_446, %max3A_448 : vector<16xf32>
        %swap3A_450 = arith.constant 1 : i32
        %swap3A_451 = arith.index_cast %swap3A_450 : i32 to index
        %swap3A_452 = arith.index_cast %scan3A_389 : i32 to index
        %swap3A_453 = arith.constant 32 : index
        %swap3A_454 = tpu.vector_load %arg10[%swap3A_451, %swap3A_452, %swap3A_453] {strides = array<i32>} : memref<2x80x128xf32, #tpu.memory_space<vmem>>, vector<1x1x16xf32>,
        %swap3A_455 = vector.shape_cast %swap3A_454 : vector<1x1x16xf32> to vector<16xf32>
        %swap3A_456 = vector.shape_cast %max3A_449 : vector<16xf32> to vector<1x1x16xf32>
        tpu.vector_store %arg10[%swap3A_451, %swap3A_452, %swap3A_453], %swap3A_456 {strides = array<i32>} : memref<2x80x128xf32, #tpu.memory_space<vmem>>, vector<1x1x16xf32>,
        %get3A_457 = arith.constant 1 : i32
        %get3A_458 = arith.index_cast %get3A_457 : i32 to index
        %get3A_459 = arith.index_cast %scan3A_389 : i32 to index
        %get3A_460 = arith.constant 48 : index
        %get3A_461 = tpu.vector_load %arg10[%get3A_458, %get3A_459, %get3A_460] {strides = array<i32>} : memref<2x80x128xf32, #tpu.memory_space<vmem>>, vector<1x1x16xf32>,
        %get3A_462 = vector.shape_cast %get3A_461 : vector<1x1x16xf32> to vector<16xf32>
        %get3A_463 = arith.constant 1 : i32
        %get3A_464 = arith.index_cast %get3A_463 : i32 to index
        %get3A_465 = arith.index_cast %scan3A_389 : i32 to index
        %get3A_466 = arith.constant 48 : index
        %get3A_467 = tpu.vector_load %arg9[%get3A_464, %get3A_465, %get3A_466] {strides = array<i32>} : memref<2x80x128xf32, #tpu.memory_space<vmem>>, vector<1x1x16xf32>,
        %get3A_468 = vector.shape_cast %get3A_467 : vector<1x1x16xf32> to vector<16xf32>
        %add3A_469 = arith.addf %get3A_462, %get3A_468 : vector<16xf32>
        %max3A_470 = arith.constant 0.000000e+00 : f32
        %max3A_471 = vector.broadcast %max3A_470 : f32 to vector<16xf32>
        %max3A_472 = arith.maximumf %add3A_469, %max3A_471 : vector<16xf32>
        %swap3A_473 = arith.constant 1 : i32
        %swap3A_474 = arith.index_cast %swap3A_473 : i32 to index
        %swap3A_475 = arith.index_cast %scan3A_389 : i32 to index
        %swap3A_476 = arith.constant 48 : index
        %swap3A_477 = tpu.vector_load %arg10[%swap3A_474, %swap3A_475, %swap3A_476] {strides = array<i32>} : memref<2x80x128xf32, #tpu.memory_space<vmem>>, vector<1x1x16xf32>,
        %swap3A_478 = vector.shape_cast %swap3A_477 : vector<1x1x16xf32> to vector<16xf32>
        %swap3A_479 = vector.shape_cast %max3A_472 : vector<16xf32> to vector<1x1x16xf32>
        tpu.vector_store %arg10[%swap3A_474, %swap3A_475, %swap3A_476], %swap3A_479 {strides = array<i32>} : memref<2x80x128xf32, #tpu.memory_space<vmem>>, vector<1x1x16xf32>,
        %get3A_480 = arith.constant 1 : i32
        %get3A_481 = arith.index_cast %get3A_480 : i32 to index
        %get3A_482 = arith.index_cast %scan3A_389 : i32 to index
        %get3A_483 = arith.constant 64 : index
        %get3A_484 = tpu.vector_load %arg10[%get3A_481, %get3A_482, %get3A_483] {strides = array<i32>} : memref<2x80x128xf32, #tpu.memory_space<vmem>>, vector<1x1x16xf32>,
        %get3A_485 = vector.shape_cast %get3A_484 : vector<1x1x16xf32> to vector<16xf32>
        %get3A_486 = arith.constant 1 : i32
        %get3A_487 = arith.index_cast %get3A_486 : i32 to index
        %get3A_488 = arith.index_cast %scan3A_389 : i32 to index
        %get3A_489 = arith.constant 64 : index
        %get3A_490 = tpu.vector_load %arg9[%get3A_487, %get3A_488, %get3A_489] {strides = array<i32>} : memref<2x80x128xf32, #tpu.memory_space<vmem>>, vector<1x1x16xf32>,
        %get3A_491 = vector.shape_cast %get3A_490 : vector<1x1x16xf32> to vector<16xf32>
        %add3A_492 = arith.addf %get3A_485, %get3A_491 : vector<16xf32>
        %max3A_493 = arith.constant 0.000000e+00 : f32
        %max3A_494 = vector.broadcast %max3A_493 : f32 to vector<16xf32>
        %max3A_495 = arith.maximumf %add3A_492, %max3A_494 : vector<16xf32>
        %swap3A_496 = arith.constant 1 : i32
        %swap3A_497 = arith.index_cast %swap3A_496 : i32 to index
        %swap3A_498 = arith.index_cast %scan3A_389 : i32 to index
        %swap3A_499 = arith.constant 64 : index
        %swap3A_500 = tpu.vector_load %arg10[%swap3A_497, %swap3A_498, %swap3A_499] {strides = array<i32>} : memref<2x80x128xf32, #tpu.memory_space<vmem>>, vector<1x1x16xf32>,
        %swap3A_501 = vector.shape_cast %swap3A_500 : vector<1x1x16xf32> to vector<16xf32>
        %swap3A_502 = vector.shape_cast %max3A_495 : vector<16xf32> to vector<1x1x16xf32>
        tpu.vector_store %arg10[%swap3A_497, %swap3A_498, %swap3A_499], %swap3A_502 {strides = array<i32>} : memref<2x80x128xf32, #tpu.memory_space<vmem>>, vector<1x1x16xf32>,
        %get3A_503 = arith.constant 1 : i32
        %get3A_504 = arith.index_cast %get3A_503 : i32 to index
        %get3A_505 = arith.index_cast %scan3A_389 : i32 to index
        %get3A_506 = arith.constant 80 : index
        %get3A_507 = tpu.vector_load %arg10[%get3A_504, %get3A_505, %get3A_506] {strides = array<i32>} : memref<2x80x128xf32, #tpu.memory_space<vmem>>, vector<1x1x16xf32>,
        %get3A_508 = vector.shape_cast %get3A_507 : vector<1x1x16xf32> to vector<16xf32>
        %get3A_509 = arith.constant 1 : i32
        %get3A_510 = arith.index_cast %get3A_509 : i32 to index
        %get3A_511 = arith.index_cast %scan3A_389 : i32 to index
        %get3A_512 = arith.constant 80 : index
        %get3A_513 = tpu.vector_load %arg9[%get3A_510, %get3A_511, %get3A_512] {strides = array<i32>} : memref<2x80x128xf32, #tpu.memory_space<vmem>>, vector<1x1x16xf32>,
        %get3A_514 = vector.shape_cast %get3A_513 : vector<1x1x16xf32> to vector<16xf32>
        %add3A_515 = arith.addf %get3A_508, %get3A_514 : vector<16xf32>
        %max3A_516 = arith.constant 0.000000e+00 : f32
        %max3A_517 = vector.broadcast %max3A_516 : f32 to vector<16xf32>
        %max3A_518 = arith.maximumf %add3A_515, %max3A_517 : vector<16xf32>
        %swap3A_519 = arith.constant 1 : i32
        %swap3A_520 = arith.index_cast %swap3A_519 : i32 to index
        %swap3A_521 = arith.index_cast %scan3A_389 : i32 to index
        %swap3A_522 = arith.constant 80 : index
        %swap3A_523 = tpu.vector_load %arg10[%swap3A_520, %swap3A_521, %swap3A_522] {strides = array<i32>} : memref<2x80x128xf32, #tpu.memory_space<vmem>>, vector<1x1x16xf32>,
        %swap3A_524 = vector.shape_cast %swap3A_523 : vector<1x1x16xf32> to vector<16xf32>
        %swap3A_525 = vector.shape_cast %max3A_518 : vector<16xf32> to vector<1x1x16xf32>
        tpu.vector_store %arg10[%swap3A_520, %swap3A_521, %swap3A_522], %swap3A_525 {strides = array<i32>} : memref<2x80x128xf32, #tpu.memory_space<vmem>>, vector<1x1x16xf32>,
        %get3A_526 = arith.constant 1 : i32
        %get3A_527 = arith.index_cast %get3A_526 : i32 to index
        %get3A_528 = arith.index_cast %scan3A_389 : i32 to index
        %get3A_529 = arith.constant 96 : index
        %get3A_530 = tpu.vector_load %arg10[%get3A_527, %get3A_528, %get3A_529] {strides = array<i32>} : memref<2x80x128xf32, #tpu.memory_space<vmem>>, vector<1x1x16xf32>,
        %get3A_531 = vector.shape_cast %get3A_530 : vector<1x1x16xf32> to vector<16xf32>
        %get3A_532 = arith.constant 1 : i32
        %get3A_533 = arith.index_cast %get3A_532 : i32 to index
        %get3A_534 = arith.index_cast %scan3A_389 : i32 to index
        %get3A_535 = arith.constant 96 : index
        %get3A_536 = tpu.vector_load %arg9[%get3A_533, %get3A_534, %get3A_535] {strides = array<i32>} : memref<2x80x128xf32, #tpu.memory_space<vmem>>, vector<1x1x16xf32>,
        %get3A_537 = vector.shape_cast %get3A_536 : vector<1x1x16xf32> to vector<16xf32>
        %add3A_538 = arith.addf %get3A_531, %get3A_537 : vector<16xf32>
        %max3A_539 = arith.constant 0.000000e+00 : f32
        %max3A_540 = vector.broadcast %max3A_539 : f32 to vector<16xf32>
        %max3A_541 = arith.maximumf %add3A_538, %max3A_540 : vector<16xf32>
        %swap3A_542 = arith.constant 1 : i32
        %swap3A_543 = arith.index_cast %swap3A_542 : i32 to index
        %swap3A_544 = arith.index_cast %scan3A_389 : i32 to index
        %swap3A_545 = arith.constant 96 : index
        %swap3A_546 = tpu.vector_load %arg10[%swap3A_543, %swap3A_544, %swap3A_545] {strides = array<i32>} : memref<2x80x128xf32, #tpu.memory_space<vmem>>, vector<1x1x16xf32>,
        %swap3A_547 = vector.shape_cast %swap3A_546 : vector<1x1x16xf32> to vector<16xf32>
        %swap3A_548 = vector.shape_cast %max3A_541 : vector<16xf32> to vector<1x1x16xf32>
        tpu.vector_store %arg10[%swap3A_543, %swap3A_544, %swap3A_545], %swap3A_548 {strides = array<i32>} : memref<2x80x128xf32, #tpu.memory_space<vmem>>, vector<1x1x16xf32>,
        %get3A_549 = arith.constant 1 : i32
        %get3A_550 = arith.index_cast %get3A_549 : i32 to index
        %get3A_551 = arith.index_cast %scan3A_389 : i32 to index
        %get3A_552 = arith.constant 112 : index
        %get3A_553 = tpu.vector_load %arg10[%get3A_550, %get3A_551, %get3A_552] {strides = array<i32>} : memref<2x80x128xf32, #tpu.memory_space<vmem>>, vector<1x1x16xf32>,
        %get3A_554 = vector.shape_cast %get3A_553 : vector<1x1x16xf32> to vector<16xf32>
        %get3A_555 = arith.constant 1 : i32
        %get3A_556 = arith.index_cast %get3A_555 : i32 to index
        %get3A_557 = arith.index_cast %scan3A_389 : i32 to index
        %get3A_558 = arith.constant 112 : index
        %get3A_559 = tpu.vector_load %arg9[%get3A_556, %get3A_557, %get3A_558] {strides = array<i32>} : memref<2x80x128xf32, #tpu.memory_space<vmem>>, vector<1x1x16xf32>,
        %get3A_560 = vector.shape_cast %get3A_559 : vector<1x1x16xf32> to vector<16xf32>
        %add3A_561 = arith.addf %get3A_554, %get3A_560 : vector<16xf32>
        %max3A_562 = arith.constant 0.000000e+00 : f32
        %max3A_563 = vector.broadcast %max3A_562 : f32 to vector<16xf32>
        %max3A_564 = arith.maximumf %add3A_561, %max3A_563 : vector<16xf32>
        %swap3A_565 = arith.constant 1 : i32
        %swap3A_566 = arith.index_cast %swap3A_565 : i32 to index
        %swap3A_567 = arith.index_cast %scan3A_389 : i32 to index
        %swap3A_568 = arith.constant 112 : index
        %swap3A_569 = tpu.vector_load %arg10[%swap3A_566, %swap3A_567, %swap3A_568] {strides = array<i32>} : memref<2x80x128xf32, #tpu.memory_space<vmem>>, vector<1x1x16xf32>,
        %swap3A_570 = vector.shape_cast %swap3A_569 : vector<1x1x16xf32> to vector<16xf32>
        %swap3A_571 = vector.shape_cast %max3A_564 : vector<16xf32> to vector<1x1x16xf32>
        tpu.vector_store %arg10[%swap3A_566, %swap3A_567, %swap3A_568], %swap3A_571 {strides = array<i32>} : memref<2x80x128xf32, #tpu.memory_space<vmem>>, vector<1x1x16xf32>,
        %scan3A_572 = arith.constant 0 : i32
        scf.yield %scan3A_572 : i32
      }
      %scan3A_372 = arith.constant 80 : i32
      %dma_start3A_373 = arith.constant 1 : i32
      %dma_start3A_374 = arith.constant 1 : i32
      %dma_start3A_375 = arith.constant 1 : i32
      %dma_start3A_376 = arith.constant 0 : i32
      %dma_start3A_377 = arith.constant 0 : i32
      %dma_start3A_378 = tpu.memref_slice %arg10[%dma_start3A_373, %dma_start3A_376, %dma_start3A_377] : memref<2x80x128xf32, #tpu.memory_space<vmem>> -> memref<1x80x128xf32, #tpu.memory_space<vmem>>
      %dma_start3A_379 = tpu.memref_squeeze %dma_start3A_378 : memref<1x80x128xf32, #tpu.memory_space<vmem>> -> memref<80x128xf32, #tpu.memory_space<vmem>>
      %dma_start3A_380 = arith.constant 0 : i32
      %dma_start3A_381 = tpu.memref_slice %arg8[%dma_start3A_374, %dma_start3A_380] : memref<2x80xi32, #tpu.memory_space<vmem>> -> memref<1x80xi32, #tpu.memory_space<vmem>>
      %dma_start3A_382 = tpu.memref_squeeze %dma_start3A_381 : memref<1x80xi32, #tpu.memory_space<vmem>> -> memref<80xi32, #tpu.memory_space<vmem>>
      %dma_start3A_383 = arith.constant 0 : i32
      %dma_start3A_384 = arith.constant 0 : i32
      %dma_start3A_385 = tpu.memref_slice %arg11[%dma_start3A_383, %dma_start3A_384] : memref<10240x128xf32, #tpu.memory_space<vmem_shared>> -> memref<10240x128xf32, #tpu.memory_space<vmem_shared>>
      %dma_start3A_386 = tpu.memref_slice %arg14[%dma_start3A_375] : memref<2x!tpu.dma_semaphore, #tpu.memory_space<semaphore_mem>> -> memref<1x!tpu.dma_semaphore, #tpu.memory_space<semaphore_mem>>
      %dma_start3A_387 = tpu.memref_squeeze %dma_start3A_386 : memref<1x!tpu.dma_semaphore, #tpu.memory_space<semaphore_mem>> -> memref<!tpu.dma_semaphore, #tpu.memory_space<semaphore_mem>>
      tpu.enqueue_indirect_dma source(%dma_start3A_379 : memref<80x128xf32, #tpu.memory_space<vmem>>) target(%dma_start3A_385 : memref<10240x128xf32, #tpu.memory_space<vmem_shared>>) offsets(%dma_start3A_382 : memref<80xi32, #tpu.memory_space<vmem>>) semaphore(%dma_start3A_387 : memref<!tpu.dma_semaphore, #tpu.memory_space<semaphore_mem>>) {add = true}
      %scan3A_388 = arith.constant 0 : i32
      scf.yield %scan3A_388 : i32
    }
    %scan3A_23 = arith.constant 62 : i32
    %dma_wait3A = arith.constant 0 : i32
    %dma_wait3A_24 = arith.constant 0 : i32
    %dma_wait3A_25 = arith.constant 0 : i32
    %dma_wait3A_26 = arith.constant 0 : i32
    %dma_wait3A_27 = arith.constant 0 : i32
    %dma_wait3A_28 = tpu.memref_slice %arg10[%dma_wait3A, %dma_wait3A_26, %dma_wait3A_27] : memref<2x80x128xf32, #tpu.memory_space<vmem>> -> memref<1x80x128xf32, #tpu.memory_space<vmem>>
    %dma_wait3A_29 = tpu.memref_squeeze %dma_wait3A_28 : memref<1x80x128xf32, #tpu.memory_space<vmem>> -> memref<80x128xf32, #tpu.memory_space<vmem>>
    %dma_wait3A_30 = arith.constant 0 : i32
    %dma_wait3A_31 = tpu.memref_slice %arg8[%dma_wait3A_24, %dma_wait3A_30] : memref<2x80xi32, #tpu.memory_space<vmem>> -> memref<1x80xi32, #tpu.memory_space<vmem>>
    %dma_wait3A_32 = tpu.memref_squeeze %dma_wait3A_31 : memref<1x80xi32, #tpu.memory_space<vmem>> -> memref<80xi32, #tpu.memory_space<vmem>>
    %dma_wait3A_33 = arith.constant 0 : i32
    %dma_wait3A_34 = arith.constant 0 : i32
    %dma_wait3A_35 = tpu.memref_slice %arg11[%dma_wait3A_33, %dma_wait3A_34] : memref<10240x128xf32, #tpu.memory_space<vmem_shared>> -> memref<10240x128xf32, #tpu.memory_space<vmem_shared>>
    %dma_wait3A_36 = tpu.memref_slice %arg14[%dma_wait3A_25] : memref<2x!tpu.dma_semaphore, #tpu.memory_space<semaphore_mem>> -> memref<1x!tpu.dma_semaphore, #tpu.memory_space<semaphore_mem>>
    %dma_wait3A_37 = tpu.memref_squeeze %dma_wait3A_36 : memref<1x!tpu.dma_semaphore, #tpu.memory_space<semaphore_mem>> -> memref<!tpu.dma_semaphore, #tpu.memory_space<semaphore_mem>>
    tpu.wait_indirect_dma semaphore(%dma_wait3A_37 : memref<!tpu.dma_semaphore, #tpu.memory_space<semaphore_mem>>) src(%dma_wait3A_29 : memref<80x128xf32, #tpu.memory_space<vmem>>) dst(%dma_wait3A_35 : memref<10240x128xf32, #tpu.memory_space<vmem_shared>>)
    %dma_wait3A_38 = arith.constant 1 : i32
    %dma_wait3A_39 = arith.constant 1 : i32
    %dma_wait3A_40 = arith.constant 1 : i32
    %dma_wait3A_41 = arith.constant 0 : i32
    %dma_wait3A_42 = arith.constant 0 : i32
    %dma_wait3A_43 = tpu.memref_slice %arg10[%dma_wait3A_38, %dma_wait3A_41, %dma_wait3A_42] : memref<2x80x128xf32, #tpu.memory_space<vmem>> -> memref<1x80x128xf32, #tpu.memory_space<vmem>>
    %dma_wait3A_44 = tpu.memref_squeeze %dma_wait3A_43 : memref<1x80x128xf32, #tpu.memory_space<vmem>> -> memref<80x128xf32, #tpu.memory_space<vmem>>
    %dma_wait3A_45 = arith.constant 0 : i32
    %dma_wait3A_46 = tpu.memref_slice %arg8[%dma_wait3A_39, %dma_wait3A_45] : memref<2x80xi32, #tpu.memory_space<vmem>> -> memref<1x80xi32, #tpu.memory_space<vmem>>
    %dma_wait3A_47 = tpu.memref_squeeze %dma_wait3A_46 : memref<1x80xi32, #tpu.memory_space<vmem>> -> memref<80xi32, #tpu.memory_space<vmem>>
    %dma_wait3A_48 = arith.constant 0 : i32
    %dma_wait3A_49 = arith.constant 0 : i32
    %dma_wait3A_50 = tpu.memref_slice %arg11[%dma_wait3A_48, %dma_wait3A_49] : memref<10240x128xf32, #tpu.memory_space<vmem_shared>> -> memref<10240x128xf32, #tpu.memory_space<vmem_shared>>
    %dma_wait3A_51 = tpu.memref_slice %arg14[%dma_wait3A_40] : memref<2x!tpu.dma_semaphore, #tpu.memory_space<semaphore_mem>> -> memref<1x!tpu.dma_semaphore, #tpu.memory_space<semaphore_mem>>
    %dma_wait3A_52 = tpu.memref_squeeze %dma_wait3A_51 : memref<1x!tpu.dma_semaphore, #tpu.memory_space<semaphore_mem>> -> memref<!tpu.dma_semaphore, #tpu.memory_space<semaphore_mem>>
    tpu.wait_indirect_dma semaphore(%dma_wait3A_52 : memref<!tpu.dma_semaphore, #tpu.memory_space<semaphore_mem>>) src(%dma_wait3A_44 : memref<80x128xf32, #tpu.memory_space<vmem>>) dst(%dma_wait3A_50 : memref<10240x128xf32, #tpu.memory_space<vmem_shared>>)
    %add3A_53 = arith.constant 9920 : i32
    %add3A_54 = arith.addi %mul3A_2, %add3A_53 : i32
    %multiple_of3A = tpu.assume_multiple %add3A_54, 8 : i32
    %run_scoped3A = arith.constant 0 : i32
    "tpu.region"() ({
      %run_scoped3A_99 = tpu.sem_alloc : memref<!tpu.dma_semaphore, #tpu.memory_space<semaphore_mem>>
      %dma_start3A_100 = arith.constant 0 : i32
      %dma_start3A_101 = tpu.memref_slice %arg7[%run_scoped3A, %dma_start3A_100] : memref<2x80xi32, #tpu.memory_space<vmem>> -> memref<1x80xi32, #tpu.memory_space<vmem>>
      %dma_start3A_102 = tpu.memref_squeeze %dma_start3A_101 : memref<1x80xi32, #tpu.memory_space<vmem>> -> memref<80xi32, #tpu.memory_space<vmem>>
      %dma_start3A_103 = tpu.memref_slice %arg4[%multiple_of3A] : memref<320000xi32, #tpu.memory_space<hbm>> -> memref<80xi32, #tpu.memory_space<hbm>>
      %dma_start3A_104 = arith.constant 0 : i32
      %dma_start3A_105 = tpu.memref_slice %arg7[%run_scoped3A, %dma_start3A_104] : memref<2x80xi32, #tpu.memory_space<vmem>> -> memref<1x80xi32, #tpu.memory_space<vmem>>
      %dma_start3A_106 = tpu.memref_squeeze %dma_start3A_105 : memref<1x80xi32, #tpu.memory_space<vmem>> -> memref<80xi32, #tpu.memory_space<vmem>>
      %dma_start3A_107 = tpu.memref_slice %arg4[%multiple_of3A] : memref<320000xi32, #tpu.memory_space<hbm>> -> memref<80xi32, #tpu.memory_space<hbm>>
      tpu.enqueue_dma source(%dma_start3A_107 : memref<80xi32, #tpu.memory_space<hbm>>) target(%dma_start3A_106 : memref<80xi32, #tpu.memory_space<vmem>>) target_semaphore(%run_scoped3A_99 : memref<!tpu.dma_semaphore, #tpu.memory_space<semaphore_mem>>)
      %dma_wait3A_108 = arith.constant 0 : i32
      %dma_wait3A_109 = tpu.memref_slice %arg7[%run_scoped3A, %dma_wait3A_108] : memref<2x80xi32, #tpu.memory_space<vmem>> -> memref<1x80xi32, #tpu.memory_space<vmem>>
      %dma_wait3A_110 = tpu.memref_squeeze %dma_wait3A_109 : memref<1x80xi32, #tpu.memory_space<vmem>> -> memref<80xi32, #tpu.memory_space<vmem>>
      %dma_wait3A_111 = tpu.memref_slice %arg4[%multiple_of3A] : memref<320000xi32, #tpu.memory_space<hbm>> -> memref<80xi32, #tpu.memory_space<hbm>>
      %dma_wait3A_112 = arith.constant 0 : i32
      %dma_wait3A_113 = tpu.memref_slice %arg7[%run_scoped3A, %dma_wait3A_112] : memref<2x80xi32, #tpu.memory_space<vmem>> -> memref<1x80xi32, #tpu.memory_space<vmem>>
      %dma_wait3A_114 = tpu.memref_squeeze %dma_wait3A_113 : memref<1x80xi32, #tpu.memory_space<vmem>> -> memref<80xi32, #tpu.memory_space<vmem>>
      %dma_wait3A_115 = tpu.memref_slice %arg4[%multiple_of3A] : memref<320000xi32, #tpu.memory_space<hbm>> -> memref<80xi32, #tpu.memory_space<hbm>>
      tpu.wait_dma2 semaphore(%run_scoped3A_99 : memref<!tpu.dma_semaphore, #tpu.memory_space<semaphore_mem>>) src(%dma_wait3A_115 : memref<80xi32, #tpu.memory_space<hbm>>) dst(%dma_wait3A_114 : memref<80xi32, #tpu.memory_space<vmem>>)
      tpu.yield
    }) : () -> ()
    %run_scoped3A_55 = arith.constant 0 : i32
    "tpu.region"() ({
      %run_scoped3A_99 = tpu.sem_alloc : memref<!tpu.dma_semaphore, #tpu.memory_space<semaphore_mem>>
      %dma_start3A_100 = arith.constant 0 : i32
      %dma_start3A_101 = tpu.memref_slice %arg8[%run_scoped3A_55, %dma_start3A_100] : memref<2x80xi32, #tpu.memory_space<vmem>> -> memref<1x80xi32, #tpu.memory_space<vmem>>
      %dma_start3A_102 = tpu.memref_squeeze %dma_start3A_101 : memref<1x80xi32, #tpu.memory_space<vmem>> -> memref<80xi32, #tpu.memory_space<vmem>>
      %dma_start3A_103 = tpu.memref_slice %arg5[%multiple_of3A] : memref<320000xi32, #tpu.memory_space<hbm>> -> memref<80xi32, #tpu.memory_space<hbm>>
      %dma_start3A_104 = arith.constant 0 : i32
      %dma_start3A_105 = tpu.memref_slice %arg8[%run_scoped3A_55, %dma_start3A_104] : memref<2x80xi32, #tpu.memory_space<vmem>> -> memref<1x80xi32, #tpu.memory_space<vmem>>
      %dma_start3A_106 = tpu.memref_squeeze %dma_start3A_105 : memref<1x80xi32, #tpu.memory_space<vmem>> -> memref<80xi32, #tpu.memory_space<vmem>>
      %dma_start3A_107 = tpu.memref_slice %arg5[%multiple_of3A] : memref<320000xi32, #tpu.memory_space<hbm>> -> memref<80xi32, #tpu.memory_space<hbm>>
      tpu.enqueue_dma source(%dma_start3A_107 : memref<80xi32, #tpu.memory_space<hbm>>) target(%dma_start3A_106 : memref<80xi32, #tpu.memory_space<vmem>>) target_semaphore(%run_scoped3A_99 : memref<!tpu.dma_semaphore, #tpu.memory_space<semaphore_mem>>)
      %dma_wait3A_108 = arith.constant 0 : i32
      %dma_wait3A_109 = tpu.memref_slice %arg8[%run_scoped3A_55, %dma_wait3A_108] : memref<2x80xi32, #tpu.memory_space<vmem>> -> memref<1x80xi32, #tpu.memory_space<vmem>>
      %dma_wait3A_110 = tpu.memref_squeeze %dma_wait3A_109 : memref<1x80xi32, #tpu.memory_space<vmem>> -> memref<80xi32, #tpu.memory_space<vmem>>
      %dma_wait3A_111 = tpu.memref_slice %arg5[%multiple_of3A] : memref<320000xi32, #tpu.memory_space<hbm>> -> memref<80xi32, #tpu.memory_space<hbm>>
      %dma_wait3A_112 = arith.constant 0 : i32
      %dma_wait3A_113 = tpu.memref_slice %arg8[%run_scoped3A_55, %dma_wait3A_112] : memref<2x80xi32, #tpu.memory_space<vmem>> -> memref<1x80xi32, #tpu.memory_space<vmem>>
      %dma_wait3A_114 = tpu.memref_squeeze %dma_wait3A_113 : memref<1x80xi32, #tpu.memory_space<vmem>> -> memref<80xi32, #tpu.memory_space<vmem>>
      %dma_wait3A_115 = tpu.memref_slice %arg5[%multiple_of3A] : memref<320000xi32, #tpu.memory_space<hbm>> -> memref<80xi32, #tpu.memory_space<hbm>>
      tpu.wait_dma2 semaphore(%run_scoped3A_99 : memref<!tpu.dma_semaphore, #tpu.memory_space<semaphore_mem>>) src(%dma_wait3A_115 : memref<80xi32, #tpu.memory_space<hbm>>) dst(%dma_wait3A_114 : memref<80xi32, #tpu.memory_space<vmem>>)
      tpu.yield
    }) : () -> ()
    %run_scoped3A_56 = arith.constant 0 : i32
    "tpu.region"() ({
      %run_scoped3A_99 = tpu.sem_alloc : memref<!tpu.dma_semaphore, #tpu.memory_space<semaphore_mem>>
      %dma_start3A_100 = arith.constant 0 : i32
      %dma_start3A_101 = arith.constant 0 : i32
      %dma_start3A_102 = tpu.memref_slice %arg9[%run_scoped3A_56, %dma_start3A_100, %dma_start3A_101] : memref<2x80x128xf32, #tpu.memory_space<vmem>> -> memref<1x80x128xf32, #tpu.memory_space<vmem>>
      %dma_start3A_103 = tpu.memref_squeeze %dma_start3A_102 : memref<1x80x128xf32, #tpu.memory_space<vmem>> -> memref<80x128xf32, #tpu.memory_space<vmem>>
      %dma_start3A_104 = arith.constant 0 : i32
      %dma_start3A_105 = tpu.memref_slice %arg3[%multiple_of3A, %dma_start3A_104] : memref<320000x128xf32, #tpu.memory_space<hbm>> -> memref<80x128xf32, #tpu.memory_space<hbm>>
      %dma_start3A_106 = arith.constant 0 : i32
      %dma_start3A_107 = arith.constant 0 : i32
      %dma_start3A_108 = tpu.memref_slice %arg9[%run_scoped3A_56, %dma_start3A_106, %dma_start3A_107] : memref<2x80x128xf32, #tpu.memory_space<vmem>> -> memref<1x80x128xf32, #tpu.memory_space<vmem>>
      %dma_start3A_109 = tpu.memref_squeeze %dma_start3A_108 : memref<1x80x128xf32, #tpu.memory_space<vmem>> -> memref<80x128xf32, #tpu.memory_space<vmem>>
      %dma_start3A_110 = arith.constant 0 : i32
      %dma_start3A_111 = tpu.memref_slice %arg3[%multiple_of3A, %dma_start3A_110] : memref<320000x128xf32, #tpu.memory_space<hbm>> -> memref<80x128xf32, #tpu.memory_space<hbm>>
      tpu.enqueue_dma source(%dma_start3A_111 : memref<80x128xf32, #tpu.memory_space<hbm>>) target(%dma_start3A_109 : memref<80x128xf32, #tpu.memory_space<vmem>>) target_semaphore(%run_scoped3A_99 : memref<!tpu.dma_semaphore, #tpu.memory_space<semaphore_mem>>)
      %dma_wait3A_112 = arith.constant 0 : i32
      %dma_wait3A_113 = arith.constant 0 : i32
      %dma_wait3A_114 = tpu.memref_slice %arg9[%run_scoped3A_56, %dma_wait3A_112, %dma_wait3A_113] : memref<2x80x128xf32, #tpu.memory_space<vmem>> -> memref<1x80x128xf32, #tpu.memory_space<vmem>>
      %dma_wait3A_115 = tpu.memref_squeeze %dma_wait3A_114 : memref<1x80x128xf32, #tpu.memory_space<vmem>> -> memref<80x128xf32, #tpu.memory_space<vmem>>
      %dma_wait3A_116 = arith.constant 0 : i32
      %dma_wait3A_117 = tpu.memref_slice %arg3[%multiple_of3A, %dma_wait3A_116] : memref<320000x128xf32, #tpu.memory_space<hbm>> -> memref<80x128xf32, #tpu.memory_space<hbm>>
      %dma_wait3A_118 = arith.constant 0 : i32
      %dma_wait3A_119 = arith.constant 0 : i32
      %dma_wait3A_120 = tpu.memref_slice %arg9[%run_scoped3A_56, %dma_wait3A_118, %dma_wait3A_119] : memref<2x80x128xf32, #tpu.memory_space<vmem>> -> memref<1x80x128xf32, #tpu.memory_space<vmem>>
      %dma_wait3A_121 = tpu.memref_squeeze %dma_wait3A_120 : memref<1x80x128xf32, #tpu.memory_space<vmem>> -> memref<80x128xf32, #tpu.memory_space<vmem>>
      %dma_wait3A_122 = arith.constant 0 : i32
      %dma_wait3A_123 = tpu.memref_slice %arg3[%multiple_of3A, %dma_wait3A_122] : memref<320000x128xf32, #tpu.memory_space<hbm>> -> memref<80x128xf32, #tpu.memory_space<hbm>>
      tpu.wait_dma2 semaphore(%run_scoped3A_99 : memref<!tpu.dma_semaphore, #tpu.memory_space<semaphore_mem>>) src(%dma_wait3A_123 : memref<80x128xf32, #tpu.memory_space<hbm>>) dst(%dma_wait3A_121 : memref<80x128xf32, #tpu.memory_space<vmem>>)
      tpu.yield
    }) : () -> ()
    %dma_start3A = arith.constant 0 : i32
    %dma_start3A_57 = arith.constant 0 : i32
    %dma_start3A_58 = arith.constant 0 : i32
    %dma_start3A_59 = arith.constant 0 : i32
    %dma_start3A_60 = arith.constant 0 : i32
    %dma_start3A_61 = tpu.memref_slice %arg10[%dma_start3A_57, %dma_start3A_59, %dma_start3A_60] : memref<2x80x128xf32, #tpu.memory_space<vmem>> -> memref<1x80x128xf32, #tpu.memory_space<vmem>>
    %dma_start3A_62 = tpu.memref_squeeze %dma_start3A_61 : memref<1x80x128xf32, #tpu.memory_space<vmem>> -> memref<80x128xf32, #tpu.memory_space<vmem>>
    %dma_start3A_63 = arith.constant 0 : i32
    %dma_start3A_64 = tpu.memref_slice %arg7[%dma_start3A, %dma_start3A_63] : memref<2x80xi32, #tpu.memory_space<vmem>> -> memref<1x80xi32, #tpu.memory_space<vmem>>
    %dma_start3A_65 = tpu.memref_squeeze %dma_start3A_64 : memref<1x80xi32, #tpu.memory_space<vmem>> -> memref<80xi32, #tpu.memory_space<vmem>>
    %dma_start3A_66 = arith.constant 0 : i32
    %dma_start3A_67 = arith.constant 0 : i32
    %dma_start3A_68 = tpu.memref_slice %arg2[%dma_start3A_66, %dma_start3A_67] : memref<10000x128xf32, #tpu.memory_space<hbm>> -> memref<10000x128xf32, #tpu.memory_space<hbm>>
    %dma_start3A_69 = tpu.memref_slice %arg13[%dma_start3A_58] : memref<2x!tpu.dma_semaphore, #tpu.memory_space<semaphore_mem>> -> memref<1x!tpu.dma_semaphore, #tpu.memory_space<semaphore_mem>>
    %dma_start3A_70 = tpu.memref_squeeze %dma_start3A_69 : memref<1x!tpu.dma_semaphore, #tpu.memory_space<semaphore_mem>> -> memref<!tpu.dma_semaphore, #tpu.memory_space<semaphore_mem>>
    tpu.enqueue_indirect_dma source(%dma_start3A_68 : memref<10000x128xf32, #tpu.memory_space<hbm>>) target(%dma_start3A_62 : memref<80x128xf32, #tpu.memory_space<vmem>>) offsets(%dma_start3A_65 : memref<80xi32, #tpu.memory_space<vmem>>) semaphore(%dma_start3A_70 : memref<!tpu.dma_semaphore, #tpu.memory_space<semaphore_mem>>)
    %dma_wait3A_71 = arith.constant 0 : i32
    %dma_wait3A_72 = arith.constant 0 : i32
    %dma_wait3A_73 = arith.constant 0 : i32
    %dma_wait3A_74 = arith.constant 0 : i32
    %dma_wait3A_75 = arith.constant 0 : i32
    %dma_wait3A_76 = tpu.memref_slice %arg10[%dma_wait3A_72, %dma_wait3A_74, %dma_wait3A_75] : memref<2x80x128xf32, #tpu.memory_space<vmem>> -> memref<1x80x128xf32, #tpu.memory_space<vmem>>
    %dma_wait3A_77 = tpu.memref_squeeze %dma_wait3A_76 : memref<1x80x128xf32, #tpu.memory_space<vmem>> -> memref<80x128xf32, #tpu.memory_space<vmem>>
    %dma_wait3A_78 = arith.constant 0 : i32
    %dma_wait3A_79 = tpu.memref_slice %arg7[%dma_wait3A_71, %dma_wait3A_78] : memref<2x80xi32, #tpu.memory_space<vmem>> -> memref<1x80xi32, #tpu.memory_space<vmem>>
    %dma_wait3A_80 = tpu.memref_squeeze %dma_wait3A_79 : memref<1x80xi32, #tpu.memory_space<vmem>> -> memref<80xi32, #tpu.memory_space<vmem>>
    %dma_wait3A_81 = arith.constant 0 : i32
    %dma_wait3A_82 = arith.constant 0 : i32
    %dma_wait3A_83 = tpu.memref_slice %arg2[%dma_wait3A_81, %dma_wait3A_82] : memref<10000x128xf32, #tpu.memory_space<hbm>> -> memref<10000x128xf32, #tpu.memory_space<hbm>>
    %dma_wait3A_84 = tpu.memref_slice %arg13[%dma_wait3A_73] : memref<2x!tpu.dma_semaphore, #tpu.memory_space<semaphore_mem>> -> memref<1x!tpu.dma_semaphore, #tpu.memory_space<semaphore_mem>>
    %dma_wait3A_85 = tpu.memref_squeeze %dma_wait3A_84 : memref<1x!tpu.dma_semaphore, #tpu.memory_space<semaphore_mem>> -> memref<!tpu.dma_semaphore, #tpu.memory_space<semaphore_mem>>
    tpu.wait_indirect_dma semaphore(%dma_wait3A_85 : memref<!tpu.dma_semaphore, #tpu.memory_space<semaphore_mem>>) src(%dma_wait3A_83 : memref<10000x128xf32, #tpu.memory_space<hbm>>) dst(%dma_wait3A_77 : memref<80x128xf32, #tpu.memory_space<vmem>>)
    %scan3A_86 = arith.constant 0 : i32
    %scan3A_87 = arith.constant 0 : i32
    %scan3A_88 = arith.constant 80 : i32
    %scan3A_89 = arith.addi %scan3A_87, %scan3A_88 : i32
    %scan3A_90 = arith.constant 1 : i32
    %scan3A_91 = scf.for %scan3A_99 = %scan3A_87 to %scan3A_89 step %scan3A_90 iter_args(%scan3A_100 = %scan3A_86) -> (i32)  : i32 {
      %get3A = arith.constant 0 : i32
      %get3A_101 = arith.index_cast %get3A : i32 to index
      %get3A_102 = arith.index_cast %scan3A_99 : i32 to index
      %get3A_103 = arith.constant 0 : index
      %get3A_104 = tpu.vector_load %arg10[%get3A_101, %get3A_102, %get3A_103] {strides = array<i32>} : memref<2x80x128xf32, #tpu.memory_space<vmem>>, vector<1x1x16xf32>,
      %get3A_105 = vector.shape_cast %get3A_104 : vector<1x1x16xf32> to vector<16xf32>
      %get3A_106 = arith.constant 0 : i32
      %get3A_107 = arith.index_cast %get3A_106 : i32 to index
      %get3A_108 = arith.index_cast %scan3A_99 : i32 to index
      %get3A_109 = arith.constant 0 : index
      %get3A_110 = tpu.vector_load %arg9[%get3A_107, %get3A_108, %get3A_109] {strides = array<i32>} : memref<2x80x128xf32, #tpu.memory_space<vmem>>, vector<1x1x16xf32>,
      %get3A_111 = vector.shape_cast %get3A_110 : vector<1x1x16xf32> to vector<16xf32>
      %add3A_112 = arith.addf %get3A_105, %get3A_111 : vector<16xf32>
      %max3A = arith.constant 0.000000e+00 : f32
      %max3A_113 = vector.broadcast %max3A : f32 to vector<16xf32>
      %max3A_114 = arith.maximumf %add3A_112, %max3A_113 : vector<16xf32>
      %swap3A = arith.constant 0 : i32
      %swap3A_115 = arith.index_cast %swap3A : i32 to index
      %swap3A_116 = arith.index_cast %scan3A_99 : i32 to index
      %swap3A_117 = arith.constant 0 : index
      %swap3A_118 = tpu.vector_load %arg10[%swap3A_115, %swap3A_116, %swap3A_117] {strides = array<i32>} : memref<2x80x128xf32, #tpu.memory_space<vmem>>, vector<1x1x16xf32>,
      %swap3A_119 = vector.shape_cast %swap3A_118 : vector<1x1x16xf32> to vector<16xf32>
      %swap3A_120 = vector.shape_cast %max3A_114 : vector<16xf32> to vector<1x1x16xf32>
      tpu.vector_store %arg10[%swap3A_115, %swap3A_116, %swap3A_117], %swap3A_120 {strides = array<i32>} : memref<2x80x128xf32, #tpu.memory_space<vmem>>, vector<1x1x16xf32>,
      %get3A_121 = arith.constant 0 : i32
      %get3A_122 = arith.index_cast %get3A_121 : i32 to index
      %get3A_123 = arith.index_cast %scan3A_99 : i32 to index
      %get3A_124 = arith.constant 16 : index
      %get3A_125 = tpu.vector_load %arg10[%get3A_122, %get3A_123, %get3A_124] {strides = array<i32>} : memref<2x80x128xf32, #tpu.memory_space<vmem>>, vector<1x1x16xf32>,
      %get3A_126 = vector.shape_cast %get3A_125 : vector<1x1x16xf32> to vector<16xf32>
      %get3A_127 = arith.constant 0 : i32
      %get3A_128 = arith.index_cast %get3A_127 : i32 to index
      %get3A_129 = arith.index_cast %scan3A_99 : i32 to index
      %get3A_130 = arith.constant 16 : index
      %get3A_131 = tpu.vector_load %arg9[%get3A_128, %get3A_129, %get3A_130] {strides = array<i32>} : memref<2x80x128xf32, #tpu.memory_space<vmem>>, vector<1x1x16xf32>,
      %get3A_132 = vector.shape_cast %get3A_131 : vector<1x1x16xf32> to vector<16xf32>
      %add3A_133 = arith.addf %get3A_126, %get3A_132 : vector<16xf32>
      %max3A_134 = arith.constant 0.000000e+00 : f32
      %max3A_135 = vector.broadcast %max3A_134 : f32 to vector<16xf32>
      %max3A_136 = arith.maximumf %add3A_133, %max3A_135 : vector<16xf32>
      %swap3A_137 = arith.constant 0 : i32
      %swap3A_138 = arith.index_cast %swap3A_137 : i32 to index
      %swap3A_139 = arith.index_cast %scan3A_99 : i32 to index
      %swap3A_140 = arith.constant 16 : index
      %swap3A_141 = tpu.vector_load %arg10[%swap3A_138, %swap3A_139, %swap3A_140] {strides = array<i32>} : memref<2x80x128xf32, #tpu.memory_space<vmem>>, vector<1x1x16xf32>,
      %swap3A_142 = vector.shape_cast %swap3A_141 : vector<1x1x16xf32> to vector<16xf32>
      %swap3A_143 = vector.shape_cast %max3A_136 : vector<16xf32> to vector<1x1x16xf32>
      tpu.vector_store %arg10[%swap3A_138, %swap3A_139, %swap3A_140], %swap3A_143 {strides = array<i32>} : memref<2x80x128xf32, #tpu.memory_space<vmem>>, vector<1x1x16xf32>,
      %get3A_144 = arith.constant 0 : i32
      %get3A_145 = arith.index_cast %get3A_144 : i32 to index
      %get3A_146 = arith.index_cast %scan3A_99 : i32 to index
      %get3A_147 = arith.constant 32 : index
      %get3A_148 = tpu.vector_load %arg10[%get3A_145, %get3A_146, %get3A_147] {strides = array<i32>} : memref<2x80x128xf32, #tpu.memory_space<vmem>>, vector<1x1x16xf32>,
      %get3A_149 = vector.shape_cast %get3A_148 : vector<1x1x16xf32> to vector<16xf32>
      %get3A_150 = arith.constant 0 : i32
      %get3A_151 = arith.index_cast %get3A_150 : i32 to index
      %get3A_152 = arith.index_cast %scan3A_99 : i32 to index
      %get3A_153 = arith.constant 32 : index
      %get3A_154 = tpu.vector_load %arg9[%get3A_151, %get3A_152, %get3A_153] {strides = array<i32>} : memref<2x80x128xf32, #tpu.memory_space<vmem>>, vector<1x1x16xf32>,
      %get3A_155 = vector.shape_cast %get3A_154 : vector<1x1x16xf32> to vector<16xf32>
      %add3A_156 = arith.addf %get3A_149, %get3A_155 : vector<16xf32>
      %max3A_157 = arith.constant 0.000000e+00 : f32
      %max3A_158 = vector.broadcast %max3A_157 : f32 to vector<16xf32>
      %max3A_159 = arith.maximumf %add3A_156, %max3A_158 : vector<16xf32>
      %swap3A_160 = arith.constant 0 : i32
      %swap3A_161 = arith.index_cast %swap3A_160 : i32 to index
      %swap3A_162 = arith.index_cast %scan3A_99 : i32 to index
      %swap3A_163 = arith.constant 32 : index
      %swap3A_164 = tpu.vector_load %arg10[%swap3A_161, %swap3A_162, %swap3A_163] {strides = array<i32>} : memref<2x80x128xf32, #tpu.memory_space<vmem>>, vector<1x1x16xf32>,
      %swap3A_165 = vector.shape_cast %swap3A_164 : vector<1x1x16xf32> to vector<16xf32>
      %swap3A_166 = vector.shape_cast %max3A_159 : vector<16xf32> to vector<1x1x16xf32>
      tpu.vector_store %arg10[%swap3A_161, %swap3A_162, %swap3A_163], %swap3A_166 {strides = array<i32>} : memref<2x80x128xf32, #tpu.memory_space<vmem>>, vector<1x1x16xf32>,
      %get3A_167 = arith.constant 0 : i32
      %get3A_168 = arith.index_cast %get3A_167 : i32 to index
      %get3A_169 = arith.index_cast %scan3A_99 : i32 to index
      %get3A_170 = arith.constant 48 : index
      %get3A_171 = tpu.vector_load %arg10[%get3A_168, %get3A_169, %get3A_170] {strides = array<i32>} : memref<2x80x128xf32, #tpu.memory_space<vmem>>, vector<1x1x16xf32>,
      %get3A_172 = vector.shape_cast %get3A_171 : vector<1x1x16xf32> to vector<16xf32>
      %get3A_173 = arith.constant 0 : i32
      %get3A_174 = arith.index_cast %get3A_173 : i32 to index
      %get3A_175 = arith.index_cast %scan3A_99 : i32 to index
      %get3A_176 = arith.constant 48 : index
      %get3A_177 = tpu.vector_load %arg9[%get3A_174, %get3A_175, %get3A_176] {strides = array<i32>} : memref<2x80x128xf32, #tpu.memory_space<vmem>>, vector<1x1x16xf32>,
      %get3A_178 = vector.shape_cast %get3A_177 : vector<1x1x16xf32> to vector<16xf32>
      %add3A_179 = arith.addf %get3A_172, %get3A_178 : vector<16xf32>
      %max3A_180 = arith.constant 0.000000e+00 : f32
      %max3A_181 = vector.broadcast %max3A_180 : f32 to vector<16xf32>
      %max3A_182 = arith.maximumf %add3A_179, %max3A_181 : vector<16xf32>
      %swap3A_183 = arith.constant 0 : i32
      %swap3A_184 = arith.index_cast %swap3A_183 : i32 to index
      %swap3A_185 = arith.index_cast %scan3A_99 : i32 to index
      %swap3A_186 = arith.constant 48 : index
      %swap3A_187 = tpu.vector_load %arg10[%swap3A_184, %swap3A_185, %swap3A_186] {strides = array<i32>} : memref<2x80x128xf32, #tpu.memory_space<vmem>>, vector<1x1x16xf32>,
      %swap3A_188 = vector.shape_cast %swap3A_187 : vector<1x1x16xf32> to vector<16xf32>
      %swap3A_189 = vector.shape_cast %max3A_182 : vector<16xf32> to vector<1x1x16xf32>
      tpu.vector_store %arg10[%swap3A_184, %swap3A_185, %swap3A_186], %swap3A_189 {strides = array<i32>} : memref<2x80x128xf32, #tpu.memory_space<vmem>>, vector<1x1x16xf32>,
      %get3A_190 = arith.constant 0 : i32
      %get3A_191 = arith.index_cast %get3A_190 : i32 to index
      %get3A_192 = arith.index_cast %scan3A_99 : i32 to index
      %get3A_193 = arith.constant 64 : index
      %get3A_194 = tpu.vector_load %arg10[%get3A_191, %get3A_192, %get3A_193] {strides = array<i32>} : memref<2x80x128xf32, #tpu.memory_space<vmem>>, vector<1x1x16xf32>,
      %get3A_195 = vector.shape_cast %get3A_194 : vector<1x1x16xf32> to vector<16xf32>
      %get3A_196 = arith.constant 0 : i32
      %get3A_197 = arith.index_cast %get3A_196 : i32 to index
      %get3A_198 = arith.index_cast %scan3A_99 : i32 to index
      %get3A_199 = arith.constant 64 : index
      %get3A_200 = tpu.vector_load %arg9[%get3A_197, %get3A_198, %get3A_199] {strides = array<i32>} : memref<2x80x128xf32, #tpu.memory_space<vmem>>, vector<1x1x16xf32>,
      %get3A_201 = vector.shape_cast %get3A_200 : vector<1x1x16xf32> to vector<16xf32>
      %add3A_202 = arith.addf %get3A_195, %get3A_201 : vector<16xf32>
      %max3A_203 = arith.constant 0.000000e+00 : f32
      %max3A_204 = vector.broadcast %max3A_203 : f32 to vector<16xf32>
      %max3A_205 = arith.maximumf %add3A_202, %max3A_204 : vector<16xf32>
      %swap3A_206 = arith.constant 0 : i32
      %swap3A_207 = arith.index_cast %swap3A_206 : i32 to index
      %swap3A_208 = arith.index_cast %scan3A_99 : i32 to index
      %swap3A_209 = arith.constant 64 : index
      %swap3A_210 = tpu.vector_load %arg10[%swap3A_207, %swap3A_208, %swap3A_209] {strides = array<i32>} : memref<2x80x128xf32, #tpu.memory_space<vmem>>, vector<1x1x16xf32>,
      %swap3A_211 = vector.shape_cast %swap3A_210 : vector<1x1x16xf32> to vector<16xf32>
      %swap3A_212 = vector.shape_cast %max3A_205 : vector<16xf32> to vector<1x1x16xf32>
      tpu.vector_store %arg10[%swap3A_207, %swap3A_208, %swap3A_209], %swap3A_212 {strides = array<i32>} : memref<2x80x128xf32, #tpu.memory_space<vmem>>, vector<1x1x16xf32>,
      %get3A_213 = arith.constant 0 : i32
      %get3A_214 = arith.index_cast %get3A_213 : i32 to index
      %get3A_215 = arith.index_cast %scan3A_99 : i32 to index
      %get3A_216 = arith.constant 80 : index
      %get3A_217 = tpu.vector_load %arg10[%get3A_214, %get3A_215, %get3A_216] {strides = array<i32>} : memref<2x80x128xf32, #tpu.memory_space<vmem>>, vector<1x1x16xf32>,
      %get3A_218 = vector.shape_cast %get3A_217 : vector<1x1x16xf32> to vector<16xf32>
      %get3A_219 = arith.constant 0 : i32
      %get3A_220 = arith.index_cast %get3A_219 : i32 to index
      %get3A_221 = arith.index_cast %scan3A_99 : i32 to index
      %get3A_222 = arith.constant 80 : index
      %get3A_223 = tpu.vector_load %arg9[%get3A_220, %get3A_221, %get3A_222] {strides = array<i32>} : memref<2x80x128xf32, #tpu.memory_space<vmem>>, vector<1x1x16xf32>,
      %get3A_224 = vector.shape_cast %get3A_223 : vector<1x1x16xf32> to vector<16xf32>
      %add3A_225 = arith.addf %get3A_218, %get3A_224 : vector<16xf32>
      %max3A_226 = arith.constant 0.000000e+00 : f32
      %max3A_227 = vector.broadcast %max3A_226 : f32 to vector<16xf32>
      %max3A_228 = arith.maximumf %add3A_225, %max3A_227 : vector<16xf32>
      %swap3A_229 = arith.constant 0 : i32
      %swap3A_230 = arith.index_cast %swap3A_229 : i32 to index
      %swap3A_231 = arith.index_cast %scan3A_99 : i32 to index
      %swap3A_232 = arith.constant 80 : index
      %swap3A_233 = tpu.vector_load %arg10[%swap3A_230, %swap3A_231, %swap3A_232] {strides = array<i32>} : memref<2x80x128xf32, #tpu.memory_space<vmem>>, vector<1x1x16xf32>,
      %swap3A_234 = vector.shape_cast %swap3A_233 : vector<1x1x16xf32> to vector<16xf32>
      %swap3A_235 = vector.shape_cast %max3A_228 : vector<16xf32> to vector<1x1x16xf32>
      tpu.vector_store %arg10[%swap3A_230, %swap3A_231, %swap3A_232], %swap3A_235 {strides = array<i32>} : memref<2x80x128xf32, #tpu.memory_space<vmem>>, vector<1x1x16xf32>,
      %get3A_236 = arith.constant 0 : i32
      %get3A_237 = arith.index_cast %get3A_236 : i32 to index
      %get3A_238 = arith.index_cast %scan3A_99 : i32 to index
      %get3A_239 = arith.constant 96 : index
      %get3A_240 = tpu.vector_load %arg10[%get3A_237, %get3A_238, %get3A_239] {strides = array<i32>} : memref<2x80x128xf32, #tpu.memory_space<vmem>>, vector<1x1x16xf32>,
      %get3A_241 = vector.shape_cast %get3A_240 : vector<1x1x16xf32> to vector<16xf32>
      %get3A_242 = arith.constant 0 : i32
      %get3A_243 = arith.index_cast %get3A_242 : i32 to index
      %get3A_244 = arith.index_cast %scan3A_99 : i32 to index
      %get3A_245 = arith.constant 96 : index
      %get3A_246 = tpu.vector_load %arg9[%get3A_243, %get3A_244, %get3A_245] {strides = array<i32>} : memref<2x80x128xf32, #tpu.memory_space<vmem>>, vector<1x1x16xf32>,
      %get3A_247 = vector.shape_cast %get3A_246 : vector<1x1x16xf32> to vector<16xf32>
      %add3A_248 = arith.addf %get3A_241, %get3A_247 : vector<16xf32>
      %max3A_249 = arith.constant 0.000000e+00 : f32
      %max3A_250 = vector.broadcast %max3A_249 : f32 to vector<16xf32>
      %max3A_251 = arith.maximumf %add3A_248, %max3A_250 : vector<16xf32>
      %swap3A_252 = arith.constant 0 : i32
      %swap3A_253 = arith.index_cast %swap3A_252 : i32 to index
      %swap3A_254 = arith.index_cast %scan3A_99 : i32 to index
      %swap3A_255 = arith.constant 96 : index
      %swap3A_256 = tpu.vector_load %arg10[%swap3A_253, %swap3A_254, %swap3A_255] {strides = array<i32>} : memref<2x80x128xf32, #tpu.memory_space<vmem>>, vector<1x1x16xf32>,
      %swap3A_257 = vector.shape_cast %swap3A_256 : vector<1x1x16xf32> to vector<16xf32>
      %swap3A_258 = vector.shape_cast %max3A_251 : vector<16xf32> to vector<1x1x16xf32>
      tpu.vector_store %arg10[%swap3A_253, %swap3A_254, %swap3A_255], %swap3A_258 {strides = array<i32>} : memref<2x80x128xf32, #tpu.memory_space<vmem>>, vector<1x1x16xf32>,
      %get3A_259 = arith.constant 0 : i32
      %get3A_260 = arith.index_cast %get3A_259 : i32 to index
      %get3A_261 = arith.index_cast %scan3A_99 : i32 to index
      %get3A_262 = arith.constant 112 : index
      %get3A_263 = tpu.vector_load %arg10[%get3A_260, %get3A_261, %get3A_262] {strides = array<i32>} : memref<2x80x128xf32, #tpu.memory_space<vmem>>, vector<1x1x16xf32>,
      %get3A_264 = vector.shape_cast %get3A_263 : vector<1x1x16xf32> to vector<16xf32>
      %get3A_265 = arith.constant 0 : i32
      %get3A_266 = arith.index_cast %get3A_265 : i32 to index
      %get3A_267 = arith.index_cast %scan3A_99 : i32 to index
      %get3A_268 = arith.constant 112 : index
      %get3A_269 = tpu.vector_load %arg9[%get3A_266, %get3A_267, %get3A_268] {strides = array<i32>} : memref<2x80x128xf32, #tpu.memory_space<vmem>>, vector<1x1x16xf32>,
      %get3A_270 = vector.shape_cast %get3A_269 : vector<1x1x16xf32> to vector<16xf32>
      %add3A_271 = arith.addf %get3A_264, %get3A_270 : vector<16xf32>
      %max3A_272 = arith.constant 0.000000e+00 : f32
      %max3A_273 = vector.broadcast %max3A_272 : f32 to vector<16xf32>
      %max3A_274 = arith.maximumf %add3A_271, %max3A_273 : vector<16xf32>
      %swap3A_275 = arith.constant 0 : i32
      %swap3A_276 = arith.index_cast %swap3A_275 : i32 to index
      %swap3A_277 = arith.index_cast %scan3A_99 : i32 to index
      %swap3A_278 = arith.constant 112 : index
      %swap3A_279 = tpu.vector_load %arg10[%swap3A_276, %swap3A_277, %swap3A_278] {strides = array<i32>} : memref<2x80x128xf32, #tpu.memory_space<vmem>>, vector<1x1x16xf32>,
      %swap3A_280 = vector.shape_cast %swap3A_279 : vector<1x1x16xf32> to vector<16xf32>
      %swap3A_281 = vector.shape_cast %max3A_274 : vector<16xf32> to vector<1x1x16xf32>
      tpu.vector_store %arg10[%swap3A_276, %swap3A_277, %swap3A_278], %swap3A_281 {strides = array<i32>} : memref<2x80x128xf32, #tpu.memory_space<vmem>>, vector<1x1x16xf32>,
      %scan3A_282 = arith.constant 0 : i32
      scf.yield %scan3A_282 : i32
    }
    %scan3A_92 = arith.constant 80 : i32
    %run_scoped3A_93 = arith.constant 0 : i32
    %run_scoped3A_94 = arith.constant 0 : i32
    "tpu.region"() ({
      %run_scoped3A_99 = tpu.sem_alloc : memref<!tpu.dma_semaphore, #tpu.memory_space<semaphore_mem>>
      %dma_start3A_100 = arith.constant 0 : i32
      %dma_start3A_101 = arith.constant 0 : i32
      %dma_start3A_102 = tpu.memref_slice %arg10[%run_scoped3A_93, %dma_start3A_100, %dma_start3A_101] : memref<2x80x128xf32, #tpu.memory_space<vmem>> -> memref<1x80x128xf32, #tpu.memory_space<vmem>>
      %dma_start3A_103 = tpu.memref_squeeze %dma_start3A_102 : memref<1x80x128xf32, #tpu.memory_space<vmem>> -> memref<80x128xf32, #tpu.memory_space<vmem>>
      %dma_start3A_104 = arith.constant 0 : i32
      %dma_start3A_105 = tpu.memref_slice %arg8[%run_scoped3A_94, %dma_start3A_104] : memref<2x80xi32, #tpu.memory_space<vmem>> -> memref<1x80xi32, #tpu.memory_space<vmem>>
      %dma_start3A_106 = tpu.memref_squeeze %dma_start3A_105 : memref<1x80xi32, #tpu.memory_space<vmem>> -> memref<80xi32, #tpu.memory_space<vmem>>
      %dma_start3A_107 = arith.constant 0 : i32
      %dma_start3A_108 = arith.constant 0 : i32
      %dma_start3A_109 = tpu.memref_slice %arg11[%dma_start3A_107, %dma_start3A_108] : memref<10240x128xf32, #tpu.memory_space<vmem_shared>> -> memref<10240x128xf32, #tpu.memory_space<vmem_shared>>
      tpu.enqueue_indirect_dma source(%dma_start3A_103 : memref<80x128xf32, #tpu.memory_space<vmem>>) target(%dma_start3A_109 : memref<10240x128xf32, #tpu.memory_space<vmem_shared>>) offsets(%dma_start3A_106 : memref<80xi32, #tpu.memory_space<vmem>>) semaphore(%run_scoped3A_99 : memref<!tpu.dma_semaphore, #tpu.memory_space<semaphore_mem>>) {add = true}
      %dma_wait3A_110 = arith.constant 0 : i32
      %dma_wait3A_111 = arith.constant 0 : i32
      %dma_wait3A_112 = tpu.memref_slice %arg10[%run_scoped3A_93, %dma_wait3A_110, %dma_wait3A_111] : memref<2x80x128xf32, #tpu.memory_space<vmem>> -> memref<1x80x128xf32, #tpu.memory_space<vmem>>
      %dma_wait3A_113 = tpu.memref_squeeze %dma_wait3A_112 : memref<1x80x128xf32, #tpu.memory_space<vmem>> -> memref<80x128xf32, #tpu.memory_space<vmem>>
      %dma_wait3A_114 = arith.constant 0 : i32
      %dma_wait3A_115 = tpu.memref_slice %arg8[%run_scoped3A_94, %dma_wait3A_114] : memref<2x80xi32, #tpu.memory_space<vmem>> -> memref<1x80xi32, #tpu.memory_space<vmem>>
      %dma_wait3A_116 = tpu.memref_squeeze %dma_wait3A_115 : memref<1x80xi32, #tpu.memory_space<vmem>> -> memref<80xi32, #tpu.memory_space<vmem>>
      %dma_wait3A_117 = arith.constant 0 : i32
      %dma_wait3A_118 = arith.constant 0 : i32
      %dma_wait3A_119 = tpu.memref_slice %arg11[%dma_wait3A_117, %dma_wait3A_118] : memref<10240x128xf32, #tpu.memory_space<vmem_shared>> -> memref<10240x128xf32, #tpu.memory_space<vmem_shared>>
      tpu.wait_indirect_dma semaphore(%run_scoped3A_99 : memref<!tpu.dma_semaphore, #tpu.memory_space<semaphore_mem>>) src(%dma_wait3A_113 : memref<80x128xf32, #tpu.memory_space<vmem>>) dst(%dma_wait3A_119 : memref<10240x128xf32, #tpu.memory_space<vmem_shared>>)
      tpu.yield
    }) : () -> ()
    %barrier3A_95 = arith.constant 0 : index
    tpu.barrier barrier_id(%barrier3A_95)
    %mul3A_96 = arith.constant 640 : i32
    %mul3A_97 = arith.muli %arg1, %mul3A_96 : i32
    %multiple_of3A_98 = tpu.assume_multiple %mul3A_97, 8 : i32
    "tpu.region"() ({
      %run_scoped3A_99 = tpu.sem_alloc : memref<!tpu.dma_semaphore, #tpu.memory_space<semaphore_mem>>
      %dma_start3A_100 = arith.constant 0 : i32
      %dma_start3A_101 = tpu.memref_slice %arg6[%arg0, %multiple_of3A_98, %dma_start3A_100] : memref<2x10240x128xf32, #tpu.memory_space<hbm>> -> memref<1x640x128xf32, #tpu.memory_space<hbm>>
      %dma_start3A_102 = tpu.memref_squeeze %dma_start3A_101 : memref<1x640x128xf32, #tpu.memory_space<hbm>> -> memref<640x128xf32, #tpu.memory_space<hbm>>
      %dma_start3A_103 = arith.constant 0 : i32
      %dma_start3A_104 = tpu.memref_slice %arg11[%multiple_of3A_98, %dma_start3A_103] : memref<10240x128xf32, #tpu.memory_space<vmem_shared>> -> memref<640x128xf32, #tpu.memory_space<vmem_shared>>
      tpu.enqueue_dma source(%dma_start3A_104 : memref<640x128xf32, #tpu.memory_space<vmem_shared>>) target(%dma_start3A_102 : memref<640x128xf32, #tpu.memory_space<hbm>>) target_semaphore(%run_scoped3A_99 : memref<!tpu.dma_semaphore, #tpu.memory_space<semaphore_mem>>)
      %dma_wait3A_105 = arith.constant 0 : i32
      %dma_wait3A_106 = tpu.memref_slice %arg6[%arg0, %multiple_of3A_98, %dma_wait3A_105] : memref<2x10240x128xf32, #tpu.memory_space<hbm>> -> memref<1x640x128xf32, #tpu.memory_space<hbm>>
      %dma_wait3A_107 = tpu.memref_squeeze %dma_wait3A_106 : memref<1x640x128xf32, #tpu.memory_space<hbm>> -> memref<640x128xf32, #tpu.memory_space<hbm>>
      %dma_wait3A_108 = arith.constant 0 : i32
      %dma_wait3A_109 = tpu.memref_slice %arg11[%multiple_of3A_98, %dma_wait3A_108] : memref<10240x128xf32, #tpu.memory_space<vmem_shared>> -> memref<640x128xf32, #tpu.memory_space<vmem_shared>>
      tpu.wait_dma2 semaphore(%run_scoped3A_99 : memref<!tpu.dma_semaphore, #tpu.memory_space<semaphore_mem>>) src(%dma_wait3A_109 : memref<640x128xf32, #tpu.memory_space<vmem_shared>>) dst(%dma_wait3A_107 : memref<640x128xf32, #tpu.memory_space<hbm>>)
      tpu.yield
    }) : () -> ()
    return
  }
}

#map = affine_map<(d0, d1) -> (0, 0)>
#map1 = affine_map<(d0, d1) -> (0)>
#map2 = affine_map<(d0, d1) -> (0, 0, 0)>
module attributes {stable_mosaic.version = 14 : i64} {
  func.func @_edge_body(%arg0: i32, %arg1: i32, %arg2: memref<10000x128xf32, #tpu.memory_space<hbm>>, %arg3: memref<320000x128xf32, #tpu.memory_space<hbm>>, %arg4: memref<320000xi32, #tpu.memory_space<hbm>>, %arg5: memref<320000xi32, #tpu.memory_space<hbm>>, %arg6: memref<2x10240x128xf32, #tpu.memory_space<hbm>>, %arg7: memref<2x80xi32, #tpu.memory_space<vmem>>, %arg8: memref<2x80xi32, #tpu.memory_space<vmem>>, %arg9: memref<2x80x128xf32, #tpu.memory_space<vmem>>, %arg10: memref<2x80x128xf32, #tpu.memory_space<vmem>>, %arg11: memref<10240x128xf32, #tpu.memory_space<vmem_shared>>, %arg12: memref<2x!tpu.dma_semaphore, #tpu.memory_space<semaphore_mem>>, %arg13: memref<2x!tpu.dma_semaphore, #tpu.memory_space<semaphore_mem>>, %arg14: memref<2x!tpu.dma_semaphore, #tpu.memory_space<semaphore_mem>>) attributes {dimension_semantics = [#tpu.dimension_semantics<core_parallel>, #tpu.dimension_semantics<subcore_parallel>], iteration_bounds = array<i64: 2, 16>, scalar_prefetch = 0 : i64, scratch_operands = 8 : i64, tpu.core_type = #tpu.core_type<sc_vector_subcore>, window_params = [{transform_indices = #map}, {transform_indices = #map}, {transform_indices = #map1}, {transform_indices = #map1}, {transform_indices = #map2}]} {
    %mul3A = arith.constant 2 : i32
    %mul3A_0 = arith.muli %arg1, %mul3A : i32
    %add3A = arith.addi %mul3A_0, %arg0 : i32
    %mul3A_1 = arith.constant 10000 : i32
    %mul3A_2 = arith.muli %add3A, %mul3A_1 : i32
    %broadcast_in_dim3A = arith.constant 0.000000e+00 : f32
    %broadcast_in_dim3A_3 = vector.broadcast %broadcast_in_dim3A : f32 to vector<16xf32>
    %scan3A = arith.constant 0 : i32
    %scan3A_4 = arith.constant 0 : i32
    %scan3A_5 = arith.constant 80 : i32
    %scan3A_6 = arith.addi %scan3A_4, %scan3A_5 : i32
    %scan3A_7 = arith.constant 1 : i32
    %scan3A_8 = scf.for %scan3A_99 = %scan3A_4 to %scan3A_6 step %scan3A_7 iter_args(%scan3A_100 = %scan3A) -> (i32)  : i32 {
      %swap3A = arith.constant 0 : i32
      %swap3A_101 = arith.index_cast %swap3A : i32 to index
      %swap3A_102 = arith.index_cast %scan3A_99 : i32 to index
      %swap3A_103 = arith.constant 0 : index
      %swap3A_104 = tpu.vector_load %arg10[%swap3A_101, %swap3A_102, %swap3A_103] {strides = array<i32>} : memref<2x80x128xf32, #tpu.memory_space<vmem>>, vector<1x1x16xf32>,
      %swap3A_105 = vector.shape_cast %swap3A_104 : vector<1x1x16xf32> to vector<16xf32>
      %swap3A_106 = vector.shape_cast %broadcast_in_dim3A_3 : vector<16xf32> to vector<1x1x16xf32>
      tpu.vector_store %arg10[%swap3A_101, %swap3A_102, %swap3A_103], %swap3A_106 {strides = array<i32>} : memref<2x80x128xf32, #tpu.memory_space<vmem>>, vector<1x1x16xf32>,
      %swap3A_107 = arith.constant 0 : i32
      %swap3A_108 = arith.index_cast %swap3A_107 : i32 to index
      %swap3A_109 = arith.index_cast %scan3A_99 : i32 to index
      %swap3A_110 = arith.constant 16 : index
      %swap3A_111 = tpu.vector_load %arg10[%swap3A_108, %swap3A_109, %swap3A_110] {strides = array<i32>} : memref<2x80x128xf32, #tpu.memory_space<vmem>>, vector<1x1x16xf32>,
      %swap3A_112 = vector.shape_cast %swap3A_111 : vector<1x1x16xf32> to vector<16xf32>
      %swap3A_113 = vector.shape_cast %broadcast_in_dim3A_3 : vector<16xf32> to vector<1x1x16xf32>
      tpu.vector_store %arg10[%swap3A_108, %swap3A_109, %swap3A_110], %swap3A_113 {strides = array<i32>} : memref<2x80x128xf32, #tpu.memory_space<vmem>>, vector<1x1x16xf32>,
      %swap3A_114 = arith.constant 0 : i32
      %swap3A_115 = arith.index_cast %swap3A_114 : i32 to index
      %swap3A_116 = arith.index_cast %scan3A_99 : i32 to index
      %swap3A_117 = arith.constant 32 : index
      %swap3A_118 = tpu.vector_load %arg10[%swap3A_115, %swap3A_116, %swap3A_117] {strides = array<i32>} : memref<2x80x128xf32, #tpu.memory_space<vmem>>, vector<1x1x16xf32>,
      %swap3A_119 = vector.shape_cast %swap3A_118 : vector<1x1x16xf32> to vector<16xf32>
      %swap3A_120 = vector.shape_cast %broadcast_in_dim3A_3 : vector<16xf32> to vector<1x1x16xf32>
      tpu.vector_store %arg10[%swap3A_115, %swap3A_116, %swap3A_117], %swap3A_120 {strides = array<i32>} : memref<2x80x128xf32, #tpu.memory_space<vmem>>, vector<1x1x16xf32>,
      %swap3A_121 = arith.constant 0 : i32
      %swap3A_122 = arith.index_cast %swap3A_121 : i32 to index
      %swap3A_123 = arith.index_cast %scan3A_99 : i32 to index
      %swap3A_124 = arith.constant 48 : index
      %swap3A_125 = tpu.vector_load %arg10[%swap3A_122, %swap3A_123, %swap3A_124] {strides = array<i32>} : memref<2x80x128xf32, #tpu.memory_space<vmem>>, vector<1x1x16xf32>,
      %swap3A_126 = vector.shape_cast %swap3A_125 : vector<1x1x16xf32> to vector<16xf32>
      %swap3A_127 = vector.shape_cast %broadcast_in_dim3A_3 : vector<16xf32> to vector<1x1x16xf32>
      tpu.vector_store %arg10[%swap3A_122, %swap3A_123, %swap3A_124], %swap3A_127 {strides = array<i32>} : memref<2x80x128xf32, #tpu.memory_space<vmem>>, vector<1x1x16xf32>,
      %swap3A_128 = arith.constant 0 : i32
      %swap3A_129 = arith.index_cast %swap3A_128 : i32 to index
      %swap3A_130 = arith.index_cast %scan3A_99 : i32 to index
      %swap3A_131 = arith.constant 64 : index
      %swap3A_132 = tpu.vector_load %arg10[%swap3A_129, %swap3A_130, %swap3A_131] {strides = array<i32>} : memref<2x80x128xf32, #tpu.memory_space<vmem>>, vector<1x1x16xf32>,
      %swap3A_133 = vector.shape_cast %swap3A_132 : vector<1x1x16xf32> to vector<16xf32>
      %swap3A_134 = vector.shape_cast %broadcast_in_dim3A_3 : vector<16xf32> to vector<1x1x16xf32>
      tpu.vector_store %arg10[%swap3A_129, %swap3A_130, %swap3A_131], %swap3A_134 {strides = array<i32>} : memref<2x80x128xf32, #tpu.memory_space<vmem>>, vector<1x1x16xf32>,
      %swap3A_135 = arith.constant 0 : i32
      %swap3A_136 = arith.index_cast %swap3A_135 : i32 to index
      %swap3A_137 = arith.index_cast %scan3A_99 : i32 to index
      %swap3A_138 = arith.constant 80 : index
      %swap3A_139 = tpu.vector_load %arg10[%swap3A_136, %swap3A_137, %swap3A_138] {strides = array<i32>} : memref<2x80x128xf32, #tpu.memory_space<vmem>>, vector<1x1x16xf32>,
      %swap3A_140 = vector.shape_cast %swap3A_139 : vector<1x1x16xf32> to vector<16xf32>
      %swap3A_141 = vector.shape_cast %broadcast_in_dim3A_3 : vector<16xf32> to vector<1x1x16xf32>
      tpu.vector_store %arg10[%swap3A_136, %swap3A_137, %swap3A_138], %swap3A_141 {strides = array<i32>} : memref<2x80x128xf32, #tpu.memory_space<vmem>>, vector<1x1x16xf32>,
      %swap3A_142 = arith.constant 0 : i32
      %swap3A_143 = arith.index_cast %swap3A_142 : i32 to index
      %swap3A_144 = arith.index_cast %scan3A_99 : i32 to index
      %swap3A_145 = arith.constant 96 : index
      %swap3A_146 = tpu.vector_load %arg10[%swap3A_143, %swap3A_144, %swap3A_145] {strides = array<i32>} : memref<2x80x128xf32, #tpu.memory_space<vmem>>, vector<1x1x16xf32>,
      %swap3A_147 = vector.shape_cast %swap3A_146 : vector<1x1x16xf32> to vector<16xf32>
      %swap3A_148 = vector.shape_cast %broadcast_in_dim3A_3 : vector<16xf32> to vector<1x1x16xf32>
      tpu.vector_store %arg10[%swap3A_143, %swap3A_144, %swap3A_145], %swap3A_148 {strides = array<i32>} : memref<2x80x128xf32, #tpu.memory_space<vmem>>, vector<1x1x16xf32>,
      %swap3A_149 = arith.constant 0 : i32
      %swap3A_150 = arith.index_cast %swap3A_149 : i32 to index
      %swap3A_151 = arith.index_cast %scan3A_99 : i32 to index
      %swap3A_152 = arith.constant 112 : index
      %swap3A_153 = tpu.vector_load %arg10[%swap3A_150, %swap3A_151, %swap3A_152] {strides = array<i32>} : memref<2x80x128xf32, #tpu.memory_space<vmem>>, vector<1x1x16xf32>,
      %swap3A_154 = vector.shape_cast %swap3A_153 : vector<1x1x16xf32> to vector<16xf32>
      %swap3A_155 = vector.shape_cast %broadcast_in_dim3A_3 : vector<16xf32> to vector<1x1x16xf32>
      tpu.vector_store %arg10[%swap3A_150, %swap3A_151, %swap3A_152], %swap3A_155 {strides = array<i32>} : memref<2x80x128xf32, #tpu.memory_space<vmem>>, vector<1x1x16xf32>,
      %scan3A_156 = arith.constant 0 : i32
      scf.yield %scan3A_156 : i32
    }
    %scan3A_9 = arith.constant 80 : i32
    %scan3A_10 = arith.constant 0 : i32
    %scan3A_11 = arith.constant 0 : i32
    %scan3A_12 = arith.constant 8 : i32
    %scan3A_13 = arith.addi %scan3A_11, %scan3A_12 : i32
    %scan3A_14 = arith.constant 1 : i32
    %scan3A_15 = scf.for %scan3A_99 = %scan3A_11 to %scan3A_13 step %scan3A_14 iter_args(%scan3A_100 = %scan3A_10) -> (i32)  : i32 {
      %mul3A_101 = arith.constant 640 : i32
      %mul3A_102 = arith.muli %arg1, %mul3A_101 : i32
      %mul3A_103 = arith.constant 80 : i32
      %mul3A_104 = arith.muli %scan3A_99, %mul3A_103 : i32
      %add3A_105 = arith.addi %mul3A_102, %mul3A_104 : i32
      %multiple_of3A_106 = tpu.assume_multiple %add3A_105, 8 : i32
      %run_scoped3A_107 = arith.constant 0 : i32
      "tpu.region"() ({
        %run_scoped3A_109 = tpu.sem_alloc : memref<!tpu.dma_semaphore, #tpu.memory_space<semaphore_mem>>
        %dma_start3A_110 = arith.constant 0 : i32
        %dma_start3A_111 = arith.constant 0 : i32
        %dma_start3A_112 = tpu.memref_slice %arg10[%run_scoped3A_107, %dma_start3A_110, %dma_start3A_111] : memref<2x80x128xf32, #tpu.memory_space<vmem>> -> memref<1x80x128xf32, #tpu.memory_space<vmem>>
        %dma_start3A_113 = tpu.memref_squeeze %dma_start3A_112 : memref<1x80x128xf32, #tpu.memory_space<vmem>> -> memref<80x128xf32, #tpu.memory_space<vmem>>
        %dma_start3A_114 = arith.constant 0 : i32
        %dma_start3A_115 = tpu.memref_slice %arg11[%multiple_of3A_106, %dma_start3A_114] : memref<10240x128xf32, #tpu.memory_space<vmem_shared>> -> memref<80x128xf32, #tpu.memory_space<vmem_shared>>
        %dma_start3A_116 = arith.constant 0 : i32
        %dma_start3A_117 = tpu.memref_slice %arg11[%multiple_of3A_106, %dma_start3A_116] : memref<10240x128xf32, #tpu.memory_space<vmem_shared>> -> memref<80x128xf32, #tpu.memory_space<vmem_shared>>
        %dma_start3A_118 = arith.constant 0 : i32
        %dma_start3A_119 = arith.constant 0 : i32
        %dma_start3A_120 = tpu.memref_slice %arg10[%run_scoped3A_107, %dma_start3A_118, %dma_start3A_119] : memref<2x80x128xf32, #tpu.memory_space<vmem>> -> memref<1x80x128xf32, #tpu.memory_space<vmem>>
        %dma_start3A_121 = tpu.memref_squeeze %dma_start3A_120 : memref<1x80x128xf32, #tpu.memory_space<vmem>> -> memref<80x128xf32, #tpu.memory_space<vmem>>
        tpu.enqueue_dma source(%dma_start3A_121 : memref<80x128xf32, #tpu.memory_space<vmem>>) target(%dma_start3A_117 : memref<80x128xf32, #tpu.memory_space<vmem_shared>>) target_semaphore(%run_scoped3A_109 : memref<!tpu.dma_semaphore, #tpu.memory_space<semaphore_mem>>)
        %dma_wait3A_122 = arith.constant 0 : i32
        %dma_wait3A_123 = arith.constant 0 : i32
        %dma_wait3A_124 = tpu.memref_slice %arg10[%run_scoped3A_107, %dma_wait3A_122, %dma_wait3A_123] : memref<2x80x128xf32, #tpu.memory_space<vmem>> -> memref<1x80x128xf32, #tpu.memory_space<vmem>>
        %dma_wait3A_125 = tpu.memref_squeeze %dma_wait3A_124 : memref<1x80x128xf32, #tpu.memory_space<vmem>> -> memref<80x128xf32, #tpu.memory_space<vmem>>
        %dma_wait3A_126 = arith.constant 0 : i32
        %dma_wait3A_127 = tpu.memref_slice %arg11[%multiple_of3A_106, %dma_wait3A_126] : memref<10240x128xf32, #tpu.memory_space<vmem_shared>> -> memref<80x128xf32, #tpu.memory_space<vmem_shared>>
        %dma_wait3A_128 = arith.constant 0 : i32
        %dma_wait3A_129 = tpu.memref_slice %arg11[%multiple_of3A_106, %dma_wait3A_128] : memref<10240x128xf32, #tpu.memory_space<vmem_shared>> -> memref<80x128xf32, #tpu.memory_space<vmem_shared>>
        %dma_wait3A_130 = arith.constant 0 : i32
        %dma_wait3A_131 = arith.constant 0 : i32
        %dma_wait3A_132 = tpu.memref_slice %arg10[%run_scoped3A_107, %dma_wait3A_130, %dma_wait3A_131] : memref<2x80x128xf32, #tpu.memory_space<vmem>> -> memref<1x80x128xf32, #tpu.memory_space<vmem>>
        %dma_wait3A_133 = tpu.memref_squeeze %dma_wait3A_132 : memref<1x80x128xf32, #tpu.memory_space<vmem>> -> memref<80x128xf32, #tpu.memory_space<vmem>>
        tpu.wait_dma2 semaphore(%run_scoped3A_109 : memref<!tpu.dma_semaphore, #tpu.memory_space<semaphore_mem>>) src(%dma_wait3A_133 : memref<80x128xf32, #tpu.memory_space<vmem>>) dst(%dma_wait3A_129 : memref<80x128xf32, #tpu.memory_space<vmem_shared>>)
        tpu.yield
      }) : () -> ()
      %scan3A_108 = arith.constant 0 : i32
      scf.yield %scan3A_108 : i32
    }
    %scan3A_16 = arith.constant 8 : i32
    %barrier3A = arith.constant 0 : index
    tpu.barrier barrier_id(%barrier3A)
    %scan3A_17 = arith.constant 0 : i32
    %scan3A_18 = arith.constant 0 : i32
    %scan3A_19 = arith.constant 62 : i32
    %scan3A_20 = arith.addi %scan3A_18, %scan3A_19 : i32
    %scan3A_21 = arith.constant 1 : i32
    %scan3A_22 = scf.for %scan3A_99 = %scan3A_18 to %scan3A_20 step %scan3A_21 iter_args(%scan3A_100 = %scan3A_17) -> (i32)  : i32 {
      %gt3A = arith.constant 0 : i32
      %gt3A_101 = arith.cmpi sgt, %scan3A_99, %gt3A : i32
      %convert_element_type3A = arith.extui %gt3A_101 : i1 to i32
      %cond3A = arith.constant 0 : i32
      %cond3A_102 = arith.cmpi ne, %convert_element_type3A, %cond3A : i32
      scf.if %cond3A_102 {
        %dma_wait3A_389 = arith.constant 0 : i32
        %dma_wait3A_390 = arith.constant 0 : i32
        %dma_wait3A_391 = arith.constant 0 : i32
        %dma_wait3A_392 = arith.constant 0 : i32
        %dma_wait3A_393 = arith.constant 0 : i32
        %dma_wait3A_394 = tpu.memref_slice %arg10[%dma_wait3A_389, %dma_wait3A_392, %dma_wait3A_393] : memref<2x80x128xf32, #tpu.memory_space<vmem>> -> memref<1x80x128xf32, #tpu.memory_space<vmem>>
        %dma_wait3A_395 = tpu.memref_squeeze %dma_wait3A_394 : memref<1x80x128xf32, #tpu.memory_space<vmem>> -> memref<80x128xf32, #tpu.memory_space<vmem>>
        %dma_wait3A_396 = arith.constant 0 : i32
        %dma_wait3A_397 = tpu.memref_slice %arg8[%dma_wait3A_390, %dma_wait3A_396] : memref<2x80xi32, #tpu.memory_space<vmem>> -> memref<1x80xi32, #tpu.memory_space<vmem>>
        %dma_wait3A_398 = tpu.memref_squeeze %dma_wait3A_397 : memref<1x80xi32, #tpu.memory_space<vmem>> -> memref<80xi32, #tpu.memory_space<vmem>>
        %dma_wait3A_399 = arith.constant 0 : i32
        %dma_wait3A_400 = arith.constant 0 : i32
        %dma_wait3A_401 = tpu.memref_slice %arg11[%dma_wait3A_399, %dma_wait3A_400] : memref<10240x128xf32, #tpu.memory_space<vmem_shared>> -> memref<10240x128xf32, #tpu.memory_space<vmem_shared>>
        %dma_wait3A_402 = tpu.memref_slice %arg14[%dma_wait3A_391] : memref<2x!tpu.dma_semaphore, #tpu.memory_space<semaphore_mem>> -> memref<1x!tpu.dma_semaphore, #tpu.memory_space<semaphore_mem>>
        %dma_wait3A_403 = tpu.memref_squeeze %dma_wait3A_402 : memref<1x!tpu.dma_semaphore, #tpu.memory_space<semaphore_mem>> -> memref<!tpu.dma_semaphore, #tpu.memory_space<semaphore_mem>>
        tpu.wait_indirect_dma semaphore(%dma_wait3A_403 : memref<!tpu.dma_semaphore, #tpu.memory_space<semaphore_mem>>) src(%dma_wait3A_395 : memref<80x128xf32, #tpu.memory_space<vmem>>) dst(%dma_wait3A_401 : memref<10240x128xf32, #tpu.memory_space<vmem_shared>>)
      } else {
      }
      %mul3A_103 = arith.constant 2 : i32
      %mul3A_104 = arith.muli %scan3A_99, %mul3A_103 : i32
      %add3A_105 = arith.constant 0 : i32
      %add3A_106 = arith.addi %mul3A_104, %add3A_105 : i32
      %mul3A_107 = arith.constant 80 : i32
      %mul3A_108 = arith.muli %add3A_106, %mul3A_107 : i32
      %add3A_109 = arith.addi %mul3A_2, %mul3A_108 : i32
      %multiple_of3A_110 = tpu.assume_multiple %add3A_109, 8 : i32
      %dma_start3A_111 = arith.constant 0 : i32
      %dma_start3A_112 = arith.constant 0 : i32
      %dma_start3A_113 = arith.constant 0 : i32
      %dma_start3A_114 = tpu.memref_slice %arg7[%dma_start3A_111, %dma_start3A_113] : memref<2x80xi32, #tpu.memory_space<vmem>> -> memref<1x80xi32, #tpu.memory_space<vmem>>
      %dma_start3A_115 = tpu.memref_squeeze %dma_start3A_114 : memref<1x80xi32, #tpu.memory_space<vmem>> -> memref<80xi32, #tpu.memory_space<vmem>>
      %dma_start3A_116 = tpu.memref_slice %arg4[%multiple_of3A_110] : memref<320000xi32, #tpu.memory_space<hbm>> -> memref<80xi32, #tpu.memory_space<hbm>>
      %dma_start3A_117 = tpu.memref_slice %arg12[%dma_start3A_112] : memref<2x!tpu.dma_semaphore, #tpu.memory_space<semaphore_mem>> -> memref<1x!tpu.dma_semaphore, #tpu.memory_space<semaphore_mem>>
      %dma_start3A_118 = tpu.memref_squeeze %dma_start3A_117 : memref<1x!tpu.dma_semaphore, #tpu.memory_space<semaphore_mem>> -> memref<!tpu.dma_semaphore, #tpu.memory_space<semaphore_mem>>
      %dma_start3A_119 = arith.constant 0 : i32
      %dma_start3A_120 = tpu.memref_slice %arg7[%dma_start3A_111, %dma_start3A_119] : memref<2x80xi32, #tpu.memory_space<vmem>> -> memref<1x80xi32, #tpu.memory_space<vmem>>
      %dma_start3A_121 = tpu.memref_squeeze %dma_start3A_120 : memref<1x80xi32, #tpu.memory_space<vmem>> -> memref<80xi32, #tpu.memory_space<vmem>>
      %dma_start3A_122 = tpu.memref_slice %arg4[%multiple_of3A_110] : memref<320000xi32, #tpu.memory_space<hbm>> -> memref<80xi32, #tpu.memory_space<hbm>>
      tpu.enqueue_dma source(%dma_start3A_122 : memref<80xi32, #tpu.memory_space<hbm>>) target(%dma_start3A_121 : memref<80xi32, #tpu.memory_space<vmem>>) target_semaphore(%dma_start3A_118 : memref<!tpu.dma_semaphore, #tpu.memory_space<semaphore_mem>>)
      %dma_start3A_123 = arith.constant 0 : i32
      %dma_start3A_124 = arith.constant 0 : i32
      %dma_start3A_125 = arith.constant 0 : i32
      %dma_start3A_126 = tpu.memref_slice %arg8[%dma_start3A_123, %dma_start3A_125] : memref<2x80xi32, #tpu.memory_space<vmem>> -> memref<1x80xi32, #tpu.memory_space<vmem>>
      %dma_start3A_127 = tpu.memref_squeeze %dma_start3A_126 : memref<1x80xi32, #tpu.memory_space<vmem>> -> memref<80xi32, #tpu.memory_space<vmem>>
      %dma_start3A_128 = tpu.memref_slice %arg5[%multiple_of3A_110] : memref<320000xi32, #tpu.memory_space<hbm>> -> memref<80xi32, #tpu.memory_space<hbm>>
      %dma_start3A_129 = tpu.memref_slice %arg12[%dma_start3A_124] : memref<2x!tpu.dma_semaphore, #tpu.memory_space<semaphore_mem>> -> memref<1x!tpu.dma_semaphore, #tpu.memory_space<semaphore_mem>>
      %dma_start3A_130 = tpu.memref_squeeze %dma_start3A_129 : memref<1x!tpu.dma_semaphore, #tpu.memory_space<semaphore_mem>> -> memref<!tpu.dma_semaphore, #tpu.memory_space<semaphore_mem>>
      %dma_start3A_131 = arith.constant 0 : i32
      %dma_start3A_132 = tpu.memref_slice %arg8[%dma_start3A_123, %dma_start3A_131] : memref<2x80xi32, #tpu.memory_space<vmem>> -> memref<1x80xi32, #tpu.memory_space<vmem>>
      %dma_start3A_133 = tpu.memref_squeeze %dma_start3A_132 : memref<1x80xi32, #tpu.memory_space<vmem>> -> memref<80xi32, #tpu.memory_space<vmem>>
      %dma_start3A_134 = tpu.memref_slice %arg5[%multiple_of3A_110] : memref<320000xi32, #tpu.memory_space<hbm>> -> memref<80xi32, #tpu.memory_space<hbm>>
      tpu.enqueue_dma source(%dma_start3A_134 : memref<80xi32, #tpu.memory_space<hbm>>) target(%dma_start3A_133 : memref<80xi32, #tpu.memory_space<vmem>>) target_semaphore(%dma_start3A_130 : memref<!tpu.dma_semaphore, #tpu.memory_space<semaphore_mem>>)
      %dma_start3A_135 = arith.constant 0 : i32
      %dma_start3A_136 = arith.constant 0 : i32
      %dma_start3A_137 = arith.constant 0 : i32
      %dma_start3A_138 = arith.constant 0 : i32
      %dma_start3A_139 = tpu.memref_slice %arg9[%dma_start3A_135, %dma_start3A_137, %dma_start3A_138] : memref<2x80x128xf32, #tpu.memory_space<vmem>> -> memref<1x80x128xf32, #tpu.memory_space<vmem>>
      %dma_start3A_140 = tpu.memref_squeeze %dma_start3A_139 : memref<1x80x128xf32, #tpu.memory_space<vmem>> -> memref<80x128xf32, #tpu.memory_space<vmem>>
      %dma_start3A_141 = arith.constant 0 : i32
      %dma_start3A_142 = tpu.memref_slice %arg3[%multiple_of3A_110, %dma_start3A_141] : memref<320000x128xf32, #tpu.memory_space<hbm>> -> memref<80x128xf32, #tpu.memory_space<hbm>>
      %dma_start3A_143 = tpu.memref_slice %arg12[%dma_start3A_136] : memref<2x!tpu.dma_semaphore, #tpu.memory_space<semaphore_mem>> -> memref<1x!tpu.dma_semaphore, #tpu.memory_space<semaphore_mem>>
      %dma_start3A_144 = tpu.memref_squeeze %dma_start3A_143 : memref<1x!tpu.dma_semaphore, #tpu.memory_space<semaphore_mem>> -> memref<!tpu.dma_semaphore, #tpu.memory_space<semaphore_mem>>
      %dma_start3A_145 = arith.constant 0 : i32
      %dma_start3A_146 = arith.constant 0 : i32
      %dma_start3A_147 = tpu.memref_slice %arg9[%dma_start3A_135, %dma_start3A_145, %dma_start3A_146] : memref<2x80x128xf32, #tpu.memory_space<vmem>> -> memref<1x80x128xf32, #tpu.memory_space<vmem>>
      %dma_start3A_148 = tpu.memref_squeeze %dma_start3A_147 : memref<1x80x128xf32, #tpu.memory_space<vmem>> -> memref<80x128xf32, #tpu.memory_space<vmem>>
      %dma_start3A_149 = arith.constant 0 : i32
      %dma_start3A_150 = tpu.memref_slice %arg3[%multiple_of3A_110, %dma_start3A_149] : memref<320000x128xf32, #tpu.memory_space<hbm>> -> memref<80x128xf32, #tpu.memory_space<hbm>>
      tpu.enqueue_dma source(%dma_start3A_150 : memref<80x128xf32, #tpu.memory_space<hbm>>) target(%dma_start3A_148 : memref<80x128xf32, #tpu.memory_space<vmem>>) target_semaphore(%dma_start3A_144 : memref<!tpu.dma_semaphore, #tpu.memory_space<semaphore_mem>>)
      %gt3A_151 = arith.constant 0 : i32
      %gt3A_152 = arith.cmpi sgt, %scan3A_99, %gt3A_151 : i32
      %convert_element_type3A_153 = arith.extui %gt3A_152 : i1 to i32
      %cond3A_154 = arith.constant 0 : i32
      %cond3A_155 = arith.cmpi ne, %convert_element_type3A_153, %cond3A_154 : i32
      scf.if %cond3A_155 {
        %dma_wait3A_389 = arith.constant 1 : i32
        %dma_wait3A_390 = arith.constant 1 : i32
        %dma_wait3A_391 = arith.constant 1 : i32
        %dma_wait3A_392 = arith.constant 0 : i32
        %dma_wait3A_393 = arith.constant 0 : i32
        %dma_wait3A_394 = tpu.memref_slice %arg10[%dma_wait3A_389, %dma_wait3A_392, %dma_wait3A_393] : memref<2x80x128xf32, #tpu.memory_space<vmem>> -> memref<1x80x128xf32, #tpu.memory_space<vmem>>
        %dma_wait3A_395 = tpu.memref_squeeze %dma_wait3A_394 : memref<1x80x128xf32, #tpu.memory_space<vmem>> -> memref<80x128xf32, #tpu.memory_space<vmem>>
        %dma_wait3A_396 = arith.constant 0 : i32
        %dma_wait3A_397 = tpu.memref_slice %arg8[%dma_wait3A_390, %dma_wait3A_396] : memref<2x80xi32, #tpu.memory_space<vmem>> -> memref<1x80xi32, #tpu.memory_space<vmem>>
        %dma_wait3A_398 = tpu.memref_squeeze %dma_wait3A_397 : memref<1x80xi32, #tpu.memory_space<vmem>> -> memref<80xi32, #tpu.memory_space<vmem>>
        %dma_wait3A_399 = arith.constant 0 : i32
        %dma_wait3A_400 = arith.constant 0 : i32
        %dma_wait3A_401 = tpu.memref_slice %arg11[%dma_wait3A_399, %dma_wait3A_400] : memref<10240x128xf32, #tpu.memory_space<vmem_shared>> -> memref<10240x128xf32, #tpu.memory_space<vmem_shared>>
        %dma_wait3A_402 = tpu.memref_slice %arg14[%dma_wait3A_391] : memref<2x!tpu.dma_semaphore, #tpu.memory_space<semaphore_mem>> -> memref<1x!tpu.dma_semaphore, #tpu.memory_space<semaphore_mem>>
        %dma_wait3A_403 = tpu.memref_squeeze %dma_wait3A_402 : memref<1x!tpu.dma_semaphore, #tpu.memory_space<semaphore_mem>> -> memref<!tpu.dma_semaphore, #tpu.memory_space<semaphore_mem>>
        tpu.wait_indirect_dma semaphore(%dma_wait3A_403 : memref<!tpu.dma_semaphore, #tpu.memory_space<semaphore_mem>>) src(%dma_wait3A_395 : memref<80x128xf32, #tpu.memory_space<vmem>>) dst(%dma_wait3A_401 : memref<10240x128xf32, #tpu.memory_space<vmem_shared>>)
      } else {
      }
      %mul3A_156 = arith.constant 2 : i32
      %mul3A_157 = arith.muli %scan3A_99, %mul3A_156 : i32
      %add3A_158 = arith.constant 1 : i32
      %add3A_159 = arith.addi %mul3A_157, %add3A_158 : i32
      %mul3A_160 = arith.constant 80 : i32
      %mul3A_161 = arith.muli %add3A_159, %mul3A_160 : i32
      %add3A_162 = arith.addi %mul3A_2, %mul3A_161 : i32
      %multiple_of3A_163 = tpu.assume_multiple %add3A_162, 8 : i32
      %dma_start3A_164 = arith.constant 1 : i32
      %dma_start3A_165 = arith.constant 1 : i32
      %dma_start3A_166 = arith.constant 0 : i32
      %dma_start3A_167 = tpu.memref_slice %arg7[%dma_start3A_164, %dma_start3A_166] : memref<2x80xi32, #tpu.memory_space<vmem>> -> memref<1x80xi32, #tpu.memory_space<vmem>>
      %dma_start3A_168 = tpu.memref_squeeze %dma_start3A_167 : memref<1x80xi32, #tpu.memory_space<vmem>> -> memref<80xi32, #tpu.memory_space<vmem>>
      %dma_start3A_169 = tpu.memref_slice %arg4[%multiple_of3A_163] : memref<320000xi32, #tpu.memory_space<hbm>> -> memref<80xi32, #tpu.memory_space<hbm>>
      %dma_start3A_170 = tpu.memref_slice %arg12[%dma_start3A_165] : memref<2x!tpu.dma_semaphore, #tpu.memory_space<semaphore_mem>> -> memref<1x!tpu.dma_semaphore, #tpu.memory_space<semaphore_mem>>
      %dma_start3A_171 = tpu.memref_squeeze %dma_start3A_170 : memref<1x!tpu.dma_semaphore, #tpu.memory_space<semaphore_mem>> -> memref<!tpu.dma_semaphore, #tpu.memory_space<semaphore_mem>>
      %dma_start3A_172 = arith.constant 0 : i32
      %dma_start3A_173 = tpu.memref_slice %arg7[%dma_start3A_164, %dma_start3A_172] : memref<2x80xi32, #tpu.memory_space<vmem>> -> memref<1x80xi32, #tpu.memory_space<vmem>>
      %dma_start3A_174 = tpu.memref_squeeze %dma_start3A_173 : memref<1x80xi32, #tpu.memory_space<vmem>> -> memref<80xi32, #tpu.memory_space<vmem>>
      %dma_start3A_175 = tpu.memref_slice %arg4[%multiple_of3A_163] : memref<320000xi32, #tpu.memory_space<hbm>> -> memref<80xi32, #tpu.memory_space<hbm>>
      tpu.enqueue_dma source(%dma_start3A_175 : memref<80xi32, #tpu.memory_space<hbm>>) target(%dma_start3A_174 : memref<80xi32, #tpu.memory_space<vmem>>) target_semaphore(%dma_start3A_171 : memref<!tpu.dma_semaphore, #tpu.memory_space<semaphore_mem>>)
      %dma_start3A_176 = arith.constant 1 : i32
      %dma_start3A_177 = arith.constant 1 : i32
      %dma_start3A_178 = arith.constant 0 : i32
      %dma_start3A_179 = tpu.memref_slice %arg8[%dma_start3A_176, %dma_start3A_178] : memref<2x80xi32, #tpu.memory_space<vmem>> -> memref<1x80xi32, #tpu.memory_space<vmem>>
      %dma_start3A_180 = tpu.memref_squeeze %dma_start3A_179 : memref<1x80xi32, #tpu.memory_space<vmem>> -> memref<80xi32, #tpu.memory_space<vmem>>
      %dma_start3A_181 = tpu.memref_slice %arg5[%multiple_of3A_163] : memref<320000xi32, #tpu.memory_space<hbm>> -> memref<80xi32, #tpu.memory_space<hbm>>
      %dma_start3A_182 = tpu.memref_slice %arg12[%dma_start3A_177] : memref<2x!tpu.dma_semaphore, #tpu.memory_space<semaphore_mem>> -> memref<1x!tpu.dma_semaphore, #tpu.memory_space<semaphore_mem>>
      %dma_start3A_183 = tpu.memref_squeeze %dma_start3A_182 : memref<1x!tpu.dma_semaphore, #tpu.memory_space<semaphore_mem>> -> memref<!tpu.dma_semaphore, #tpu.memory_space<semaphore_mem>>
      %dma_start3A_184 = arith.constant 0 : i32
      %dma_start3A_185 = tpu.memref_slice %arg8[%dma_start3A_176, %dma_start3A_184] : memref<2x80xi32, #tpu.memory_space<vmem>> -> memref<1x80xi32, #tpu.memory_space<vmem>>
      %dma_start3A_186 = tpu.memref_squeeze %dma_start3A_185 : memref<1x80xi32, #tpu.memory_space<vmem>> -> memref<80xi32, #tpu.memory_space<vmem>>
      %dma_start3A_187 = tpu.memref_slice %arg5[%multiple_of3A_163] : memref<320000xi32, #tpu.memory_space<hbm>> -> memref<80xi32, #tpu.memory_space<hbm>>
      tpu.enqueue_dma source(%dma_start3A_187 : memref<80xi32, #tpu.memory_space<hbm>>) target(%dma_start3A_186 : memref<80xi32, #tpu.memory_space<vmem>>) target_semaphore(%dma_start3A_183 : memref<!tpu.dma_semaphore, #tpu.memory_space<semaphore_mem>>)
      %dma_start3A_188 = arith.constant 1 : i32
      %dma_start3A_189 = arith.constant 1 : i32
      %dma_start3A_190 = arith.constant 0 : i32
      %dma_start3A_191 = arith.constant 0 : i32
      %dma_start3A_192 = tpu.memref_slice %arg9[%dma_start3A_188, %dma_start3A_190, %dma_start3A_191] : memref<2x80x128xf32, #tpu.memory_space<vmem>> -> memref<1x80x128xf32, #tpu.memory_space<vmem>>
      %dma_start3A_193 = tpu.memref_squeeze %dma_start3A_192 : memref<1x80x128xf32, #tpu.memory_space<vmem>> -> memref<80x128xf32, #tpu.memory_space<vmem>>
      %dma_start3A_194 = arith.constant 0 : i32
      %dma_start3A_195 = tpu.memref_slice %arg3[%multiple_of3A_163, %dma_start3A_194] : memref<320000x128xf32, #tpu.memory_space<hbm>> -> memref<80x128xf32, #tpu.memory_space<hbm>>
      %dma_start3A_196 = tpu.memref_slice %arg12[%dma_start3A_189] : memref<2x!tpu.dma_semaphore, #tpu.memory_space<semaphore_mem>> -> memref<1x!tpu.dma_semaphore, #tpu.memory_space<semaphore_mem>>
      %dma_start3A_197 = tpu.memref_squeeze %dma_start3A_196 : memref<1x!tpu.dma_semaphore, #tpu.memory_space<semaphore_mem>> -> memref<!tpu.dma_semaphore, #tpu.memory_space<semaphore_mem>>
      %dma_start3A_198 = arith.constant 0 : i32
      %dma_start3A_199 = arith.constant 0 : i32
      %dma_start3A_200 = tpu.memref_slice %arg9[%dma_start3A_188, %dma_start3A_198, %dma_start3A_199] : memref<2x80x128xf32, #tpu.memory_space<vmem>> -> memref<1x80x128xf32, #tpu.memory_space<vmem>>
      %dma_start3A_201 = tpu.memref_squeeze %dma_start3A_200 : memref<1x80x128xf32, #tpu.memory_space<vmem>> -> memref<80x128xf32, #tpu.memory_space<vmem>>
      %dma_start3A_202 = arith.constant 0 : i32
      %dma_start3A_203 = tpu.memref_slice %arg3[%multiple_of3A_163, %dma_start3A_202] : memref<320000x128xf32, #tpu.memory_space<hbm>> -> memref<80x128xf32, #tpu.memory_space<hbm>>
      tpu.enqueue_dma source(%dma_start3A_203 : memref<80x128xf32, #tpu.memory_space<hbm>>) target(%dma_start3A_201 : memref<80x128xf32, #tpu.memory_space<vmem>>) target_semaphore(%dma_start3A_197 : memref<!tpu.dma_semaphore, #tpu.memory_space<semaphore_mem>>)
      %dma_wait3A_204 = arith.constant 0 : i32
      %dma_wait3A_205 = arith.constant 0 : i32
      %dma_wait3A_206 = arith.constant 0 : i32
      %dma_wait3A_207 = tpu.memref_slice %arg7[%dma_wait3A_204, %dma_wait3A_206] : memref<2x80xi32, #tpu.memory_space<vmem>> -> memref<1x80xi32, #tpu.memory_space<vmem>>
      %dma_wait3A_208 = tpu.memref_squeeze %dma_wait3A_207 : memref<1x80xi32, #tpu.memory_space<vmem>> -> memref<80xi32, #tpu.memory_space<vmem>>
      %dma_wait3A_209 = tpu.memref_slice %arg4[%multiple_of3A_110] : memref<320000xi32, #tpu.memory_space<hbm>> -> memref<80xi32, #tpu.memory_space<hbm>>
      %dma_wait3A_210 = tpu.memref_slice %arg12[%dma_wait3A_205] : memref<2x!tpu.dma_semaphore, #tpu.memory_space<semaphore_mem>> -> memref<1x!tpu.dma_semaphore, #tpu.memory_space<semaphore_mem>>
      %dma_wait3A_211 = tpu.memref_squeeze %dma_wait3A_210 : memref<1x!tpu.dma_semaphore, #tpu.memory_space<semaphore_mem>> -> memref<!tpu.dma_semaphore, #tpu.memory_space<semaphore_mem>>
      %dma_wait3A_212 = arith.constant 0 : i32
      %dma_wait3A_213 = tpu.memref_slice %arg7[%dma_wait3A_204, %dma_wait3A_212] : memref<2x80xi32, #tpu.memory_space<vmem>> -> memref<1x80xi32, #tpu.memory_space<vmem>>
      %dma_wait3A_214 = tpu.memref_squeeze %dma_wait3A_213 : memref<1x80xi32, #tpu.memory_space<vmem>> -> memref<80xi32, #tpu.memory_space<vmem>>
      %dma_wait3A_215 = tpu.memref_slice %arg4[%multiple_of3A_110] : memref<320000xi32, #tpu.memory_space<hbm>> -> memref<80xi32, #tpu.memory_space<hbm>>
      tpu.wait_dma2 semaphore(%dma_wait3A_211 : memref<!tpu.dma_semaphore, #tpu.memory_space<semaphore_mem>>) src(%dma_wait3A_215 : memref<80xi32, #tpu.memory_space<hbm>>) dst(%dma_wait3A_214 : memref<80xi32, #tpu.memory_space<vmem>>)
      %dma_wait3A_216 = arith.constant 0 : i32
      %dma_wait3A_217 = arith.constant 0 : i32
      %dma_wait3A_218 = arith.constant 0 : i32
      %dma_wait3A_219 = tpu.memref_slice %arg8[%dma_wait3A_216, %dma_wait3A_218] : memref<2x80xi32, #tpu.memory_space<vmem>> -> memref<1x80xi32, #tpu.memory_space<vmem>>
      %dma_wait3A_220 = tpu.memref_squeeze %dma_wait3A_219 : memref<1x80xi32, #tpu.memory_space<vmem>> -> memref<80xi32, #tpu.memory_space<vmem>>
      %dma_wait3A_221 = tpu.memref_slice %arg5[%multiple_of3A_110] : memref<320000xi32, #tpu.memory_space<hbm>> -> memref<80xi32, #tpu.memory_space<hbm>>
      %dma_wait3A_222 = tpu.memref_slice %arg12[%dma_wait3A_217] : memref<2x!tpu.dma_semaphore, #tpu.memory_space<semaphore_mem>> -> memref<1x!tpu.dma_semaphore, #tpu.memory_space<semaphore_mem>>
      %dma_wait3A_223 = tpu.memref_squeeze %dma_wait3A_222 : memref<1x!tpu.dma_semaphore, #tpu.memory_space<semaphore_mem>> -> memref<!tpu.dma_semaphore, #tpu.memory_space<semaphore_mem>>
      %dma_wait3A_224 = arith.constant 0 : i32
      %dma_wait3A_225 = tpu.memref_slice %arg8[%dma_wait3A_216, %dma_wait3A_224] : memref<2x80xi32, #tpu.memory_space<vmem>> -> memref<1x80xi32, #tpu.memory_space<vmem>>
      %dma_wait3A_226 = tpu.memref_squeeze %dma_wait3A_225 : memref<1x80xi32, #tpu.memory_space<vmem>> -> memref<80xi32, #tpu.memory_space<vmem>>
      %dma_wait3A_227 = tpu.memref_slice %arg5[%multiple_of3A_110] : memref<320000xi32, #tpu.memory_space<hbm>> -> memref<80xi32, #tpu.memory_space<hbm>>
      tpu.wait_dma2 semaphore(%dma_wait3A_223 : memref<!tpu.dma_semaphore, #tpu.memory_space<semaphore_mem>>) src(%dma_wait3A_227 : memref<80xi32, #tpu.memory_space<hbm>>) dst(%dma_wait3A_226 : memref<80xi32, #tpu.memory_space<vmem>>)
      %dma_wait3A_228 = arith.constant 0 : i32
      %dma_wait3A_229 = arith.constant 0 : i32
      %dma_wait3A_230 = arith.constant 0 : i32
      %dma_wait3A_231 = arith.constant 0 : i32
      %dma_wait3A_232 = tpu.memref_slice %arg9[%dma_wait3A_228, %dma_wait3A_230, %dma_wait3A_231] : memref<2x80x128xf32, #tpu.memory_space<vmem>> -> memref<1x80x128xf32, #tpu.memory_space<vmem>>
      %dma_wait3A_233 = tpu.memref_squeeze %dma_wait3A_232 : memref<1x80x128xf32, #tpu.memory_space<vmem>> -> memref<80x128xf32, #tpu.memory_space<vmem>>
      %dma_wait3A_234 = arith.constant 0 : i32
      %dma_wait3A_235 = tpu.memref_slice %arg3[%multiple_of3A_110, %dma_wait3A_234] : memref<320000x128xf32, #tpu.memory_space<hbm>> -> memref<80x128xf32, #tpu.memory_space<hbm>>
      %dma_wait3A_236 = tpu.memref_slice %arg12[%dma_wait3A_229] : memref<2x!tpu.dma_semaphore, #tpu.memory_space<semaphore_mem>> -> memref<1x!tpu.dma_semaphore, #tpu.memory_space<semaphore_mem>>
      %dma_wait3A_237 = tpu.memref_squeeze %dma_wait3A_236 : memref<1x!tpu.dma_semaphore, #tpu.memory_space<semaphore_mem>> -> memref<!tpu.dma_semaphore, #tpu.memory_space<semaphore_mem>>
      %dma_wait3A_238 = arith.constant 0 : i32
      %dma_wait3A_239 = arith.constant 0 : i32
      %dma_wait3A_240 = tpu.memref_slice %arg9[%dma_wait3A_228, %dma_wait3A_238, %dma_wait3A_239] : memref<2x80x128xf32, #tpu.memory_space<vmem>> -> memref<1x80x128xf32, #tpu.memory_space<vmem>>
      %dma_wait3A_241 = tpu.memref_squeeze %dma_wait3A_240 : memref<1x80x128xf32, #tpu.memory_space<vmem>> -> memref<80x128xf32, #tpu.memory_space<vmem>>
      %dma_wait3A_242 = arith.constant 0 : i32
      %dma_wait3A_243 = tpu.memref_slice %arg3[%multiple_of3A_110, %dma_wait3A_242] : memref<320000x128xf32, #tpu.memory_space<hbm>> -> memref<80x128xf32, #tpu.memory_space<hbm>>
      tpu.wait_dma2 semaphore(%dma_wait3A_237 : memref<!tpu.dma_semaphore, #tpu.memory_space<semaphore_mem>>) src(%dma_wait3A_243 : memref<80x128xf32, #tpu.memory_space<hbm>>) dst(%dma_wait3A_241 : memref<80x128xf32, #tpu.memory_space<vmem>>)
      %dma_start3A_244 = arith.constant 0 : i32
      %dma_start3A_245 = arith.constant 0 : i32
      %dma_start3A_246 = arith.constant 0 : i32
      %dma_start3A_247 = arith.constant 0 : i32
      %dma_start3A_248 = arith.constant 0 : i32
      %dma_start3A_249 = tpu.memref_slice %arg10[%dma_start3A_245, %dma_start3A_247, %dma_start3A_248] : memref<2x80x128xf32, #tpu.memory_space<vmem>> -> memref<1x80x128xf32, #tpu.memory_space<vmem>>
      %dma_start3A_250 = tpu.memref_squeeze %dma_start3A_249 : memref<1x80x128xf32, #tpu.memory_space<vmem>> -> memref<80x128xf32, #tpu.memory_space<vmem>>
      %dma_start3A_251 = arith.constant 0 : i32
      %dma_start3A_252 = tpu.memref_slice %arg7[%dma_start3A_244, %dma_start3A_251] : memref<2x80xi32, #tpu.memory_space<vmem>> -> memref<1x80xi32, #tpu.memory_space<vmem>>
      %dma_start3A_253 = tpu.memref_squeeze %dma_start3A_252 : memref<1x80xi32, #tpu.memory_space<vmem>> -> memref<80xi32, #tpu.memory_space<vmem>>
      %dma_start3A_254 = arith.constant 0 : i32
      %dma_start3A_255 = arith.constant 0 : i32
      %dma_start3A_256 = tpu.memref_slice %arg2[%dma_start3A_254, %dma_start3A_255] : memref<10000x128xf32, #tpu.memory_space<hbm>> -> memref<10000x128xf32, #tpu.memory_space<hbm>>
      %dma_start3A_257 = tpu.memref_slice %arg13[%dma_start3A_246] : memref<2x!tpu.dma_semaphore, #tpu.memory_space<semaphore_mem>> -> memref<1x!tpu.dma_semaphore, #tpu.memory_space<semaphore_mem>>
      %dma_start3A_258 = tpu.memref_squeeze %dma_start3A_257 : memref<1x!tpu.dma_semaphore, #tpu.memory_space<semaphore_mem>> -> memref<!tpu.dma_semaphore, #tpu.memory_space<semaphore_mem>>
      tpu.enqueue_indirect_dma source(%dma_start3A_256 : memref<10000x128xf32, #tpu.memory_space<hbm>>) target(%dma_start3A_250 : memref<80x128xf32, #tpu.memory_space<vmem>>) offsets(%dma_start3A_253 : memref<80xi32, #tpu.memory_space<vmem>>) semaphore(%dma_start3A_258 : memref<!tpu.dma_semaphore, #tpu.memory_space<semaphore_mem>>)
      %dma_wait3A_259 = arith.constant 1 : i32
      %dma_wait3A_260 = arith.constant 1 : i32
      %dma_wait3A_261 = arith.constant 0 : i32
      %dma_wait3A_262 = tpu.memref_slice %arg7[%dma_wait3A_259, %dma_wait3A_261] : memref<2x80xi32, #tpu.memory_space<vmem>> -> memref<1x80xi32, #tpu.memory_space<vmem>>
      %dma_wait3A_263 = tpu.memref_squeeze %dma_wait3A_262 : memref<1x80xi32, #tpu.memory_space<vmem>> -> memref<80xi32, #tpu.memory_space<vmem>>
      %dma_wait3A_264 = tpu.memref_slice %arg4[%multiple_of3A_163] : memref<320000xi32, #tpu.memory_space<hbm>> -> memref<80xi32, #tpu.memory_space<hbm>>
      %dma_wait3A_265 = tpu.memref_slice %arg12[%dma_wait3A_260] : memref<2x!tpu.dma_semaphore, #tpu.memory_space<semaphore_mem>> -> memref<1x!tpu.dma_semaphore, #tpu.memory_space<semaphore_mem>>
      %dma_wait3A_266 = tpu.memref_squeeze %dma_wait3A_265 : memref<1x!tpu.dma_semaphore, #tpu.memory_space<semaphore_mem>> -> memref<!tpu.dma_semaphore, #tpu.memory_space<semaphore_mem>>
      %dma_wait3A_267 = arith.constant 0 : i32
      %dma_wait3A_268 = tpu.memref_slice %arg7[%dma_wait3A_259, %dma_wait3A_267] : memref<2x80xi32, #tpu.memory_space<vmem>> -> memref<1x80xi32, #tpu.memory_space<vmem>>
      %dma_wait3A_269 = tpu.memref_squeeze %dma_wait3A_268 : memref<1x80xi32, #tpu.memory_space<vmem>> -> memref<80xi32, #tpu.memory_space<vmem>>
      %dma_wait3A_270 = tpu.memref_slice %arg4[%multiple_of3A_163] : memref<320000xi32, #tpu.memory_space<hbm>> -> memref<80xi32, #tpu.memory_space<hbm>>
      tpu.wait_dma2 semaphore(%dma_wait3A_266 : memref<!tpu.dma_semaphore, #tpu.memory_space<semaphore_mem>>) src(%dma_wait3A_270 : memref<80xi32, #tpu.memory_space<hbm>>) dst(%dma_wait3A_269 : memref<80xi32, #tpu.memory_space<vmem>>)
      %dma_wait3A_271 = arith.constant 1 : i32
      %dma_wait3A_272 = arith.constant 1 : i32
      %dma_wait3A_273 = arith.constant 0 : i32
      %dma_wait3A_274 = tpu.memref_slice %arg8[%dma_wait3A_271, %dma_wait3A_273] : memref<2x80xi32, #tpu.memory_space<vmem>> -> memref<1x80xi32, #tpu.memory_space<vmem>>
      %dma_wait3A_275 = tpu.memref_squeeze %dma_wait3A_274 : memref<1x80xi32, #tpu.memory_space<vmem>> -> memref<80xi32, #tpu.memory_space<vmem>>
      %dma_wait3A_276 = tpu.memref_slice %arg5[%multiple_of3A_163] : memref<320000xi32, #tpu.memory_space<hbm>> -> memref<80xi32, #tpu.memory_space<hbm>>
      %dma_wait3A_277 = tpu.memref_slice %arg12[%dma_wait3A_272] : memref<2x!tpu.dma_semaphore, #tpu.memory_space<semaphore_mem>> -> memref<1x!tpu.dma_semaphore, #tpu.memory_space<semaphore_mem>>
      %dma_wait3A_278 = tpu.memref_squeeze %dma_wait3A_277 : memref<1x!tpu.dma_semaphore, #tpu.memory_space<semaphore_mem>> -> memref<!tpu.dma_semaphore, #tpu.memory_space<semaphore_mem>>
      %dma_wait3A_279 = arith.constant 0 : i32
      %dma_wait3A_280 = tpu.memref_slice %arg8[%dma_wait3A_271, %dma_wait3A_279] : memref<2x80xi32, #tpu.memory_space<vmem>> -> memref<1x80xi32, #tpu.memory_space<vmem>>
      %dma_wait3A_281 = tpu.memref_squeeze %dma_wait3A_280 : memref<1x80xi32, #tpu.memory_space<vmem>> -> memref<80xi32, #tpu.memory_space<vmem>>
      %dma_wait3A_282 = tpu.memref_slice %arg5[%multiple_of3A_163] : memref<320000xi32, #tpu.memory_space<hbm>> -> memref<80xi32, #tpu.memory_space<hbm>>
      tpu.wait_dma2 semaphore(%dma_wait3A_278 : memref<!tpu.dma_semaphore, #tpu.memory_space<semaphore_mem>>) src(%dma_wait3A_282 : memref<80xi32, #tpu.memory_space<hbm>>) dst(%dma_wait3A_281 : memref<80xi32, #tpu.memory_space<vmem>>)
      %dma_wait3A_283 = arith.constant 1 : i32
      %dma_wait3A_284 = arith.constant 1 : i32
      %dma_wait3A_285 = arith.constant 0 : i32
      %dma_wait3A_286 = arith.constant 0 : i32
      %dma_wait3A_287 = tpu.memref_slice %arg9[%dma_wait3A_283, %dma_wait3A_285, %dma_wait3A_286] : memref<2x80x128xf32, #tpu.memory_space<vmem>> -> memref<1x80x128xf32, #tpu.memory_space<vmem>>
      %dma_wait3A_288 = tpu.memref_squeeze %dma_wait3A_287 : memref<1x80x128xf32, #tpu.memory_space<vmem>> -> memref<80x128xf32, #tpu.memory_space<vmem>>
      %dma_wait3A_289 = arith.constant 0 : i32
      %dma_wait3A_290 = tpu.memref_slice %arg3[%multiple_of3A_163, %dma_wait3A_289] : memref<320000x128xf32, #tpu.memory_space<hbm>> -> memref<80x128xf32, #tpu.memory_space<hbm>>
      %dma_wait3A_291 = tpu.memref_slice %arg12[%dma_wait3A_284] : memref<2x!tpu.dma_semaphore, #tpu.memory_space<semaphore_mem>> -> memref<1x!tpu.dma_semaphore, #tpu.memory_space<semaphore_mem>>
      %dma_wait3A_292 = tpu.memref_squeeze %dma_wait3A_291 : memref<1x!tpu.dma_semaphore, #tpu.memory_space<semaphore_mem>> -> memref<!tpu.dma_semaphore, #tpu.memory_space<semaphore_mem>>
      %dma_wait3A_293 = arith.constant 0 : i32
      %dma_wait3A_294 = arith.constant 0 : i32
      %dma_wait3A_295 = tpu.memref_slice %arg9[%dma_wait3A_283, %dma_wait3A_293, %dma_wait3A_294] : memref<2x80x128xf32, #tpu.memory_space<vmem>> -> memref<1x80x128xf32, #tpu.memory_space<vmem>>
      %dma_wait3A_296 = tpu.memref_squeeze %dma_wait3A_295 : memref<1x80x128xf32, #tpu.memory_space<vmem>> -> memref<80x128xf32, #tpu.memory_space<vmem>>
      %dma_wait3A_297 = arith.constant 0 : i32
      %dma_wait3A_298 = tpu.memref_slice %arg3[%multiple_of3A_163, %dma_wait3A_297] : memref<320000x128xf32, #tpu.memory_space<hbm>> -> memref<80x128xf32, #tpu.memory_space<hbm>>
      tpu.wait_dma2 semaphore(%dma_wait3A_292 : memref<!tpu.dma_semaphore, #tpu.memory_space<semaphore_mem>>) src(%dma_wait3A_298 : memref<80x128xf32, #tpu.memory_space<hbm>>) dst(%dma_wait3A_296 : memref<80x128xf32, #tpu.memory_space<vmem>>)
      %dma_start3A_299 = arith.constant 1 : i32
      %dma_start3A_300 = arith.constant 1 : i32
      %dma_start3A_301 = arith.constant 1 : i32
      %dma_start3A_302 = arith.constant 0 : i32
      %dma_start3A_303 = arith.constant 0 : i32
      %dma_start3A_304 = tpu.memref_slice %arg10[%dma_start3A_300, %dma_start3A_302, %dma_start3A_303] : memref<2x80x128xf32, #tpu.memory_space<vmem>> -> memref<1x80x128xf32, #tpu.memory_space<vmem>>
      %dma_start3A_305 = tpu.memref_squeeze %dma_start3A_304 : memref<1x80x128xf32, #tpu.memory_space<vmem>> -> memref<80x128xf32, #tpu.memory_space<vmem>>
      %dma_start3A_306 = arith.constant 0 : i32
      %dma_start3A_307 = tpu.memref_slice %arg7[%dma_start3A_299, %dma_start3A_306] : memref<2x80xi32, #tpu.memory_space<vmem>> -> memref<1x80xi32, #tpu.memory_space<vmem>>
      %dma_start3A_308 = tpu.memref_squeeze %dma_start3A_307 : memref<1x80xi32, #tpu.memory_space<vmem>> -> memref<80xi32, #tpu.memory_space<vmem>>
      %dma_start3A_309 = arith.constant 0 : i32
      %dma_start3A_310 = arith.constant 0 : i32
      %dma_start3A_311 = tpu.memref_slice %arg2[%dma_start3A_309, %dma_start3A_310] : memref<10000x128xf32, #tpu.memory_space<hbm>> -> memref<10000x128xf32, #tpu.memory_space<hbm>>
      %dma_start3A_312 = tpu.memref_slice %arg13[%dma_start3A_301] : memref<2x!tpu.dma_semaphore, #tpu.memory_space<semaphore_mem>> -> memref<1x!tpu.dma_semaphore, #tpu.memory_space<semaphore_mem>>
      %dma_start3A_313 = tpu.memref_squeeze %dma_start3A_312 : memref<1x!tpu.dma_semaphore, #tpu.memory_space<semaphore_mem>> -> memref<!tpu.dma_semaphore, #tpu.memory_space<semaphore_mem>>
      tpu.enqueue_indirect_dma source(%dma_start3A_311 : memref<10000x128xf32, #tpu.memory_space<hbm>>) target(%dma_start3A_305 : memref<80x128xf32, #tpu.memory_space<vmem>>) offsets(%dma_start3A_308 : memref<80xi32, #tpu.memory_space<vmem>>) semaphore(%dma_start3A_313 : memref<!tpu.dma_semaphore, #tpu.memory_space<semaphore_mem>>)
      %dma_wait3A_314 = arith.constant 0 : i32
      %dma_wait3A_315 = arith.constant 0 : i32
      %dma_wait3A_316 = arith.constant 0 : i32
      %dma_wait3A_317 = arith.constant 0 : i32
      %dma_wait3A_318 = arith.constant 0 : i32
      %dma_wait3A_319 = tpu.memref_slice %arg10[%dma_wait3A_315, %dma_wait3A_317, %dma_wait3A_318] : memref<2x80x128xf32, #tpu.memory_space<vmem>> -> memref<1x80x128xf32, #tpu.memory_space<vmem>>
      %dma_wait3A_320 = tpu.memref_squeeze %dma_wait3A_319 : memref<1x80x128xf32, #tpu.memory_space<vmem>> -> memref<80x128xf32, #tpu.memory_space<vmem>>
      %dma_wait3A_321 = arith.constant 0 : i32
      %dma_wait3A_322 = tpu.memref_slice %arg7[%dma_wait3A_314, %dma_wait3A_321] : memref<2x80xi32, #tpu.memory_space<vmem>> -> memref<1x80xi32, #tpu.memory_space<vmem>>
      %dma_wait3A_323 = tpu.memref_squeeze %dma_wait3A_322 : memref<1x80xi32, #tpu.memory_space<vmem>> -> memref<80xi32, #tpu.memory_space<vmem>>
      %dma_wait3A_324 = arith.constant 0 : i32
      %dma_wait3A_325 = arith.constant 0 : i32
      %dma_wait3A_326 = tpu.memref_slice %arg2[%dma_wait3A_324, %dma_wait3A_325] : memref<10000x128xf32, #tpu.memory_space<hbm>> -> memref<10000x128xf32, #tpu.memory_space<hbm>>
      %dma_wait3A_327 = tpu.memref_slice %arg13[%dma_wait3A_316] : memref<2x!tpu.dma_semaphore, #tpu.memory_space<semaphore_mem>> -> memref<1x!tpu.dma_semaphore, #tpu.memory_space<semaphore_mem>>
      %dma_wait3A_328 = tpu.memref_squeeze %dma_wait3A_327 : memref<1x!tpu.dma_semaphore, #tpu.memory_space<semaphore_mem>> -> memref<!tpu.dma_semaphore, #tpu.memory_space<semaphore_mem>>
      tpu.wait_indirect_dma semaphore(%dma_wait3A_328 : memref<!tpu.dma_semaphore, #tpu.memory_space<semaphore_mem>>) src(%dma_wait3A_326 : memref<10000x128xf32, #tpu.memory_space<hbm>>) dst(%dma_wait3A_320 : memref<80x128xf32, #tpu.memory_space<vmem>>)
      %scan3A_329 = arith.constant 0 : i32
      %scan3A_330 = arith.constant 0 : i32
      %scan3A_331 = arith.constant 80 : i32
      %scan3A_332 = arith.addi %scan3A_330, %scan3A_331 : i32
      %scan3A_333 = arith.constant 1 : i32
      %scan3A_334 = scf.for %scan3A_389 = %scan3A_330 to %scan3A_332 step %scan3A_333 iter_args(%scan3A_390 = %scan3A_329) -> (i32)  : i32 {
        %get3A = arith.constant 0 : i32
        %get3A_391 = arith.index_cast %get3A : i32 to index
        %get3A_392 = arith.index_cast %scan3A_389 : i32 to index
        %get3A_393 = arith.constant 0 : index
        %get3A_394 = tpu.vector_load %arg10[%get3A_391, %get3A_392, %get3A_393] {strides = array<i32>} : memref<2x80x128xf32, #tpu.memory_space<vmem>>, vector<1x1x16xf32>,
        %get3A_395 = vector.shape_cast %get3A_394 : vector<1x1x16xf32> to vector<16xf32>
        %get3A_396 = arith.constant 0 : i32
        %get3A_397 = arith.index_cast %get3A_396 : i32 to index
        %get3A_398 = arith.index_cast %scan3A_389 : i32 to index
        %get3A_399 = arith.constant 0 : index
        %get3A_400 = tpu.vector_load %arg9[%get3A_397, %get3A_398, %get3A_399] {strides = array<i32>} : memref<2x80x128xf32, #tpu.memory_space<vmem>>, vector<1x1x16xf32>,
        %get3A_401 = vector.shape_cast %get3A_400 : vector<1x1x16xf32> to vector<16xf32>
        %add3A_402 = arith.addf %get3A_395, %get3A_401 : vector<16xf32>
        %max3A = arith.constant 0.000000e+00 : f32
        %max3A_403 = vector.broadcast %max3A : f32 to vector<16xf32>
        %max3A_404 = arith.maximumf %add3A_402, %max3A_403 : vector<16xf32>
        %swap3A = arith.constant 0 : i32
        %swap3A_405 = arith.index_cast %swap3A : i32 to index
        %swap3A_406 = arith.index_cast %scan3A_389 : i32 to index
        %swap3A_407 = arith.constant 0 : index
        %swap3A_408 = tpu.vector_load %arg10[%swap3A_405, %swap3A_406, %swap3A_407] {strides = array<i32>} : memref<2x80x128xf32, #tpu.memory_space<vmem>>, vector<1x1x16xf32>,
        %swap3A_409 = vector.shape_cast %swap3A_408 : vector<1x1x16xf32> to vector<16xf32>
        %swap3A_410 = vector.shape_cast %max3A_404 : vector<16xf32> to vector<1x1x16xf32>
        tpu.vector_store %arg10[%swap3A_405, %swap3A_406, %swap3A_407], %swap3A_410 {strides = array<i32>} : memref<2x80x128xf32, #tpu.memory_space<vmem>>, vector<1x1x16xf32>,
        %get3A_411 = arith.constant 0 : i32
        %get3A_412 = arith.index_cast %get3A_411 : i32 to index
        %get3A_413 = arith.index_cast %scan3A_389 : i32 to index
        %get3A_414 = arith.constant 16 : index
        %get3A_415 = tpu.vector_load %arg10[%get3A_412, %get3A_413, %get3A_414] {strides = array<i32>} : memref<2x80x128xf32, #tpu.memory_space<vmem>>, vector<1x1x16xf32>,
        %get3A_416 = vector.shape_cast %get3A_415 : vector<1x1x16xf32> to vector<16xf32>
        %get3A_417 = arith.constant 0 : i32
        %get3A_418 = arith.index_cast %get3A_417 : i32 to index
        %get3A_419 = arith.index_cast %scan3A_389 : i32 to index
        %get3A_420 = arith.constant 16 : index
        %get3A_421 = tpu.vector_load %arg9[%get3A_418, %get3A_419, %get3A_420] {strides = array<i32>} : memref<2x80x128xf32, #tpu.memory_space<vmem>>, vector<1x1x16xf32>,
        %get3A_422 = vector.shape_cast %get3A_421 : vector<1x1x16xf32> to vector<16xf32>
        %add3A_423 = arith.addf %get3A_416, %get3A_422 : vector<16xf32>
        %max3A_424 = arith.constant 0.000000e+00 : f32
        %max3A_425 = vector.broadcast %max3A_424 : f32 to vector<16xf32>
        %max3A_426 = arith.maximumf %add3A_423, %max3A_425 : vector<16xf32>
        %swap3A_427 = arith.constant 0 : i32
        %swap3A_428 = arith.index_cast %swap3A_427 : i32 to index
        %swap3A_429 = arith.index_cast %scan3A_389 : i32 to index
        %swap3A_430 = arith.constant 16 : index
        %swap3A_431 = tpu.vector_load %arg10[%swap3A_428, %swap3A_429, %swap3A_430] {strides = array<i32>} : memref<2x80x128xf32, #tpu.memory_space<vmem>>, vector<1x1x16xf32>,
        %swap3A_432 = vector.shape_cast %swap3A_431 : vector<1x1x16xf32> to vector<16xf32>
        %swap3A_433 = vector.shape_cast %max3A_426 : vector<16xf32> to vector<1x1x16xf32>
        tpu.vector_store %arg10[%swap3A_428, %swap3A_429, %swap3A_430], %swap3A_433 {strides = array<i32>} : memref<2x80x128xf32, #tpu.memory_space<vmem>>, vector<1x1x16xf32>,
        %get3A_434 = arith.constant 0 : i32
        %get3A_435 = arith.index_cast %get3A_434 : i32 to index
        %get3A_436 = arith.index_cast %scan3A_389 : i32 to index
        %get3A_437 = arith.constant 32 : index
        %get3A_438 = tpu.vector_load %arg10[%get3A_435, %get3A_436, %get3A_437] {strides = array<i32>} : memref<2x80x128xf32, #tpu.memory_space<vmem>>, vector<1x1x16xf32>,
        %get3A_439 = vector.shape_cast %get3A_438 : vector<1x1x16xf32> to vector<16xf32>
        %get3A_440 = arith.constant 0 : i32
        %get3A_441 = arith.index_cast %get3A_440 : i32 to index
        %get3A_442 = arith.index_cast %scan3A_389 : i32 to index
        %get3A_443 = arith.constant 32 : index
        %get3A_444 = tpu.vector_load %arg9[%get3A_441, %get3A_442, %get3A_443] {strides = array<i32>} : memref<2x80x128xf32, #tpu.memory_space<vmem>>, vector<1x1x16xf32>,
        %get3A_445 = vector.shape_cast %get3A_444 : vector<1x1x16xf32> to vector<16xf32>
        %add3A_446 = arith.addf %get3A_439, %get3A_445 : vector<16xf32>
        %max3A_447 = arith.constant 0.000000e+00 : f32
        %max3A_448 = vector.broadcast %max3A_447 : f32 to vector<16xf32>
        %max3A_449 = arith.maximumf %add3A_446, %max3A_448 : vector<16xf32>
        %swap3A_450 = arith.constant 0 : i32
        %swap3A_451 = arith.index_cast %swap3A_450 : i32 to index
        %swap3A_452 = arith.index_cast %scan3A_389 : i32 to index
        %swap3A_453 = arith.constant 32 : index
        %swap3A_454 = tpu.vector_load %arg10[%swap3A_451, %swap3A_452, %swap3A_453] {strides = array<i32>} : memref<2x80x128xf32, #tpu.memory_space<vmem>>, vector<1x1x16xf32>,
        %swap3A_455 = vector.shape_cast %swap3A_454 : vector<1x1x16xf32> to vector<16xf32>
        %swap3A_456 = vector.shape_cast %max3A_449 : vector<16xf32> to vector<1x1x16xf32>
        tpu.vector_store %arg10[%swap3A_451, %swap3A_452, %swap3A_453], %swap3A_456 {strides = array<i32>} : memref<2x80x128xf32, #tpu.memory_space<vmem>>, vector<1x1x16xf32>,
        %get3A_457 = arith.constant 0 : i32
        %get3A_458 = arith.index_cast %get3A_457 : i32 to index
        %get3A_459 = arith.index_cast %scan3A_389 : i32 to index
        %get3A_460 = arith.constant 48 : index
        %get3A_461 = tpu.vector_load %arg10[%get3A_458, %get3A_459, %get3A_460] {strides = array<i32>} : memref<2x80x128xf32, #tpu.memory_space<vmem>>, vector<1x1x16xf32>,
        %get3A_462 = vector.shape_cast %get3A_461 : vector<1x1x16xf32> to vector<16xf32>
        %get3A_463 = arith.constant 0 : i32
        %get3A_464 = arith.index_cast %get3A_463 : i32 to index
        %get3A_465 = arith.index_cast %scan3A_389 : i32 to index
        %get3A_466 = arith.constant 48 : index
        %get3A_467 = tpu.vector_load %arg9[%get3A_464, %get3A_465, %get3A_466] {strides = array<i32>} : memref<2x80x128xf32, #tpu.memory_space<vmem>>, vector<1x1x16xf32>,
        %get3A_468 = vector.shape_cast %get3A_467 : vector<1x1x16xf32> to vector<16xf32>
        %add3A_469 = arith.addf %get3A_462, %get3A_468 : vector<16xf32>
        %max3A_470 = arith.constant 0.000000e+00 : f32
        %max3A_471 = vector.broadcast %max3A_470 : f32 to vector<16xf32>
        %max3A_472 = arith.maximumf %add3A_469, %max3A_471 : vector<16xf32>
        %swap3A_473 = arith.constant 0 : i32
        %swap3A_474 = arith.index_cast %swap3A_473 : i32 to index
        %swap3A_475 = arith.index_cast %scan3A_389 : i32 to index
        %swap3A_476 = arith.constant 48 : index
        %swap3A_477 = tpu.vector_load %arg10[%swap3A_474, %swap3A_475, %swap3A_476] {strides = array<i32>} : memref<2x80x128xf32, #tpu.memory_space<vmem>>, vector<1x1x16xf32>,
        %swap3A_478 = vector.shape_cast %swap3A_477 : vector<1x1x16xf32> to vector<16xf32>
        %swap3A_479 = vector.shape_cast %max3A_472 : vector<16xf32> to vector<1x1x16xf32>
        tpu.vector_store %arg10[%swap3A_474, %swap3A_475, %swap3A_476], %swap3A_479 {strides = array<i32>} : memref<2x80x128xf32, #tpu.memory_space<vmem>>, vector<1x1x16xf32>,
        %get3A_480 = arith.constant 0 : i32
        %get3A_481 = arith.index_cast %get3A_480 : i32 to index
        %get3A_482 = arith.index_cast %scan3A_389 : i32 to index
        %get3A_483 = arith.constant 64 : index
        %get3A_484 = tpu.vector_load %arg10[%get3A_481, %get3A_482, %get3A_483] {strides = array<i32>} : memref<2x80x128xf32, #tpu.memory_space<vmem>>, vector<1x1x16xf32>,
        %get3A_485 = vector.shape_cast %get3A_484 : vector<1x1x16xf32> to vector<16xf32>
        %get3A_486 = arith.constant 0 : i32
        %get3A_487 = arith.index_cast %get3A_486 : i32 to index
        %get3A_488 = arith.index_cast %scan3A_389 : i32 to index
        %get3A_489 = arith.constant 64 : index
        %get3A_490 = tpu.vector_load %arg9[%get3A_487, %get3A_488, %get3A_489] {strides = array<i32>} : memref<2x80x128xf32, #tpu.memory_space<vmem>>, vector<1x1x16xf32>,
        %get3A_491 = vector.shape_cast %get3A_490 : vector<1x1x16xf32> to vector<16xf32>
        %add3A_492 = arith.addf %get3A_485, %get3A_491 : vector<16xf32>
        %max3A_493 = arith.constant 0.000000e+00 : f32
        %max3A_494 = vector.broadcast %max3A_493 : f32 to vector<16xf32>
        %max3A_495 = arith.maximumf %add3A_492, %max3A_494 : vector<16xf32>
        %swap3A_496 = arith.constant 0 : i32
        %swap3A_497 = arith.index_cast %swap3A_496 : i32 to index
        %swap3A_498 = arith.index_cast %scan3A_389 : i32 to index
        %swap3A_499 = arith.constant 64 : index
        %swap3A_500 = tpu.vector_load %arg10[%swap3A_497, %swap3A_498, %swap3A_499] {strides = array<i32>} : memref<2x80x128xf32, #tpu.memory_space<vmem>>, vector<1x1x16xf32>,
        %swap3A_501 = vector.shape_cast %swap3A_500 : vector<1x1x16xf32> to vector<16xf32>
        %swap3A_502 = vector.shape_cast %max3A_495 : vector<16xf32> to vector<1x1x16xf32>
        tpu.vector_store %arg10[%swap3A_497, %swap3A_498, %swap3A_499], %swap3A_502 {strides = array<i32>} : memref<2x80x128xf32, #tpu.memory_space<vmem>>, vector<1x1x16xf32>,
        %get3A_503 = arith.constant 0 : i32
        %get3A_504 = arith.index_cast %get3A_503 : i32 to index
        %get3A_505 = arith.index_cast %scan3A_389 : i32 to index
        %get3A_506 = arith.constant 80 : index
        %get3A_507 = tpu.vector_load %arg10[%get3A_504, %get3A_505, %get3A_506] {strides = array<i32>} : memref<2x80x128xf32, #tpu.memory_space<vmem>>, vector<1x1x16xf32>,
        %get3A_508 = vector.shape_cast %get3A_507 : vector<1x1x16xf32> to vector<16xf32>
        %get3A_509 = arith.constant 0 : i32
        %get3A_510 = arith.index_cast %get3A_509 : i32 to index
        %get3A_511 = arith.index_cast %scan3A_389 : i32 to index
        %get3A_512 = arith.constant 80 : index
        %get3A_513 = tpu.vector_load %arg9[%get3A_510, %get3A_511, %get3A_512] {strides = array<i32>} : memref<2x80x128xf32, #tpu.memory_space<vmem>>, vector<1x1x16xf32>,
        %get3A_514 = vector.shape_cast %get3A_513 : vector<1x1x16xf32> to vector<16xf32>
        %add3A_515 = arith.addf %get3A_508, %get3A_514 : vector<16xf32>
        %max3A_516 = arith.constant 0.000000e+00 : f32
        %max3A_517 = vector.broadcast %max3A_516 : f32 to vector<16xf32>
        %max3A_518 = arith.maximumf %add3A_515, %max3A_517 : vector<16xf32>
        %swap3A_519 = arith.constant 0 : i32
        %swap3A_520 = arith.index_cast %swap3A_519 : i32 to index
        %swap3A_521 = arith.index_cast %scan3A_389 : i32 to index
        %swap3A_522 = arith.constant 80 : index
        %swap3A_523 = tpu.vector_load %arg10[%swap3A_520, %swap3A_521, %swap3A_522] {strides = array<i32>} : memref<2x80x128xf32, #tpu.memory_space<vmem>>, vector<1x1x16xf32>,
        %swap3A_524 = vector.shape_cast %swap3A_523 : vector<1x1x16xf32> to vector<16xf32>
        %swap3A_525 = vector.shape_cast %max3A_518 : vector<16xf32> to vector<1x1x16xf32>
        tpu.vector_store %arg10[%swap3A_520, %swap3A_521, %swap3A_522], %swap3A_525 {strides = array<i32>} : memref<2x80x128xf32, #tpu.memory_space<vmem>>, vector<1x1x16xf32>,
        %get3A_526 = arith.constant 0 : i32
        %get3A_527 = arith.index_cast %get3A_526 : i32 to index
        %get3A_528 = arith.index_cast %scan3A_389 : i32 to index
        %get3A_529 = arith.constant 96 : index
        %get3A_530 = tpu.vector_load %arg10[%get3A_527, %get3A_528, %get3A_529] {strides = array<i32>} : memref<2x80x128xf32, #tpu.memory_space<vmem>>, vector<1x1x16xf32>,
        %get3A_531 = vector.shape_cast %get3A_530 : vector<1x1x16xf32> to vector<16xf32>
        %get3A_532 = arith.constant 0 : i32
        %get3A_533 = arith.index_cast %get3A_532 : i32 to index
        %get3A_534 = arith.index_cast %scan3A_389 : i32 to index
        %get3A_535 = arith.constant 96 : index
        %get3A_536 = tpu.vector_load %arg9[%get3A_533, %get3A_534, %get3A_535] {strides = array<i32>} : memref<2x80x128xf32, #tpu.memory_space<vmem>>, vector<1x1x16xf32>,
        %get3A_537 = vector.shape_cast %get3A_536 : vector<1x1x16xf32> to vector<16xf32>
        %add3A_538 = arith.addf %get3A_531, %get3A_537 : vector<16xf32>
        %max3A_539 = arith.constant 0.000000e+00 : f32
        %max3A_540 = vector.broadcast %max3A_539 : f32 to vector<16xf32>
        %max3A_541 = arith.maximumf %add3A_538, %max3A_540 : vector<16xf32>
        %swap3A_542 = arith.constant 0 : i32
        %swap3A_543 = arith.index_cast %swap3A_542 : i32 to index
        %swap3A_544 = arith.index_cast %scan3A_389 : i32 to index
        %swap3A_545 = arith.constant 96 : index
        %swap3A_546 = tpu.vector_load %arg10[%swap3A_543, %swap3A_544, %swap3A_545] {strides = array<i32>} : memref<2x80x128xf32, #tpu.memory_space<vmem>>, vector<1x1x16xf32>,
        %swap3A_547 = vector.shape_cast %swap3A_546 : vector<1x1x16xf32> to vector<16xf32>
        %swap3A_548 = vector.shape_cast %max3A_541 : vector<16xf32> to vector<1x1x16xf32>
        tpu.vector_store %arg10[%swap3A_543, %swap3A_544, %swap3A_545], %swap3A_548 {strides = array<i32>} : memref<2x80x128xf32, #tpu.memory_space<vmem>>, vector<1x1x16xf32>,
        %get3A_549 = arith.constant 0 : i32
        %get3A_550 = arith.index_cast %get3A_549 : i32 to index
        %get3A_551 = arith.index_cast %scan3A_389 : i32 to index
        %get3A_552 = arith.constant 112 : index
        %get3A_553 = tpu.vector_load %arg10[%get3A_550, %get3A_551, %get3A_552] {strides = array<i32>} : memref<2x80x128xf32, #tpu.memory_space<vmem>>, vector<1x1x16xf32>,
        %get3A_554 = vector.shape_cast %get3A_553 : vector<1x1x16xf32> to vector<16xf32>
        %get3A_555 = arith.constant 0 : i32
        %get3A_556 = arith.index_cast %get3A_555 : i32 to index
        %get3A_557 = arith.index_cast %scan3A_389 : i32 to index
        %get3A_558 = arith.constant 112 : index
        %get3A_559 = tpu.vector_load %arg9[%get3A_556, %get3A_557, %get3A_558] {strides = array<i32>} : memref<2x80x128xf32, #tpu.memory_space<vmem>>, vector<1x1x16xf32>,
        %get3A_560 = vector.shape_cast %get3A_559 : vector<1x1x16xf32> to vector<16xf32>
        %add3A_561 = arith.addf %get3A_554, %get3A_560 : vector<16xf32>
        %max3A_562 = arith.constant 0.000000e+00 : f32
        %max3A_563 = vector.broadcast %max3A_562 : f32 to vector<16xf32>
        %max3A_564 = arith.maximumf %add3A_561, %max3A_563 : vector<16xf32>
        %swap3A_565 = arith.constant 0 : i32
        %swap3A_566 = arith.index_cast %swap3A_565 : i32 to index
        %swap3A_567 = arith.index_cast %scan3A_389 : i32 to index
        %swap3A_568 = arith.constant 112 : index
        %swap3A_569 = tpu.vector_load %arg10[%swap3A_566, %swap3A_567, %swap3A_568] {strides = array<i32>} : memref<2x80x128xf32, #tpu.memory_space<vmem>>, vector<1x1x16xf32>,
        %swap3A_570 = vector.shape_cast %swap3A_569 : vector<1x1x16xf32> to vector<16xf32>
        %swap3A_571 = vector.shape_cast %max3A_564 : vector<16xf32> to vector<1x1x16xf32>
        tpu.vector_store %arg10[%swap3A_566, %swap3A_567, %swap3A_568], %swap3A_571 {strides = array<i32>} : memref<2x80x128xf32, #tpu.memory_space<vmem>>, vector<1x1x16xf32>,
        %scan3A_572 = arith.constant 0 : i32
        scf.yield %scan3A_572 : i32
      }
      %scan3A_335 = arith.constant 80 : i32
      %dma_start3A_336 = arith.constant 0 : i32
      %dma_start3A_337 = arith.constant 0 : i32
      %dma_start3A_338 = arith.constant 0 : i32
      %dma_start3A_339 = arith.constant 0 : i32
      %dma_start3A_340 = arith.constant 0 : i32
      %dma_start3A_341 = tpu.memref_slice %arg10[%dma_start3A_336, %dma_start3A_339, %dma_start3A_340] : memref<2x80x128xf32, #tpu.memory_space<vmem>> -> memref<1x80x128xf32, #tpu.memory_space<vmem>>
      %dma_start3A_342 = tpu.memref_squeeze %dma_start3A_341 : memref<1x80x128xf32, #tpu.memory_space<vmem>> -> memref<80x128xf32, #tpu.memory_space<vmem>>
      %dma_start3A_343 = arith.constant 0 : i32
      %dma_start3A_344 = tpu.memref_slice %arg8[%dma_start3A_337, %dma_start3A_343] : memref<2x80xi32, #tpu.memory_space<vmem>> -> memref<1x80xi32, #tpu.memory_space<vmem>>
      %dma_start3A_345 = tpu.memref_squeeze %dma_start3A_344 : memref<1x80xi32, #tpu.memory_space<vmem>> -> memref<80xi32, #tpu.memory_space<vmem>>
      %dma_start3A_346 = arith.constant 0 : i32
      %dma_start3A_347 = arith.constant 0 : i32
      %dma_start3A_348 = tpu.memref_slice %arg11[%dma_start3A_346, %dma_start3A_347] : memref<10240x128xf32, #tpu.memory_space<vmem_shared>> -> memref<10240x128xf32, #tpu.memory_space<vmem_shared>>
      %dma_start3A_349 = tpu.memref_slice %arg14[%dma_start3A_338] : memref<2x!tpu.dma_semaphore, #tpu.memory_space<semaphore_mem>> -> memref<1x!tpu.dma_semaphore, #tpu.memory_space<semaphore_mem>>
      %dma_start3A_350 = tpu.memref_squeeze %dma_start3A_349 : memref<1x!tpu.dma_semaphore, #tpu.memory_space<semaphore_mem>> -> memref<!tpu.dma_semaphore, #tpu.memory_space<semaphore_mem>>
      tpu.enqueue_indirect_dma source(%dma_start3A_342 : memref<80x128xf32, #tpu.memory_space<vmem>>) target(%dma_start3A_348 : memref<10240x128xf32, #tpu.memory_space<vmem_shared>>) offsets(%dma_start3A_345 : memref<80xi32, #tpu.memory_space<vmem>>) semaphore(%dma_start3A_350 : memref<!tpu.dma_semaphore, #tpu.memory_space<semaphore_mem>>) {add = true}
      %dma_wait3A_351 = arith.constant 1 : i32
      %dma_wait3A_352 = arith.constant 1 : i32
      %dma_wait3A_353 = arith.constant 1 : i32
      %dma_wait3A_354 = arith.constant 0 : i32
      %dma_wait3A_355 = arith.constant 0 : i32
      %dma_wait3A_356 = tpu.memref_slice %arg10[%dma_wait3A_352, %dma_wait3A_354, %dma_wait3A_355] : memref<2x80x128xf32, #tpu.memory_space<vmem>> -> memref<1x80x128xf32, #tpu.memory_space<vmem>>
      %dma_wait3A_357 = tpu.memref_squeeze %dma_wait3A_356 : memref<1x80x128xf32, #tpu.memory_space<vmem>> -> memref<80x128xf32, #tpu.memory_space<vmem>>
      %dma_wait3A_358 = arith.constant 0 : i32
      %dma_wait3A_359 = tpu.memref_slice %arg7[%dma_wait3A_351, %dma_wait3A_358] : memref<2x80xi32, #tpu.memory_space<vmem>> -> memref<1x80xi32, #tpu.memory_space<vmem>>
      %dma_wait3A_360 = tpu.memref_squeeze %dma_wait3A_359 : memref<1x80xi32, #tpu.memory_space<vmem>> -> memref<80xi32, #tpu.memory_space<vmem>>
      %dma_wait3A_361 = arith.constant 0 : i32
      %dma_wait3A_362 = arith.constant 0 : i32
      %dma_wait3A_363 = tpu.memref_slice %arg2[%dma_wait3A_361, %dma_wait3A_362] : memref<10000x128xf32, #tpu.memory_space<hbm>> -> memref<10000x128xf32, #tpu.memory_space<hbm>>
      %dma_wait3A_364 = tpu.memref_slice %arg13[%dma_wait3A_353] : memref<2x!tpu.dma_semaphore, #tpu.memory_space<semaphore_mem>> -> memref<1x!tpu.dma_semaphore, #tpu.memory_space<semaphore_mem>>
      %dma_wait3A_365 = tpu.memref_squeeze %dma_wait3A_364 : memref<1x!tpu.dma_semaphore, #tpu.memory_space<semaphore_mem>> -> memref<!tpu.dma_semaphore, #tpu.memory_space<semaphore_mem>>
      tpu.wait_indirect_dma semaphore(%dma_wait3A_365 : memref<!tpu.dma_semaphore, #tpu.memory_space<semaphore_mem>>) src(%dma_wait3A_363 : memref<10000x128xf32, #tpu.memory_space<hbm>>) dst(%dma_wait3A_357 : memref<80x128xf32, #tpu.memory_space<vmem>>)
      %scan3A_366 = arith.constant 0 : i32
      %scan3A_367 = arith.constant 0 : i32
      %scan3A_368 = arith.constant 80 : i32
      %scan3A_369 = arith.addi %scan3A_367, %scan3A_368 : i32
      %scan3A_370 = arith.constant 1 : i32
      %scan3A_371 = scf.for %scan3A_389 = %scan3A_367 to %scan3A_369 step %scan3A_370 iter_args(%scan3A_390 = %scan3A_366) -> (i32)  : i32 {
        %get3A = arith.constant 1 : i32
        %get3A_391 = arith.index_cast %get3A : i32 to index
        %get3A_392 = arith.index_cast %scan3A_389 : i32 to index
        %get3A_393 = arith.constant 0 : index
        %get3A_394 = tpu.vector_load %arg10[%get3A_391, %get3A_392, %get3A_393] {strides = array<i32>} : memref<2x80x128xf32, #tpu.memory_space<vmem>>, vector<1x1x16xf32>,
        %get3A_395 = vector.shape_cast %get3A_394 : vector<1x1x16xf32> to vector<16xf32>
        %get3A_396 = arith.constant 1 : i32
        %get3A_397 = arith.index_cast %get3A_396 : i32 to index
        %get3A_398 = arith.index_cast %scan3A_389 : i32 to index
        %get3A_399 = arith.constant 0 : index
        %get3A_400 = tpu.vector_load %arg9[%get3A_397, %get3A_398, %get3A_399] {strides = array<i32>} : memref<2x80x128xf32, #tpu.memory_space<vmem>>, vector<1x1x16xf32>,
        %get3A_401 = vector.shape_cast %get3A_400 : vector<1x1x16xf32> to vector<16xf32>
        %add3A_402 = arith.addf %get3A_395, %get3A_401 : vector<16xf32>
        %max3A = arith.constant 0.000000e+00 : f32
        %max3A_403 = vector.broadcast %max3A : f32 to vector<16xf32>
        %max3A_404 = arith.maximumf %add3A_402, %max3A_403 : vector<16xf32>
        %swap3A = arith.constant 1 : i32
        %swap3A_405 = arith.index_cast %swap3A : i32 to index
        %swap3A_406 = arith.index_cast %scan3A_389 : i32 to index
        %swap3A_407 = arith.constant 0 : index
        %swap3A_408 = tpu.vector_load %arg10[%swap3A_405, %swap3A_406, %swap3A_407] {strides = array<i32>} : memref<2x80x128xf32, #tpu.memory_space<vmem>>, vector<1x1x16xf32>,
        %swap3A_409 = vector.shape_cast %swap3A_408 : vector<1x1x16xf32> to vector<16xf32>
        %swap3A_410 = vector.shape_cast %max3A_404 : vector<16xf32> to vector<1x1x16xf32>
        tpu.vector_store %arg10[%swap3A_405, %swap3A_406, %swap3A_407], %swap3A_410 {strides = array<i32>} : memref<2x80x128xf32, #tpu.memory_space<vmem>>, vector<1x1x16xf32>,
        %get3A_411 = arith.constant 1 : i32
        %get3A_412 = arith.index_cast %get3A_411 : i32 to index
        %get3A_413 = arith.index_cast %scan3A_389 : i32 to index
        %get3A_414 = arith.constant 16 : index
        %get3A_415 = tpu.vector_load %arg10[%get3A_412, %get3A_413, %get3A_414] {strides = array<i32>} : memref<2x80x128xf32, #tpu.memory_space<vmem>>, vector<1x1x16xf32>,
        %get3A_416 = vector.shape_cast %get3A_415 : vector<1x1x16xf32> to vector<16xf32>
        %get3A_417 = arith.constant 1 : i32
        %get3A_418 = arith.index_cast %get3A_417 : i32 to index
        %get3A_419 = arith.index_cast %scan3A_389 : i32 to index
        %get3A_420 = arith.constant 16 : index
        %get3A_421 = tpu.vector_load %arg9[%get3A_418, %get3A_419, %get3A_420] {strides = array<i32>} : memref<2x80x128xf32, #tpu.memory_space<vmem>>, vector<1x1x16xf32>,
        %get3A_422 = vector.shape_cast %get3A_421 : vector<1x1x16xf32> to vector<16xf32>
        %add3A_423 = arith.addf %get3A_416, %get3A_422 : vector<16xf32>
        %max3A_424 = arith.constant 0.000000e+00 : f32
        %max3A_425 = vector.broadcast %max3A_424 : f32 to vector<16xf32>
        %max3A_426 = arith.maximumf %add3A_423, %max3A_425 : vector<16xf32>
        %swap3A_427 = arith.constant 1 : i32
        %swap3A_428 = arith.index_cast %swap3A_427 : i32 to index
        %swap3A_429 = arith.index_cast %scan3A_389 : i32 to index
        %swap3A_430 = arith.constant 16 : index
        %swap3A_431 = tpu.vector_load %arg10[%swap3A_428, %swap3A_429, %swap3A_430] {strides = array<i32>} : memref<2x80x128xf32, #tpu.memory_space<vmem>>, vector<1x1x16xf32>,
        %swap3A_432 = vector.shape_cast %swap3A_431 : vector<1x1x16xf32> to vector<16xf32>
        %swap3A_433 = vector.shape_cast %max3A_426 : vector<16xf32> to vector<1x1x16xf32>
        tpu.vector_store %arg10[%swap3A_428, %swap3A_429, %swap3A_430], %swap3A_433 {strides = array<i32>} : memref<2x80x128xf32, #tpu.memory_space<vmem>>, vector<1x1x16xf32>,
        %get3A_434 = arith.constant 1 : i32
        %get3A_435 = arith.index_cast %get3A_434 : i32 to index
        %get3A_436 = arith.index_cast %scan3A_389 : i32 to index
        %get3A_437 = arith.constant 32 : index
        %get3A_438 = tpu.vector_load %arg10[%get3A_435, %get3A_436, %get3A_437] {strides = array<i32>} : memref<2x80x128xf32, #tpu.memory_space<vmem>>, vector<1x1x16xf32>,
        %get3A_439 = vector.shape_cast %get3A_438 : vector<1x1x16xf32> to vector<16xf32>
        %get3A_440 = arith.constant 1 : i32
        %get3A_441 = arith.index_cast %get3A_440 : i32 to index
        %get3A_442 = arith.index_cast %scan3A_389 : i32 to index
        %get3A_443 = arith.constant 32 : index
        %get3A_444 = tpu.vector_load %arg9[%get3A_441, %get3A_442, %get3A_443] {strides = array<i32>} : memref<2x80x128xf32, #tpu.memory_space<vmem>>, vector<1x1x16xf32>,
        %get3A_445 = vector.shape_cast %get3A_444 : vector<1x1x16xf32> to vector<16xf32>
        %add3A_446 = arith.addf %get3A_439, %get3A_445 : vector<16xf32>
        %max3A_447 = arith.constant 0.000000e+00 : f32
        %max3A_448 = vector.broadcast %max3A_447 : f32 to vector<16xf32>
        %max3A_449 = arith.maximumf %add3A_446, %max3A_448 : vector<16xf32>
        %swap3A_450 = arith.constant 1 : i32
        %swap3A_451 = arith.index_cast %swap3A_450 : i32 to index
        %swap3A_452 = arith.index_cast %scan3A_389 : i32 to index
        %swap3A_453 = arith.constant 32 : index
        %swap3A_454 = tpu.vector_load %arg10[%swap3A_451, %swap3A_452, %swap3A_453] {strides = array<i32>} : memref<2x80x128xf32, #tpu.memory_space<vmem>>, vector<1x1x16xf32>,
        %swap3A_455 = vector.shape_cast %swap3A_454 : vector<1x1x16xf32> to vector<16xf32>
        %swap3A_456 = vector.shape_cast %max3A_449 : vector<16xf32> to vector<1x1x16xf32>
        tpu.vector_store %arg10[%swap3A_451, %swap3A_452, %swap3A_453], %swap3A_456 {strides = array<i32>} : memref<2x80x128xf32, #tpu.memory_space<vmem>>, vector<1x1x16xf32>,
        %get3A_457 = arith.constant 1 : i32
        %get3A_458 = arith.index_cast %get3A_457 : i32 to index
        %get3A_459 = arith.index_cast %scan3A_389 : i32 to index
        %get3A_460 = arith.constant 48 : index
        %get3A_461 = tpu.vector_load %arg10[%get3A_458, %get3A_459, %get3A_460] {strides = array<i32>} : memref<2x80x128xf32, #tpu.memory_space<vmem>>, vector<1x1x16xf32>,
        %get3A_462 = vector.shape_cast %get3A_461 : vector<1x1x16xf32> to vector<16xf32>
        %get3A_463 = arith.constant 1 : i32
        %get3A_464 = arith.index_cast %get3A_463 : i32 to index
        %get3A_465 = arith.index_cast %scan3A_389 : i32 to index
        %get3A_466 = arith.constant 48 : index
        %get3A_467 = tpu.vector_load %arg9[%get3A_464, %get3A_465, %get3A_466] {strides = array<i32>} : memref<2x80x128xf32, #tpu.memory_space<vmem>>, vector<1x1x16xf32>,
        %get3A_468 = vector.shape_cast %get3A_467 : vector<1x1x16xf32> to vector<16xf32>
        %add3A_469 = arith.addf %get3A_462, %get3A_468 : vector<16xf32>
        %max3A_470 = arith.constant 0.000000e+00 : f32
        %max3A_471 = vector.broadcast %max3A_470 : f32 to vector<16xf32>
        %max3A_472 = arith.maximumf %add3A_469, %max3A_471 : vector<16xf32>
        %swap3A_473 = arith.constant 1 : i32
        %swap3A_474 = arith.index_cast %swap3A_473 : i32 to index
        %swap3A_475 = arith.index_cast %scan3A_389 : i32 to index
        %swap3A_476 = arith.constant 48 : index
        %swap3A_477 = tpu.vector_load %arg10[%swap3A_474, %swap3A_475, %swap3A_476] {strides = array<i32>} : memref<2x80x128xf32, #tpu.memory_space<vmem>>, vector<1x1x16xf32>,
        %swap3A_478 = vector.shape_cast %swap3A_477 : vector<1x1x16xf32> to vector<16xf32>
        %swap3A_479 = vector.shape_cast %max3A_472 : vector<16xf32> to vector<1x1x16xf32>
        tpu.vector_store %arg10[%swap3A_474, %swap3A_475, %swap3A_476], %swap3A_479 {strides = array<i32>} : memref<2x80x128xf32, #tpu.memory_space<vmem>>, vector<1x1x16xf32>,
        %get3A_480 = arith.constant 1 : i32
        %get3A_481 = arith.index_cast %get3A_480 : i32 to index
        %get3A_482 = arith.index_cast %scan3A_389 : i32 to index
        %get3A_483 = arith.constant 64 : index
        %get3A_484 = tpu.vector_load %arg10[%get3A_481, %get3A_482, %get3A_483] {strides = array<i32>} : memref<2x80x128xf32, #tpu.memory_space<vmem>>, vector<1x1x16xf32>,
        %get3A_485 = vector.shape_cast %get3A_484 : vector<1x1x16xf32> to vector<16xf32>
        %get3A_486 = arith.constant 1 : i32
        %get3A_487 = arith.index_cast %get3A_486 : i32 to index
        %get3A_488 = arith.index_cast %scan3A_389 : i32 to index
        %get3A_489 = arith.constant 64 : index
        %get3A_490 = tpu.vector_load %arg9[%get3A_487, %get3A_488, %get3A_489] {strides = array<i32>} : memref<2x80x128xf32, #tpu.memory_space<vmem>>, vector<1x1x16xf32>,
        %get3A_491 = vector.shape_cast %get3A_490 : vector<1x1x16xf32> to vector<16xf32>
        %add3A_492 = arith.addf %get3A_485, %get3A_491 : vector<16xf32>
        %max3A_493 = arith.constant 0.000000e+00 : f32
        %max3A_494 = vector.broadcast %max3A_493 : f32 to vector<16xf32>
        %max3A_495 = arith.maximumf %add3A_492, %max3A_494 : vector<16xf32>
        %swap3A_496 = arith.constant 1 : i32
        %swap3A_497 = arith.index_cast %swap3A_496 : i32 to index
        %swap3A_498 = arith.index_cast %scan3A_389 : i32 to index
        %swap3A_499 = arith.constant 64 : index
        %swap3A_500 = tpu.vector_load %arg10[%swap3A_497, %swap3A_498, %swap3A_499] {strides = array<i32>} : memref<2x80x128xf32, #tpu.memory_space<vmem>>, vector<1x1x16xf32>,
        %swap3A_501 = vector.shape_cast %swap3A_500 : vector<1x1x16xf32> to vector<16xf32>
        %swap3A_502 = vector.shape_cast %max3A_495 : vector<16xf32> to vector<1x1x16xf32>
        tpu.vector_store %arg10[%swap3A_497, %swap3A_498, %swap3A_499], %swap3A_502 {strides = array<i32>} : memref<2x80x128xf32, #tpu.memory_space<vmem>>, vector<1x1x16xf32>,
        %get3A_503 = arith.constant 1 : i32
        %get3A_504 = arith.index_cast %get3A_503 : i32 to index
        %get3A_505 = arith.index_cast %scan3A_389 : i32 to index
        %get3A_506 = arith.constant 80 : index
        %get3A_507 = tpu.vector_load %arg10[%get3A_504, %get3A_505, %get3A_506] {strides = array<i32>} : memref<2x80x128xf32, #tpu.memory_space<vmem>>, vector<1x1x16xf32>,
        %get3A_508 = vector.shape_cast %get3A_507 : vector<1x1x16xf32> to vector<16xf32>
        %get3A_509 = arith.constant 1 : i32
        %get3A_510 = arith.index_cast %get3A_509 : i32 to index
        %get3A_511 = arith.index_cast %scan3A_389 : i32 to index
        %get3A_512 = arith.constant 80 : index
        %get3A_513 = tpu.vector_load %arg9[%get3A_510, %get3A_511, %get3A_512] {strides = array<i32>} : memref<2x80x128xf32, #tpu.memory_space<vmem>>, vector<1x1x16xf32>,
        %get3A_514 = vector.shape_cast %get3A_513 : vector<1x1x16xf32> to vector<16xf32>
        %add3A_515 = arith.addf %get3A_508, %get3A_514 : vector<16xf32>
        %max3A_516 = arith.constant 0.000000e+00 : f32
        %max3A_517 = vector.broadcast %max3A_516 : f32 to vector<16xf32>
        %max3A_518 = arith.maximumf %add3A_515, %max3A_517 : vector<16xf32>
        %swap3A_519 = arith.constant 1 : i32
        %swap3A_520 = arith.index_cast %swap3A_519 : i32 to index
        %swap3A_521 = arith.index_cast %scan3A_389 : i32 to index
        %swap3A_522 = arith.constant 80 : index
        %swap3A_523 = tpu.vector_load %arg10[%swap3A_520, %swap3A_521, %swap3A_522] {strides = array<i32>} : memref<2x80x128xf32, #tpu.memory_space<vmem>>, vector<1x1x16xf32>,
        %swap3A_524 = vector.shape_cast %swap3A_523 : vector<1x1x16xf32> to vector<16xf32>
        %swap3A_525 = vector.shape_cast %max3A_518 : vector<16xf32> to vector<1x1x16xf32>
        tpu.vector_store %arg10[%swap3A_520, %swap3A_521, %swap3A_522], %swap3A_525 {strides = array<i32>} : memref<2x80x128xf32, #tpu.memory_space<vmem>>, vector<1x1x16xf32>,
        %get3A_526 = arith.constant 1 : i32
        %get3A_527 = arith.index_cast %get3A_526 : i32 to index
        %get3A_528 = arith.index_cast %scan3A_389 : i32 to index
        %get3A_529 = arith.constant 96 : index
        %get3A_530 = tpu.vector_load %arg10[%get3A_527, %get3A_528, %get3A_529] {strides = array<i32>} : memref<2x80x128xf32, #tpu.memory_space<vmem>>, vector<1x1x16xf32>,
        %get3A_531 = vector.shape_cast %get3A_530 : vector<1x1x16xf32> to vector<16xf32>
        %get3A_532 = arith.constant 1 : i32
        %get3A_533 = arith.index_cast %get3A_532 : i32 to index
        %get3A_534 = arith.index_cast %scan3A_389 : i32 to index
        %get3A_535 = arith.constant 96 : index
        %get3A_536 = tpu.vector_load %arg9[%get3A_533, %get3A_534, %get3A_535] {strides = array<i32>} : memref<2x80x128xf32, #tpu.memory_space<vmem>>, vector<1x1x16xf32>,
        %get3A_537 = vector.shape_cast %get3A_536 : vector<1x1x16xf32> to vector<16xf32>
        %add3A_538 = arith.addf %get3A_531, %get3A_537 : vector<16xf32>
        %max3A_539 = arith.constant 0.000000e+00 : f32
        %max3A_540 = vector.broadcast %max3A_539 : f32 to vector<16xf32>
        %max3A_541 = arith.maximumf %add3A_538, %max3A_540 : vector<16xf32>
        %swap3A_542 = arith.constant 1 : i32
        %swap3A_543 = arith.index_cast %swap3A_542 : i32 to index
        %swap3A_544 = arith.index_cast %scan3A_389 : i32 to index
        %swap3A_545 = arith.constant 96 : index
        %swap3A_546 = tpu.vector_load %arg10[%swap3A_543, %swap3A_544, %swap3A_545] {strides = array<i32>} : memref<2x80x128xf32, #tpu.memory_space<vmem>>, vector<1x1x16xf32>,
        %swap3A_547 = vector.shape_cast %swap3A_546 : vector<1x1x16xf32> to vector<16xf32>
        %swap3A_548 = vector.shape_cast %max3A_541 : vector<16xf32> to vector<1x1x16xf32>
        tpu.vector_store %arg10[%swap3A_543, %swap3A_544, %swap3A_545], %swap3A_548 {strides = array<i32>} : memref<2x80x128xf32, #tpu.memory_space<vmem>>, vector<1x1x16xf32>,
        %get3A_549 = arith.constant 1 : i32
        %get3A_550 = arith.index_cast %get3A_549 : i32 to index
        %get3A_551 = arith.index_cast %scan3A_389 : i32 to index
        %get3A_552 = arith.constant 112 : index
        %get3A_553 = tpu.vector_load %arg10[%get3A_550, %get3A_551, %get3A_552] {strides = array<i32>} : memref<2x80x128xf32, #tpu.memory_space<vmem>>, vector<1x1x16xf32>,
        %get3A_554 = vector.shape_cast %get3A_553 : vector<1x1x16xf32> to vector<16xf32>
        %get3A_555 = arith.constant 1 : i32
        %get3A_556 = arith.index_cast %get3A_555 : i32 to index
        %get3A_557 = arith.index_cast %scan3A_389 : i32 to index
        %get3A_558 = arith.constant 112 : index
        %get3A_559 = tpu.vector_load %arg9[%get3A_556, %get3A_557, %get3A_558] {strides = array<i32>} : memref<2x80x128xf32, #tpu.memory_space<vmem>>, vector<1x1x16xf32>,
        %get3A_560 = vector.shape_cast %get3A_559 : vector<1x1x16xf32> to vector<16xf32>
        %add3A_561 = arith.addf %get3A_554, %get3A_560 : vector<16xf32>
        %max3A_562 = arith.constant 0.000000e+00 : f32
        %max3A_563 = vector.broadcast %max3A_562 : f32 to vector<16xf32>
        %max3A_564 = arith.maximumf %add3A_561, %max3A_563 : vector<16xf32>
        %swap3A_565 = arith.constant 1 : i32
        %swap3A_566 = arith.index_cast %swap3A_565 : i32 to index
        %swap3A_567 = arith.index_cast %scan3A_389 : i32 to index
        %swap3A_568 = arith.constant 112 : index
        %swap3A_569 = tpu.vector_load %arg10[%swap3A_566, %swap3A_567, %swap3A_568] {strides = array<i32>} : memref<2x80x128xf32, #tpu.memory_space<vmem>>, vector<1x1x16xf32>,
        %swap3A_570 = vector.shape_cast %swap3A_569 : vector<1x1x16xf32> to vector<16xf32>
        %swap3A_571 = vector.shape_cast %max3A_564 : vector<16xf32> to vector<1x1x16xf32>
        tpu.vector_store %arg10[%swap3A_566, %swap3A_567, %swap3A_568], %swap3A_571 {strides = array<i32>} : memref<2x80x128xf32, #tpu.memory_space<vmem>>, vector<1x1x16xf32>,
        %scan3A_572 = arith.constant 0 : i32
        scf.yield %scan3A_572 : i32
      }
      %scan3A_372 = arith.constant 80 : i32
      %dma_start3A_373 = arith.constant 1 : i32
      %dma_start3A_374 = arith.constant 1 : i32
      %dma_start3A_375 = arith.constant 1 : i32
      %dma_start3A_376 = arith.constant 0 : i32
      %dma_start3A_377 = arith.constant 0 : i32
      %dma_start3A_378 = tpu.memref_slice %arg10[%dma_start3A_373, %dma_start3A_376, %dma_start3A_377] : memref<2x80x128xf32, #tpu.memory_space<vmem>> -> memref<1x80x128xf32, #tpu.memory_space<vmem>>
      %dma_start3A_379 = tpu.memref_squeeze %dma_start3A_378 : memref<1x80x128xf32, #tpu.memory_space<vmem>> -> memref<80x128xf32, #tpu.memory_space<vmem>>
      %dma_start3A_380 = arith.constant 0 : i32
      %dma_start3A_381 = tpu.memref_slice %arg8[%dma_start3A_374, %dma_start3A_380] : memref<2x80xi32, #tpu.memory_space<vmem>> -> memref<1x80xi32, #tpu.memory_space<vmem>>
      %dma_start3A_382 = tpu.memref_squeeze %dma_start3A_381 : memref<1x80xi32, #tpu.memory_space<vmem>> -> memref<80xi32, #tpu.memory_space<vmem>>
      %dma_start3A_383 = arith.constant 0 : i32
      %dma_start3A_384 = arith.constant 0 : i32
      %dma_start3A_385 = tpu.memref_slice %arg11[%dma_start3A_383, %dma_start3A_384] : memref<10240x128xf32, #tpu.memory_space<vmem_shared>> -> memref<10240x128xf32, #tpu.memory_space<vmem_shared>>
      %dma_start3A_386 = tpu.memref_slice %arg14[%dma_start3A_375] : memref<2x!tpu.dma_semaphore, #tpu.memory_space<semaphore_mem>> -> memref<1x!tpu.dma_semaphore, #tpu.memory_space<semaphore_mem>>
      %dma_start3A_387 = tpu.memref_squeeze %dma_start3A_386 : memref<1x!tpu.dma_semaphore, #tpu.memory_space<semaphore_mem>> -> memref<!tpu.dma_semaphore, #tpu.memory_space<semaphore_mem>>
      tpu.enqueue_indirect_dma source(%dma_start3A_379 : memref<80x128xf32, #tpu.memory_space<vmem>>) target(%dma_start3A_385 : memref<10240x128xf32, #tpu.memory_space<vmem_shared>>) offsets(%dma_start3A_382 : memref<80xi32, #tpu.memory_space<vmem>>) semaphore(%dma_start3A_387 : memref<!tpu.dma_semaphore, #tpu.memory_space<semaphore_mem>>) {add = true}
      %scan3A_388 = arith.constant 0 : i32
      scf.yield %scan3A_388 : i32
    }
    %scan3A_23 = arith.constant 62 : i32
    %dma_wait3A = arith.constant 0 : i32
    %dma_wait3A_24 = arith.constant 0 : i32
    %dma_wait3A_25 = arith.constant 0 : i32
    %dma_wait3A_26 = arith.constant 0 : i32
    %dma_wait3A_27 = arith.constant 0 : i32
    %dma_wait3A_28 = tpu.memref_slice %arg10[%dma_wait3A, %dma_wait3A_26, %dma_wait3A_27] : memref<2x80x128xf32, #tpu.memory_space<vmem>> -> memref<1x80x128xf32, #tpu.memory_space<vmem>>
    %dma_wait3A_29 = tpu.memref_squeeze %dma_wait3A_28 : memref<1x80x128xf32, #tpu.memory_space<vmem>> -> memref<80x128xf32, #tpu.memory_space<vmem>>
    %dma_wait3A_30 = arith.constant 0 : i32
    %dma_wait3A_31 = tpu.memref_slice %arg8[%dma_wait3A_24, %dma_wait3A_30] : memref<2x80xi32, #tpu.memory_space<vmem>> -> memref<1x80xi32, #tpu.memory_space<vmem>>
    %dma_wait3A_32 = tpu.memref_squeeze %dma_wait3A_31 : memref<1x80xi32, #tpu.memory_space<vmem>> -> memref<80xi32, #tpu.memory_space<vmem>>
    %dma_wait3A_33 = arith.constant 0 : i32
    %dma_wait3A_34 = arith.constant 0 : i32
    %dma_wait3A_35 = tpu.memref_slice %arg11[%dma_wait3A_33, %dma_wait3A_34] : memref<10240x128xf32, #tpu.memory_space<vmem_shared>> -> memref<10240x128xf32, #tpu.memory_space<vmem_shared>>
    %dma_wait3A_36 = tpu.memref_slice %arg14[%dma_wait3A_25] : memref<2x!tpu.dma_semaphore, #tpu.memory_space<semaphore_mem>> -> memref<1x!tpu.dma_semaphore, #tpu.memory_space<semaphore_mem>>
    %dma_wait3A_37 = tpu.memref_squeeze %dma_wait3A_36 : memref<1x!tpu.dma_semaphore, #tpu.memory_space<semaphore_mem>> -> memref<!tpu.dma_semaphore, #tpu.memory_space<semaphore_mem>>
    tpu.wait_indirect_dma semaphore(%dma_wait3A_37 : memref<!tpu.dma_semaphore, #tpu.memory_space<semaphore_mem>>) src(%dma_wait3A_29 : memref<80x128xf32, #tpu.memory_space<vmem>>) dst(%dma_wait3A_35 : memref<10240x128xf32, #tpu.memory_space<vmem_shared>>)
    %dma_wait3A_38 = arith.constant 1 : i32
    %dma_wait3A_39 = arith.constant 1 : i32
    %dma_wait3A_40 = arith.constant 1 : i32
    %dma_wait3A_41 = arith.constant 0 : i32
    %dma_wait3A_42 = arith.constant 0 : i32
    %dma_wait3A_43 = tpu.memref_slice %arg10[%dma_wait3A_38, %dma_wait3A_41, %dma_wait3A_42] : memref<2x80x128xf32, #tpu.memory_space<vmem>> -> memref<1x80x128xf32, #tpu.memory_space<vmem>>
    %dma_wait3A_44 = tpu.memref_squeeze %dma_wait3A_43 : memref<1x80x128xf32, #tpu.memory_space<vmem>> -> memref<80x128xf32, #tpu.memory_space<vmem>>
    %dma_wait3A_45 = arith.constant 0 : i32
    %dma_wait3A_46 = tpu.memref_slice %arg8[%dma_wait3A_39, %dma_wait3A_45] : memref<2x80xi32, #tpu.memory_space<vmem>> -> memref<1x80xi32, #tpu.memory_space<vmem>>
    %dma_wait3A_47 = tpu.memref_squeeze %dma_wait3A_46 : memref<1x80xi32, #tpu.memory_space<vmem>> -> memref<80xi32, #tpu.memory_space<vmem>>
    %dma_wait3A_48 = arith.constant 0 : i32
    %dma_wait3A_49 = arith.constant 0 : i32
    %dma_wait3A_50 = tpu.memref_slice %arg11[%dma_wait3A_48, %dma_wait3A_49] : memref<10240x128xf32, #tpu.memory_space<vmem_shared>> -> memref<10240x128xf32, #tpu.memory_space<vmem_shared>>
    %dma_wait3A_51 = tpu.memref_slice %arg14[%dma_wait3A_40] : memref<2x!tpu.dma_semaphore, #tpu.memory_space<semaphore_mem>> -> memref<1x!tpu.dma_semaphore, #tpu.memory_space<semaphore_mem>>
    %dma_wait3A_52 = tpu.memref_squeeze %dma_wait3A_51 : memref<1x!tpu.dma_semaphore, #tpu.memory_space<semaphore_mem>> -> memref<!tpu.dma_semaphore, #tpu.memory_space<semaphore_mem>>
    tpu.wait_indirect_dma semaphore(%dma_wait3A_52 : memref<!tpu.dma_semaphore, #tpu.memory_space<semaphore_mem>>) src(%dma_wait3A_44 : memref<80x128xf32, #tpu.memory_space<vmem>>) dst(%dma_wait3A_50 : memref<10240x128xf32, #tpu.memory_space<vmem_shared>>)
    %add3A_53 = arith.constant 9920 : i32
    %add3A_54 = arith.addi %mul3A_2, %add3A_53 : i32
    %multiple_of3A = tpu.assume_multiple %add3A_54, 8 : i32
    %run_scoped3A = arith.constant 0 : i32
    "tpu.region"() ({
      %run_scoped3A_99 = tpu.sem_alloc : memref<!tpu.dma_semaphore, #tpu.memory_space<semaphore_mem>>
      %dma_start3A_100 = arith.constant 0 : i32
      %dma_start3A_101 = tpu.memref_slice %arg7[%run_scoped3A, %dma_start3A_100] : memref<2x80xi32, #tpu.memory_space<vmem>> -> memref<1x80xi32, #tpu.memory_space<vmem>>
      %dma_start3A_102 = tpu.memref_squeeze %dma_start3A_101 : memref<1x80xi32, #tpu.memory_space<vmem>> -> memref<80xi32, #tpu.memory_space<vmem>>
      %dma_start3A_103 = tpu.memref_slice %arg4[%multiple_of3A] : memref<320000xi32, #tpu.memory_space<hbm>> -> memref<80xi32, #tpu.memory_space<hbm>>
      %dma_start3A_104 = arith.constant 0 : i32
      %dma_start3A_105 = tpu.memref_slice %arg7[%run_scoped3A, %dma_start3A_104] : memref<2x80xi32, #tpu.memory_space<vmem>> -> memref<1x80xi32, #tpu.memory_space<vmem>>
      %dma_start3A_106 = tpu.memref_squeeze %dma_start3A_105 : memref<1x80xi32, #tpu.memory_space<vmem>> -> memref<80xi32, #tpu.memory_space<vmem>>
      %dma_start3A_107 = tpu.memref_slice %arg4[%multiple_of3A] : memref<320000xi32, #tpu.memory_space<hbm>> -> memref<80xi32, #tpu.memory_space<hbm>>
      tpu.enqueue_dma source(%dma_start3A_107 : memref<80xi32, #tpu.memory_space<hbm>>) target(%dma_start3A_106 : memref<80xi32, #tpu.memory_space<vmem>>) target_semaphore(%run_scoped3A_99 : memref<!tpu.dma_semaphore, #tpu.memory_space<semaphore_mem>>)
      %dma_wait3A_108 = arith.constant 0 : i32
      %dma_wait3A_109 = tpu.memref_slice %arg7[%run_scoped3A, %dma_wait3A_108] : memref<2x80xi32, #tpu.memory_space<vmem>> -> memref<1x80xi32, #tpu.memory_space<vmem>>
      %dma_wait3A_110 = tpu.memref_squeeze %dma_wait3A_109 : memref<1x80xi32, #tpu.memory_space<vmem>> -> memref<80xi32, #tpu.memory_space<vmem>>
      %dma_wait3A_111 = tpu.memref_slice %arg4[%multiple_of3A] : memref<320000xi32, #tpu.memory_space<hbm>> -> memref<80xi32, #tpu.memory_space<hbm>>
      %dma_wait3A_112 = arith.constant 0 : i32
      %dma_wait3A_113 = tpu.memref_slice %arg7[%run_scoped3A, %dma_wait3A_112] : memref<2x80xi32, #tpu.memory_space<vmem>> -> memref<1x80xi32, #tpu.memory_space<vmem>>
      %dma_wait3A_114 = tpu.memref_squeeze %dma_wait3A_113 : memref<1x80xi32, #tpu.memory_space<vmem>> -> memref<80xi32, #tpu.memory_space<vmem>>
      %dma_wait3A_115 = tpu.memref_slice %arg4[%multiple_of3A] : memref<320000xi32, #tpu.memory_space<hbm>> -> memref<80xi32, #tpu.memory_space<hbm>>
      tpu.wait_dma2 semaphore(%run_scoped3A_99 : memref<!tpu.dma_semaphore, #tpu.memory_space<semaphore_mem>>) src(%dma_wait3A_115 : memref<80xi32, #tpu.memory_space<hbm>>) dst(%dma_wait3A_114 : memref<80xi32, #tpu.memory_space<vmem>>)
      tpu.yield
    }) : () -> ()
    %run_scoped3A_55 = arith.constant 0 : i32
    "tpu.region"() ({
      %run_scoped3A_99 = tpu.sem_alloc : memref<!tpu.dma_semaphore, #tpu.memory_space<semaphore_mem>>
      %dma_start3A_100 = arith.constant 0 : i32
      %dma_start3A_101 = tpu.memref_slice %arg8[%run_scoped3A_55, %dma_start3A_100] : memref<2x80xi32, #tpu.memory_space<vmem>> -> memref<1x80xi32, #tpu.memory_space<vmem>>
      %dma_start3A_102 = tpu.memref_squeeze %dma_start3A_101 : memref<1x80xi32, #tpu.memory_space<vmem>> -> memref<80xi32, #tpu.memory_space<vmem>>
      %dma_start3A_103 = tpu.memref_slice %arg5[%multiple_of3A] : memref<320000xi32, #tpu.memory_space<hbm>> -> memref<80xi32, #tpu.memory_space<hbm>>
      %dma_start3A_104 = arith.constant 0 : i32
      %dma_start3A_105 = tpu.memref_slice %arg8[%run_scoped3A_55, %dma_start3A_104] : memref<2x80xi32, #tpu.memory_space<vmem>> -> memref<1x80xi32, #tpu.memory_space<vmem>>
      %dma_start3A_106 = tpu.memref_squeeze %dma_start3A_105 : memref<1x80xi32, #tpu.memory_space<vmem>> -> memref<80xi32, #tpu.memory_space<vmem>>
      %dma_start3A_107 = tpu.memref_slice %arg5[%multiple_of3A] : memref<320000xi32, #tpu.memory_space<hbm>> -> memref<80xi32, #tpu.memory_space<hbm>>
      tpu.enqueue_dma source(%dma_start3A_107 : memref<80xi32, #tpu.memory_space<hbm>>) target(%dma_start3A_106 : memref<80xi32, #tpu.memory_space<vmem>>) target_semaphore(%run_scoped3A_99 : memref<!tpu.dma_semaphore, #tpu.memory_space<semaphore_mem>>)
      %dma_wait3A_108 = arith.constant 0 : i32
      %dma_wait3A_109 = tpu.memref_slice %arg8[%run_scoped3A_55, %dma_wait3A_108] : memref<2x80xi32, #tpu.memory_space<vmem>> -> memref<1x80xi32, #tpu.memory_space<vmem>>
      %dma_wait3A_110 = tpu.memref_squeeze %dma_wait3A_109 : memref<1x80xi32, #tpu.memory_space<vmem>> -> memref<80xi32, #tpu.memory_space<vmem>>
      %dma_wait3A_111 = tpu.memref_slice %arg5[%multiple_of3A] : memref<320000xi32, #tpu.memory_space<hbm>> -> memref<80xi32, #tpu.memory_space<hbm>>
      %dma_wait3A_112 = arith.constant 0 : i32
      %dma_wait3A_113 = tpu.memref_slice %arg8[%run_scoped3A_55, %dma_wait3A_112] : memref<2x80xi32, #tpu.memory_space<vmem>> -> memref<1x80xi32, #tpu.memory_space<vmem>>
      %dma_wait3A_114 = tpu.memref_squeeze %dma_wait3A_113 : memref<1x80xi32, #tpu.memory_space<vmem>> -> memref<80xi32, #tpu.memory_space<vmem>>
      %dma_wait3A_115 = tpu.memref_slice %arg5[%multiple_of3A] : memref<320000xi32, #tpu.memory_space<hbm>> -> memref<80xi32, #tpu.memory_space<hbm>>
      tpu.wait_dma2 semaphore(%run_scoped3A_99 : memref<!tpu.dma_semaphore, #tpu.memory_space<semaphore_mem>>) src(%dma_wait3A_115 : memref<80xi32, #tpu.memory_space<hbm>>) dst(%dma_wait3A_114 : memref<80xi32, #tpu.memory_space<vmem>>)
      tpu.yield
    }) : () -> ()
    %run_scoped3A_56 = arith.constant 0 : i32
    "tpu.region"() ({
      %run_scoped3A_99 = tpu.sem_alloc : memref<!tpu.dma_semaphore, #tpu.memory_space<semaphore_mem>>
      %dma_start3A_100 = arith.constant 0 : i32
      %dma_start3A_101 = arith.constant 0 : i32
      %dma_start3A_102 = tpu.memref_slice %arg9[%run_scoped3A_56, %dma_start3A_100, %dma_start3A_101] : memref<2x80x128xf32, #tpu.memory_space<vmem>> -> memref<1x80x128xf32, #tpu.memory_space<vmem>>
      %dma_start3A_103 = tpu.memref_squeeze %dma_start3A_102 : memref<1x80x128xf32, #tpu.memory_space<vmem>> -> memref<80x128xf32, #tpu.memory_space<vmem>>
      %dma_start3A_104 = arith.constant 0 : i32
      %dma_start3A_105 = tpu.memref_slice %arg3[%multiple_of3A, %dma_start3A_104] : memref<320000x128xf32, #tpu.memory_space<hbm>> -> memref<80x128xf32, #tpu.memory_space<hbm>>
      %dma_start3A_106 = arith.constant 0 : i32
      %dma_start3A_107 = arith.constant 0 : i32
      %dma_start3A_108 = tpu.memref_slice %arg9[%run_scoped3A_56, %dma_start3A_106, %dma_start3A_107] : memref<2x80x128xf32, #tpu.memory_space<vmem>> -> memref<1x80x128xf32, #tpu.memory_space<vmem>>
      %dma_start3A_109 = tpu.memref_squeeze %dma_start3A_108 : memref<1x80x128xf32, #tpu.memory_space<vmem>> -> memref<80x128xf32, #tpu.memory_space<vmem>>
      %dma_start3A_110 = arith.constant 0 : i32
      %dma_start3A_111 = tpu.memref_slice %arg3[%multiple_of3A, %dma_start3A_110] : memref<320000x128xf32, #tpu.memory_space<hbm>> -> memref<80x128xf32, #tpu.memory_space<hbm>>
      tpu.enqueue_dma source(%dma_start3A_111 : memref<80x128xf32, #tpu.memory_space<hbm>>) target(%dma_start3A_109 : memref<80x128xf32, #tpu.memory_space<vmem>>) target_semaphore(%run_scoped3A_99 : memref<!tpu.dma_semaphore, #tpu.memory_space<semaphore_mem>>)
      %dma_wait3A_112 = arith.constant 0 : i32
      %dma_wait3A_113 = arith.constant 0 : i32
      %dma_wait3A_114 = tpu.memref_slice %arg9[%run_scoped3A_56, %dma_wait3A_112, %dma_wait3A_113] : memref<2x80x128xf32, #tpu.memory_space<vmem>> -> memref<1x80x128xf32, #tpu.memory_space<vmem>>
      %dma_wait3A_115 = tpu.memref_squeeze %dma_wait3A_114 : memref<1x80x128xf32, #tpu.memory_space<vmem>> -> memref<80x128xf32, #tpu.memory_space<vmem>>
      %dma_wait3A_116 = arith.constant 0 : i32
      %dma_wait3A_117 = tpu.memref_slice %arg3[%multiple_of3A, %dma_wait3A_116] : memref<320000x128xf32, #tpu.memory_space<hbm>> -> memref<80x128xf32, #tpu.memory_space<hbm>>
      %dma_wait3A_118 = arith.constant 0 : i32
      %dma_wait3A_119 = arith.constant 0 : i32
      %dma_wait3A_120 = tpu.memref_slice %arg9[%run_scoped3A_56, %dma_wait3A_118, %dma_wait3A_119] : memref<2x80x128xf32, #tpu.memory_space<vmem>> -> memref<1x80x128xf32, #tpu.memory_space<vmem>>
      %dma_wait3A_121 = tpu.memref_squeeze %dma_wait3A_120 : memref<1x80x128xf32, #tpu.memory_space<vmem>> -> memref<80x128xf32, #tpu.memory_space<vmem>>
      %dma_wait3A_122 = arith.constant 0 : i32
      %dma_wait3A_123 = tpu.memref_slice %arg3[%multiple_of3A, %dma_wait3A_122] : memref<320000x128xf32, #tpu.memory_space<hbm>> -> memref<80x128xf32, #tpu.memory_space<hbm>>
      tpu.wait_dma2 semaphore(%run_scoped3A_99 : memref<!tpu.dma_semaphore, #tpu.memory_space<semaphore_mem>>) src(%dma_wait3A_123 : memref<80x128xf32, #tpu.memory_space<hbm>>) dst(%dma_wait3A_121 : memref<80x128xf32, #tpu.memory_space<vmem>>)
      tpu.yield
    }) : () -> ()
    %dma_start3A = arith.constant 0 : i32
    %dma_start3A_57 = arith.constant 0 : i32
    %dma_start3A_58 = arith.constant 0 : i32
    %dma_start3A_59 = arith.constant 0 : i32
    %dma_start3A_60 = arith.constant 0 : i32
    %dma_start3A_61 = tpu.memref_slice %arg10[%dma_start3A_57, %dma_start3A_59, %dma_start3A_60] : memref<2x80x128xf32, #tpu.memory_space<vmem>> -> memref<1x80x128xf32, #tpu.memory_space<vmem>>
    %dma_start3A_62 = tpu.memref_squeeze %dma_start3A_61 : memref<1x80x128xf32, #tpu.memory_space<vmem>> -> memref<80x128xf32, #tpu.memory_space<vmem>>
    %dma_start3A_63 = arith.constant 0 : i32
    %dma_start3A_64 = tpu.memref_slice %arg7[%dma_start3A, %dma_start3A_63] : memref<2x80xi32, #tpu.memory_space<vmem>> -> memref<1x80xi32, #tpu.memory_space<vmem>>
    %dma_start3A_65 = tpu.memref_squeeze %dma_start3A_64 : memref<1x80xi32, #tpu.memory_space<vmem>> -> memref<80xi32, #tpu.memory_space<vmem>>
    %dma_start3A_66 = arith.constant 0 : i32
    %dma_start3A_67 = arith.constant 0 : i32
    %dma_start3A_68 = tpu.memref_slice %arg2[%dma_start3A_66, %dma_start3A_67] : memref<10000x128xf32, #tpu.memory_space<hbm>> -> memref<10000x128xf32, #tpu.memory_space<hbm>>
    %dma_start3A_69 = tpu.memref_slice %arg13[%dma_start3A_58] : memref<2x!tpu.dma_semaphore, #tpu.memory_space<semaphore_mem>> -> memref<1x!tpu.dma_semaphore, #tpu.memory_space<semaphore_mem>>
    %dma_start3A_70 = tpu.memref_squeeze %dma_start3A_69 : memref<1x!tpu.dma_semaphore, #tpu.memory_space<semaphore_mem>> -> memref<!tpu.dma_semaphore, #tpu.memory_space<semaphore_mem>>
    tpu.enqueue_indirect_dma source(%dma_start3A_68 : memref<10000x128xf32, #tpu.memory_space<hbm>>) target(%dma_start3A_62 : memref<80x128xf32, #tpu.memory_space<vmem>>) offsets(%dma_start3A_65 : memref<80xi32, #tpu.memory_space<vmem>>) semaphore(%dma_start3A_70 : memref<!tpu.dma_semaphore, #tpu.memory_space<semaphore_mem>>)
    %dma_wait3A_71 = arith.constant 0 : i32
    %dma_wait3A_72 = arith.constant 0 : i32
    %dma_wait3A_73 = arith.constant 0 : i32
    %dma_wait3A_74 = arith.constant 0 : i32
    %dma_wait3A_75 = arith.constant 0 : i32
    %dma_wait3A_76 = tpu.memref_slice %arg10[%dma_wait3A_72, %dma_wait3A_74, %dma_wait3A_75] : memref<2x80x128xf32, #tpu.memory_space<vmem>> -> memref<1x80x128xf32, #tpu.memory_space<vmem>>
    %dma_wait3A_77 = tpu.memref_squeeze %dma_wait3A_76 : memref<1x80x128xf32, #tpu.memory_space<vmem>> -> memref<80x128xf32, #tpu.memory_space<vmem>>
    %dma_wait3A_78 = arith.constant 0 : i32
    %dma_wait3A_79 = tpu.memref_slice %arg7[%dma_wait3A_71, %dma_wait3A_78] : memref<2x80xi32, #tpu.memory_space<vmem>> -> memref<1x80xi32, #tpu.memory_space<vmem>>
    %dma_wait3A_80 = tpu.memref_squeeze %dma_wait3A_79 : memref<1x80xi32, #tpu.memory_space<vmem>> -> memref<80xi32, #tpu.memory_space<vmem>>
    %dma_wait3A_81 = arith.constant 0 : i32
    %dma_wait3A_82 = arith.constant 0 : i32
    %dma_wait3A_83 = tpu.memref_slice %arg2[%dma_wait3A_81, %dma_wait3A_82] : memref<10000x128xf32, #tpu.memory_space<hbm>> -> memref<10000x128xf32, #tpu.memory_space<hbm>>
    %dma_wait3A_84 = tpu.memref_slice %arg13[%dma_wait3A_73] : memref<2x!tpu.dma_semaphore, #tpu.memory_space<semaphore_mem>> -> memref<1x!tpu.dma_semaphore, #tpu.memory_space<semaphore_mem>>
    %dma_wait3A_85 = tpu.memref_squeeze %dma_wait3A_84 : memref<1x!tpu.dma_semaphore, #tpu.memory_space<semaphore_mem>> -> memref<!tpu.dma_semaphore, #tpu.memory_space<semaphore_mem>>
    tpu.wait_indirect_dma semaphore(%dma_wait3A_85 : memref<!tpu.dma_semaphore, #tpu.memory_space<semaphore_mem>>) src(%dma_wait3A_83 : memref<10000x128xf32, #tpu.memory_space<hbm>>) dst(%dma_wait3A_77 : memref<80x128xf32, #tpu.memory_space<vmem>>)
    %scan3A_86 = arith.constant 0 : i32
    %scan3A_87 = arith.constant 0 : i32
    %scan3A_88 = arith.constant 80 : i32
    %scan3A_89 = arith.addi %scan3A_87, %scan3A_88 : i32
    %scan3A_90 = arith.constant 1 : i32
    %scan3A_91 = scf.for %scan3A_99 = %scan3A_87 to %scan3A_89 step %scan3A_90 iter_args(%scan3A_100 = %scan3A_86) -> (i32)  : i32 {
      %get3A = arith.constant 0 : i32
      %get3A_101 = arith.index_cast %get3A : i32 to index
      %get3A_102 = arith.index_cast %scan3A_99 : i32 to index
      %get3A_103 = arith.constant 0 : index
      %get3A_104 = tpu.vector_load %arg10[%get3A_101, %get3A_102, %get3A_103] {strides = array<i32>} : memref<2x80x128xf32, #tpu.memory_space<vmem>>, vector<1x1x16xf32>,
      %get3A_105 = vector.shape_cast %get3A_104 : vector<1x1x16xf32> to vector<16xf32>
      %get3A_106 = arith.constant 0 : i32
      %get3A_107 = arith.index_cast %get3A_106 : i32 to index
      %get3A_108 = arith.index_cast %scan3A_99 : i32 to index
      %get3A_109 = arith.constant 0 : index
      %get3A_110 = tpu.vector_load %arg9[%get3A_107, %get3A_108, %get3A_109] {strides = array<i32>} : memref<2x80x128xf32, #tpu.memory_space<vmem>>, vector<1x1x16xf32>,
      %get3A_111 = vector.shape_cast %get3A_110 : vector<1x1x16xf32> to vector<16xf32>
      %add3A_112 = arith.addf %get3A_105, %get3A_111 : vector<16xf32>
      %max3A = arith.constant 0.000000e+00 : f32
      %max3A_113 = vector.broadcast %max3A : f32 to vector<16xf32>
      %max3A_114 = arith.maximumf %add3A_112, %max3A_113 : vector<16xf32>
      %swap3A = arith.constant 0 : i32
      %swap3A_115 = arith.index_cast %swap3A : i32 to index
      %swap3A_116 = arith.index_cast %scan3A_99 : i32 to index
      %swap3A_117 = arith.constant 0 : index
      %swap3A_118 = tpu.vector_load %arg10[%swap3A_115, %swap3A_116, %swap3A_117] {strides = array<i32>} : memref<2x80x128xf32, #tpu.memory_space<vmem>>, vector<1x1x16xf32>,
      %swap3A_119 = vector.shape_cast %swap3A_118 : vector<1x1x16xf32> to vector<16xf32>
      %swap3A_120 = vector.shape_cast %max3A_114 : vector<16xf32> to vector<1x1x16xf32>
      tpu.vector_store %arg10[%swap3A_115, %swap3A_116, %swap3A_117], %swap3A_120 {strides = array<i32>} : memref<2x80x128xf32, #tpu.memory_space<vmem>>, vector<1x1x16xf32>,
      %get3A_121 = arith.constant 0 : i32
      %get3A_122 = arith.index_cast %get3A_121 : i32 to index
      %get3A_123 = arith.index_cast %scan3A_99 : i32 to index
      %get3A_124 = arith.constant 16 : index
      %get3A_125 = tpu.vector_load %arg10[%get3A_122, %get3A_123, %get3A_124] {strides = array<i32>} : memref<2x80x128xf32, #tpu.memory_space<vmem>>, vector<1x1x16xf32>,
      %get3A_126 = vector.shape_cast %get3A_125 : vector<1x1x16xf32> to vector<16xf32>
      %get3A_127 = arith.constant 0 : i32
      %get3A_128 = arith.index_cast %get3A_127 : i32 to index
      %get3A_129 = arith.index_cast %scan3A_99 : i32 to index
      %get3A_130 = arith.constant 16 : index
      %get3A_131 = tpu.vector_load %arg9[%get3A_128, %get3A_129, %get3A_130] {strides = array<i32>} : memref<2x80x128xf32, #tpu.memory_space<vmem>>, vector<1x1x16xf32>,
      %get3A_132 = vector.shape_cast %get3A_131 : vector<1x1x16xf32> to vector<16xf32>
      %add3A_133 = arith.addf %get3A_126, %get3A_132 : vector<16xf32>
      %max3A_134 = arith.constant 0.000000e+00 : f32
      %max3A_135 = vector.broadcast %max3A_134 : f32 to vector<16xf32>
      %max3A_136 = arith.maximumf %add3A_133, %max3A_135 : vector<16xf32>
      %swap3A_137 = arith.constant 0 : i32
      %swap3A_138 = arith.index_cast %swap3A_137 : i32 to index
      %swap3A_139 = arith.index_cast %scan3A_99 : i32 to index
      %swap3A_140 = arith.constant 16 : index
      %swap3A_141 = tpu.vector_load %arg10[%swap3A_138, %swap3A_139, %swap3A_140] {strides = array<i32>} : memref<2x80x128xf32, #tpu.memory_space<vmem>>, vector<1x1x16xf32>,
      %swap3A_142 = vector.shape_cast %swap3A_141 : vector<1x1x16xf32> to vector<16xf32>
      %swap3A_143 = vector.shape_cast %max3A_136 : vector<16xf32> to vector<1x1x16xf32>
      tpu.vector_store %arg10[%swap3A_138, %swap3A_139, %swap3A_140], %swap3A_143 {strides = array<i32>} : memref<2x80x128xf32, #tpu.memory_space<vmem>>, vector<1x1x16xf32>,
      %get3A_144 = arith.constant 0 : i32
      %get3A_145 = arith.index_cast %get3A_144 : i32 to index
      %get3A_146 = arith.index_cast %scan3A_99 : i32 to index
      %get3A_147 = arith.constant 32 : index
      %get3A_148 = tpu.vector_load %arg10[%get3A_145, %get3A_146, %get3A_147] {strides = array<i32>} : memref<2x80x128xf32, #tpu.memory_space<vmem>>, vector<1x1x16xf32>,
      %get3A_149 = vector.shape_cast %get3A_148 : vector<1x1x16xf32> to vector<16xf32>
      %get3A_150 = arith.constant 0 : i32
      %get3A_151 = arith.index_cast %get3A_150 : i32 to index
      %get3A_152 = arith.index_cast %scan3A_99 : i32 to index
      %get3A_153 = arith.constant 32 : index
      %get3A_154 = tpu.vector_load %arg9[%get3A_151, %get3A_152, %get3A_153] {strides = array<i32>} : memref<2x80x128xf32, #tpu.memory_space<vmem>>, vector<1x1x16xf32>,
      %get3A_155 = vector.shape_cast %get3A_154 : vector<1x1x16xf32> to vector<16xf32>
      %add3A_156 = arith.addf %get3A_149, %get3A_155 : vector<16xf32>
      %max3A_157 = arith.constant 0.000000e+00 : f32
      %max3A_158 = vector.broadcast %max3A_157 : f32 to vector<16xf32>
      %max3A_159 = arith.maximumf %add3A_156, %max3A_158 : vector<16xf32>
      %swap3A_160 = arith.constant 0 : i32
      %swap3A_161 = arith.index_cast %swap3A_160 : i32 to index
      %swap3A_162 = arith.index_cast %scan3A_99 : i32 to index
      %swap3A_163 = arith.constant 32 : index
      %swap3A_164 = tpu.vector_load %arg10[%swap3A_161, %swap3A_162, %swap3A_163] {strides = array<i32>} : memref<2x80x128xf32, #tpu.memory_space<vmem>>, vector<1x1x16xf32>,
      %swap3A_165 = vector.shape_cast %swap3A_164 : vector<1x1x16xf32> to vector<16xf32>
      %swap3A_166 = vector.shape_cast %max3A_159 : vector<16xf32> to vector<1x1x16xf32>
      tpu.vector_store %arg10[%swap3A_161, %swap3A_162, %swap3A_163], %swap3A_166 {strides = array<i32>} : memref<2x80x128xf32, #tpu.memory_space<vmem>>, vector<1x1x16xf32>,
      %get3A_167 = arith.constant 0 : i32
      %get3A_168 = arith.index_cast %get3A_167 : i32 to index
      %get3A_169 = arith.index_cast %scan3A_99 : i32 to index
      %get3A_170 = arith.constant 48 : index
      %get3A_171 = tpu.vector_load %arg10[%get3A_168, %get3A_169, %get3A_170] {strides = array<i32>} : memref<2x80x128xf32, #tpu.memory_space<vmem>>, vector<1x1x16xf32>,
      %get3A_172 = vector.shape_cast %get3A_171 : vector<1x1x16xf32> to vector<16xf32>
      %get3A_173 = arith.constant 0 : i32
      %get3A_174 = arith.index_cast %get3A_173 : i32 to index
      %get3A_175 = arith.index_cast %scan3A_99 : i32 to index
      %get3A_176 = arith.constant 48 : index
      %get3A_177 = tpu.vector_load %arg9[%get3A_174, %get3A_175, %get3A_176] {strides = array<i32>} : memref<2x80x128xf32, #tpu.memory_space<vmem>>, vector<1x1x16xf32>,
      %get3A_178 = vector.shape_cast %get3A_177 : vector<1x1x16xf32> to vector<16xf32>
      %add3A_179 = arith.addf %get3A_172, %get3A_178 : vector<16xf32>
      %max3A_180 = arith.constant 0.000000e+00 : f32
      %max3A_181 = vector.broadcast %max3A_180 : f32 to vector<16xf32>
      %max3A_182 = arith.maximumf %add3A_179, %max3A_181 : vector<16xf32>
      %swap3A_183 = arith.constant 0 : i32
      %swap3A_184 = arith.index_cast %swap3A_183 : i32 to index
      %swap3A_185 = arith.index_cast %scan3A_99 : i32 to index
      %swap3A_186 = arith.constant 48 : index
      %swap3A_187 = tpu.vector_load %arg10[%swap3A_184, %swap3A_185, %swap3A_186] {strides = array<i32>} : memref<2x80x128xf32, #tpu.memory_space<vmem>>, vector<1x1x16xf32>,
      %swap3A_188 = vector.shape_cast %swap3A_187 : vector<1x1x16xf32> to vector<16xf32>
      %swap3A_189 = vector.shape_cast %max3A_182 : vector<16xf32> to vector<1x1x16xf32>
      tpu.vector_store %arg10[%swap3A_184, %swap3A_185, %swap3A_186], %swap3A_189 {strides = array<i32>} : memref<2x80x128xf32, #tpu.memory_space<vmem>>, vector<1x1x16xf32>,
      %get3A_190 = arith.constant 0 : i32
      %get3A_191 = arith.index_cast %get3A_190 : i32 to index
      %get3A_192 = arith.index_cast %scan3A_99 : i32 to index
      %get3A_193 = arith.constant 64 : index
      %get3A_194 = tpu.vector_load %arg10[%get3A_191, %get3A_192, %get3A_193] {strides = array<i32>} : memref<2x80x128xf32, #tpu.memory_space<vmem>>, vector<1x1x16xf32>,
      %get3A_195 = vector.shape_cast %get3A_194 : vector<1x1x16xf32> to vector<16xf32>
      %get3A_196 = arith.constant 0 : i32
      %get3A_197 = arith.index_cast %get3A_196 : i32 to index
      %get3A_198 = arith.index_cast %scan3A_99 : i32 to index
      %get3A_199 = arith.constant 64 : index
      %get3A_200 = tpu.vector_load %arg9[%get3A_197, %get3A_198, %get3A_199] {strides = array<i32>} : memref<2x80x128xf32, #tpu.memory_space<vmem>>, vector<1x1x16xf32>,
      %get3A_201 = vector.shape_cast %get3A_200 : vector<1x1x16xf32> to vector<16xf32>
      %add3A_202 = arith.addf %get3A_195, %get3A_201 : vector<16xf32>
      %max3A_203 = arith.constant 0.000000e+00 : f32
      %max3A_204 = vector.broadcast %max3A_203 : f32 to vector<16xf32>
      %max3A_205 = arith.maximumf %add3A_202, %max3A_204 : vector<16xf32>
      %swap3A_206 = arith.constant 0 : i32
      %swap3A_207 = arith.index_cast %swap3A_206 : i32 to index
      %swap3A_208 = arith.index_cast %scan3A_99 : i32 to index
      %swap3A_209 = arith.constant 64 : index
      %swap3A_210 = tpu.vector_load %arg10[%swap3A_207, %swap3A_208, %swap3A_209] {strides = array<i32>} : memref<2x80x128xf32, #tpu.memory_space<vmem>>, vector<1x1x16xf32>,
      %swap3A_211 = vector.shape_cast %swap3A_210 : vector<1x1x16xf32> to vector<16xf32>
      %swap3A_212 = vector.shape_cast %max3A_205 : vector<16xf32> to vector<1x1x16xf32>
      tpu.vector_store %arg10[%swap3A_207, %swap3A_208, %swap3A_209], %swap3A_212 {strides = array<i32>} : memref<2x80x128xf32, #tpu.memory_space<vmem>>, vector<1x1x16xf32>,
      %get3A_213 = arith.constant 0 : i32
      %get3A_214 = arith.index_cast %get3A_213 : i32 to index
      %get3A_215 = arith.index_cast %scan3A_99 : i32 to index
      %get3A_216 = arith.constant 80 : index
      %get3A_217 = tpu.vector_load %arg10[%get3A_214, %get3A_215, %get3A_216] {strides = array<i32>} : memref<2x80x128xf32, #tpu.memory_space<vmem>>, vector<1x1x16xf32>,
      %get3A_218 = vector.shape_cast %get3A_217 : vector<1x1x16xf32> to vector<16xf32>
      %get3A_219 = arith.constant 0 : i32
      %get3A_220 = arith.index_cast %get3A_219 : i32 to index
      %get3A_221 = arith.index_cast %scan3A_99 : i32 to index
      %get3A_222 = arith.constant 80 : index
      %get3A_223 = tpu.vector_load %arg9[%get3A_220, %get3A_221, %get3A_222] {strides = array<i32>} : memref<2x80x128xf32, #tpu.memory_space<vmem>>, vector<1x1x16xf32>,
      %get3A_224 = vector.shape_cast %get3A_223 : vector<1x1x16xf32> to vector<16xf32>
      %add3A_225 = arith.addf %get3A_218, %get3A_224 : vector<16xf32>
      %max3A_226 = arith.constant 0.000000e+00 : f32
      %max3A_227 = vector.broadcast %max3A_226 : f32 to vector<16xf32>
      %max3A_228 = arith.maximumf %add3A_225, %max3A_227 : vector<16xf32>
      %swap3A_229 = arith.constant 0 : i32
      %swap3A_230 = arith.index_cast %swap3A_229 : i32 to index
      %swap3A_231 = arith.index_cast %scan3A_99 : i32 to index
      %swap3A_232 = arith.constant 80 : index
      %swap3A_233 = tpu.vector_load %arg10[%swap3A_230, %swap3A_231, %swap3A_232] {strides = array<i32>} : memref<2x80x128xf32, #tpu.memory_space<vmem>>, vector<1x1x16xf32>,
      %swap3A_234 = vector.shape_cast %swap3A_233 : vector<1x1x16xf32> to vector<16xf32>
      %swap3A_235 = vector.shape_cast %max3A_228 : vector<16xf32> to vector<1x1x16xf32>
      tpu.vector_store %arg10[%swap3A_230, %swap3A_231, %swap3A_232], %swap3A_235 {strides = array<i32>} : memref<2x80x128xf32, #tpu.memory_space<vmem>>, vector<1x1x16xf32>,
      %get3A_236 = arith.constant 0 : i32
      %get3A_237 = arith.index_cast %get3A_236 : i32 to index
      %get3A_238 = arith.index_cast %scan3A_99 : i32 to index
      %get3A_239 = arith.constant 96 : index
      %get3A_240 = tpu.vector_load %arg10[%get3A_237, %get3A_238, %get3A_239] {strides = array<i32>} : memref<2x80x128xf32, #tpu.memory_space<vmem>>, vector<1x1x16xf32>,
      %get3A_241 = vector.shape_cast %get3A_240 : vector<1x1x16xf32> to vector<16xf32>
      %get3A_242 = arith.constant 0 : i32
      %get3A_243 = arith.index_cast %get3A_242 : i32 to index
      %get3A_244 = arith.index_cast %scan3A_99 : i32 to index
      %get3A_245 = arith.constant 96 : index
      %get3A_246 = tpu.vector_load %arg9[%get3A_243, %get3A_244, %get3A_245] {strides = array<i32>} : memref<2x80x128xf32, #tpu.memory_space<vmem>>, vector<1x1x16xf32>,
      %get3A_247 = vector.shape_cast %get3A_246 : vector<1x1x16xf32> to vector<16xf32>
      %add3A_248 = arith.addf %get3A_241, %get3A_247 : vector<16xf32>
      %max3A_249 = arith.constant 0.000000e+00 : f32
      %max3A_250 = vector.broadcast %max3A_249 : f32 to vector<16xf32>
      %max3A_251 = arith.maximumf %add3A_248, %max3A_250 : vector<16xf32>
      %swap3A_252 = arith.constant 0 : i32
      %swap3A_253 = arith.index_cast %swap3A_252 : i32 to index
      %swap3A_254 = arith.index_cast %scan3A_99 : i32 to index
      %swap3A_255 = arith.constant 96 : index
      %swap3A_256 = tpu.vector_load %arg10[%swap3A_253, %swap3A_254, %swap3A_255] {strides = array<i32>} : memref<2x80x128xf32, #tpu.memory_space<vmem>>, vector<1x1x16xf32>,
      %swap3A_257 = vector.shape_cast %swap3A_256 : vector<1x1x16xf32> to vector<16xf32>
      %swap3A_258 = vector.shape_cast %max3A_251 : vector<16xf32> to vector<1x1x16xf32>
      tpu.vector_store %arg10[%swap3A_253, %swap3A_254, %swap3A_255], %swap3A_258 {strides = array<i32>} : memref<2x80x128xf32, #tpu.memory_space<vmem>>, vector<1x1x16xf32>,
      %get3A_259 = arith.constant 0 : i32
      %get3A_260 = arith.index_cast %get3A_259 : i32 to index
      %get3A_261 = arith.index_cast %scan3A_99 : i32 to index
      %get3A_262 = arith.constant 112 : index
      %get3A_263 = tpu.vector_load %arg10[%get3A_260, %get3A_261, %get3A_262] {strides = array<i32>} : memref<2x80x128xf32, #tpu.memory_space<vmem>>, vector<1x1x16xf32>,
      %get3A_264 = vector.shape_cast %get3A_263 : vector<1x1x16xf32> to vector<16xf32>
      %get3A_265 = arith.constant 0 : i32
      %get3A_266 = arith.index_cast %get3A_265 : i32 to index
      %get3A_267 = arith.index_cast %scan3A_99 : i32 to index
      %get3A_268 = arith.constant 112 : index
      %get3A_269 = tpu.vector_load %arg9[%get3A_266, %get3A_267, %get3A_268] {strides = array<i32>} : memref<2x80x128xf32, #tpu.memory_space<vmem>>, vector<1x1x16xf32>,
      %get3A_270 = vector.shape_cast %get3A_269 : vector<1x1x16xf32> to vector<16xf32>
      %add3A_271 = arith.addf %get3A_264, %get3A_270 : vector<16xf32>
      %max3A_272 = arith.constant 0.000000e+00 : f32
      %max3A_273 = vector.broadcast %max3A_272 : f32 to vector<16xf32>
      %max3A_274 = arith.maximumf %add3A_271, %max3A_273 : vector<16xf32>
      %swap3A_275 = arith.constant 0 : i32
      %swap3A_276 = arith.index_cast %swap3A_275 : i32 to index
      %swap3A_277 = arith.index_cast %scan3A_99 : i32 to index
      %swap3A_278 = arith.constant 112 : index
      %swap3A_279 = tpu.vector_load %arg10[%swap3A_276, %swap3A_277, %swap3A_278] {strides = array<i32>} : memref<2x80x128xf32, #tpu.memory_space<vmem>>, vector<1x1x16xf32>,
      %swap3A_280 = vector.shape_cast %swap3A_279 : vector<1x1x16xf32> to vector<16xf32>
      %swap3A_281 = vector.shape_cast %max3A_274 : vector<16xf32> to vector<1x1x16xf32>
      tpu.vector_store %arg10[%swap3A_276, %swap3A_277, %swap3A_278], %swap3A_281 {strides = array<i32>} : memref<2x80x128xf32, #tpu.memory_space<vmem>>, vector<1x1x16xf32>,
      %scan3A_282 = arith.constant 0 : i32
      scf.yield %scan3A_282 : i32
    }
    %scan3A_92 = arith.constant 80 : i32
    %run_scoped3A_93 = arith.constant 0 : i32
    %run_scoped3A_94 = arith.constant 0 : i32
    "tpu.region"() ({
      %run_scoped3A_99 = tpu.sem_alloc : memref<!tpu.dma_semaphore, #tpu.memory_space<semaphore_mem>>
      %dma_start3A_100 = arith.constant 0 : i32
      %dma_start3A_101 = arith.constant 0 : i32
      %dma_start3A_102 = tpu.memref_slice %arg10[%run_scoped3A_93, %dma_start3A_100, %dma_start3A_101] : memref<2x80x128xf32, #tpu.memory_space<vmem>> -> memref<1x80x128xf32, #tpu.memory_space<vmem>>
      %dma_start3A_103 = tpu.memref_squeeze %dma_start3A_102 : memref<1x80x128xf32, #tpu.memory_space<vmem>> -> memref<80x128xf32, #tpu.memory_space<vmem>>
      %dma_start3A_104 = arith.constant 0 : i32
      %dma_start3A_105 = tpu.memref_slice %arg8[%run_scoped3A_94, %dma_start3A_104] : memref<2x80xi32, #tpu.memory_space<vmem>> -> memref<1x80xi32, #tpu.memory_space<vmem>>
      %dma_start3A_106 = tpu.memref_squeeze %dma_start3A_105 : memref<1x80xi32, #tpu.memory_space<vmem>> -> memref<80xi32, #tpu.memory_space<vmem>>
      %dma_start3A_107 = arith.constant 0 : i32
      %dma_start3A_108 = arith.constant 0 : i32
      %dma_start3A_109 = tpu.memref_slice %arg11[%dma_start3A_107, %dma_start3A_108] : memref<10240x128xf32, #tpu.memory_space<vmem_shared>> -> memref<10240x128xf32, #tpu.memory_space<vmem_shared>>
      tpu.enqueue_indirect_dma source(%dma_start3A_103 : memref<80x128xf32, #tpu.memory_space<vmem>>) target(%dma_start3A_109 : memref<10240x128xf32, #tpu.memory_space<vmem_shared>>) offsets(%dma_start3A_106 : memref<80xi32, #tpu.memory_space<vmem>>) semaphore(%run_scoped3A_99 : memref<!tpu.dma_semaphore, #tpu.memory_space<semaphore_mem>>) {add = true}
      %dma_wait3A_110 = arith.constant 0 : i32
      %dma_wait3A_111 = arith.constant 0 : i32
      %dma_wait3A_112 = tpu.memref_slice %arg10[%run_scoped3A_93, %dma_wait3A_110, %dma_wait3A_111] : memref<2x80x128xf32, #tpu.memory_space<vmem>> -> memref<1x80x128xf32, #tpu.memory_space<vmem>>
      %dma_wait3A_113 = tpu.memref_squeeze %dma_wait3A_112 : memref<1x80x128xf32, #tpu.memory_space<vmem>> -> memref<80x128xf32, #tpu.memory_space<vmem>>
      %dma_wait3A_114 = arith.constant 0 : i32
      %dma_wait3A_115 = tpu.memref_slice %arg8[%run_scoped3A_94, %dma_wait3A_114] : memref<2x80xi32, #tpu.memory_space<vmem>> -> memref<1x80xi32, #tpu.memory_space<vmem>>
      %dma_wait3A_116 = tpu.memref_squeeze %dma_wait3A_115 : memref<1x80xi32, #tpu.memory_space<vmem>> -> memref<80xi32, #tpu.memory_space<vmem>>
      %dma_wait3A_117 = arith.constant 0 : i32
      %dma_wait3A_118 = arith.constant 0 : i32
      %dma_wait3A_119 = tpu.memref_slice %arg11[%dma_wait3A_117, %dma_wait3A_118] : memref<10240x128xf32, #tpu.memory_space<vmem_shared>> -> memref<10240x128xf32, #tpu.memory_space<vmem_shared>>
      tpu.wait_indirect_dma semaphore(%run_scoped3A_99 : memref<!tpu.dma_semaphore, #tpu.memory_space<semaphore_mem>>) src(%dma_wait3A_113 : memref<80x128xf32, #tpu.memory_space<vmem>>) dst(%dma_wait3A_119 : memref<10240x128xf32, #tpu.memory_space<vmem_shared>>)
      tpu.yield
    }) : () -> ()
    %barrier3A_95 = arith.constant 0 : index
    tpu.barrier barrier_id(%barrier3A_95)
    %mul3A_96 = arith.constant 640 : i32
    %mul3A_97 = arith.muli %arg1, %mul3A_96 : i32
    %multiple_of3A_98 = tpu.assume_multiple %mul3A_97, 8 : i32
    "tpu.region"() ({
      %run_scoped3A_99 = tpu.sem_alloc : memref<!tpu.dma_semaphore, #tpu.memory_space<semaphore_mem>>
      %dma_start3A_100 = arith.constant 0 : i32
      %dma_start3A_101 = tpu.memref_slice %arg6[%arg0, %multiple_of3A_98, %dma_start3A_100] : memref<2x10240x128xf32, #tpu.memory_space<hbm>> -> memref<1x640x128xf32, #tpu.memory_space<hbm>>
      %dma_start3A_102 = tpu.memref_squeeze %dma_start3A_101 : memref<1x640x128xf32, #tpu.memory_space<hbm>> -> memref<640x128xf32, #tpu.memory_space<hbm>>
      %dma_start3A_103 = arith.constant 0 : i32
      %dma_start3A_104 = tpu.memref_slice %arg11[%multiple_of3A_98, %dma_start3A_103] : memref<10240x128xf32, #tpu.memory_space<vmem_shared>> -> memref<640x128xf32, #tpu.memory_space<vmem_shared>>
      tpu.enqueue_dma source(%dma_start3A_104 : memref<640x128xf32, #tpu.memory_space<vmem_shared>>) target(%dma_start3A_102 : memref<640x128xf32, #tpu.memory_space<hbm>>) target_semaphore(%run_scoped3A_99 : memref<!tpu.dma_semaphore, #tpu.memory_space<semaphore_mem>>)
      %dma_wait3A_105 = arith.constant 0 : i32
      %dma_wait3A_106 = tpu.memref_slice %arg6[%arg0, %multiple_of3A_98, %dma_wait3A_105] : memref<2x10240x128xf32, #tpu.memory_space<hbm>> -> memref<1x640x128xf32, #tpu.memory_space<hbm>>
      %dma_wait3A_107 = tpu.memref_squeeze %dma_wait3A_106 : memref<1x640x128xf32, #tpu.memory_space<hbm>> -> memref<640x128xf32, #tpu.memory_space<hbm>>
      %dma_wait3A_108 = arith.constant 0 : i32
      %dma_wait3A_109 = tpu.memref_slice %arg11[%multiple_of3A_98, %dma_wait3A_108] : memref<10240x128xf32, #tpu.memory_space<vmem_shared>> -> memref<640x128xf32, #tpu.memory_space<vmem_shared>>
      tpu.wait_dma2 semaphore(%run_scoped3A_99 : memref<!tpu.dma_semaphore, #tpu.memory_space<semaphore_mem>>) src(%dma_wait3A_109 : memref<640x128xf32, #tpu.memory_space<vmem_shared>>) dst(%dma_wait3A_107 : memref<640x128xf32, #tpu.memory_space<hbm>>)
      tpu.yield
    }) : () -> ()
    return
  }
}

module attributes {stable_mosaic.version = 14 : i64} {
  func.func @_mlp_bn_body(%arg0: memref<10000x128xf32, #tpu.memory_space<vmem>>, %arg1: memref<2x10240x128xf32, #tpu.memory_space<vmem>>, %arg2: memref<128x128xf32, #tpu.memory_space<vmem>>, %arg3: memref<1x128xf32, #tpu.memory_space<vmem>>, %arg4: memref<128x128xf32, #tpu.memory_space<vmem>>, %arg5: memref<1x128xf32, #tpu.memory_space<vmem>>, %arg6: memref<1x128xf32, #tpu.memory_space<vmem>>, %arg7: memref<1x128xf32, #tpu.memory_space<vmem>>, %arg8: memref<10000x128xf32, #tpu.memory_space<vmem>>) attributes {dimension_semantics = [], scalar_prefetch = 0 : i64, scratch_operands = 0 : i64, tpu.core_type = #tpu.core_type<tc>} {
    %get3A = arith.constant 0 : index
    %get3A_0 = arith.constant 0 : index
    %get3A_1 = vector.load %arg0[%get3A, %get3A_0] : memref<10000x128xf32, #tpu.memory_space<vmem>>, vector<10000x128xf32>
    %get3A_2 = arith.constant 0 : index
    %get3A_3 = arith.constant 0 : index
    %get3A_4 = arith.constant 0 : index
    %get3A_5 = vector.load %arg1[%get3A_2, %get3A_3, %get3A_4] : memref<2x10240x128xf32, #tpu.memory_space<vmem>>, vector<1x10000x128xf32>
    %get3A_6 = vector.shape_cast %get3A_5 : vector<1x10000x128xf32> to vector<10000x128xf32>
    %add3A = arith.addf %get3A_1, %get3A_6 : vector<10000x128xf32>
    %get3A_7 = arith.constant 1 : index
    %get3A_8 = arith.constant 0 : index
    %get3A_9 = arith.constant 0 : index
    %get3A_10 = vector.load %arg1[%get3A_7, %get3A_8, %get3A_9] : memref<2x10240x128xf32, #tpu.memory_space<vmem>>, vector<1x10000x128xf32>
    %get3A_11 = vector.shape_cast %get3A_10 : vector<1x10000x128xf32> to vector<10000x128xf32>
    %add3A_12 = arith.addf %add3A, %get3A_11 : vector<10000x128xf32>
    %get3A_13 = arith.constant 0 : index
    %get3A_14 = arith.constant 0 : index
    %get3A_15 = vector.load %arg2[%get3A_13, %get3A_14] : memref<128x128xf32, #tpu.memory_space<vmem>>, vector<128x128xf32>
    %dot_general3A = arith.constant dense<0.000000e+00> : vector<10000x128xf32>
    %dot_general3A_16 = tpu.matmul %add3A_12, %get3A_15, %dot_general3A {dimension_numbers = #tpu.dot_dimension_numbers<[1], [0], [0], [1], [0, 0, 1, 1], [], []>, transpose_lhs_hint = false} : vector<10000x128xf32>, vector<128x128xf32>, vector<10000x128xf32> -> vector<10000x128xf32>
    %get3A_17 = arith.constant 0 : index
    %get3A_18 = arith.constant 0 : index
    %get3A_19 = vector.load %arg3[%get3A_17, %get3A_18] : memref<1x128xf32, #tpu.memory_space<vmem>>, vector<1x128xf32>
    %add3A_20 = vector.broadcast %get3A_19 : vector<1x128xf32> to vector<10000x128xf32>
    %add3A_21 = arith.addf %dot_general3A_16, %add3A_20 : vector<10000x128xf32>
    %max3A = arith.constant 0.000000e+00 : f32
    %max3A_22 = vector.broadcast %max3A : f32 to vector<10000x128xf32>
    %max3A_23 = arith.maximumf %add3A_21, %max3A_22 : vector<10000x128xf32>
    %get3A_24 = arith.constant 0 : index
    %get3A_25 = arith.constant 0 : index
    %get3A_26 = vector.load %arg4[%get3A_24, %get3A_25] : memref<128x128xf32, #tpu.memory_space<vmem>>, vector<128x128xf32>
    %dot_general3A_27 = arith.constant dense<0.000000e+00> : vector<10000x128xf32>
    %dot_general3A_28 = tpu.matmul %max3A_23, %get3A_26, %dot_general3A_27 {dimension_numbers = #tpu.dot_dimension_numbers<[1], [0], [0], [1], [0, 0, 1, 1], [], []>, transpose_lhs_hint = false} : vector<10000x128xf32>, vector<128x128xf32>, vector<10000x128xf32> -> vector<10000x128xf32>
    %get3A_29 = arith.constant 0 : index
    %get3A_30 = arith.constant 0 : index
    %get3A_31 = vector.load %arg5[%get3A_29, %get3A_30] : memref<1x128xf32, #tpu.memory_space<vmem>>, vector<1x128xf32>
    %add3A_32 = vector.broadcast %get3A_31 : vector<1x128xf32> to vector<10000x128xf32>
    %add3A_33 = arith.addf %dot_general3A_28, %add3A_32 : vector<10000x128xf32>
    %reduce_sum3A = arith.constant dense<0.000000e+00> : vector<128xf32>
    %reduce_sum3A_34 = vector.multi_reduction <add>, %add3A_33, %reduce_sum3A [0] : vector<10000x128xf32> to vector<128xf32>
    %broadcast_in_dim3A = vector.shape_cast %reduce_sum3A_34 : vector<128xf32> to vector<1x128xf32>
    %div3A = arith.constant 1.000000e+04 : f32
    %div3A_35 = vector.broadcast %div3A : f32 to vector<1x128xf32>
    %div3A_36 = arith.divf %broadcast_in_dim3A, %div3A_35 : vector<1x128xf32>
    %sub3A = vector.broadcast %div3A_36 : vector<1x128xf32> to vector<10000x128xf32>
    %sub3A_37 = arith.subf %add3A_33, %sub3A : vector<10000x128xf32>
    %sub3A_38 = vector.broadcast %div3A_36 : vector<1x128xf32> to vector<10000x128xf32>
    %sub3A_39 = arith.subf %add3A_33, %sub3A_38 : vector<10000x128xf32>
    %mul3A = arith.mulf %sub3A_37, %sub3A_39 : vector<10000x128xf32>
    %reduce_sum3A_40 = arith.constant dense<0.000000e+00> : vector<128xf32>
    %reduce_sum3A_41 = vector.multi_reduction <add>, %mul3A, %reduce_sum3A_40 [0] : vector<10000x128xf32> to vector<128xf32>
    %broadcast_in_dim3A_42 = vector.shape_cast %reduce_sum3A_41 : vector<128xf32> to vector<1x128xf32>
    %div3A_43 = arith.constant 1.000000e+04 : f32
    %div3A_44 = vector.broadcast %div3A_43 : f32 to vector<1x128xf32>
    %div3A_45 = arith.divf %broadcast_in_dim3A_42, %div3A_44 : vector<1x128xf32>
    %sub3A_46 = vector.broadcast %div3A_36 : vector<1x128xf32> to vector<10000x128xf32>
    %sub3A_47 = arith.subf %add3A_33, %sub3A_46 : vector<10000x128xf32>
    %add3A_48 = arith.constant 9.99999974E-6 : f32
    %add3A_49 = vector.broadcast %add3A_48 : f32 to vector<1x128xf32>
    %add3A_50 = arith.addf %div3A_45, %add3A_49 : vector<1x128xf32>
    %rsqrt3A = math.rsqrt %add3A_50 : vector<1x128xf32>
    %mul3A_51 = vector.broadcast %rsqrt3A : vector<1x128xf32> to vector<10000x128xf32>
    %mul3A_52 = arith.mulf %sub3A_47, %mul3A_51 : vector<10000x128xf32>
    %get3A_53 = arith.constant 0 : index
    %get3A_54 = arith.constant 0 : index
    %get3A_55 = vector.load %arg6[%get3A_53, %get3A_54] : memref<1x128xf32, #tpu.memory_space<vmem>>, vector<1x128xf32>
    %mul3A_56 = vector.broadcast %get3A_55 : vector<1x128xf32> to vector<10000x128xf32>
    %mul3A_57 = arith.mulf %mul3A_52, %mul3A_56 : vector<10000x128xf32>
    %get3A_58 = arith.constant 0 : index
    %get3A_59 = arith.constant 0 : index
    %get3A_60 = vector.load %arg7[%get3A_58, %get3A_59] : memref<1x128xf32, #tpu.memory_space<vmem>>, vector<1x128xf32>
    %add3A_61 = vector.broadcast %get3A_60 : vector<1x128xf32> to vector<10000x128xf32>
    %add3A_62 = arith.addf %mul3A_57, %add3A_61 : vector<10000x128xf32>
    %max3A_63 = arith.constant 0.000000e+00 : f32
    %max3A_64 = vector.broadcast %max3A_63 : f32 to vector<10000x128xf32>
    %max3A_65 = arith.maximumf %add3A_62, %max3A_64 : vector<10000x128xf32>
    %swap3A = arith.constant 0 : index
    %swap3A_66 = arith.constant 0 : index
    %swap3A_67 = vector.load %arg8[%swap3A, %swap3A_66] : memref<10000x128xf32, #tpu.memory_space<vmem>>, vector<10000x128xf32>
    tpu.vector_store %arg8[%swap3A, %swap3A_66], %max3A_65 {strides = array<i32>} : memref<10000x128xf32, #tpu.memory_space<vmem>>, vector<10000x128xf32>,
    return
  }
}

module attributes {stable_mosaic.version = 14 : i64} {
  func.func @_elin_body(%arg0: i32, %arg1: memref<4000x16xf32, #tpu.memory_space<vmem>>, %arg2: memref<16x128xf32, #tpu.memory_space<vmem>>, %arg3: memref<1x128xf32, #tpu.memory_space<vmem>>, %arg4: memref<4000x128xf32, #tpu.memory_space<vmem>>) attributes {dimension_semantics = [#tpu.dimension_semantics<arbitrary>], iteration_bounds = array<i64: 80>, scalar_prefetch = 0 : i64, scratch_operands = 0 : i64, tpu.core_type = #tpu.core_type<tc>, window_params = [{transform_indices = @transform_0, window_bounds = array<i64: 4000, 16>}, {pipeline_mode = #tpu.pipeline_mode<synchronous>, transform_indices = @transform_1, window_bounds = array<i64: 16, 128>}, {pipeline_mode = #tpu.pipeline_mode<synchronous>, transform_indices = @transform_2, window_bounds = array<i64: 1, 128>}, {transform_indices = @transform_3, window_bounds = array<i64: 4000, 128>}]} {
    %get3A = arith.constant 0 : index
    %get3A_0 = arith.constant 0 : index
    %get3A_1 = vector.load %arg1[%get3A, %get3A_0] : memref<4000x16xf32, #tpu.memory_space<vmem>>, vector<4000x16xf32>
    %get3A_2 = arith.constant 0 : index
    %get3A_3 = arith.constant 0 : index
    %get3A_4 = vector.load %arg2[%get3A_2, %get3A_3] : memref<16x128xf32, #tpu.memory_space<vmem>>, vector<16x128xf32>
    %dot_general3A = arith.constant dense<0.000000e+00> : vector<4000x128xf32>
    %dot_general3A_5 = tpu.matmul %get3A_1, %get3A_4, %dot_general3A {dimension_numbers = #tpu.dot_dimension_numbers<[1], [0], [0], [1], [0, 0, 1, 1], [], []>, transpose_lhs_hint = false} : vector<4000x16xf32>, vector<16x128xf32>, vector<4000x128xf32> -> vector<4000x128xf32>
    %get3A_6 = arith.constant 0 : index
    %get3A_7 = arith.constant 0 : index
    %get3A_8 = vector.load %arg3[%get3A_6, %get3A_7] : memref<1x128xf32, #tpu.memory_space<vmem>>, vector<1x128xf32>
    %add3A = vector.broadcast %get3A_8 : vector<1x128xf32> to vector<4000x128xf32>
    %add3A_9 = arith.addf %dot_general3A_5, %add3A : vector<4000x128xf32>
    %swap3A = arith.constant 0 : index
    %swap3A_10 = arith.constant 0 : index
    %swap3A_11 = vector.load %arg4[%swap3A, %swap3A_10] : memref<4000x128xf32, #tpu.memory_space<vmem>>, vector<4000x128xf32>
    tpu.vector_store %arg4[%swap3A, %swap3A_10], %add3A_9 {strides = array<i32>} : memref<4000x128xf32, #tpu.memory_space<vmem>>, vector<4000x128xf32>,
    return
  }
  func.func @transform_0(%arg0: i32) -> (i32, i32) {
    %c0_i32 = arith.constant 0 : i32
    %c0_i32_0 = arith.constant 0 : i32
    return %arg0, %c0_i32 : i32, i32
  }
  func.func @transform_1(%arg0: i32) -> (i32, i32) {
    %c0_i32 = arith.constant 0 : i32
    %c0_i32_0 = arith.constant 0 : i32
    %c0_i32_1 = arith.constant 0 : i32
    return %c0_i32, %c0_i32_0 : i32, i32
  }
  func.func @transform_2(%arg0: i32) -> (i32, i32) {
    %c0_i32 = arith.constant 0 : i32
    %c0_i32_0 = arith.constant 0 : i32
    %c0_i32_1 = arith.constant 0 : i32
    return %c0_i32, %c0_i32_0 : i32, i32
  }
  func.func @transform_3(%arg0: i32) -> (i32, i32) {
    %c0_i32 = arith.constant 0 : i32
    %c0_i32_0 = arith.constant 0 : i32
    return %arg0, %c0_i32 : i32, i32
  }
}

module attributes {stable_mosaic.version = 14 : i64} {
  func.func @_pool_body(%arg0: memref<10000x128xf32, #tpu.memory_space<vmem>>, %arg1: memref<1x10000xi32, #tpu.memory_space<vmem>>, %arg2: memref<128x1xf32, #tpu.memory_space<vmem>>, %arg3: memref<1x1xf32, #tpu.memory_space<vmem>>, %arg4: memref<64x1xf32, #tpu.memory_space<vmem>>) attributes {dimension_semantics = [], scalar_prefetch = 0 : i64, scratch_operands = 0 : i64, tpu.core_type = #tpu.core_type<tc>} {
    %get3A = arith.constant 0 : index
    %get3A_0 = arith.constant 0 : index
    %get3A_1 = vector.load %arg1[%get3A, %get3A_0] : memref<1x10000xi32, #tpu.memory_space<vmem>>, vector<1x10000xi32>
    %iota3A = tpu.iota {dimensions = array<i32: 0>} : vector<64x10000xi32>
    %eq3A = vector.broadcast %get3A_1 : vector<1x10000xi32> to vector<64x10000xi32>
    %eq3A_2 = arith.cmpi eq, %iota3A, %eq3A : vector<64x10000xi32>
    %convert_element_type3A = arith.extui %eq3A_2 : vector<64x10000xi1> to vector<64x10000xi32>
    %convert_element_type3A_3 = arith.sitofp %convert_element_type3A : vector<64x10000xi32> to vector<64x10000xf32>
    %get3A_4 = arith.constant 0 : index
    %get3A_5 = arith.constant 0 : index
    %get3A_6 = vector.load %arg0[%get3A_4, %get3A_5] : memref<10000x128xf32, #tpu.memory_space<vmem>>, vector<10000x128xf32>
    %dot_general3A = arith.constant dense<0.000000e+00> : vector<64x128xf32>
    %dot_general3A_7 = tpu.matmul %convert_element_type3A_3, %get3A_6, %dot_general3A {dimension_numbers = #tpu.dot_dimension_numbers<[1], [0], [0], [1], [0, 0, 1, 1], [], []>, transpose_lhs_hint = false} : vector<64x10000xf32>, vector<10000x128xf32>, vector<64x128xf32> -> vector<64x128xf32>
    %reduce_sum3A = arith.constant dense<0.000000e+00> : vector<64xf32>
    %reduce_sum3A_8 = vector.multi_reduction <add>, %convert_element_type3A_3, %reduce_sum3A [1] : vector<64x10000xf32> to vector<64xf32>
    %broadcast_in_dim3A = vector.shape_cast %reduce_sum3A_8 : vector<64xf32> to vector<64x1xf32>
    %max3A = arith.constant 1.000000e+00 : f32
    %max3A_9 = vector.broadcast %max3A : f32 to vector<64x1xf32>
    %max3A_10 = arith.maximumf %broadcast_in_dim3A, %max3A_9 : vector<64x1xf32>
    %div3A = vector.broadcast %max3A_10 : vector<64x1xf32> to vector<64x128xf32>
    %div3A_11 = arith.divf %dot_general3A_7, %div3A : vector<64x128xf32>
    %get3A_12 = arith.constant 0 : index
    %get3A_13 = arith.constant 0 : index
    %get3A_14 = vector.load %arg2[%get3A_12, %get3A_13] : memref<128x1xf32, #tpu.memory_space<vmem>>, vector<128x1xf32>
    %dot_general3A_15 = arith.constant dense<0.000000e+00> : vector<64x1xf32>
    %dot_general3A_16 = tpu.matmul %div3A_11, %get3A_14, %dot_general3A_15 {dimension_numbers = #tpu.dot_dimension_numbers<[1], [0], [0], [1], [0, 0, 1, 1], [], []>, transpose_lhs_hint = false} : vector<64x128xf32>, vector<128x1xf32>, vector<64x1xf32> -> vector<64x1xf32>
    %get3A_17 = arith.constant 0 : index
    %get3A_18 = arith.constant 0 : index
    %get3A_19 = vector.load %arg3[%get3A_17, %get3A_18] : memref<1x1xf32, #tpu.memory_space<vmem>>, vector<1x1xf32>
    %add3A = vector.broadcast %get3A_19 : vector<1x1xf32> to vector<64x1xf32>
    %add3A_20 = arith.addf %dot_general3A_16, %add3A : vector<64x1xf32>
    %swap3A = arith.constant 0 : index
    %swap3A_21 = arith.constant 0 : index
    %swap3A_22 = vector.load %arg4[%swap3A, %swap3A_21] : memref<64x1xf32, #tpu.memory_space<vmem>>, vector<64x1xf32>
    tpu.vector_store %arg4[%swap3A, %swap3A_21], %add3A_20 {strides = array<i32>} : memref<64x1xf32, #tpu.memory_space<vmem>>, vector<64x1xf32>,
    return
  }
}

</mosaic_0001>

<sc_bundles>
// kernel: kernel.12.cloned.1.call-start
scs
__scs_entry_jumppad:
0x0: {  	(pc) =	sbr.rel $0x88, $3  }
0x1: {  	(tag) =	ssettag $0x0;
	lr =	simm.s32 $0x1  }
0x2: {  	[smem:$0x3F83] =	sst lr;
	_ =	strace $0xD0000000  }
0x3: {  	_ = 	snop  }
0x4: {  	_ = 	snop  }
0x5: {  	_ = 	snop  }
0x6: {  	_ = 	snop  }
0x7: {  	_ = 	snop  }
__scs_overlays_trampoline_lowered:
0x8: {  	[smem:$0x3F92] =	sst s0  }
0x9: {  	[smem:$0x3F93] =	sst s1  }
0xa: {  	[smem:$0x3F94] =	sst s2  }
0xb: {  	[smem:$0x3F95] =	sst s3  }
0xc: {  	[smem:$0x3F96] =	sst s4  }
0xd: {  	[smem:$0x3F97] =	sst s5  }
0xe: {  	[smem:$0x3F98] =	sst s6  }
0xf: {  	[smem:$0x3F99] =	sst s7  }
0x10: {  	[smem:$0x3F9A] =	sst s8  }
0x11: {  	[smem:$0x3F9B] =	sst s9;
	s0 =	simm.s32 @!p0 $0x0  }
0x12: {  	s1 =	sld [smem:$0x3F81];
	s0 =	simm.s32 @p0 $0x1  }
0x13: {  	[smem:$0x3F9C] =	sst s0;
	s0 =	simm.s32 @!p1 $0x0  }
0x14: {  	s2 =	sld [smem:$0x3F80];
	s0 =	simm.s32 @p1 $0x1  }
0x15: {  	[smem:$0x3F9D] =	sst s0;
	s0 =	simm.s32 @!p2 $0x0  }
0x16: {  	s3 =	sld [smem:$0x3FDB];
	s0 =	simm.s32 @p2 $0x1  }
0x17: {  	s4 =	simm.s32 $0x1BF5;
	[smem:$0x3F9F] =	sst s0  }
0x18: {  	s0 =	sld [smem:$0x3F82];
	_ =	swait.ge [sflag:s4], $0x0  }
0x19: {  	s7 =	sld [smem:$0x3F83]  }
0x1a: {  	s8 =	sadd.s32 $0xFFFFE003, lr  }
0x1b: {  	s9 =	sadd.s32 $0xFFFFFEF7, lr;
	s5 =	simm.s32 $0xFFFFFFFF;
	p2 =	slt.u32 s8, $0xFFFFF086  }
0x1c: {  	p1 =	slt.u32 s9, $0xF7A;
	s5 =	simm.s32 @!p2 $0x0  }
0x1d: {  	s5 =	simm.s32 @p1 $0x1;
	p0 =	seq.s32 s7, s2  }
0x1e: {  	s7 =	smul.u32 @!p0 $0xF7A, s2;
	p2 =	seq.s32 @!p0 s5, $0x0  }
0x1f: {  	s9 =	smul.u32 $0xF7A, s1;
	s8 =	simm.s32 @!p0 $0x1BF5;
	p2 =	por !p2, p0  }
0x20: {  	[sflag:s8] =	ssyncset.s32 @!p0 $0xFFFFF086;
	s6 =	sadd.s32 @!p0 s3, s7;
	s7 =	simm.s32 @!p0 $0x108  }
0x21: {  	s3 =	sadd.s32 s3, s9;
	s6 =	sadd.s32 @!p0 $0x88, s6;
	s7 =	simm.s32 @p2 $0x1082  }
0x22: {  	[simem:s7], [sflag:s8] =	dma.local @!p0 [hbm:s6], $0xF7A  }
0x23: {  	s9 =	sor.u32 $0xD0000000, s2;
	s6 =	simm.s32 $0x108;
	_ =	swait.ge @!p0 [sflag:s8], $0x0  }
0x24: {  	s3 =	sadd.s32 $0x88, s3;
	s6 =	simm.s32 @!p1 $0x1082;
	[sflag:s4] =	ssyncset.s32 $0xFFFFF086  }
0x25: {  	[simem:s6], [sflag:s4] =	dma.local [hbm:s3], $0xF7A  }
0x26: {  	[smem:$0x3F83] =	sst s1;
	(tag) =	ssettag s2;
	_ =	strace s9  }
0x27: {  	s1 =	sld [smem:$0x3F93]  }
0x28: {  	s2 =	sld [smem:$0x3F94]  }
0x29: {  	s4 =	sld [smem:$0x3F96]  }
0x2a: {  	p0 =	seq.s32 s5, $0x0;
	s5 =	sld [smem:$0x3F97]  }
0x2b: {  	s6 =	sld [smem:$0x3F98]  }
0x2c: {  	s7 =	sld [smem:$0x3F99]  }
0x2d: {  	s3 =	simm.s32 $0x108;
	s8 =	sld [smem:$0x3F9A]  }
0x2e: {  	s3 =	simm.s32 @!p0 $0x1082;
	s9 =	sld [smem:$0x3F9B]  }
0x2f: {  	lr =	sadd.s32 s0, s3;
	s0 =	sld [smem:$0x3F92]  }
0x30: {  	s3 =	sld [smem:$0x3F95]  }
0x31: {  	[smem:$0x3F9E] =	sst s10  }
0x32: {  	s10 =	sld [smem:$0x3F9C];
	_ =	sdelay $0x3  }
0x33: {  	p0 =	seq.s32 s10, $0x1;
	s10 =	sld [smem:$0x3F9E];
	_ =	sdelay $0x3  }
0x34: {  	[smem:$0x3F9E] =	sst s10  }
0x35: {  	s10 =	sld [smem:$0x3F9D];
	_ =	sdelay $0x3  }
0x36: {  	p1 =	seq.s32 s10, $0x1;
	s10 =	sld [smem:$0x3F9E];
	_ =	sdelay $0x3  }
0x37: {  	[smem:$0x3F9E] =	sst s10  }
0x38: {  	s10 =	sld [smem:$0x3F9F]  }
0x39: {  	_ = 	snop;
	(pc) =	sbr.ind lr, $3  }
0x3a: {  	_ = 	snop  }
0x3b: {  	_ = 	snop  }
0x3c: {  	p2 =	seq.s32 s10, $0x1;
	s10 =	sld [smem:$0x3F9E]  }
0x3d: {  	_ =	shalt  }
0x3e: {  	_ =	shalt  }
0x3f: {  	_ =	shalt  }
0x40: {  	_ =	shalt  }
0x41: {  	_ =	shalt  }
0x42: {  	_ =	shalt  }
0x43: {  	_ =	shalt  }
0x44: {  	_ =	shalt  }
0x45: {  	_ =	shalt  }
0x46: {  	_ =	shalt  }
0x47: {  	_ =	shalt  }
0x48: {  	_ =	shalt  }
0x49: {  	_ =	shalt  }
0x4a: {  	_ =	shalt  }
0x4b: {  	_ =	shalt  }
0x4c: {  	_ =	shalt  }
0x4d: {  	_ =	shalt  }
0x4e: {  	_ =	shalt  }
0x4f: {  	_ =	shalt  }
0x50: {  	_ =	shalt  }
0x51: {  	_ =	shalt  }
0x52: {  	_ =	shalt  }
0x53: {  	_ =	shalt  }
0x54: {  	_ =	shalt  }
0x55: {  	_ =	shalt  }
0x56: {  	_ =	shalt  }
0x57: {  	_ =	shalt  }
0x58: {  	_ =	shalt  }
0x59: {  	_ =	shalt  }
0x5a: {  	_ =	shalt  }
0x5b: {  	_ =	shalt  }
0x5c: {  	_ =	shalt  }
0x5d: {  	_ =	shalt  }
0x5e: {  	_ =	shalt  }
0x5f: {  	_ =	shalt  }
0x60: {  	_ =	shalt  }
0x61: {  	_ =	shalt  }
0x62: {  	_ =	shalt  }
0x63: {  	_ =	shalt  }
0x64: {  	_ =	shalt  }
0x65: {  	_ =	shalt  }
0x66: {  	_ =	shalt  }
0x67: {  	_ =	shalt  }
0x68: {  	_ =	shalt  }
0x69: {  	_ =	shalt  }
0x6a: {  	_ =	shalt  }
0x6b: {  	_ =	shalt  }
0x6c: {  	_ =	shalt  }
0x6d: {  	_ =	shalt  }
0x6e: {  	_ =	shalt  }
0x6f: {  	_ =	shalt  }
0x70: {  	_ =	shalt  }
0x71: {  	_ =	shalt  }
0x72: {  	_ =	shalt  }
0x73: {  	_ =	shalt  }
0x74: {  	_ =	shalt  }
0x75: {  	_ =	shalt  }
0x76: {  	_ =	shalt  }
0x77: {  	_ =	shalt  }
0x78: {  	_ =	shalt  }
0x79: {  	_ =	shalt  }
0x7a: {  	_ =	shalt  }
0x7b: {  	_ =	shalt  }
0x7c: {  	_ =	shalt  }
0x7d: {  	_ =	shalt  }
0x7e: {  	_ =	shalt  }
0x7f: {  	_ =	shalt  }
0x80: {  	_ =	shalt  }
0x81: {  	_ =	shalt  }
0x82: {  	_ =	shalt  }
0x83: {  	_ =	shalt  }
0x84: {  	_ =	shalt  }
0x85: {  	_ =	shalt  }
0x86: {  	_ =	shalt  }
0x87: {  	_ =	shalt  }
.Lfunc_end0:
.L_simem_size_0:
called_computation_lowered:
.L_overlay_start_0:
0x88: {  	s2 =	sld [smem:$0x3FD9]  }
0x89: {  	s3 =	sld [smem:$0x3FFE];
	_ =	sdelay $0x1  }
0x8a: {  	s1 =	srdreg.scid  }
0x8b: {  	s0 =	sand.u32 $0x1, s1  }
0x8c: {  	s17 =	sshll.u32 s0, $0xA;
	s2 =	sadd.s32 s3, s2  }
0x8d: {  	s2 =	sadd.s32 s2, s17  }
0x8e: {  	[smem:$0x3FAA] =	sst s2  }
0x8f: {  	_ = 	snop  }
0x90: {  	s2 =	sld [smem:$0x3FC9];
	(tm) =	ssettm $0x1  }
0x91: {  	s18 =	sld [smem:$0x3FFB];
	_ =	sdelay $0x3  }
0x92: {  	_ =	strace s18  }
0x93: {  	s3 =	sld [smem:$0x3FFC];
	_ =	sdelay $0x3  }
0x94: {  	_ =	strace s3  }
0x95: {  	s3 =	sld [smem:$0x3FFD];
	_ =	sdelay $0x3  }
0x96: {  	_ =	strace s3  }
0x97: {  	_ =	strace $0x8FFFFFFF  }
0x98: {  	s19 =	sld [smem:$0x3FDB];
	_ =	sdelay $0x1  }
0x99: {  	s4 =	simm.s32 $_scs_section_size  }
0x9a: {  	s5 =	simm.s32 $_size__tile_overlayer_lowered;
	s6 =	simm.s32 $_tile_overlayer_lowered  }
0x9b: {  	s22 =	simm.s32 $0x1BFF;
	s21 =	sshll.u32 s6, $0x1;
	s3 =	sadd.s32 s4, s19  }
0x9c: {  	s7 =	simm.s32 $0x0;
	s20 =	sshll.u32 s5, $0x1;
	s5 =	sadd.s32 s21, s3  }
0x9d: {  	[timem:s7], [sflag:s22] =	dma.local [hbm:s5], s20  }
0x9e: {  	_ =	swait.ge [sflag:s22], s20  }
0x9f: {  	s4 =	ssub.s32 $0x0, s20;
	[sflag:s22] =	ssyncset.done $0x0  }
0xa0: {  	[sflag:s22] =	ssyncadd.s32 s4;
	_ =	sdelay $0x1  }
0xa1: {  	s23 =	simm.s32 $0x1B8B  }
0xa2: {  	_ =	swait.ge [sflag:s23], $0x1  }
0xa3: {  	[sflag:s23] =	ssyncset.done $0x0  }
0xa4: {  	s25 =	simm.s32 $0x1B8E;
	s24 =	sld [smem:$0x3FFE];
	[sflag:s23] =	ssyncadd.s32 $0xFFFFFFFF  }
0xa5: {  	s26 =	simm.s32 $execute0_lowered;
	[smem:$0x3FD2] =	sst s25  }
0xa6: {  	s5 =	sshll.u32 s26, $0x1;
	_ =	strace $0x80000046;
	[dreg:$0x1] =	wrdreg $0xFFFFFFFF  }
0xa7: {  	s28 =	simm.s32 $_size_execute0_lowered;
	s3 =	sadd.s32 s3, s5;
	[dreg:$0x0] =	wrdreg $0x0  }
0xa8: {  	s5 =	sshll.u32 s28, $0x1;
	[dreg:$0x2] =	wrdreg s3  }
0xa9: {  	[dreg:$0x3] =	wrdreg s5  }
0xaa: {  	[dreg:$0x4] =	wrdreg $0xC0  }
0xab: {  	_ =	task [dreg:s7], $0x5FFFF  }
0xac: {  	[dreg:$0x1] =	wrdreg $0xFFFFFFFF  }
0xad: {  	[dreg:$0x0] =	wrdreg $0x60  }
0xae: {  	[dreg:$0x2] =	wrdreg s2  }
0xaf: {  	[dreg:$0x3] =	wrdreg s24  }
0xb0: {  	[dreg:$0x4] =	wrdreg $0xA2000  }
0xb1: {  	[dreg:$0x5] =	wrdreg $0x9  }
0xb2: {  	_ =	task.clear_ibuf [dreg:s7], $0x6FFFF;
	_ =	strace $0x90000046  }
0xb3: {  	s29 =	simm.s32 $0x9;
	_ =	strace $0x80000048  }
0xb4: {  	_ =	swait.ge [sflag:s29], $0x1  }
0xb5: {  	[sflag:s29] =	ssyncadd.s32 $0xFFFFFFFF  }
0xb6: {  	_ =	strace $0x90000048  }
0xb7: {  	_ =	sfence  }
0xb8: {  	s30 =	sld [smem:$0x0];
	_ =	sdelay $0x2  }
0xb9: {  	s31 =	sshll.u32 s1, $0xD;
	s1 =	sshrl.u32 s1, $0x2  }
0xba: {  	s3 =	sand.u32 $0x4000, s31;
	s1 =	sadd.s32 s1, s30  }
0xbb: {  	s0 =	sor.u32 s3, s0;
	s1 =	sshll.u32 s1, $0x11  }
0xbc: {  	s0 =	sor.u32 s1, s0  }
0xbd: {  	s0 =	sadd.s32 $0x8F2B, s0  }
0xbe: {  	[sflag:s0] =	ssyncadd.remote.s32 $0x1  }
0xbf: {  	_ =	sfence.sel $0xFFFF  }
0xc0: {  	[dreg:$0x0] =	wrdreg $0xFFFFFFFF;
	(pc) =	sbr.abs _section_cstart, $3  }
0xc1: {  	[dreg:$0x1] =	wrdreg $0xFFFFFFFF  }
0xc2: {  	_ =	task.clear_ibuf [dreg:s7], $0x2FFFF;
	_ =	strace $0x9FFFFFFF  }
0xc3: {  	(tm) =	ssettm $0x7FFFFFFF  }
tec
execute0_lowered:
.L_overlay_start_1:
0x0: {  	(tag) =	ssettag $0x1  }
0x1: {  	s1 =	rddreg [dreg:$0x0]  }
0x2: {  	s0 =	rddreg [dreg:$0x1]  }
0x3: {  	s2 =	rddreg [dreg:$0x2];
	s3 =	srdreg.scid  }
0x4: {  	s4 =	simm.s32 $0x0;
	s12 =	stileid.u32;
	s28 =	simm.s32 $0x80  }
0x5: {  	s29 =	simm.s32 $0x180;
	s30 =	simm.s32 $0x2A00;
	s31 =	simm.s32 $0x1  }
0x6: {  	s15 =	simm.s32 $0x6;
	s3 =	sand.u32 $0x1, s3;
	s7 =	smul.u32 $0x14000, s12  }
0x7: {  	[smem:$0x7FF] =	sst s4;
	s5 =	sshll.u32 s12, $0x1;
	s12 =	smul.u32 $0x50000, s12  }
0x8: {  	s6 =	smul.u32 $0x140000, s3;
	s8 =	sor.u32 s3, s5;
	s3 =	ssub.s32 $0x2, s3  }
0x9: {  	s16 =	simm.s32 $0x0;
	_ =	strace $0x80000047;
	s17 =	sshrl.u32 s3, $0x1  }
0xa: {  	s5 =	sadd.s32 $0x4FA400, s0;
	s18 =	sshrl.u32 s12, $0x2;
	s3 =	ssub.s32 s3, s17  }
0xb: {  	s12 =	simm.s32 $0x4;
	s14 =	sadd.s32 s18, s2;
	s19 =	smax.u32 s3, $0x1  }
0xc: {  	s9 =	sadd.s32 s7, s6;
	s20 =	sadd.s32 $0x2800, s14;
	[dreg:$0x8] =	wrdreg s19  }
0xd: {  	s6 =	smul.u32 $0x2710, s8;
	s21 =	sadd.s32 $0x5000, s14;
	[dreg:$0x9] =	wrdreg s20  }
0xe: {  	s7 =	sadd.s32 $0xE600, s0;
	s22 =	sadd.s32 $0x7800, s14;
	[dreg:$0xa] =	wrdreg s21  }
0xf: {  	s8 =	sadd.s32 $0x4800, s0;
	s23 =	sadd.s32 $0xA000, s14;
	[dreg:$0xb] =	wrdreg s22  }
0x10: {  	s9 =	sshrl.u32 s9, $0x3;
	s24 =	sadd.s32 $0xC800, s14;
	[dreg:$0xc] =	wrdreg s23  }
0x11: {  	s25 =	sadd.s32 $0xF000, s14;
	s26 =	sadd.s32 $0x11800, s14;
	[dreg:$0xd] =	wrdreg s24  }
0x12: {  	s3 =	simm.s32 $0x2;
	s0 =	sadd.s32 s9, s0;
	[dreg:$0xe] =	wrdreg s25  }
0x13: {  	s10 =	sadd.s32 $0x26C0, s6;
	s9 =	sadd.s32 $0x50, s6;
	[dreg:$0xf] =	wrdreg s26  }
0x14: {  	s23 =	simm.s32 $0x5200;
	s11 =	sshrl.u32 s10, $0x3;
	s0 =	sadd.s32 $0x9DC400, s0  }
0x15: {  	s24 =	simm.s32 $0x7;
	s13 =	sadd.s32 s7, s11;
	[dreg:$0x7] =	wrdreg s0  }
0x16: {  	s10 =	sshll.u32 s10, $0x4;
	s11 =	sadd.s32 s8, s11;
	[dreg:$0x4] =	wrdreg s13  }
0x17: {  	s25 =	simm.s32 $0x100;
	s10 =	sadd.s32 s5, s10;
	[dreg:$0x5] =	wrdreg s11  }
0x18: {  	s26 =	simm.s32 $0x200;
	s0 =	simm.s32 $0x50;
	[dreg:$0x6] =	wrdreg s10  }
0x19: {  	v0 =	vimm.f32 $0.0e+00;
	s10 =	simm.s32 $0x7A00;
	s11 =	simm.s32 $0x3;
	s13 =	simm.s32 $0x5  }
.LBB2_1:
0x1a: {  	s17 =	simm.s32 $0x0;
	s18 =	simm.s32 $0x200  }
.LBB2_2:
0x1b: {  	p0 =	sne.s32 s18, $0x9E00;
	[tilespmem:s17+$0x5270] =	vst v0  }
0x1c: {  	[tilespmem:s17+$0x5200] =	vst v0  }
0x1d: {  	[tilespmem:s17+$0x5210] =	vst v0  }
.Ltmp0:
0x1e: {  	[tilespmem:s17+$0x5220] =	vst v0;
	(pc) =	sbr.rel @p0 .LBB2_2-.Ltmp0, $4  }
0x1f: {  	[tilespmem:s17+$0x5230] =	vst v0  }
0x20: {  	[tilespmem:s17+$0x5240] =	vst v0  }
0x21: {  	[tilespmem:s17+$0x5250] =	vst v0  }
0x22: {  	[tilespmem:s17+$0x5260] =	vst v0;
	s17 =	sshra.s32 s18, $0x2;
	s18 =	sadd.s32 $0x200, s18  }
0x23: {  	[tilespmem:s17+$0x5270] =	vst v0  }
0x24: {  	[tilespmem:s17+$0x5200] =	vst v0  }
0x25: {  	[tilespmem:s17+$0x5210] =	vst v0  }
0x26: {  	[tilespmem:s17+$0x5220] =	vst v0  }
0x27: {  	[tilespmem:s17+$0x5230] =	vst v0  }
0x28: {  	[tilespmem:s17+$0x5240] =	vst v0  }
0x29: {  	[tilespmem:s17+$0x5250] =	vst v0  }
0x2a: {  	[tilespmem:s17+$0x5260] =	vst v0  }
0x2b: {  	[spmem:s14] =	stream.linear.scatter [tilespmem:s23], [sflag:$0x7], $0x2800, $0x38;
	[tilespmem:$0x1E200] =	vst v63  }
0x2c: {  	_ =	swait.ge [sflag:s24], $0x2800  }
0x2d: {  	[sflag:s24] =	ssyncset.done $0x0  }
0x2e: {  	s21 =	rddreg [dreg:$0x9];
	[sflag:s24] =	ssyncadd.s32 $0xFFFFD800  }
0x2f: {  	[spmem:s21] =	stream.linear.scatter [tilespmem:s23], [sflag:$0x7], $0x2800, $0x38;
	[tilespmem:$0x1E200] =	vst v63  }
0x30: {  	_ =	swait.ge [sflag:s24], $0x2800  }
0x31: {  	[sflag:s24] =	ssyncset.done $0x0  }
0x32: {  	s22 =	rddreg [dreg:$0xa];
	[sflag:s24] =	ssyncadd.s32 $0xFFFFD800  }
0x33: {  	[spmem:s22] =	stream.linear.scatter [tilespmem:s23], [sflag:$0x7], $0x2800, $0x38;
	[tilespmem:$0x1E200] =	vst v63  }
0x34: {  	_ =	swait.ge [sflag:s24], $0x2800  }
0x35: {  	[sflag:s24] =	ssyncset.done $0x0  }
0x36: {  	s18 =	rddreg [dreg:$0xb];
	[sflag:s24] =	ssyncadd.s32 $0xFFFFD800  }
0x37: {  	[spmem:s18] =	stream.linear.scatter [tilespmem:s23], [sflag:$0x7], $0x2800, $0x38;
	[tilespmem:$0x1E200] =	vst v63  }
0x38: {  	_ =	swait.ge [sflag:s24], $0x2800  }
0x39: {  	[sflag:s24] =	ssyncset.done $0x0  }
0x3a: {  	s19 =	rddreg [dreg:$0xc];
	[sflag:s24] =	ssyncadd.s32 $0xFFFFD800  }
0x3b: {  	[spmem:s19] =	stream.linear.scatter [tilespmem:s23], [sflag:$0x7], $0x2800, $0x38;
	[tilespmem:$0x1E200] =	vst v63  }
0x3c: {  	_ =	swait.ge [sflag:s24], $0x2800  }
0x3d: {  	[sflag:s24] =	ssyncset.done $0x0  }
0x3e: {  	s20 =	rddreg [dreg:$0xd];
	[sflag:s24] =	ssyncadd.s32 $0xFFFFD800  }
0x3f: {  	[spmem:s20] =	stream.linear.scatter [tilespmem:s23], [sflag:$0x7], $0x2800, $0x38;
	[tilespmem:$0x1E200] =	vst v63  }
0x40: {  	_ =	swait.ge [sflag:s24], $0x2800  }
0x41: {  	[sflag:s24] =	ssyncset.done $0x0  }
0x42: {  	s21 =	rddreg [dreg:$0xe];
	[sflag:s24] =	ssyncadd.s32 $0xFFFFD800  }
0x43: {  	[spmem:s21] =	stream.linear.scatter [tilespmem:s23], [sflag:$0x7], $0x2800, $0x38;
	[tilespmem:$0x1E200] =	vst v63  }
0x44: {  	_ =	swait.ge [sflag:s24], $0x2800  }
0x45: {  	[sflag:s24] =	ssyncset.done $0x0  }
0x46: {  	s22 =	rddreg [dreg:$0xf];
	[sflag:s24] =	ssyncadd.s32 $0xFFFFD800  }
0x47: {  	[spmem:s22] =	stream.linear.scatter [tilespmem:s23], [sflag:$0x7], $0x2800, $0x38;
	[tilespmem:$0x1E200] =	vst v63  }
0x48: {  	_ =	swait.ge [sflag:s24], $0x2800  }
0x49: {  	[sflag:s24] =	ssyncset.done $0x0  }
0x4a: {  	[sflag:s24] =	ssyncadd.s32 $0xFFFFD800  }
0x4b: {  	s17 =	simm.s32 $0x0;
	s18 =	simm.s32 $0x0;
	[bflag:$0x0] =	sbarrier.arrive $0xFFFF  }
.LBB2_4:
0x4c: {  	p0 =	seq.s32 s18, $0x0;
	s19 =	smul.u32 $0xA0, s18  }
0x4d: {  	s20 =	simm.s32 @!p0 $0x5  }
0x4e: {  	_ =	swait.ge @!p0 [sflag:s20], $0x2800;
	s21 =	sadd.s32 s6, s19  }
0x4f: {  	[sflag:s20] =	ssyncset.done @!p0 $0x0;
	s22 =	sshrl.u32 s21, $0x3  }
0x50: {  	[sflag:s20] =	ssyncadd.s32 @!p0 $0xFFFFD800;
	s20 =	sadd.s32 s7, s22  }
0x51: {  	[tilespmem:s4], [sflag:$0x1] =	stream.linear.gather [hbm4b:s20+s4], $0x50, $0x38;
	[tilespmem:$0x1E200] =	vst v63  }
0x52: {  	s21 =	sshll.u32 s21, $0x4;
	s22 =	sadd.s32 s8, s22  }
0x53: {  	[tilespmem:s25], [sflag:$0x1] =	stream.linear.gather [hbm4b:s22+s4], $0x50, $0x38;
	[tilespmem:$0x1E200] =	vst v63  }
0x54: {  	s20 =	sadd.s32 s5, s21  }
0x55: {  	[tilespmem:s26], [sflag:$0x1] =	stream.linear.gather [hbm4b:s20+s4], $0x2800, $0x38;
	[tilespmem:$0x1E200] =	vst v63  }
0x56: {  	s20 =	simm.s32 @!p0 $0x6  }
0x57: {  	s19 =	sadd.s32 s19, s9;
	_ =	swait.ge @!p0 [sflag:s20], $0x2800  }
0x58: {  	s21 =	sshrl.u32 s19, $0x3;
	[sflag:s20] =	ssyncset.done @!p0 $0x0  }
0x59: {  	s22 =	sadd.s32 s7, s21;
	[sflag:s20] =	ssyncadd.s32 @!p0 $0xFFFFD800  }
0x5a: {  	[tilespmem:s28], [sflag:$0x2] =	stream.linear.gather [hbm4b:s22+s17], $0x50, $0x38;
	[tilespmem:$0x1E200] =	vst v63  }
0x5b: {  	s19 =	sshll.u32 s19, $0x4;
	s22 =	sadd.s32 s8, s21  }
0x5c: {  	[tilespmem:s29], [sflag:$0x2] =	stream.linear.gather [hbm4b:s22+s17], $0x50, $0x38;
	[tilespmem:$0x1E200] =	vst v63  }
0x5d: {  	s19 =	sadd.s32 s5, s19  }
0x5e: {  	[tilespmem:s30], [sflag:$0x2] =	stream.linear.gather [hbm4b:s19+s17], $0x2800, $0x38;
	[tilespmem:$0x1E200] =	vst v63  }
0x5f: {  	_ =	swait.ge [sflag:s31], $0x50  }
0x60: {  	[sflag:s31] =	ssyncset.done $0x0  }
0x61: {  	[sflag:s31] =	ssyncadd.s32 $0xFFFFFFB0  }
0x62: {  	_ =	swait.ge [sflag:s31], $0x50  }
0x63: {  	[sflag:s31] =	ssyncset.done $0x0  }
0x64: {  	[sflag:s31] =	ssyncadd.s32 $0xFFFFFFB0  }
0x65: {  	_ =	swait.ge [sflag:s31], $0x2800  }
0x66: {  	[sflag:s31] =	ssyncset.done $0x0  }
0x67: {  	[sflag:s31] =	ssyncadd.s32 $0xFFFFD800  }
0x68: {  	[tilespmem:s23], [sflag:$0x3] =	stream.indirect.gather [hbm4b:s1+s0], $0x80, s17, s0, $0xb8;
	[tilespmem:$0x1E200] =	vst v63  }
0x69: {  	_ =	swait.ge [sflag:s3], $0x50  }
0x6a: {  	[sflag:s3] =	ssyncset.done $0x0  }
0x6b: {  	[sflag:s3] =	ssyncadd.s32 $0xFFFFFFB0  }
0x6c: {  	_ =	swait.ge [sflag:s3], $0x50  }
0x6d: {  	[sflag:s3] =	ssyncset.done $0x0  }
0x6e: {  	[sflag:s3] =	ssyncadd.s32 $0xFFFFFFB0  }
0x6f: {  	_ =	swait.ge [sflag:s3], $0x2800  }
0x70: {  	[sflag:s3] =	ssyncset.done $0x0  }
0x71: {  	[sflag:s3] =	ssyncadd.s32 $0xFFFFD800  }
0x72: {  	[tilespmem:s10], [sflag:$0x4] =	stream.indirect.gather [hbm4b:s1+s0], $0x80, s28, s0, $0xb8;
	[tilespmem:$0x1E200] =	vst v63  }
0x73: {  	_ =	swait.ge [sflag:s11], $0x2800  }
0x74: {  	[sflag:s11] =	ssyncset.done $0x0  }
0x75: {  	s19 =	simm.s32 $0x0;
	[sflag:s11] =	ssyncadd.s32 $0xFFFFD800  }
0x76: {  	v7 =	vld [tilespmem:s19+$0x200]  }
0x77: {  	v12 =	vld [tilespmem:s19+$0x210]  }
0x78: {  	v6 =	vld [tilespmem:s19+$0x220]  }
0x79: {  	v5 =	vld [tilespmem:s19+$0x230]  }
0x7a: {  	v4 =	vld [tilespmem:s19+$0x240]  }
0x7b: {  	v3 =	vld [tilespmem:s19+$0x250]  }
0x7c: {  	v2 =	vld [tilespmem:s19+$0x260]  }
0x7d: {  	v1 =	vld [tilespmem:s19+$0x270]  }
0x7e: {  	v13 =	vld [tilespmem:s19+$0x5200]  }
0x7f: {  	v14 =	vld [tilespmem:s19+$0x5210]  }
0x80: {  	v11 =	vld [tilespmem:s19+$0x5220]  }
0x81: {  	v10 =	vld [tilespmem:s19+$0x5230]  }
0x82: {  	v9 =	vld [tilespmem:s19+$0x5240]  }
0x83: {  	v8 =	vld [tilespmem:s19+$0x5250];
	v13 =	vadd.f32 v7, v13  }
0x84: {  	s20 =	simm.s32 $0x200;
	v12 =	vadd.f32 v12, v14;
	v7 =	vld [tilespmem:s19+$0x5260]  }
.LBB2_5:
0x85: {  	s21 =	sshra.s32 s20, $0x2;
	p0 =	sne.s32 s20, $0x9E00;
	v13 =	vmax.f32 v13, $0.0e+00;
	v6 =	vadd.f32 v6, v11;
	v11 =	vld [tilespmem:s19+$0x5270]  }
0x86: {  	v14 =	vld [tilespmem:s21+$0x200];
	[tilespmem:s19+$0x5200] =	vst v13;
	v12 =	vmax.f32 v12, $0.0e+00;
	v5 =	vadd.f32 v5, v10  }
0x87: {  	v15 =	vld [tilespmem:s21+$0x210];
	[tilespmem:s19+$0x5210] =	vst v12;
	v10 =	vmax.f32 v6, $0.0e+00;
	v4 =	vadd.f32 v4, v9  }
0x88: {  	v6 =	vld [tilespmem:s21+$0x220];
	[tilespmem:s19+$0x5220] =	vst v10;
	v9 =	vmax.f32 v5, $0.0e+00;
	v3 =	vadd.f32 v3, v8  }
0x89: {  	v5 =	vld [tilespmem:s21+$0x230];
	[tilespmem:s19+$0x5230] =	vst v9;
	v8 =	vmax.f32 v4, $0.0e+00;
	v2 =	vadd.f32 v2, v7  }
0x8a: {  	v4 =	vld [tilespmem:s21+$0x240];
	[tilespmem:s19+$0x5240] =	vst v8;
	v7 =	vmax.f32 v3, $0.0e+00;
	v1 =	vadd.f32 v1, v11  }
0x8b: {  	v3 =	vld [tilespmem:s21+$0x250];
	[tilespmem:s19+$0x5250] =	vst v7;
	v7 =	vmax.f32 v2, $0.0e+00  }
0x8c: {  	v2 =	vld [tilespmem:s21+$0x260];
	[tilespmem:s19+$0x5260] =	vst v7;
	v7 =	vmax.f32 v1, $0.0e+00  }
0x8d: {  	v1 =	vld [tilespmem:s21+$0x270];
	[tilespmem:s19+$0x5270] =	vst v7;
	s19 =	smov.u32 s21  }
0x8e: {  	v7 =	vld [tilespmem:s19+$0x5200]  }
0x8f: {  	v12 =	vld [tilespmem:s19+$0x5210]  }
.Ltmp1:
0x90: {  	v11 =	vld [tilespmem:s19+$0x5220];
	(pc) =	sbr.rel @p0 .LBB2_5-.Ltmp1, $4  }
0x91: {  	v10 =	vld [tilespmem:s19+$0x5230]  }
0x92: {  	v9 =	vld [tilespmem:s19+$0x5240]  }
0x93: {  	v13 =	vadd.f32 v14, v7;
	v8 =	vld [tilespmem:s19+$0x5250]  }
0x94: {  	s20 =	sadd.s32 $0x200, s20;
	v12 =	vadd.f32 v15, v12;
	v7 =	vld [tilespmem:s19+$0x5260]  }
0x95: {  	v13 =	vmax.f32 v13, $0.0e+00;
	v6 =	vadd.f32 v6, v11;
	v11 =	vld [tilespmem:s19+$0x5270]  }
0x96: {  	[tilespmem:s19+$0x5200] =	vst v13;
	v12 =	vmax.f32 v12, $0.0e+00;
	v5 =	vadd.f32 v5, v10  }
0x97: {  	[tilespmem:s19+$0x5210] =	vst v12;
	v6 =	vmax.f32 v6, $0.0e+00;
	v4 =	vadd.f32 v4, v9  }
0x98: {  	[tilespmem:s19+$0x5220] =	vst v6;
	v5 =	vmax.f32 v5, $0.0e+00;
	v3 =	vadd.f32 v3, v8  }
0x99: {  	[tilespmem:s19+$0x5230] =	vst v5;
	v4 =	vmax.f32 v4, $0.0e+00;
	v2 =	vadd.f32 v2, v7  }
0x9a: {  	[tilespmem:s19+$0x5240] =	vst v4;
	v3 =	vmax.f32 v3, $0.0e+00;
	v1 =	vadd.f32 v1, v11  }
0x9b: {  	[tilespmem:s19+$0x5250] =	vst v3;
	v2 =	vmax.f32 v2, $0.0e+00  }
0x9c: {  	[tilespmem:s19+$0x5260] =	vst v2;
	v1 =	vmax.f32 v1, $0.0e+00  }
0x9d: {  	[tilespmem:s19+$0x5270] =	vst v1  }
0x9e: {  	[spmem:s2] =	stream.indirect.scatter.add.f32 [tilespmem:s23], [sflag:$0x5], $0x80, s25, s0, $0xb8;
	[tilespmem:$0x1E200] =	vst v63  }
0x9f: {  	_ =	swait.ge [sflag:s12], $0x2800  }
0xa0: {  	[sflag:s12] =	ssyncset.done $0x0  }
0xa1: {  	s19 =	simm.s32 $0x0;
	[sflag:s12] =	ssyncadd.s32 $0xFFFFD800  }
0xa2: {  	v7 =	vld [tilespmem:s19+$0x2A00]  }
0xa3: {  	v12 =	vld [tilespmem:s19+$0x2A10]  }
0xa4: {  	v6 =	vld [tilespmem:s19+$0x2A20]  }
0xa5: {  	v5 =	vld [tilespmem:s19+$0x2A30]  }
0xa6: {  	v4 =	vld [tilespmem:s19+$0x2A40]  }
0xa7: {  	v3 =	vld [tilespmem:s19+$0x2A50]  }
0xa8: {  	v2 =	vld [tilespmem:s19+$0x2A60]  }
0xa9: {  	v1 =	vld [tilespmem:s19+$0x2A70]  }
0xaa: {  	v13 =	vld [tilespmem:s19+$0x7A00]  }
0xab: {  	v14 =	vld [tilespmem:s19+$0x7A10]  }
0xac: {  	v11 =	vld [tilespmem:s19+$0x7A20]  }
0xad: {  	v10 =	vld [tilespmem:s19+$0x7A30]  }
0xae: {  	v9 =	vld [tilespmem:s19+$0x7A40]  }
0xaf: {  	v8 =	vld [tilespmem:s19+$0x7A50];
	v13 =	vadd.f32 v7, v13  }
0xb0: {  	s20 =	simm.s32 $0x200;
	v12 =	vadd.f32 v12, v14;
	v7 =	vld [tilespmem:s19+$0x7A60]  }
.LBB2_7:
0xb1: {  	s21 =	sshra.s32 s20, $0x2;
	p0 =	sne.s32 s20, $0x9E00;
	v13 =	vmax.f32 v13, $0.0e+00;
	v6 =	vadd.f32 v6, v11;
	v11 =	vld [tilespmem:s19+$0x7A70]  }
0xb2: {  	v14 =	vld [tilespmem:s21+$0x2A00];
	[tilespmem:s19+$0x7A00] =	vst v13;
	v12 =	vmax.f32 v12, $0.0e+00;
	v5 =	vadd.f32 v5, v10  }
0xb3: {  	v15 =	vld [tilespmem:s21+$0x2A10];
	[tilespmem:s19+$0x7A10] =	vst v12;
	v10 =	vmax.f32 v6, $0.0e+00;
	v4 =	vadd.f32 v4, v9  }
0xb4: {  	v6 =	vld [tilespmem:s21+$0x2A20];
	[tilespmem:s19+$0x7A20] =	vst v10;
	v9 =	vmax.f32 v5, $0.0e+00;
	v3 =	vadd.f32 v3, v8  }
0xb5: {  	v5 =	vld [tilespmem:s21+$0x2A30];
	[tilespmem:s19+$0x7A30] =	vst v9;
	v8 =	vmax.f32 v4, $0.0e+00;
	v2 =	vadd.f32 v2, v7  }
0xb6: {  	v4 =	vld [tilespmem:s21+$0x2A40];
	[tilespmem:s19+$0x7A40] =	vst v8;
	v7 =	vmax.f32 v3, $0.0e+00;
	v1 =	vadd.f32 v1, v11  }
0xb7: {  	v3 =	vld [tilespmem:s21+$0x2A50];
	[tilespmem:s19+$0x7A50] =	vst v7;
	v7 =	vmax.f32 v2, $0.0e+00  }
0xb8: {  	v2 =	vld [tilespmem:s21+$0x2A60];
	[tilespmem:s19+$0x7A60] =	vst v7;
	v7 =	vmax.f32 v1, $0.0e+00  }
0xb9: {  	v1 =	vld [tilespmem:s21+$0x2A70];
	[tilespmem:s19+$0x7A70] =	vst v7;
	s19 =	smov.u32 s21  }
0xba: {  	v7 =	vld [tilespmem:s19+$0x7A00]  }
0xbb: {  	v12 =	vld [tilespmem:s19+$0x7A10]  }
.Ltmp2:
0xbc: {  	v11 =	vld [tilespmem:s19+$0x7A20];
	(pc) =	sbr.rel @p0 .LBB2_7-.Ltmp2, $4  }
0xbd: {  	v10 =	vld [tilespmem:s19+$0x7A30]  }
0xbe: {  	v9 =	vld [tilespmem:s19+$0x7A40]  }
0xbf: {  	v13 =	vadd.f32 v14, v7;
	v8 =	vld [tilespmem:s19+$0x7A50]  }
0xc0: {  	s20 =	sadd.s32 $0x200, s20;
	v12 =	vadd.f32 v15, v12;
	v7 =	vld [tilespmem:s19+$0x7A60]  }
0xc1: {  	v13 =	vmax.f32 v13, $0.0e+00;
	v6 =	vadd.f32 v6, v11;
	v63 =	vld [tilespmem:s19+$0x7A70]  }
0xc2: {  	[tilespmem:s19+$0x7A00] =	vst v13;
	v12 =	vmax.f32 v12, $0.0e+00;
	v5 =	vadd.f32 v5, v10  }
0xc3: {  	[tilespmem:s19+$0x7A10] =	vst v12;
	v6 =	vmax.f32 v6, $0.0e+00;
	v4 =	vadd.f32 v4, v9  }
0xc4: {  	s18 =	sadd.s32 $0x1, s18;
	[tilespmem:s19+$0x7A20] =	vst v6;
	v5 =	vmax.f32 v5, $0.0e+00;
	v3 =	vadd.f32 v3, v8  }
0xc5: {  	p0 =	sne.s32 s18, $0x3E;
	[tilespmem:s19+$0x7A30] =	vst v5;
	v4 =	vmax.f32 v4, $0.0e+00;
	v2 =	vadd.f32 v2, v7  }
.Ltmp3:
0xc6: {  	[tilespmem:s19+$0x7A40] =	vst v4;
	v3 =	vmax.f32 v3, $0.0e+00;
	v1 =	vadd.f32 v1, v63;
	(pc) =	sbr.rel @p0 .LBB2_4-.Ltmp3, $4  }
0xc7: {  	[tilespmem:s19+$0x7A50] =	vst v3;
	v2 =	vmax.f32 v2, $0.0e+00  }
0xc8: {  	[tilespmem:s19+$0x7A60] =	vst v2;
	v1 =	vmax.f32 v1, $0.0e+00  }
0xc9: {  	[tilespmem:s19+$0x7A70] =	vst v1  }
0xca: {  	[spmem:s2] =	stream.indirect.scatter.add.f32 [tilespmem:s10], [sflag:$0x6], $0x80, s29, s0, $0xb8;
	[tilespmem:$0x1E200] =	vst v63  }
0xcb: {  	_ =	swait.ge [sflag:s13], $0x2800  }
0xcc: {  	[sflag:s13] =	ssyncset.done $0x0  }
0xcd: {  	[sflag:s13] =	ssyncadd.s32 $0xFFFFD800  }
0xce: {  	_ =	swait.ge [sflag:s15], $0x2800  }
0xcf: {  	[sflag:s15] =	ssyncset.done $0x0  }
0xd0: {  	s17 =	simm.s32 $0x0;
	s18 =	rddreg [dreg:$0x4];
	[sflag:s15] =	ssyncadd.s32 $0xFFFFD800  }
0xd1: {  	[tilespmem:s17], [sflag:$0x7] =	stream.linear.gather [hbm4b:s18+s17], $0x50, $0x38;
	[tilespmem:$0x1E200] =	vst v63  }
0xd2: {  	_ =	swait.ge [sflag:s24], $0x50  }
0xd3: {  	[sflag:s24] =	ssyncset.done $0x0  }
0xd4: {  	s21 =	rddreg [dreg:$0x5];
	[sflag:s24] =	ssyncadd.s32 $0xFFFFFFB0  }
0xd5: {  	[tilespmem:s25], [sflag:$0x7] =	stream.linear.gather [hbm4b:s21+s17], $0x50, $0x38;
	[tilespmem:$0x1E200] =	vst v63  }
0xd6: {  	_ =	swait.ge [sflag:s24], $0x50  }
0xd7: {  	[sflag:s24] =	ssyncset.done $0x0  }
0xd8: {  	s22 =	rddreg [dreg:$0x6];
	[sflag:s24] =	ssyncadd.s32 $0xFFFFFFB0  }
0xd9: {  	[tilespmem:s26], [sflag:$0x7] =	stream.linear.gather [hbm4b:s22+s17], $0x2800, $0x38;
	[tilespmem:$0x1E200] =	vst v63  }
0xda: {  	_ =	swait.ge [sflag:s24], $0x2800  }
0xdb: {  	[sflag:s24] =	ssyncset.done $0x0  }
0xdc: {  	[sflag:s24] =	ssyncadd.s32 $0xFFFFD800  }
0xdd: {  	[tilespmem:s23], [sflag:$0x3] =	stream.indirect.gather [hbm4b:s1+s0], $0x80, s17, s0, $0xb8;
	[tilespmem:$0x1E200] =	vst v63  }
0xde: {  	_ =	swait.ge [sflag:s11], $0x2800  }
0xdf: {  	[sflag:s11] =	ssyncset.done $0x0  }
0xe0: {  	s17 =	simm.s32 $0x0;
	[sflag:s11] =	ssyncadd.s32 $0xFFFFD800  }
0xe1: {  	v7 =	vld [tilespmem:s17+$0x200]  }
0xe2: {  	v12 =	vld [tilespmem:s17+$0x210]  }
0xe3: {  	v6 =	vld [tilespmem:s17+$0x220]  }
0xe4: {  	v5 =	vld [tilespmem:s17+$0x230]  }
0xe5: {  	v4 =	vld [tilespmem:s17+$0x240]  }
0xe6: {  	v3 =	vld [tilespmem:s17+$0x250]  }
0xe7: {  	v2 =	vld [tilespmem:s17+$0x260]  }
0xe8: {  	v1 =	vld [tilespmem:s17+$0x270]  }
0xe9: {  	v13 =	vld [tilespmem:s17+$0x5200]  }
0xea: {  	v14 =	vld [tilespmem:s17+$0x5210]  }
0xeb: {  	v11 =	vld [tilespmem:s17+$0x5220]  }
0xec: {  	v10 =	vld [tilespmem:s17+$0x5230]  }
0xed: {  	v9 =	vld [tilespmem:s17+$0x5240]  }
0xee: {  	v8 =	vld [tilespmem:s17+$0x5250];
	v13 =	vadd.f32 v7, v13  }
0xef: {  	s18 =	simm.s32 $0x200;
	v12 =	vadd.f32 v12, v14;
	v7 =	vld [tilespmem:s17+$0x5260]  }
.LBB2_10:
0xf0: {  	s19 =	sshra.s32 s18, $0x2;
	p0 =	sne.s32 s18, $0x9E00;
	v13 =	vmax.f32 v13, $0.0e+00;
	v6 =	vadd.f32 v6, v11;
	v11 =	vld [tilespmem:s17+$0x5270]  }
0xf1: {  	v14 =	vld [tilespmem:s19+$0x200];
	[tilespmem:s17+$0x5200] =	vst v13;
	v12 =	vmax.f32 v12, $0.0e+00;
	v5 =	vadd.f32 v5, v10  }
0xf2: {  	v15 =	vld [tilespmem:s19+$0x210];
	[tilespmem:s17+$0x5210] =	vst v12;
	v10 =	vmax.f32 v6, $0.0e+00;
	v4 =	vadd.f32 v4, v9  }
0xf3: {  	v6 =	vld [tilespmem:s19+$0x220];
	[tilespmem:s17+$0x5220] =	vst v10;
	v9 =	vmax.f32 v5, $0.0e+00;
	v3 =	vadd.f32 v3, v8  }
0xf4: {  	v5 =	vld [tilespmem:s19+$0x230];
	[tilespmem:s17+$0x5230] =	vst v9;
	v8 =	vmax.f32 v4, $0.0e+00;
	v2 =	vadd.f32 v2, v7  }
0xf5: {  	v4 =	vld [tilespmem:s19+$0x240];
	[tilespmem:s17+$0x5240] =	vst v8;
	v7 =	vmax.f32 v3, $0.0e+00;
	v1 =	vadd.f32 v1, v11  }
0xf6: {  	v3 =	vld [tilespmem:s19+$0x250];
	[tilespmem:s17+$0x5250] =	vst v7;
	v7 =	vmax.f32 v2, $0.0e+00  }
0xf7: {  	v2 =	vld [tilespmem:s19+$0x260];
	[tilespmem:s17+$0x5260] =	vst v7;
	v7 =	vmax.f32 v1, $0.0e+00  }
0xf8: {  	v1 =	vld [tilespmem:s19+$0x270];
	[tilespmem:s17+$0x5270] =	vst v7;
	s17 =	smov.u32 s19  }
0xf9: {  	v7 =	vld [tilespmem:s17+$0x5200]  }
0xfa: {  	v12 =	vld [tilespmem:s17+$0x5210]  }
.Ltmp4:
0xfb: {  	v11 =	vld [tilespmem:s17+$0x5220];
	(pc) =	sbr.rel @p0 .LBB2_10-.Ltmp4, $4  }
0xfc: {  	v10 =	vld [tilespmem:s17+$0x5230]  }
0xfd: {  	v9 =	vld [tilespmem:s17+$0x5240]  }
0xfe: {  	v13 =	vadd.f32 v14, v7;
	v8 =	vld [tilespmem:s17+$0x5250]  }
0xff: {  	s18 =	sadd.s32 $0x200, s18;
	v12 =	vadd.f32 v15, v12;
	v7 =	vld [tilespmem:s17+$0x5260]  }
0x100: {  	v13 =	vmax.f32 v13, $0.0e+00;
	v6 =	vadd.f32 v6, v11;
	v63 =	vld [tilespmem:s17+$0x5270]  }
0x101: {  	[tilespmem:s17+$0x5200] =	vst v13;
	v12 =	vmax.f32 v12, $0.0e+00;
	v5 =	vadd.f32 v5, v10  }
0x102: {  	[tilespmem:s17+$0x5210] =	vst v12;
	v6 =	vmax.f32 v6, $0.0e+00;
	v4 =	vadd.f32 v4, v9  }
0x103: {  	[tilespmem:s17+$0x5220] =	vst v6;
	v5 =	vmax.f32 v5, $0.0e+00;
	v3 =	vadd.f32 v3, v8  }
0x104: {  	[tilespmem:s17+$0x5230] =	vst v5;
	v4 =	vmax.f32 v4, $0.0e+00;
	v2 =	vadd.f32 v2, v7  }
0x105: {  	[tilespmem:s17+$0x5240] =	vst v4;
	v3 =	vmax.f32 v3, $0.0e+00;
	v1 =	vadd.f32 v1, v63  }
0x106: {  	[tilespmem:s17+$0x5250] =	vst v3;
	v2 =	vmax.f32 v2, $0.0e+00  }
0x107: {  	[tilespmem:s17+$0x5260] =	vst v2;
	v1 =	vmax.f32 v1, $0.0e+00  }
0x108: {  	[tilespmem:s17+$0x5270] =	vst v1  }
0x109: {  	[spmem:s2] =	stream.indirect.scatter.add.f32 [tilespmem:s23], [sflag:$0x7], $0x80, s25, s0, $0xb8;
	[tilespmem:$0x1E200] =	vst v63  }
0x10a: {  	_ =	swait.ge [sflag:s24], $0x2800  }
0x10b: {  	[sflag:s24] =	ssyncset.done $0x0  }
0x10c: {  	s21 =	stileid.u32;
	[sflag:s24] =	ssyncadd.s32 $0xFFFFD800  }
0x10d: {  	s17 =	sshll.u32 s21, $0x6;
	[bflag:$0x0] =	sbarrier.arrive $0xFFFF  }
0x10e: {  	s18 =	sshrl.u32 s14, $0x3;
	s17 =	sor.u32 $0x1C07, s17;
	s19 =	rddreg [dreg:$0x7]  }
0x10f: {  	[hbm:s19], [sflag:s17] =	dma.local [spmem:s18], $0x2800  }
0x110: {  	_ =	swait.ge [sflag:s24], $0x2800  }
0x111: {  	s16 =	sadd.s32 $0x1, s16;
	s22 =	rddreg [dreg:$0x8]  }
0x112: {  	p0 =	sne.s32 s16, s22  }
.Ltmp5:
0x113: {  	_ = 	snop;
	(pc) =	sbr.rel @p0 .LBB2_1-.Ltmp5, $3  }
0x114: {  	_ =	sdelay $0x1  }
0x115: {  	[sflag:s24] =	ssyncset.done $0x0  }
0x116: {  	[sflag:s24] =	ssyncadd.s32 $0xFFFFD800  }
0x117: {  	_ =	sfence.sel $0x180000  }
0x118: {  	[bflag:$0x0] =	sbarrier.arrive $0xFFFF  }
0x119: {  	_ =	strace $0x90000047  }
0x11a: {  	s0 =	stileid.u32;
	[bflag:$0x2] =	sbarrier.arrive $0xFFFF  }
0x11b: {  	p0 =	sne.s32 s0, $0x0;
	s0 =	rddreg [dreg:$0x3]  }
0x11c: {  	s0 =	sadd.s32 @!p0 $0x100000, s0  }
0x11d: {  	[sflag:s0] =	ssyncadd.tile.s32 @!p0 $0x1;
	_ =	shalt  }
.Lfunc_end2:
_tile_overlayer_lowered:
.L_overlay_start_2:
0x11e: {  	(tag) =	ssettag $0x2  }
0x11f: {  	s0 =	rddreg [dreg:$0x0];
	s2 =	stileid.u32  }
0x120: {  	s1 =	rddreg [dreg:$0x1];
	p0 =	sne.s32 s2, $0x0  }
0x121: {  	s3 =	rddreg [dreg:$0x2];
	[bflag:$0x3] =	sbarrier.arrive $0xFFFF;
	s2 =	simm.s32 @!p0 $0x1C07  }
0x122: {  	[timem:s3], [sflag:s2] =	dma.local @!p0 [hbm:s0], s1  }
0x123: {  	s0 =	simm.s32 @!p0 $0x7  }
0x124: {  	_ =	swait.ge @!p0 [sflag:s0], s1  }
0x125: {  	s1 =	ssub.s32 @!p0 $0x0, s1;
	[sflag:s0] =	ssyncset.done @!p0 $0x0  }
0x126: {  	[sflag:s0] =	ssyncadd.s32 @!p0 s1  }
0x127: {  	[bflag:$0x3] =	sbarrier.arrive $0xFFFF  }
0x128: {  	_ =	shalt  }

// kernel: kernel.15.cloned.1.call-start
scs
__scs_entry_jumppad:
0x0: {  	(pc) =	sbr.rel $0x88, $3  }
0x1: {  	(tag) =	ssettag $0x0;
	lr =	simm.s32 $0x1  }
0x2: {  	[smem:$0x3F83] =	sst lr;
	_ =	strace $0xD0000000  }
0x3: {  	_ = 	snop  }
0x4: {  	_ = 	snop  }
0x5: {  	_ = 	snop  }
0x6: {  	_ = 	snop  }
0x7: {  	_ = 	snop  }
__scs_overlays_trampoline_lowered:
0x8: {  	[smem:$0x3F92] =	sst s0  }
0x9: {  	[smem:$0x3F93] =	sst s1  }
0xa: {  	[smem:$0x3F94] =	sst s2  }
0xb: {  	[smem:$0x3F95] =	sst s3  }
0xc: {  	[smem:$0x3F96] =	sst s4  }
0xd: {  	[smem:$0x3F97] =	sst s5  }
0xe: {  	[smem:$0x3F98] =	sst s6  }
0xf: {  	[smem:$0x3F99] =	sst s7  }
0x10: {  	[smem:$0x3F9A] =	sst s8  }
0x11: {  	[smem:$0x3F9B] =	sst s9;
	s0 =	simm.s32 @!p0 $0x0  }
0x12: {  	s1 =	sld [smem:$0x3F81];
	s0 =	simm.s32 @p0 $0x1  }
0x13: {  	[smem:$0x3F9C] =	sst s0;
	s0 =	simm.s32 @!p1 $0x0  }
0x14: {  	s2 =	sld [smem:$0x3F80];
	s0 =	simm.s32 @p1 $0x1  }
0x15: {  	[smem:$0x3F9D] =	sst s0;
	s0 =	simm.s32 @!p2 $0x0  }
0x16: {  	s3 =	sld [smem:$0x3FDB];
	s0 =	simm.s32 @p2 $0x1  }
0x17: {  	s4 =	simm.s32 $0x1BF5;
	[smem:$0x3F9F] =	sst s0  }
0x18: {  	s0 =	sld [smem:$0x3F82];
	_ =	swait.ge [sflag:s4], $0x0  }
0x19: {  	s7 =	sld [smem:$0x3F83]  }
0x1a: {  	s8 =	sadd.s32 $0xFFFFE003, lr  }
0x1b: {  	s9 =	sadd.s32 $0xFFFFFEF7, lr;
	s5 =	simm.s32 $0xFFFFFFFF;
	p2 =	slt.u32 s8, $0xFFFFF086  }
0x1c: {  	p1 =	slt.u32 s9, $0xF7A;
	s5 =	simm.s32 @!p2 $0x0  }
0x1d: {  	s5 =	simm.s32 @p1 $0x1;
	p0 =	seq.s32 s7, s2  }
0x1e: {  	s7 =	smul.u32 @!p0 $0xF7A, s2;
	p2 =	seq.s32 @!p0 s5, $0x0  }
0x1f: {  	s9 =	smul.u32 $0xF7A, s1;
	s8 =	simm.s32 @!p0 $0x1BF5;
	p2 =	por !p2, p0  }
0x20: {  	[sflag:s8] =	ssyncset.s32 @!p0 $0xFFFFF086;
	s6 =	sadd.s32 @!p0 s3, s7;
	s7 =	simm.s32 @!p0 $0x108  }
0x21: {  	s3 =	sadd.s32 s3, s9;
	s6 =	sadd.s32 @!p0 $0x88, s6;
	s7 =	simm.s32 @p2 $0x1082  }
0x22: {  	[simem:s7], [sflag:s8] =	dma.local @!p0 [hbm:s6], $0xF7A  }
0x23: {  	s9 =	sor.u32 $0xD0000000, s2;
	s6 =	simm.s32 $0x108;
	_ =	swait.ge @!p0 [sflag:s8], $0x0  }
0x24: {  	s3 =	sadd.s32 $0x88, s3;
	s6 =	simm.s32 @!p1 $0x1082;
	[sflag:s4] =	ssyncset.s32 $0xFFFFF086  }
0x25: {  	[simem:s6], [sflag:s4] =	dma.local [hbm:s3], $0xF7A  }
0x26: {  	[smem:$0x3F83] =	sst s1;
	(tag) =	ssettag s2;
	_ =	strace s9  }
0x27: {  	s1 =	sld [smem:$0x3F93]  }
0x28: {  	s2 =	sld [smem:$0x3F94]  }
0x29: {  	s4 =	sld [smem:$0x3F96]  }
0x2a: {  	p0 =	seq.s32 s5, $0x0;
	s5 =	sld [smem:$0x3F97]  }
0x2b: {  	s6 =	sld [smem:$0x3F98]  }
0x2c: {  	s7 =	sld [smem:$0x3F99]  }
0x2d: {  	s3 =	simm.s32 $0x108;
	s8 =	sld [smem:$0x3F9A]  }
0x2e: {  	s3 =	simm.s32 @!p0 $0x1082;
	s9 =	sld [smem:$0x3F9B]  }
0x2f: {  	lr =	sadd.s32 s0, s3;
	s0 =	sld [smem:$0x3F92]  }
0x30: {  	s3 =	sld [smem:$0x3F95]  }
0x31: {  	[smem:$0x3F9E] =	sst s10  }
0x32: {  	s10 =	sld [smem:$0x3F9C];
	_ =	sdelay $0x3  }
0x33: {  	p0 =	seq.s32 s10, $0x1;
	s10 =	sld [smem:$0x3F9E];
	_ =	sdelay $0x3  }
0x34: {  	[smem:$0x3F9E] =	sst s10  }
0x35: {  	s10 =	sld [smem:$0x3F9D];
	_ =	sdelay $0x3  }
0x36: {  	p1 =	seq.s32 s10, $0x1;
	s10 =	sld [smem:$0x3F9E];
	_ =	sdelay $0x3  }
0x37: {  	[smem:$0x3F9E] =	sst s10  }
0x38: {  	s10 =	sld [smem:$0x3F9F]  }
0x39: {  	_ = 	snop;
	(pc) =	sbr.ind lr, $3  }
0x3a: {  	_ = 	snop  }
0x3b: {  	_ = 	snop  }
0x3c: {  	p2 =	seq.s32 s10, $0x1;
	s10 =	sld [smem:$0x3F9E]  }
0x3d: {  	_ =	shalt  }
0x3e: {  	_ =	shalt  }
0x3f: {  	_ =	shalt  }
0x40: {  	_ =	shalt  }
0x41: {  	_ =	shalt  }
0x42: {  	_ =	shalt  }
0x43: {  	_ =	shalt  }
0x44: {  	_ =	shalt  }
0x45: {  	_ =	shalt  }
0x46: {  	_ =	shalt  }
0x47: {  	_ =	shalt  }
0x48: {  	_ =	shalt  }
0x49: {  	_ =	shalt  }
0x4a: {  	_ =	shalt  }
0x4b: {  	_ =	shalt  }
0x4c: {  	_ =	shalt  }
0x4d: {  	_ =	shalt  }
0x4e: {  	_ =	shalt  }
0x4f: {  	_ =	shalt  }
0x50: {  	_ =	shalt  }
0x51: {  	_ =	shalt  }
0x52: {  	_ =	shalt  }
0x53: {  	_ =	shalt  }
0x54: {  	_ =	shalt  }
0x55: {  	_ =	shalt  }
0x56: {  	_ =	shalt  }
0x57: {  	_ =	shalt  }
0x58: {  	_ =	shalt  }
0x59: {  	_ =	shalt  }
0x5a: {  	_ =	shalt  }
0x5b: {  	_ =	shalt  }
0x5c: {  	_ =	shalt  }
0x5d: {  	_ =	shalt  }
0x5e: {  	_ =	shalt  }
0x5f: {  	_ =	shalt  }
0x60: {  	_ =	shalt  }
0x61: {  	_ =	shalt  }
0x62: {  	_ =	shalt  }
0x63: {  	_ =	shalt  }
0x64: {  	_ =	shalt  }
0x65: {  	_ =	shalt  }
0x66: {  	_ =	shalt  }
0x67: {  	_ =	shalt  }
0x68: {  	_ =	shalt  }
0x69: {  	_ =	shalt  }
0x6a: {  	_ =	shalt  }
0x6b: {  	_ =	shalt  }
0x6c: {  	_ =	shalt  }
0x6d: {  	_ =	shalt  }
0x6e: {  	_ =	shalt  }
0x6f: {  	_ =	shalt  }
0x70: {  	_ =	shalt  }
0x71: {  	_ =	shalt  }
0x72: {  	_ =	shalt  }
0x73: {  	_ =	shalt  }
0x74: {  	_ =	shalt  }
0x75: {  	_ =	shalt  }
0x76: {  	_ =	shalt  }
0x77: {  	_ =	shalt  }
0x78: {  	_ =	shalt  }
0x79: {  	_ =	shalt  }
0x7a: {  	_ =	shalt  }
0x7b: {  	_ =	shalt  }
0x7c: {  	_ =	shalt  }
0x7d: {  	_ =	shalt  }
0x7e: {  	_ =	shalt  }
0x7f: {  	_ =	shalt  }
0x80: {  	_ =	shalt  }
0x81: {  	_ =	shalt  }
0x82: {  	_ =	shalt  }
0x83: {  	_ =	shalt  }
0x84: {  	_ =	shalt  }
0x85: {  	_ =	shalt  }
0x86: {  	_ =	shalt  }
0x87: {  	_ =	shalt  }
.Lfunc_end0:
.L_simem_size_0:
called_computation.1_lowered:
.L_overlay_start_0:
0x88: {  	s2 =	sld [smem:$0x3FD9]  }
0x89: {  	s3 =	sld [smem:$0x3FFE];
	_ =	sdelay $0x1  }
0x8a: {  	s1 =	srdreg.scid  }
0x8b: {  	s0 =	sand.u32 $0x1, s1  }
0x8c: {  	s16 =	sshll.u32 s0, $0xA;
	s2 =	sadd.s32 s3, s2  }
0x8d: {  	s2 =	sadd.s32 s2, s16  }
0x8e: {  	[smem:$0x3FAA] =	sst s2  }
0x8f: {  	_ = 	snop  }
0x90: {  	(tm) =	ssettm $0x1  }
0x91: {  	s17 =	sld [smem:$0x3FFB];
	_ =	sdelay $0x3  }
0x92: {  	_ =	strace s17  }
0x93: {  	s2 =	sld [smem:$0x3FFC];
	_ =	sdelay $0x3  }
0x94: {  	_ =	strace s2  }
0x95: {  	s2 =	sld [smem:$0x3FFD];
	_ =	sdelay $0x3  }
0x96: {  	_ =	strace s2  }
0x97: {  	_ =	strace $0x8FFFFFFF  }
0x98: {  	s18 =	sld [smem:$0x3FDB];
	_ =	sdelay $0x1  }
0x99: {  	s19 =	simm.s32 $_scs_section_size  }
0x9a: {  	s4 =	simm.s32 $_size__tile_overlayer_lowered;
	s5 =	simm.s32 $_tile_overlayer_lowered  }
0x9b: {  	s22 =	simm.s32 $0x1BFF;
	s21 =	sshll.u32 s5, $0x1;
	s2 =	sadd.s32 s19, s18  }
0x9c: {  	s6 =	simm.s32 $0x0;
	s20 =	sshll.u32 s4, $0x1;
	s4 =	sadd.s32 s21, s2  }
0x9d: {  	[timem:s6], [sflag:s22] =	dma.local [hbm:s4], s20  }
0x9e: {  	_ =	swait.ge [sflag:s22], s20  }
0x9f: {  	s3 =	ssub.s32 $0x0, s20;
	[sflag:s22] =	ssyncset.done $0x0  }
0xa0: {  	[sflag:s22] =	ssyncadd.s32 s3;
	_ =	sdelay $0x1  }
0xa1: {  	s23 =	simm.s32 $0x1B8B  }
0xa2: {  	_ =	swait.ge [sflag:s23], $0x1  }
0xa3: {  	[sflag:s23] =	ssyncset.done $0x0  }
0xa4: {  	s25 =	simm.s32 $0x1B8E;
	s24 =	sld [smem:$0x3FFE];
	[sflag:s23] =	ssyncadd.s32 $0xFFFFFFFF  }
0xa5: {  	s26 =	simm.s32 $execute0_lowered;
	[smem:$0x3FD2] =	sst s25  }
0xa6: {  	s4 =	sshll.u32 s26, $0x1;
	_ =	strace $0x80000049;
	[dreg:$0x1] =	wrdreg $0xFFFFFFFF  }
0xa7: {  	s28 =	simm.s32 $_size_execute0_lowered;
	s2 =	sadd.s32 s2, s4;
	[dreg:$0x0] =	wrdreg $0x0  }
0xa8: {  	s4 =	sshll.u32 s28, $0x1;
	[dreg:$0x2] =	wrdreg s2  }
0xa9: {  	[dreg:$0x3] =	wrdreg s4  }
0xaa: {  	[dreg:$0x4] =	wrdreg $0xC0  }
0xab: {  	_ =	task [dreg:s6], $0x5FFFF  }
0xac: {  	[dreg:$0x1] =	wrdreg $0xFFFFFFFF  }
0xad: {  	[dreg:$0x0] =	wrdreg $0x60  }
0xae: {  	[dreg:$0x2] =	wrdreg s24  }
0xaf: {  	[dreg:$0x3] =	wrdreg $0xA2000  }
0xb0: {  	[dreg:$0x4] =	wrdreg $0x9  }
0xb1: {  	_ =	task.clear_ibuf [dreg:s6], $0x5FFFF;
	_ =	strace $0x90000049  }
0xb2: {  	s29 =	simm.s32 $0x9;
	_ =	strace $0x8000004B  }
0xb3: {  	_ =	swait.ge [sflag:s29], $0x1  }
0xb4: {  	[sflag:s29] =	ssyncadd.s32 $0xFFFFFFFF  }
0xb5: {  	_ =	strace $0x9000004B  }
0xb6: {  	_ =	sfence  }
0xb7: {  	s30 =	sld [smem:$0x0];
	_ =	sdelay $0x2  }
0xb8: {  	s31 =	sshll.u32 s1, $0xD;
	s1 =	sshrl.u32 s1, $0x2  }
0xb9: {  	s3 =	sand.u32 $0x4000, s31;
	s1 =	sadd.s32 s1, s30  }
0xba: {  	s0 =	sor.u32 s3, s0;
	s1 =	sshll.u32 s1, $0x11  }
0xbb: {  	s0 =	sor.u32 s1, s0  }
0xbc: {  	s0 =	sadd.s32 $0x8F2B, s0  }
0xbd: {  	[sflag:s0] =	ssyncadd.remote.s32 $0x1  }
0xbe: {  	_ =	sfence.sel $0xFFFF  }
0xbf: {  	[dreg:$0x0] =	wrdreg $0xFFFFFFFF;
	(pc) =	sbr.abs _section_cstart, $3  }
0xc0: {  	[dreg:$0x1] =	wrdreg $0xFFFFFFFF  }
0xc1: {  	_ =	task.clear_ibuf [dreg:s6], $0x2FFFF;
	_ =	strace $0x9FFFFFFF  }
0xc2: {  	(tm) =	ssettm $0x7FFFFFFF  }
0xc3: {  	_ =	shalt  }
tec
execute0_lowered:
.L_overlay_start_1:
0x0: {  	(tag) =	ssettag $0x1  }
0x1: {  	s0 =	rddreg [dreg:$0x0]  }
0x2: {  	s1 =	rddreg [dreg:$0x1];
	s2 =	srdreg.scid;
	s3 =	simm.s32 $0x0  }
0x3: {  	s12 =	stileid.u32;
	s28 =	simm.s32 $0x80;
	s29 =	simm.s32 $0x180  }
0x4: {  	s30 =	simm.s32 $0x2A00;
	s31 =	simm.s32 $0x1;
	s15 =	simm.s32 $0x6  }
0x5: {  	s16 =	simm.s32 $0x0;
	s2 =	sand.u32 $0x1, s2;
	s7 =	smul.u32 $0x14000, s12  }
0x6: {  	[smem:$0x7FF] =	sst s3;
	s5 =	sshll.u32 s12, $0x1;
	s12 =	smul.u32 $0x50000, s12  }
0x7: {  	s6 =	smul.u32 $0x140000, s2;
	s8 =	sor.u32 s2, s5;
	s2 =	ssub.s32 $0x2, s2  }
0x8: {  	s4 =	sadd.s32 $0x4FA400, s0;
	_ =	strace $0x8000004A;
	s17 =	sshrl.u32 s2, $0x1  }
0x9: {  	s5 =	sadd.s32 $0xA2C400, s0;
	s18 =	sshrl.u32 s12, $0x2;
	s2 =	ssub.s32 s2, s17  }
0xa: {  	s12 =	simm.s32 $0x4;
	s14 =	sadd.s32 s18, s1;
	s19 =	smax.u32 s2, $0x1  }
0xb: {  	s9 =	sadd.s32 s7, s6;
	s20 =	sadd.s32 $0x2800, s14;
	[dreg:$0x7] =	wrdreg s19  }
0xc: {  	s6 =	smul.u32 $0x2710, s8;
	s21 =	sadd.s32 $0x5000, s14;
	[dreg:$0x8] =	wrdreg s20  }
0xd: {  	s7 =	sadd.s32 $0xE600, s0;
	s22 =	sadd.s32 $0x7800, s14;
	[dreg:$0x9] =	wrdreg s21  }
0xe: {  	s8 =	sadd.s32 $0x4800, s0;
	s23 =	sadd.s32 $0xA000, s14;
	[dreg:$0xa] =	wrdreg s22  }
0xf: {  	s9 =	sshrl.u32 s9, $0x3;
	s24 =	sadd.s32 $0xC800, s14;
	[dreg:$0xb] =	wrdreg s23  }
0x10: {  	s25 =	sadd.s32 $0xF000, s14;
	s26 =	sadd.s32 $0x11800, s14;
	[dreg:$0xc] =	wrdreg s24  }
0x11: {  	s2 =	simm.s32 $0x2;
	s0 =	sadd.s32 s9, s0;
	[dreg:$0xd] =	wrdreg s25  }
0x12: {  	s10 =	sadd.s32 $0x26C0, s6;
	s9 =	sadd.s32 $0x50, s6;
	[dreg:$0xe] =	wrdreg s26  }
0x13: {  	s23 =	simm.s32 $0x5200;
	s11 =	sshrl.u32 s10, $0x3;
	s0 =	sadd.s32 $0x521600, s0  }
0x14: {  	s24 =	simm.s32 $0x7;
	s13 =	sadd.s32 s7, s11;
	[dreg:$0x6] =	wrdreg s0  }
0x15: {  	s10 =	sshll.u32 s10, $0x4;
	s11 =	sadd.s32 s8, s11;
	[dreg:$0x3] =	wrdreg s13  }
0x16: {  	s25 =	simm.s32 $0x100;
	s10 =	sadd.s32 s5, s10;
	[dreg:$0x4] =	wrdreg s11  }
0x17: {  	s26 =	simm.s32 $0x200;
	s0 =	simm.s32 $0x50;
	[dreg:$0x5] =	wrdreg s10  }
0x18: {  	v0 =	vimm.f32 $0.0e+00;
	s10 =	simm.s32 $0x7A00;
	s11 =	simm.s32 $0x3;
	s13 =	simm.s32 $0x5  }
.LBB2_1:
0x19: {  	s17 =	simm.s32 $0x0;
	s18 =	simm.s32 $0x200  }
.LBB2_2:
0x1a: {  	p0 =	sne.s32 s18, $0x9E00;
	[tilespmem:s17+$0x5270] =	vst v0  }
0x1b: {  	[tilespmem:s17+$0x5200] =	vst v0  }
0x1c: {  	[tilespmem:s17+$0x5210] =	vst v0  }
.Ltmp0:
0x1d: {  	[tilespmem:s17+$0x5220] =	vst v0;
	(pc) =	sbr.rel @p0 .LBB2_2-.Ltmp0, $4  }
0x1e: {  	[tilespmem:s17+$0x5230] =	vst v0  }
0x1f: {  	[tilespmem:s17+$0x5240] =	vst v0  }
0x20: {  	[tilespmem:s17+$0x5250] =	vst v0  }
0x21: {  	[tilespmem:s17+$0x5260] =	vst v0;
	s17 =	sshra.s32 s18, $0x2;
	s18 =	sadd.s32 $0x200, s18  }
0x22: {  	[tilespmem:s17+$0x5270] =	vst v0  }
0x23: {  	[tilespmem:s17+$0x5200] =	vst v0  }
0x24: {  	[tilespmem:s17+$0x5210] =	vst v0  }
0x25: {  	[tilespmem:s17+$0x5220] =	vst v0  }
0x26: {  	[tilespmem:s17+$0x5230] =	vst v0  }
0x27: {  	[tilespmem:s17+$0x5240] =	vst v0  }
0x28: {  	[tilespmem:s17+$0x5250] =	vst v0  }
0x29: {  	[tilespmem:s17+$0x5260] =	vst v0  }
0x2a: {  	[spmem:s14] =	stream.linear.scatter [tilespmem:s23], [sflag:$0x7], $0x2800, $0x38;
	[tilespmem:$0x1E200] =	vst v63  }
0x2b: {  	_ =	swait.ge [sflag:s24], $0x2800  }
0x2c: {  	[sflag:s24] =	ssyncset.done $0x0  }
0x2d: {  	s21 =	rddreg [dreg:$0x8];
	[sflag:s24] =	ssyncadd.s32 $0xFFFFD800  }
0x2e: {  	[spmem:s21] =	stream.linear.scatter [tilespmem:s23], [sflag:$0x7], $0x2800, $0x38;
	[tilespmem:$0x1E200] =	vst v63  }
0x2f: {  	_ =	swait.ge [sflag:s24], $0x2800  }
0x30: {  	[sflag:s24] =	ssyncset.done $0x0  }
0x31: {  	s22 =	rddreg [dreg:$0x9];
	[sflag:s24] =	ssyncadd.s32 $0xFFFFD800  }
0x32: {  	[spmem:s22] =	stream.linear.scatter [tilespmem:s23], [sflag:$0x7], $0x2800, $0x38;
	[tilespmem:$0x1E200] =	vst v63  }
0x33: {  	_ =	swait.ge [sflag:s24], $0x2800  }
0x34: {  	[sflag:s24] =	ssyncset.done $0x0  }
0x35: {  	s18 =	rddreg [dreg:$0xa];
	[sflag:s24] =	ssyncadd.s32 $0xFFFFD800  }
0x36: {  	[spmem:s18] =	stream.linear.scatter [tilespmem:s23], [sflag:$0x7], $0x2800, $0x38;
	[tilespmem:$0x1E200] =	vst v63  }
0x37: {  	_ =	swait.ge [sflag:s24], $0x2800  }
0x38: {  	[sflag:s24] =	ssyncset.done $0x0  }
0x39: {  	s19 =	rddreg [dreg:$0xb];
	[sflag:s24] =	ssyncadd.s32 $0xFFFFD800  }
0x3a: {  	[spmem:s19] =	stream.linear.scatter [tilespmem:s23], [sflag:$0x7], $0x2800, $0x38;
	[tilespmem:$0x1E200] =	vst v63  }
0x3b: {  	_ =	swait.ge [sflag:s24], $0x2800  }
0x3c: {  	[sflag:s24] =	ssyncset.done $0x0  }
0x3d: {  	s20 =	rddreg [dreg:$0xc];
	[sflag:s24] =	ssyncadd.s32 $0xFFFFD800  }
0x3e: {  	[spmem:s20] =	stream.linear.scatter [tilespmem:s23], [sflag:$0x7], $0x2800, $0x38;
	[tilespmem:$0x1E200] =	vst v63  }
0x3f: {  	_ =	swait.ge [sflag:s24], $0x2800  }
0x40: {  	[sflag:s24] =	ssyncset.done $0x0  }
0x41: {  	s21 =	rddreg [dreg:$0xd];
	[sflag:s24] =	ssyncadd.s32 $0xFFFFD800  }
0x42: {  	[spmem:s21] =	stream.linear.scatter [tilespmem:s23], [sflag:$0x7], $0x2800, $0x38;
	[tilespmem:$0x1E200] =	vst v63  }
0x43: {  	_ =	swait.ge [sflag:s24], $0x2800  }
0x44: {  	[sflag:s24] =	ssyncset.done $0x0  }
0x45: {  	s22 =	rddreg [dreg:$0xe];
	[sflag:s24] =	ssyncadd.s32 $0xFFFFD800  }
0x46: {  	[spmem:s22] =	stream.linear.scatter [tilespmem:s23], [sflag:$0x7], $0x2800, $0x38;
	[tilespmem:$0x1E200] =	vst v63  }
0x47: {  	_ =	swait.ge [sflag:s24], $0x2800  }
0x48: {  	[sflag:s24] =	ssyncset.done $0x0  }
0x49: {  	[sflag:s24] =	ssyncadd.s32 $0xFFFFD800  }
0x4a: {  	s17 =	simm.s32 $0x0;
	s18 =	simm.s32 $0x0;
	[bflag:$0x0] =	sbarrier.arrive $0xFFFF  }
.LBB2_4:
0x4b: {  	p0 =	seq.s32 s18, $0x0;
	s19 =	smul.u32 $0xA0, s18  }
0x4c: {  	s20 =	simm.s32 @!p0 $0x5  }
0x4d: {  	_ =	swait.ge @!p0 [sflag:s20], $0x2800;
	s21 =	sadd.s32 s6, s19  }
0x4e: {  	[sflag:s20] =	ssyncset.done @!p0 $0x0;
	s22 =	sshrl.u32 s21, $0x3  }
0x4f: {  	[sflag:s20] =	ssyncadd.s32 @!p0 $0xFFFFD800;
	s20 =	sadd.s32 s7, s22  }
0x50: {  	[tilespmem:s3], [sflag:$0x1] =	stream.linear.gather [hbm4b:s20+s3], $0x50, $0x38;
	[tilespmem:$0x1E200] =	vst v63  }
0x51: {  	s21 =	sshll.u32 s21, $0x4;
	s22 =	sadd.s32 s8, s22  }
0x52: {  	[tilespmem:s25], [sflag:$0x1] =	stream.linear.gather [hbm4b:s22+s3], $0x50, $0x38;
	[tilespmem:$0x1E200] =	vst v63  }
0x53: {  	s20 =	sadd.s32 s5, s21  }
0x54: {  	[tilespmem:s26], [sflag:$0x1] =	stream.linear.gather [hbm4b:s20+s3], $0x2800, $0x38;
	[tilespmem:$0x1E200] =	vst v63  }
0x55: {  	s20 =	simm.s32 @!p0 $0x6  }
0x56: {  	s19 =	sadd.s32 s19, s9;
	_ =	swait.ge @!p0 [sflag:s20], $0x2800  }
0x57: {  	s21 =	sshrl.u32 s19, $0x3;
	[sflag:s20] =	ssyncset.done @!p0 $0x0  }
0x58: {  	s22 =	sadd.s32 s7, s21;
	[sflag:s20] =	ssyncadd.s32 @!p0 $0xFFFFD800  }
0x59: {  	[tilespmem:s28], [sflag:$0x2] =	stream.linear.gather [hbm4b:s22+s17], $0x50, $0x38;
	[tilespmem:$0x1E200] =	vst v63  }
0x5a: {  	s19 =	sshll.u32 s19, $0x4;
	s22 =	sadd.s32 s8, s21  }
0x5b: {  	[tilespmem:s29], [sflag:$0x2] =	stream.linear.gather [hbm4b:s22+s17], $0x50, $0x38;
	[tilespmem:$0x1E200] =	vst v63  }
0x5c: {  	s19 =	sadd.s32 s5, s19  }
0x5d: {  	[tilespmem:s30], [sflag:$0x2] =	stream.linear.gather [hbm4b:s19+s17], $0x2800, $0x38;
	[tilespmem:$0x1E200] =	vst v63  }
0x5e: {  	_ =	swait.ge [sflag:s31], $0x50  }
0x5f: {  	[sflag:s31] =	ssyncset.done $0x0  }
0x60: {  	[sflag:s31] =	ssyncadd.s32 $0xFFFFFFB0  }
0x61: {  	_ =	swait.ge [sflag:s31], $0x50  }
0x62: {  	[sflag:s31] =	ssyncset.done $0x0  }
0x63: {  	[sflag:s31] =	ssyncadd.s32 $0xFFFFFFB0  }
0x64: {  	_ =	swait.ge [sflag:s31], $0x2800  }
0x65: {  	[sflag:s31] =	ssyncset.done $0x0  }
0x66: {  	[sflag:s31] =	ssyncadd.s32 $0xFFFFD800  }
0x67: {  	[tilespmem:s23], [sflag:$0x3] =	stream.indirect.gather [hbm4b:s4+s0], $0x80, s17, s0, $0xb8;
	[tilespmem:$0x1E200] =	vst v63  }
0x68: {  	_ =	swait.ge [sflag:s2], $0x50  }
0x69: {  	[sflag:s2] =	ssyncset.done $0x0  }
0x6a: {  	[sflag:s2] =	ssyncadd.s32 $0xFFFFFFB0  }
0x6b: {  	_ =	swait.ge [sflag:s2], $0x50  }
0x6c: {  	[sflag:s2] =	ssyncset.done $0x0  }
0x6d: {  	[sflag:s2] =	ssyncadd.s32 $0xFFFFFFB0  }
0x6e: {  	_ =	swait.ge [sflag:s2], $0x2800  }
0x6f: {  	[sflag:s2] =	ssyncset.done $0x0  }
0x70: {  	[sflag:s2] =	ssyncadd.s32 $0xFFFFD800  }
0x71: {  	[tilespmem:s10], [sflag:$0x4] =	stream.indirect.gather [hbm4b:s4+s0], $0x80, s28, s0, $0xb8;
	[tilespmem:$0x1E200] =	vst v63  }
0x72: {  	_ =	swait.ge [sflag:s11], $0x2800  }
0x73: {  	[sflag:s11] =	ssyncset.done $0x0  }
0x74: {  	s19 =	simm.s32 $0x0;
	[sflag:s11] =	ssyncadd.s32 $0xFFFFD800  }
0x75: {  	v7 =	vld [tilespmem:s19+$0x200]  }
0x76: {  	v12 =	vld [tilespmem:s19+$0x210]  }
0x77: {  	v6 =	vld [tilespmem:s19+$0x220]  }
0x78: {  	v5 =	vld [tilespmem:s19+$0x230]  }
0x79: {  	v4 =	vld [tilespmem:s19+$0x240]  }
0x7a: {  	v3 =	vld [tilespmem:s19+$0x250]  }
0x7b: {  	v2 =	vld [tilespmem:s19+$0x260]  }
0x7c: {  	v1 =	vld [tilespmem:s19+$0x270]  }
0x7d: {  	v13 =	vld [tilespmem:s19+$0x5200]  }
0x7e: {  	v14 =	vld [tilespmem:s19+$0x5210]  }
0x7f: {  	v11 =	vld [tilespmem:s19+$0x5220]  }
0x80: {  	v10 =	vld [tilespmem:s19+$0x5230]  }
0x81: {  	v9 =	vld [tilespmem:s19+$0x5240]  }
0x82: {  	v8 =	vld [tilespmem:s19+$0x5250];
	v13 =	vadd.f32 v7, v13  }
0x83: {  	s20 =	simm.s32 $0x200;
	v12 =	vadd.f32 v12, v14;
	v7 =	vld [tilespmem:s19+$0x5260]  }
.LBB2_5:
0x84: {  	s21 =	sshra.s32 s20, $0x2;
	p0 =	sne.s32 s20, $0x9E00;
	v13 =	vmax.f32 v13, $0.0e+00;
	v6 =	vadd.f32 v6, v11;
	v11 =	vld [tilespmem:s19+$0x5270]  }
0x85: {  	v14 =	vld [tilespmem:s21+$0x200];
	[tilespmem:s19+$0x5200] =	vst v13;
	v12 =	vmax.f32 v12, $0.0e+00;
	v5 =	vadd.f32 v5, v10  }
0x86: {  	v15 =	vld [tilespmem:s21+$0x210];
	[tilespmem:s19+$0x5210] =	vst v12;
	v10 =	vmax.f32 v6, $0.0e+00;
	v4 =	vadd.f32 v4, v9  }
0x87: {  	v6 =	vld [tilespmem:s21+$0x220];
	[tilespmem:s19+$0x5220] =	vst v10;
	v9 =	vmax.f32 v5, $0.0e+00;
	v3 =	vadd.f32 v3, v8  }
0x88: {  	v5 =	vld [tilespmem:s21+$0x230];
	[tilespmem:s19+$0x5230] =	vst v9;
	v8 =	vmax.f32 v4, $0.0e+00;
	v2 =	vadd.f32 v2, v7  }
0x89: {  	v4 =	vld [tilespmem:s21+$0x240];
	[tilespmem:s19+$0x5240] =	vst v8;
	v7 =	vmax.f32 v3, $0.0e+00;
	v1 =	vadd.f32 v1, v11  }
0x8a: {  	v3 =	vld [tilespmem:s21+$0x250];
	[tilespmem:s19+$0x5250] =	vst v7;
	v7 =	vmax.f32 v2, $0.0e+00  }
0x8b: {  	v2 =	vld [tilespmem:s21+$0x260];
	[tilespmem:s19+$0x5260] =	vst v7;
	v7 =	vmax.f32 v1, $0.0e+00  }
0x8c: {  	v1 =	vld [tilespmem:s21+$0x270];
	[tilespmem:s19+$0x5270] =	vst v7;
	s19 =	smov.u32 s21  }
0x8d: {  	v7 =	vld [tilespmem:s19+$0x5200]  }
0x8e: {  	v12 =	vld [tilespmem:s19+$0x5210]  }
.Ltmp1:
0x8f: {  	v11 =	vld [tilespmem:s19+$0x5220];
	(pc) =	sbr.rel @p0 .LBB2_5-.Ltmp1, $4  }
0x90: {  	v10 =	vld [tilespmem:s19+$0x5230]  }
0x91: {  	v9 =	vld [tilespmem:s19+$0x5240]  }
0x92: {  	v13 =	vadd.f32 v14, v7;
	v8 =	vld [tilespmem:s19+$0x5250]  }
0x93: {  	s20 =	sadd.s32 $0x200, s20;
	v12 =	vadd.f32 v15, v12;
	v7 =	vld [tilespmem:s19+$0x5260]  }
0x94: {  	v13 =	vmax.f32 v13, $0.0e+00;
	v6 =	vadd.f32 v6, v11;
	v11 =	vld [tilespmem:s19+$0x5270]  }
0x95: {  	[tilespmem:s19+$0x5200] =	vst v13;
	v12 =	vmax.f32 v12, $0.0e+00;
	v5 =	vadd.f32 v5, v10  }
0x96: {  	[tilespmem:s19+$0x5210] =	vst v12;
	v6 =	vmax.f32 v6, $0.0e+00;
	v4 =	vadd.f32 v4, v9  }
0x97: {  	[tilespmem:s19+$0x5220] =	vst v6;
	v5 =	vmax.f32 v5, $0.0e+00;
	v3 =	vadd.f32 v3, v8  }
0x98: {  	[tilespmem:s19+$0x5230] =	vst v5;
	v4 =	vmax.f32 v4, $0.0e+00;
	v2 =	vadd.f32 v2, v7  }
0x99: {  	[tilespmem:s19+$0x5240] =	vst v4;
	v3 =	vmax.f32 v3, $0.0e+00;
	v1 =	vadd.f32 v1, v11  }
0x9a: {  	[tilespmem:s19+$0x5250] =	vst v3;
	v2 =	vmax.f32 v2, $0.0e+00  }
0x9b: {  	[tilespmem:s19+$0x5260] =	vst v2;
	v1 =	vmax.f32 v1, $0.0e+00  }
0x9c: {  	[tilespmem:s19+$0x5270] =	vst v1  }
0x9d: {  	[spmem:s1] =	stream.indirect.scatter.add.f32 [tilespmem:s23], [sflag:$0x5], $0x80, s25, s0, $0xb8;
	[tilespmem:$0x1E200] =	vst v63  }
0x9e: {  	_ =	swait.ge [sflag:s12], $0x2800  }
0x9f: {  	[sflag:s12] =	ssyncset.done $0x0  }
0xa0: {  	s19 =	simm.s32 $0x0;
	[sflag:s12] =	ssyncadd.s32 $0xFFFFD800  }
0xa1: {  	v7 =	vld [tilespmem:s19+$0x2A00]  }
0xa2: {  	v12 =	vld [tilespmem:s19+$0x2A10]  }
0xa3: {  	v6 =	vld [tilespmem:s19+$0x2A20]  }
0xa4: {  	v5 =	vld [tilespmem:s19+$0x2A30]  }
0xa5: {  	v4 =	vld [tilespmem:s19+$0x2A40]  }
0xa6: {  	v3 =	vld [tilespmem:s19+$0x2A50]  }
0xa7: {  	v2 =	vld [tilespmem:s19+$0x2A60]  }
0xa8: {  	v1 =	vld [tilespmem:s19+$0x2A70]  }
0xa9: {  	v13 =	vld [tilespmem:s19+$0x7A00]  }
0xaa: {  	v14 =	vld [tilespmem:s19+$0x7A10]  }
0xab: {  	v11 =	vld [tilespmem:s19+$0x7A20]  }
0xac: {  	v10 =	vld [tilespmem:s19+$0x7A30]  }
0xad: {  	v9 =	vld [tilespmem:s19+$0x7A40]  }
0xae: {  	v8 =	vld [tilespmem:s19+$0x7A50];
	v13 =	vadd.f32 v7, v13  }
0xaf: {  	s20 =	simm.s32 $0x200;
	v12 =	vadd.f32 v12, v14;
	v7 =	vld [tilespmem:s19+$0x7A60]  }
.LBB2_7:
0xb0: {  	s21 =	sshra.s32 s20, $0x2;
	p0 =	sne.s32 s20, $0x9E00;
	v13 =	vmax.f32 v13, $0.0e+00;
	v6 =	vadd.f32 v6, v11;
	v11 =	vld [tilespmem:s19+$0x7A70]  }
0xb1: {  	v14 =	vld [tilespmem:s21+$0x2A00];
	[tilespmem:s19+$0x7A00] =	vst v13;
	v12 =	vmax.f32 v12, $0.0e+00;
	v5 =	vadd.f32 v5, v10  }
0xb2: {  	v15 =	vld [tilespmem:s21+$0x2A10];
	[tilespmem:s19+$0x7A10] =	vst v12;
	v10 =	vmax.f32 v6, $0.0e+00;
	v4 =	vadd.f32 v4, v9  }
0xb3: {  	v6 =	vld [tilespmem:s21+$0x2A20];
	[tilespmem:s19+$0x7A20] =	vst v10;
	v9 =	vmax.f32 v5, $0.0e+00;
	v3 =	vadd.f32 v3, v8  }
0xb4: {  	v5 =	vld [tilespmem:s21+$0x2A30];
	[tilespmem:s19+$0x7A30] =	vst v9;
	v8 =	vmax.f32 v4, $0.0e+00;
	v2 =	vadd.f32 v2, v7  }
0xb5: {  	v4 =	vld [tilespmem:s21+$0x2A40];
	[tilespmem:s19+$0x7A40] =	vst v8;
	v7 =	vmax.f32 v3, $0.0e+00;
	v1 =	vadd.f32 v1, v11  }
0xb6: {  	v3 =	vld [tilespmem:s21+$0x2A50];
	[tilespmem:s19+$0x7A50] =	vst v7;
	v7 =	vmax.f32 v2, $0.0e+00  }
0xb7: {  	v2 =	vld [tilespmem:s21+$0x2A60];
	[tilespmem:s19+$0x7A60] =	vst v7;
	v7 =	vmax.f32 v1, $0.0e+00  }
0xb8: {  	v1 =	vld [tilespmem:s21+$0x2A70];
	[tilespmem:s19+$0x7A70] =	vst v7;
	s19 =	smov.u32 s21  }
0xb9: {  	v7 =	vld [tilespmem:s19+$0x7A00]  }
0xba: {  	v12 =	vld [tilespmem:s19+$0x7A10]  }
.Ltmp2:
0xbb: {  	v11 =	vld [tilespmem:s19+$0x7A20];
	(pc) =	sbr.rel @p0 .LBB2_7-.Ltmp2, $4  }
0xbc: {  	v10 =	vld [tilespmem:s19+$0x7A30]  }
0xbd: {  	v9 =	vld [tilespmem:s19+$0x7A40]  }
0xbe: {  	v13 =	vadd.f32 v14, v7;
	v8 =	vld [tilespmem:s19+$0x7A50]  }
0xbf: {  	s20 =	sadd.s32 $0x200, s20;
	v12 =	vadd.f32 v15, v12;
	v7 =	vld [tilespmem:s19+$0x7A60]  }
0xc0: {  	v13 =	vmax.f32 v13, $0.0e+00;
	v6 =	vadd.f32 v6, v11;
	v63 =	vld [tilespmem:s19+$0x7A70]  }
0xc1: {  	[tilespmem:s19+$0x7A00] =	vst v13;
	v12 =	vmax.f32 v12, $0.0e+00;
	v5 =	vadd.f32 v5, v10  }
0xc2: {  	[tilespmem:s19+$0x7A10] =	vst v12;
	v6 =	vmax.f32 v6, $0.0e+00;
	v4 =	vadd.f32 v4, v9  }
0xc3: {  	s18 =	sadd.s32 $0x1, s18;
	[tilespmem:s19+$0x7A20] =	vst v6;
	v5 =	vmax.f32 v5, $0.0e+00;
	v3 =	vadd.f32 v3, v8  }
0xc4: {  	p0 =	sne.s32 s18, $0x3E;
	[tilespmem:s19+$0x7A30] =	vst v5;
	v4 =	vmax.f32 v4, $0.0e+00;
	v2 =	vadd.f32 v2, v7  }
.Ltmp3:
0xc5: {  	[tilespmem:s19+$0x7A40] =	vst v4;
	v3 =	vmax.f32 v3, $0.0e+00;
	v1 =	vadd.f32 v1, v63;
	(pc) =	sbr.rel @p0 .LBB2_4-.Ltmp3, $4  }
0xc6: {  	[tilespmem:s19+$0x7A50] =	vst v3;
	v2 =	vmax.f32 v2, $0.0e+00  }
0xc7: {  	[tilespmem:s19+$0x7A60] =	vst v2;
	v1 =	vmax.f32 v1, $0.0e+00  }
0xc8: {  	[tilespmem:s19+$0x7A70] =	vst v1  }
0xc9: {  	[spmem:s1] =	stream.indirect.scatter.add.f32 [tilespmem:s10], [sflag:$0x6], $0x80, s29, s0, $0xb8;
	[tilespmem:$0x1E200] =	vst v63  }
0xca: {  	_ =	swait.ge [sflag:s13], $0x2800  }
0xcb: {  	[sflag:s13] =	ssyncset.done $0x0  }
0xcc: {  	[sflag:s13] =	ssyncadd.s32 $0xFFFFD800  }
0xcd: {  	_ =	swait.ge [sflag:s15], $0x2800  }
0xce: {  	[sflag:s15] =	ssyncset.done $0x0  }
0xcf: {  	s17 =	simm.s32 $0x0;
	s18 =	rddreg [dreg:$0x3];
	[sflag:s15] =	ssyncadd.s32 $0xFFFFD800  }
0xd0: {  	[tilespmem:s17], [sflag:$0x7] =	stream.linear.gather [hbm4b:s18+s17], $0x50, $0x38;
	[tilespmem:$0x1E200] =	vst v63  }
0xd1: {  	_ =	swait.ge [sflag:s24], $0x50  }
0xd2: {  	[sflag:s24] =	ssyncset.done $0x0  }
0xd3: {  	s21 =	rddreg [dreg:$0x4];
	[sflag:s24] =	ssyncadd.s32 $0xFFFFFFB0  }
0xd4: {  	[tilespmem:s25], [sflag:$0x7] =	stream.linear.gather [hbm4b:s21+s17], $0x50, $0x38;
	[tilespmem:$0x1E200] =	vst v63  }
0xd5: {  	_ =	swait.ge [sflag:s24], $0x50  }
0xd6: {  	[sflag:s24] =	ssyncset.done $0x0  }
0xd7: {  	s22 =	rddreg [dreg:$0x5];
	[sflag:s24] =	ssyncadd.s32 $0xFFFFFFB0  }
0xd8: {  	[tilespmem:s26], [sflag:$0x7] =	stream.linear.gather [hbm4b:s22+s17], $0x2800, $0x38;
	[tilespmem:$0x1E200] =	vst v63  }
0xd9: {  	_ =	swait.ge [sflag:s24], $0x2800  }
0xda: {  	[sflag:s24] =	ssyncset.done $0x0  }
0xdb: {  	[sflag:s24] =	ssyncadd.s32 $0xFFFFD800  }
0xdc: {  	[tilespmem:s23], [sflag:$0x3] =	stream.indirect.gather [hbm4b:s4+s0], $0x80, s17, s0, $0xb8;
	[tilespmem:$0x1E200] =	vst v63  }
0xdd: {  	_ =	swait.ge [sflag:s11], $0x2800  }
0xde: {  	[sflag:s11] =	ssyncset.done $0x0  }
0xdf: {  	s17 =	simm.s32 $0x0;
	[sflag:s11] =	ssyncadd.s32 $0xFFFFD800  }
0xe0: {  	v7 =	vld [tilespmem:s17+$0x200]  }
0xe1: {  	v12 =	vld [tilespmem:s17+$0x210]  }
0xe2: {  	v6 =	vld [tilespmem:s17+$0x220]  }
0xe3: {  	v5 =	vld [tilespmem:s17+$0x230]  }
0xe4: {  	v4 =	vld [tilespmem:s17+$0x240]  }
0xe5: {  	v3 =	vld [tilespmem:s17+$0x250]  }
0xe6: {  	v2 =	vld [tilespmem:s17+$0x260]  }
0xe7: {  	v1 =	vld [tilespmem:s17+$0x270]  }
0xe8: {  	v13 =	vld [tilespmem:s17+$0x5200]  }
0xe9: {  	v14 =	vld [tilespmem:s17+$0x5210]  }
0xea: {  	v11 =	vld [tilespmem:s17+$0x5220]  }
0xeb: {  	v10 =	vld [tilespmem:s17+$0x5230]  }
0xec: {  	v9 =	vld [tilespmem:s17+$0x5240]  }
0xed: {  	v8 =	vld [tilespmem:s17+$0x5250];
	v13 =	vadd.f32 v7, v13  }
0xee: {  	s18 =	simm.s32 $0x200;
	v12 =	vadd.f32 v12, v14;
	v7 =	vld [tilespmem:s17+$0x5260]  }
.LBB2_10:
0xef: {  	s19 =	sshra.s32 s18, $0x2;
	p0 =	sne.s32 s18, $0x9E00;
	v13 =	vmax.f32 v13, $0.0e+00;
	v6 =	vadd.f32 v6, v11;
	v11 =	vld [tilespmem:s17+$0x5270]  }
0xf0: {  	v14 =	vld [tilespmem:s19+$0x200];
	[tilespmem:s17+$0x5200] =	vst v13;
	v12 =	vmax.f32 v12, $0.0e+00;
	v5 =	vadd.f32 v5, v10  }
0xf1: {  	v15 =	vld [tilespmem:s19+$0x210];
	[tilespmem:s17+$0x5210] =	vst v12;
	v10 =	vmax.f32 v6, $0.0e+00;
	v4 =	vadd.f32 v4, v9  }
0xf2: {  	v6 =	vld [tilespmem:s19+$0x220];
	[tilespmem:s17+$0x5220] =	vst v10;
	v9 =	vmax.f32 v5, $0.0e+00;
	v3 =	vadd.f32 v3, v8  }
0xf3: {  	v5 =	vld [tilespmem:s19+$0x230];
	[tilespmem:s17+$0x5230] =	vst v9;
	v8 =	vmax.f32 v4, $0.0e+00;
	v2 =	vadd.f32 v2, v7  }
0xf4: {  	v4 =	vld [tilespmem:s19+$0x240];
	[tilespmem:s17+$0x5240] =	vst v8;
	v7 =	vmax.f32 v3, $0.0e+00;
	v1 =	vadd.f32 v1, v11  }
0xf5: {  	v3 =	vld [tilespmem:s19+$0x250];
	[tilespmem:s17+$0x5250] =	vst v7;
	v7 =	vmax.f32 v2, $0.0e+00  }
0xf6: {  	v2 =	vld [tilespmem:s19+$0x260];
	[tilespmem:s17+$0x5260] =	vst v7;
	v7 =	vmax.f32 v1, $0.0e+00  }
0xf7: {  	v1 =	vld [tilespmem:s19+$0x270];
	[tilespmem:s17+$0x5270] =	vst v7;
	s17 =	smov.u32 s19  }
0xf8: {  	v7 =	vld [tilespmem:s17+$0x5200]  }
0xf9: {  	v12 =	vld [tilespmem:s17+$0x5210]  }
.Ltmp4:
0xfa: {  	v11 =	vld [tilespmem:s17+$0x5220];
	(pc) =	sbr.rel @p0 .LBB2_10-.Ltmp4, $4  }
0xfb: {  	v10 =	vld [tilespmem:s17+$0x5230]  }
0xfc: {  	v9 =	vld [tilespmem:s17+$0x5240]  }
0xfd: {  	v13 =	vadd.f32 v14, v7;
	v8 =	vld [tilespmem:s17+$0x5250]  }
0xfe: {  	s18 =	sadd.s32 $0x200, s18;
	v12 =	vadd.f32 v15, v12;
	v7 =	vld [tilespmem:s17+$0x5260]  }
0xff: {  	v13 =	vmax.f32 v13, $0.0e+00;
	v6 =	vadd.f32 v6, v11;
	v63 =	vld [tilespmem:s17+$0x5270]  }
0x100: {  	[tilespmem:s17+$0x5200] =	vst v13;
	v12 =	vmax.f32 v12, $0.0e+00;
	v5 =	vadd.f32 v5, v10  }
0x101: {  	[tilespmem:s17+$0x5210] =	vst v12;
	v6 =	vmax.f32 v6, $0.0e+00;
	v4 =	vadd.f32 v4, v9  }
0x102: {  	[tilespmem:s17+$0x5220] =	vst v6;
	v5 =	vmax.f32 v5, $0.0e+00;
	v3 =	vadd.f32 v3, v8  }
0x103: {  	[tilespmem:s17+$0x5230] =	vst v5;
	v4 =	vmax.f32 v4, $0.0e+00;
	v2 =	vadd.f32 v2, v7  }
0x104: {  	[tilespmem:s17+$0x5240] =	vst v4;
	v3 =	vmax.f32 v3, $0.0e+00;
	v1 =	vadd.f32 v1, v63  }
0x105: {  	[tilespmem:s17+$0x5250] =	vst v3;
	v2 =	vmax.f32 v2, $0.0e+00  }
0x106: {  	[tilespmem:s17+$0x5260] =	vst v2;
	v1 =	vmax.f32 v1, $0.0e+00  }
0x107: {  	[tilespmem:s17+$0x5270] =	vst v1  }
0x108: {  	[spmem:s1] =	stream.indirect.scatter.add.f32 [tilespmem:s23], [sflag:$0x7], $0x80, s25, s0, $0xb8;
	[tilespmem:$0x1E200] =	vst v63  }
0x109: {  	_ =	swait.ge [sflag:s24], $0x2800  }
0x10a: {  	[sflag:s24] =	ssyncset.done $0x0  }
0x10b: {  	s21 =	stileid.u32;
	[sflag:s24] =	ssyncadd.s32 $0xFFFFD800  }
0x10c: {  	s17 =	sshll.u32 s21, $0x6;
	[bflag:$0x0] =	sbarrier.arrive $0xFFFF  }
0x10d: {  	s18 =	sshrl.u32 s14, $0x3;
	s17 =	sor.u32 $0x1C07, s17;
	s19 =	rddreg [dreg:$0x6]  }
0x10e: {  	[hbm:s19], [sflag:s17] =	dma.local [spmem:s18], $0x2800  }
0x10f: {  	_ =	swait.ge [sflag:s24], $0x2800  }
0x110: {  	s16 =	sadd.s32 $0x1, s16;
	s22 =	rddreg [dreg:$0x7]  }
0x111: {  	p0 =	sne.s32 s16, s22  }
.Ltmp5:
0x112: {  	_ = 	snop;
	(pc) =	sbr.rel @p0 .LBB2_1-.Ltmp5, $3  }
0x113: {  	_ =	sdelay $0x1  }
0x114: {  	[sflag:s24] =	ssyncset.done $0x0  }
0x115: {  	[sflag:s24] =	ssyncadd.s32 $0xFFFFD800  }
0x116: {  	_ =	sfence.sel $0x180000  }
0x117: {  	[bflag:$0x0] =	sbarrier.arrive $0xFFFF  }
0x118: {  	_ =	strace $0x9000004A  }
0x119: {  	s0 =	stileid.u32;
	[bflag:$0x2] =	sbarrier.arrive $0xFFFF  }
0x11a: {  	p0 =	sne.s32 s0, $0x0;
	s0 =	rddreg [dreg:$0x2]  }
0x11b: {  	s0 =	sadd.s32 @!p0 $0x100000, s0  }
0x11c: {  	[sflag:s0] =	ssyncadd.tile.s32 @!p0 $0x1;
	_ =	shalt  }
.Lfunc_end2:
_tile_overlayer_lowered:
.L_overlay_start_2:
0x11d: {  	(tag) =	ssettag $0x2  }
0x11e: {  	s0 =	rddreg [dreg:$0x0];
	s2 =	stileid.u32  }
0x11f: {  	s1 =	rddreg [dreg:$0x1];
	p0 =	sne.s32 s2, $0x0  }
0x120: {  	s3 =	rddreg [dreg:$0x2];
	[bflag:$0x3] =	sbarrier.arrive $0xFFFF;
	s2 =	simm.s32 @!p0 $0x1C07  }
0x121: {  	[timem:s3], [sflag:s2] =	dma.local @!p0 [hbm:s0], s1  }
0x122: {  	s0 =	simm.s32 @!p0 $0x7  }
0x123: {  	_ =	swait.ge @!p0 [sflag:s0], s1  }
0x124: {  	s1 =	ssub.s32 @!p0 $0x0, s1;
	[sflag:s0] =	ssyncset.done @!p0 $0x0  }
0x125: {  	[sflag:s0] =	ssyncadd.s32 @!p0 s1  }
0x126: {  	[bflag:$0x3] =	sbarrier.arrive $0xFFFF  }
0x127: {  	_ =	shalt  }

// kernel: kernel.18.cloned.1.call-start
scs
__scs_entry_jumppad:
0x0: {  	(pc) =	sbr.rel $0x88, $3  }
0x1: {  	(tag) =	ssettag $0x0;
	lr =	simm.s32 $0x1  }
0x2: {  	[smem:$0x3F83] =	sst lr;
	_ =	strace $0xD0000000  }
0x3: {  	_ = 	snop  }
0x4: {  	_ = 	snop  }
0x5: {  	_ = 	snop  }
0x6: {  	_ = 	snop  }
0x7: {  	_ = 	snop  }
__scs_overlays_trampoline_lowered:
0x8: {  	[smem:$0x3F92] =	sst s0  }
0x9: {  	[smem:$0x3F93] =	sst s1  }
0xa: {  	[smem:$0x3F94] =	sst s2  }
0xb: {  	[smem:$0x3F95] =	sst s3  }
0xc: {  	[smem:$0x3F96] =	sst s4  }
0xd: {  	[smem:$0x3F97] =	sst s5  }
0xe: {  	[smem:$0x3F98] =	sst s6  }
0xf: {  	[smem:$0x3F99] =	sst s7  }
0x10: {  	[smem:$0x3F9A] =	sst s8  }
0x11: {  	[smem:$0x3F9B] =	sst s9;
	s0 =	simm.s32 @!p0 $0x0  }
0x12: {  	s1 =	sld [smem:$0x3F81];
	s0 =	simm.s32 @p0 $0x1  }
0x13: {  	[smem:$0x3F9C] =	sst s0;
	s0 =	simm.s32 @!p1 $0x0  }
0x14: {  	s2 =	sld [smem:$0x3F80];
	s0 =	simm.s32 @p1 $0x1  }
0x15: {  	[smem:$0x3F9D] =	sst s0;
	s0 =	simm.s32 @!p2 $0x0  }
0x16: {  	s3 =	sld [smem:$0x3FDB];
	s0 =	simm.s32 @p2 $0x1  }
0x17: {  	s4 =	simm.s32 $0x1BF5;
	[smem:$0x3F9F] =	sst s0  }
0x18: {  	s0 =	sld [smem:$0x3F82];
	_ =	swait.ge [sflag:s4], $0x0  }
0x19: {  	s7 =	sld [smem:$0x3F83]  }
0x1a: {  	s8 =	sadd.s32 $0xFFFFE003, lr  }
0x1b: {  	s9 =	sadd.s32 $0xFFFFFEF7, lr;
	s5 =	simm.s32 $0xFFFFFFFF;
	p2 =	slt.u32 s8, $0xFFFFF086  }
0x1c: {  	p1 =	slt.u32 s9, $0xF7A;
	s5 =	simm.s32 @!p2 $0x0  }
0x1d: {  	s5 =	simm.s32 @p1 $0x1;
	p0 =	seq.s32 s7, s2  }
0x1e: {  	s7 =	smul.u32 @!p0 $0xF7A, s2;
	p2 =	seq.s32 @!p0 s5, $0x0  }
0x1f: {  	s9 =	smul.u32 $0xF7A, s1;
	s8 =	simm.s32 @!p0 $0x1BF5;
	p2 =	por !p2, p0  }
0x20: {  	[sflag:s8] =	ssyncset.s32 @!p0 $0xFFFFF086;
	s6 =	sadd.s32 @!p0 s3, s7;
	s7 =	simm.s32 @!p0 $0x108  }
0x21: {  	s3 =	sadd.s32 s3, s9;
	s6 =	sadd.s32 @!p0 $0x88, s6;
	s7 =	simm.s32 @p2 $0x1082  }
0x22: {  	[simem:s7], [sflag:s8] =	dma.local @!p0 [hbm:s6], $0xF7A  }
0x23: {  	s9 =	sor.u32 $0xD0000000, s2;
	s6 =	simm.s32 $0x108;
	_ =	swait.ge @!p0 [sflag:s8], $0x0  }
0x24: {  	s3 =	sadd.s32 $0x88, s3;
	s6 =	simm.s32 @!p1 $0x1082;
	[sflag:s4] =	ssyncset.s32 $0xFFFFF086  }
0x25: {  	[simem:s6], [sflag:s4] =	dma.local [hbm:s3], $0xF7A  }
0x26: {  	[smem:$0x3F83] =	sst s1;
	(tag) =	ssettag s2;
	_ =	strace s9  }
0x27: {  	s1 =	sld [smem:$0x3F93]  }
0x28: {  	s2 =	sld [smem:$0x3F94]  }
0x29: {  	s4 =	sld [smem:$0x3F96]  }
0x2a: {  	p0 =	seq.s32 s5, $0x0;
	s5 =	sld [smem:$0x3F97]  }
0x2b: {  	s6 =	sld [smem:$0x3F98]  }
0x2c: {  	s7 =	sld [smem:$0x3F99]  }
0x2d: {  	s3 =	simm.s32 $0x108;
	s8 =	sld [smem:$0x3F9A]  }
0x2e: {  	s3 =	simm.s32 @!p0 $0x1082;
	s9 =	sld [smem:$0x3F9B]  }
0x2f: {  	lr =	sadd.s32 s0, s3;
	s0 =	sld [smem:$0x3F92]  }
0x30: {  	s3 =	sld [smem:$0x3F95]  }
0x31: {  	[smem:$0x3F9E] =	sst s10  }
0x32: {  	s10 =	sld [smem:$0x3F9C];
	_ =	sdelay $0x3  }
0x33: {  	p0 =	seq.s32 s10, $0x1;
	s10 =	sld [smem:$0x3F9E];
	_ =	sdelay $0x3  }
0x34: {  	[smem:$0x3F9E] =	sst s10  }
0x35: {  	s10 =	sld [smem:$0x3F9D];
	_ =	sdelay $0x3  }
0x36: {  	p1 =	seq.s32 s10, $0x1;
	s10 =	sld [smem:$0x3F9E];
	_ =	sdelay $0x3  }
0x37: {  	[smem:$0x3F9E] =	sst s10  }
0x38: {  	s10 =	sld [smem:$0x3F9F]  }
0x39: {  	_ = 	snop;
	(pc) =	sbr.ind lr, $3  }
0x3a: {  	_ = 	snop  }
0x3b: {  	_ = 	snop  }
0x3c: {  	p2 =	seq.s32 s10, $0x1;
	s10 =	sld [smem:$0x3F9E]  }
0x3d: {  	_ =	shalt  }
0x3e: {  	_ =	shalt  }
0x3f: {  	_ =	shalt  }
0x40: {  	_ =	shalt  }
0x41: {  	_ =	shalt  }
0x42: {  	_ =	shalt  }
0x43: {  	_ =	shalt  }
0x44: {  	_ =	shalt  }
0x45: {  	_ =	shalt  }
0x46: {  	_ =	shalt  }
0x47: {  	_ =	shalt  }
0x48: {  	_ =	shalt  }
0x49: {  	_ =	shalt  }
0x4a: {  	_ =	shalt  }
0x4b: {  	_ =	shalt  }
0x4c: {  	_ =	shalt  }
0x4d: {  	_ =	shalt  }
0x4e: {  	_ =	shalt  }
0x4f: {  	_ =	shalt  }
0x50: {  	_ =	shalt  }
0x51: {  	_ =	shalt  }
0x52: {  	_ =	shalt  }
0x53: {  	_ =	shalt  }
0x54: {  	_ =	shalt  }
0x55: {  	_ =	shalt  }
0x56: {  	_ =	shalt  }
0x57: {  	_ =	shalt  }
0x58: {  	_ =	shalt  }
0x59: {  	_ =	shalt  }
0x5a: {  	_ =	shalt  }
0x5b: {  	_ =	shalt  }
0x5c: {  	_ =	shalt  }
0x5d: {  	_ =	shalt  }
0x5e: {  	_ =	shalt  }
0x5f: {  	_ =	shalt  }
0x60: {  	_ =	shalt  }
0x61: {  	_ =	shalt  }
0x62: {  	_ =	shalt  }
0x63: {  	_ =	shalt  }
0x64: {  	_ =	shalt  }
0x65: {  	_ =	shalt  }
0x66: {  	_ =	shalt  }
0x67: {  	_ =	shalt  }
0x68: {  	_ =	shalt  }
0x69: {  	_ =	shalt  }
0x6a: {  	_ =	shalt  }
0x6b: {  	_ =	shalt  }
0x6c: {  	_ =	shalt  }
0x6d: {  	_ =	shalt  }
0x6e: {  	_ =	shalt  }
0x6f: {  	_ =	shalt  }
0x70: {  	_ =	shalt  }
0x71: {  	_ =	shalt  }
0x72: {  	_ =	shalt  }
0x73: {  	_ =	shalt  }
0x74: {  	_ =	shalt  }
0x75: {  	_ =	shalt  }
0x76: {  	_ =	shalt  }
0x77: {  	_ =	shalt  }
0x78: {  	_ =	shalt  }
0x79: {  	_ =	shalt  }
0x7a: {  	_ =	shalt  }
0x7b: {  	_ =	shalt  }
0x7c: {  	_ =	shalt  }
0x7d: {  	_ =	shalt  }
0x7e: {  	_ =	shalt  }
0x7f: {  	_ =	shalt  }
0x80: {  	_ =	shalt  }
0x81: {  	_ =	shalt  }
0x82: {  	_ =	shalt  }
0x83: {  	_ =	shalt  }
0x84: {  	_ =	shalt  }
0x85: {  	_ =	shalt  }
0x86: {  	_ =	shalt  }
0x87: {  	_ =	shalt  }
.Lfunc_end0:
.L_simem_size_0:
called_computation.2_lowered:
.L_overlay_start_0:
0x88: {  	s2 =	sld [smem:$0x3FD9]  }
0x89: {  	s3 =	sld [smem:$0x3FFE];
	_ =	sdelay $0x1  }
0x8a: {  	s1 =	srdreg.scid  }
0x8b: {  	s0 =	sand.u32 $0x1, s1  }
0x8c: {  	s16 =	sshll.u32 s0, $0xA;
	s2 =	sadd.s32 s3, s2  }
0x8d: {  	s2 =	sadd.s32 s2, s16  }
0x8e: {  	[smem:$0x3FAA] =	sst s2  }
0x8f: {  	_ = 	snop  }
0x90: {  	(tm) =	ssettm $0x1  }
0x91: {  	s17 =	sld [smem:$0x3FFB];
	_ =	sdelay $0x3  }
0x92: {  	_ =	strace s17  }
0x93: {  	s2 =	sld [smem:$0x3FFC];
	_ =	sdelay $0x3  }
0x94: {  	_ =	strace s2  }
0x95: {  	s2 =	sld [smem:$0x3FFD];
	_ =	sdelay $0x3  }
0x96: {  	_ =	strace s2  }
0x97: {  	_ =	strace $0x8FFFFFFF  }
0x98: {  	s18 =	sld [smem:$0x3FDB];
	_ =	sdelay $0x1  }
0x99: {  	s19 =	simm.s32 $_scs_section_size  }
0x9a: {  	s4 =	simm.s32 $_size__tile_overlayer_lowered;
	s5 =	simm.s32 $_tile_overlayer_lowered  }
0x9b: {  	s22 =	simm.s32 $0x1BFF;
	s21 =	sshll.u32 s5, $0x1;
	s2 =	sadd.s32 s19, s18  }
0x9c: {  	s6 =	simm.s32 $0x0;
	s20 =	sshll.u32 s4, $0x1;
	s4 =	sadd.s32 s21, s2  }
0x9d: {  	[timem:s6], [sflag:s22] =	dma.local [hbm:s4], s20  }
0x9e: {  	_ =	swait.ge [sflag:s22], s20  }
0x9f: {  	s3 =	ssub.s32 $0x0, s20;
	[sflag:s22] =	ssyncset.done $0x0  }
0xa0: {  	[sflag:s22] =	ssyncadd.s32 s3;
	_ =	sdelay $0x1  }
0xa1: {  	s23 =	simm.s32 $0x1B8B  }
0xa2: {  	_ =	swait.ge [sflag:s23], $0x1  }
0xa3: {  	[sflag:s23] =	ssyncset.done $0x0  }
0xa4: {  	s25 =	simm.s32 $0x1B8E;
	s24 =	sld [smem:$0x3FFE];
	[sflag:s23] =	ssyncadd.s32 $0xFFFFFFFF  }
0xa5: {  	s26 =	simm.s32 $execute0_lowered;
	[smem:$0x3FD2] =	sst s25  }
0xa6: {  	s4 =	sshll.u32 s26, $0x1;
	_ =	strace $0x8000004C;
	[dreg:$0x1] =	wrdreg $0xFFFFFFFF  }
0xa7: {  	s28 =	simm.s32 $_size_execute0_lowered;
	s2 =	sadd.s32 s2, s4;
	[dreg:$0x0] =	wrdreg $0x0  }
0xa8: {  	s4 =	sshll.u32 s28, $0x1;
	[dreg:$0x2] =	wrdreg s2  }
0xa9: {  	[dreg:$0x3] =	wrdreg s4  }
0xaa: {  	[dreg:$0x4] =	wrdreg $0xC0  }
0xab: {  	_ =	task [dreg:s6], $0x5FFFF  }
0xac: {  	[dreg:$0x1] =	wrdreg $0xFFFFFFFF  }
0xad: {  	[dreg:$0x0] =	wrdreg $0x60  }
0xae: {  	[dreg:$0x2] =	wrdreg s24  }
0xaf: {  	[dreg:$0x3] =	wrdreg $0xA2000  }
0xb0: {  	[dreg:$0x4] =	wrdreg $0x9  }
0xb1: {  	_ =	task.clear_ibuf [dreg:s6], $0x5FFFF;
	_ =	strace $0x9000004C  }
0xb2: {  	s29 =	simm.s32 $0x9;
	_ =	strace $0x8000004E  }
0xb3: {  	_ =	swait.ge [sflag:s29], $0x1  }
0xb4: {  	[sflag:s29] =	ssyncadd.s32 $0xFFFFFFFF  }
0xb5: {  	_ =	strace $0x9000004E  }
0xb6: {  	_ =	sfence  }
0xb7: {  	s30 =	sld [smem:$0x0];
	_ =	sdelay $0x2  }
0xb8: {  	s31 =	sshll.u32 s1, $0xD;
	s1 =	sshrl.u32 s1, $0x2  }
0xb9: {  	s3 =	sand.u32 $0x4000, s31;
	s1 =	sadd.s32 s1, s30  }
0xba: {  	s0 =	sor.u32 s3, s0;
	s1 =	sshll.u32 s1, $0x11  }
0xbb: {  	s0 =	sor.u32 s1, s0  }
0xbc: {  	s0 =	sadd.s32 $0x8F2B, s0  }
0xbd: {  	[sflag:s0] =	ssyncadd.remote.s32 $0x1  }
0xbe: {  	_ =	sfence.sel $0xFFFF  }
0xbf: {  	[dreg:$0x0] =	wrdreg $0xFFFFFFFF;
	(pc) =	sbr.abs _section_cstart, $3  }
0xc0: {  	[dreg:$0x1] =	wrdreg $0xFFFFFFFF  }
0xc1: {  	_ =	task.clear_ibuf [dreg:s6], $0x2FFFF;
	_ =	strace $0x9FFFFFFF  }
0xc2: {  	(tm) =	ssettm $0x7FFFFFFF  }
0xc3: {  	_ =	shalt  }
tec
execute0_lowered:
.L_overlay_start_1:
0x0: {  	(tag) =	ssettag $0x1  }
0x1: {  	s0 =	rddreg [dreg:$0x0]  }
0x2: {  	s1 =	rddreg [dreg:$0x1];
	s2 =	srdreg.scid;
	s3 =	simm.s32 $0x0  }
0x3: {  	s12 =	stileid.u32;
	s28 =	simm.s32 $0x80;
	s29 =	simm.s32 $0x180  }
0x4: {  	s30 =	simm.s32 $0x2A00;
	s31 =	simm.s32 $0x1;
	s15 =	simm.s32 $0x6  }
0x5: {  	s16 =	simm.s32 $0x0;
	s2 =	sand.u32 $0x1, s2;
	s7 =	smul.u32 $0x14000, s12  }
0x6: {  	[smem:$0x7FF] =	sst s3;
	s5 =	sshll.u32 s12, $0x1;
	s12 =	smul.u32 $0x50000, s12  }
0x7: {  	s6 =	smul.u32 $0x140000, s2;
	s8 =	sor.u32 s2, s5;
	s2 =	ssub.s32 $0x2, s2  }
0x8: {  	s4 =	sadd.s32 $0x18400, s0;
	_ =	strace $0x8000004D;
	s17 =	sshrl.u32 s2, $0x1  }
0x9: {  	s5 =	sadd.s32 $0xF0E400, s0;
	s18 =	sshrl.u32 s12, $0x2;
	s2 =	ssub.s32 s2, s17  }
0xa: {  	s12 =	simm.s32 $0x4;
	s14 =	sadd.s32 s18, s1;
	s19 =	smax.u32 s2, $0x1  }
0xb: {  	s9 =	sadd.s32 s7, s6;
	s20 =	sadd.s32 $0x2800, s14;
	[dreg:$0x7] =	wrdreg s19  }
0xc: {  	s6 =	smul.u32 $0x2710, s8;
	s21 =	sadd.s32 $0x5000, s14;
	[dreg:$0x8] =	wrdreg s20  }
0xd: {  	s7 =	sadd.s32 $0xE600, s0;
	s22 =	sadd.s32 $0x7800, s14;
	[dreg:$0x9] =	wrdreg s21  }
0xe: {  	s8 =	sadd.s32 $0x4800, s0;
	s23 =	sadd.s32 $0xA000, s14;
	[dreg:$0xa] =	wrdreg s22  }
0xf: {  	s9 =	sshrl.u32 s9, $0x3;
	s24 =	sadd.s32 $0xC800, s14;
	[dreg:$0xb] =	wrdreg s23  }
0x10: {  	s25 =	sadd.s32 $0xF000, s14;
	s26 =	sadd.s32 $0x11800, s14;
	[dreg:$0xc] =	wrdreg s24  }
0x11: {  	s2 =	simm.s32 $0x2;
	s0 =	sadd.s32 s9, s0;
	[dreg:$0xd] =	wrdreg s25  }
0x12: {  	s10 =	sadd.s32 $0x26C0, s6;
	s9 =	sadd.s32 $0x50, s6;
	[dreg:$0xe] =	wrdreg s26  }
0x13: {  	s23 =	simm.s32 $0x5200;
	s11 =	sshrl.u32 s10, $0x3;
	s0 =	sadd.s32 $0x3F600, s0  }
0x14: {  	s24 =	simm.s32 $0x7;
	s13 =	sadd.s32 s7, s11;
	[dreg:$0x6] =	wrdreg s0  }
0x15: {  	s10 =	sshll.u32 s10, $0x4;
	s11 =	sadd.s32 s8, s11;
	[dreg:$0x3] =	wrdreg s13  }
0x16: {  	s25 =	simm.s32 $0x100;
	s10 =	sadd.s32 s5, s10;
	[dreg:$0x4] =	wrdreg s11  }
0x17: {  	s26 =	simm.s32 $0x200;
	s0 =	simm.s32 $0x50;
	[dreg:$0x5] =	wrdreg s10  }
0x18: {  	v0 =	vimm.f32 $0.0e+00;
	s10 =	simm.s32 $0x7A00;
	s11 =	simm.s32 $0x3;
	s13 =	simm.s32 $0x5  }
.LBB2_1:
0x19: {  	s17 =	simm.s32 $0x0;
	s18 =	simm.s32 $0x200  }
.LBB2_2:
0x1a: {  	p0 =	sne.s32 s18, $0x9E00;
	[tilespmem:s17+$0x5270] =	vst v0  }
0x1b: {  	[tilespmem:s17+$0x5200] =	vst v0  }
0x1c: {  	[tilespmem:s17+$0x5210] =	vst v0  }
.Ltmp0:
0x1d: {  	[tilespmem:s17+$0x5220] =	vst v0;
	(pc) =	sbr.rel @p0 .LBB2_2-.Ltmp0, $4  }
0x1e: {  	[tilespmem:s17+$0x5230] =	vst v0  }
0x1f: {  	[tilespmem:s17+$0x5240] =	vst v0  }
0x20: {  	[tilespmem:s17+$0x5250] =	vst v0  }
0x21: {  	[tilespmem:s17+$0x5260] =	vst v0;
	s17 =	sshra.s32 s18, $0x2;
	s18 =	sadd.s32 $0x200, s18  }
0x22: {  	[tilespmem:s17+$0x5270] =	vst v0  }
0x23: {  	[tilespmem:s17+$0x5200] =	vst v0  }
0x24: {  	[tilespmem:s17+$0x5210] =	vst v0  }
0x25: {  	[tilespmem:s17+$0x5220] =	vst v0  }
0x26: {  	[tilespmem:s17+$0x5230] =	vst v0  }
0x27: {  	[tilespmem:s17+$0x5240] =	vst v0  }
0x28: {  	[tilespmem:s17+$0x5250] =	vst v0  }
0x29: {  	[tilespmem:s17+$0x5260] =	vst v0  }
0x2a: {  	[spmem:s14] =	stream.linear.scatter [tilespmem:s23], [sflag:$0x7], $0x2800, $0x38;
	[tilespmem:$0x1E200] =	vst v63  }
0x2b: {  	_ =	swait.ge [sflag:s24], $0x2800  }
0x2c: {  	[sflag:s24] =	ssyncset.done $0x0  }
0x2d: {  	s21 =	rddreg [dreg:$0x8];
	[sflag:s24] =	ssyncadd.s32 $0xFFFFD800  }
0x2e: {  	[spmem:s21] =	stream.linear.scatter [tilespmem:s23], [sflag:$0x7], $0x2800, $0x38;
	[tilespmem:$0x1E200] =	vst v63  }
0x2f: {  	_ =	swait.ge [sflag:s24], $0x2800  }
0x30: {  	[sflag:s24] =	ssyncset.done $0x0  }
0x31: {  	s22 =	rddreg [dreg:$0x9];
	[sflag:s24] =	ssyncadd.s32 $0xFFFFD800  }
0x32: {  	[spmem:s22] =	stream.linear.scatter [tilespmem:s23], [sflag:$0x7], $0x2800, $0x38;
	[tilespmem:$0x1E200] =	vst v63  }
0x33: {  	_ =	swait.ge [sflag:s24], $0x2800  }
0x34: {  	[sflag:s24] =	ssyncset.done $0x0  }
0x35: {  	s18 =	rddreg [dreg:$0xa];
	[sflag:s24] =	ssyncadd.s32 $0xFFFFD800  }
0x36: {  	[spmem:s18] =	stream.linear.scatter [tilespmem:s23], [sflag:$0x7], $0x2800, $0x38;
	[tilespmem:$0x1E200] =	vst v63  }
0x37: {  	_ =	swait.ge [sflag:s24], $0x2800  }
0x38: {  	[sflag:s24] =	ssyncset.done $0x0  }
0x39: {  	s19 =	rddreg [dreg:$0xb];
	[sflag:s24] =	ssyncadd.s32 $0xFFFFD800  }
0x3a: {  	[spmem:s19] =	stream.linear.scatter [tilespmem:s23], [sflag:$0x7], $0x2800, $0x38;
	[tilespmem:$0x1E200] =	vst v63  }
0x3b: {  	_ =	swait.ge [sflag:s24], $0x2800  }
0x3c: {  	[sflag:s24] =	ssyncset.done $0x0  }
0x3d: {  	s20 =	rddreg [dreg:$0xc];
	[sflag:s24] =	ssyncadd.s32 $0xFFFFD800  }
0x3e: {  	[spmem:s20] =	stream.linear.scatter [tilespmem:s23], [sflag:$0x7], $0x2800, $0x38;
	[tilespmem:$0x1E200] =	vst v63  }
0x3f: {  	_ =	swait.ge [sflag:s24], $0x2800  }
0x40: {  	[sflag:s24] =	ssyncset.done $0x0  }
0x41: {  	s21 =	rddreg [dreg:$0xd];
	[sflag:s24] =	ssyncadd.s32 $0xFFFFD800  }
0x42: {  	[spmem:s21] =	stream.linear.scatter [tilespmem:s23], [sflag:$0x7], $0x2800, $0x38;
	[tilespmem:$0x1E200] =	vst v63  }
0x43: {  	_ =	swait.ge [sflag:s24], $0x2800  }
0x44: {  	[sflag:s24] =	ssyncset.done $0x0  }
0x45: {  	s22 =	rddreg [dreg:$0xe];
	[sflag:s24] =	ssyncadd.s32 $0xFFFFD800  }
0x46: {  	[spmem:s22] =	stream.linear.scatter [tilespmem:s23], [sflag:$0x7], $0x2800, $0x38;
	[tilespmem:$0x1E200] =	vst v63  }
0x47: {  	_ =	swait.ge [sflag:s24], $0x2800  }
0x48: {  	[sflag:s24] =	ssyncset.done $0x0  }
0x49: {  	[sflag:s24] =	ssyncadd.s32 $0xFFFFD800  }
0x4a: {  	s17 =	simm.s32 $0x0;
	s18 =	simm.s32 $0x0;
	[bflag:$0x0] =	sbarrier.arrive $0xFFFF  }
.LBB2_4:
0x4b: {  	p0 =	seq.s32 s18, $0x0;
	s19 =	smul.u32 $0xA0, s18  }
0x4c: {  	s20 =	simm.s32 @!p0 $0x5  }
0x4d: {  	_ =	swait.ge @!p0 [sflag:s20], $0x2800;
	s21 =	sadd.s32 s6, s19  }
0x4e: {  	[sflag:s20] =	ssyncset.done @!p0 $0x0;
	s22 =	sshrl.u32 s21, $0x3  }
0x4f: {  	[sflag:s20] =	ssyncadd.s32 @!p0 $0xFFFFD800;
	s20 =	sadd.s32 s7, s22  }
0x50: {  	[tilespmem:s3], [sflag:$0x1] =	stream.linear.gather [hbm4b:s20+s3], $0x50, $0x38;
	[tilespmem:$0x1E200] =	vst v63  }
0x51: {  	s21 =	sshll.u32 s21, $0x4;
	s22 =	sadd.s32 s8, s22  }
0x52: {  	[tilespmem:s25], [sflag:$0x1] =	stream.linear.gather [hbm4b:s22+s3], $0x50, $0x38;
	[tilespmem:$0x1E200] =	vst v63  }
0x53: {  	s20 =	sadd.s32 s5, s21  }
0x54: {  	[tilespmem:s26], [sflag:$0x1] =	stream.linear.gather [hbm4b:s20+s3], $0x2800, $0x38;
	[tilespmem:$0x1E200] =	vst v63  }
0x55: {  	s20 =	simm.s32 @!p0 $0x6  }
0x56: {  	s19 =	sadd.s32 s19, s9;
	_ =	swait.ge @!p0 [sflag:s20], $0x2800  }
0x57: {  	s21 =	sshrl.u32 s19, $0x3;
	[sflag:s20] =	ssyncset.done @!p0 $0x0  }
0x58: {  	s22 =	sadd.s32 s7, s21;
	[sflag:s20] =	ssyncadd.s32 @!p0 $0xFFFFD800  }
0x59: {  	[tilespmem:s28], [sflag:$0x2] =	stream.linear.gather [hbm4b:s22+s17], $0x50, $0x38;
	[tilespmem:$0x1E200] =	vst v63  }
0x5a: {  	s19 =	sshll.u32 s19, $0x4;
	s22 =	sadd.s32 s8, s21  }
0x5b: {  	[tilespmem:s29], [sflag:$0x2] =	stream.linear.gather [hbm4b:s22+s17], $0x50, $0x38;
	[tilespmem:$0x1E200] =	vst v63  }
0x5c: {  	s19 =	sadd.s32 s5, s19  }
0x5d: {  	[tilespmem:s30], [sflag:$0x2] =	stream.linear.gather [hbm4b:s19+s17], $0x2800, $0x38;
	[tilespmem:$0x1E200] =	vst v63  }
0x5e: {  	_ =	swait.ge [sflag:s31], $0x50  }
0x5f: {  	[sflag:s31] =	ssyncset.done $0x0  }
0x60: {  	[sflag:s31] =	ssyncadd.s32 $0xFFFFFFB0  }
0x61: {  	_ =	swait.ge [sflag:s31], $0x50  }
0x62: {  	[sflag:s31] =	ssyncset.done $0x0  }
0x63: {  	[sflag:s31] =	ssyncadd.s32 $0xFFFFFFB0  }
0x64: {  	_ =	swait.ge [sflag:s31], $0x2800  }
0x65: {  	[sflag:s31] =	ssyncset.done $0x0  }
0x66: {  	[sflag:s31] =	ssyncadd.s32 $0xFFFFD800  }
0x67: {  	[tilespmem:s23], [sflag:$0x3] =	stream.indirect.gather [hbm4b:s4+s0], $0x80, s17, s0, $0xb8;
	[tilespmem:$0x1E200] =	vst v63  }
0x68: {  	_ =	swait.ge [sflag:s2], $0x50  }
0x69: {  	[sflag:s2] =	ssyncset.done $0x0  }
0x6a: {  	[sflag:s2] =	ssyncadd.s32 $0xFFFFFFB0  }
0x6b: {  	_ =	swait.ge [sflag:s2], $0x50  }
0x6c: {  	[sflag:s2] =	ssyncset.done $0x0  }
0x6d: {  	[sflag:s2] =	ssyncadd.s32 $0xFFFFFFB0  }
0x6e: {  	_ =	swait.ge [sflag:s2], $0x2800  }
0x6f: {  	[sflag:s2] =	ssyncset.done $0x0  }
0x70: {  	[sflag:s2] =	ssyncadd.s32 $0xFFFFD800  }
0x71: {  	[tilespmem:s10], [sflag:$0x4] =	stream.indirect.gather [hbm4b:s4+s0], $0x80, s28, s0, $0xb8;
	[tilespmem:$0x1E200] =	vst v63  }
0x72: {  	_ =	swait.ge [sflag:s11], $0x2800  }
0x73: {  	[sflag:s11] =	ssyncset.done $0x0  }
0x74: {  	s19 =	simm.s32 $0x0;
	[sflag:s11] =	ssyncadd.s32 $0xFFFFD800  }
0x75: {  	v7 =	vld [tilespmem:s19+$0x200]  }
0x76: {  	v12 =	vld [tilespmem:s19+$0x210]  }
0x77: {  	v6 =	vld [tilespmem:s19+$0x220]  }
0x78: {  	v5 =	vld [tilespmem:s19+$0x230]  }
0x79: {  	v4 =	vld [tilespmem:s19+$0x240]  }
0x7a: {  	v3 =	vld [tilespmem:s19+$0x250]  }
0x7b: {  	v2 =	vld [tilespmem:s19+$0x260]  }
0x7c: {  	v1 =	vld [tilespmem:s19+$0x270]  }
0x7d: {  	v13 =	vld [tilespmem:s19+$0x5200]  }
0x7e: {  	v14 =	vld [tilespmem:s19+$0x5210]  }
0x7f: {  	v11 =	vld [tilespmem:s19+$0x5220]  }
0x80: {  	v10 =	vld [tilespmem:s19+$0x5230]  }
0x81: {  	v9 =	vld [tilespmem:s19+$0x5240]  }
0x82: {  	v8 =	vld [tilespmem:s19+$0x5250];
	v13 =	vadd.f32 v7, v13  }
0x83: {  	s20 =	simm.s32 $0x200;
	v12 =	vadd.f32 v12, v14;
	v7 =	vld [tilespmem:s19+$0x5260]  }
.LBB2_5:
0x84: {  	s21 =	sshra.s32 s20, $0x2;
	p0 =	sne.s32 s20, $0x9E00;
	v13 =	vmax.f32 v13, $0.0e+00;
	v6 =	vadd.f32 v6, v11;
	v11 =	vld [tilespmem:s19+$0x5270]  }
0x85: {  	v14 =	vld [tilespmem:s21+$0x200];
	[tilespmem:s19+$0x5200] =	vst v13;
	v12 =	vmax.f32 v12, $0.0e+00;
	v5 =	vadd.f32 v5, v10  }
0x86: {  	v15 =	vld [tilespmem:s21+$0x210];
	[tilespmem:s19+$0x5210] =	vst v12;
	v10 =	vmax.f32 v6, $0.0e+00;
	v4 =	vadd.f32 v4, v9  }
0x87: {  	v6 =	vld [tilespmem:s21+$0x220];
	[tilespmem:s19+$0x5220] =	vst v10;
	v9 =	vmax.f32 v5, $0.0e+00;
	v3 =	vadd.f32 v3, v8  }
0x88: {  	v5 =	vld [tilespmem:s21+$0x230];
	[tilespmem:s19+$0x5230] =	vst v9;
	v8 =	vmax.f32 v4, $0.0e+00;
	v2 =	vadd.f32 v2, v7  }
0x89: {  	v4 =	vld [tilespmem:s21+$0x240];
	[tilespmem:s19+$0x5240] =	vst v8;
	v7 =	vmax.f32 v3, $0.0e+00;
	v1 =	vadd.f32 v1, v11  }
0x8a: {  	v3 =	vld [tilespmem:s21+$0x250];
	[tilespmem:s19+$0x5250] =	vst v7;
	v7 =	vmax.f32 v2, $0.0e+00  }
0x8b: {  	v2 =	vld [tilespmem:s21+$0x260];
	[tilespmem:s19+$0x5260] =	vst v7;
	v7 =	vmax.f32 v1, $0.0e+00  }
0x8c: {  	v1 =	vld [tilespmem:s21+$0x270];
	[tilespmem:s19+$0x5270] =	vst v7;
	s19 =	smov.u32 s21  }
0x8d: {  	v7 =	vld [tilespmem:s19+$0x5200]  }
0x8e: {  	v12 =	vld [tilespmem:s19+$0x5210]  }
.Ltmp1:
0x8f: {  	v11 =	vld [tilespmem:s19+$0x5220];
	(pc) =	sbr.rel @p0 .LBB2_5-.Ltmp1, $4  }
0x90: {  	v10 =	vld [tilespmem:s19+$0x5230]  }
0x91: {  	v9 =	vld [tilespmem:s19+$0x5240]  }
0x92: {  	v13 =	vadd.f32 v14, v7;
	v8 =	vld [tilespmem:s19+$0x5250]  }
0x93: {  	s20 =	sadd.s32 $0x200, s20;
	v12 =	vadd.f32 v15, v12;
	v7 =	vld [tilespmem:s19+$0x5260]  }
0x94: {  	v13 =	vmax.f32 v13, $0.0e+00;
	v6 =	vadd.f32 v6, v11;
	v11 =	vld [tilespmem:s19+$0x5270]  }
0x95: {  	[tilespmem:s19+$0x5200] =	vst v13;
	v12 =	vmax.f32 v12, $0.0e+00;
	v5 =	vadd.f32 v5, v10  }
0x96: {  	[tilespmem:s19+$0x5210] =	vst v12;
	v6 =	vmax.f32 v6, $0.0e+00;
	v4 =	vadd.f32 v4, v9  }
0x97: {  	[tilespmem:s19+$0x5220] =	vst v6;
	v5 =	vmax.f32 v5, $0.0e+00;
	v3 =	vadd.f32 v3, v8  }
0x98: {  	[tilespmem:s19+$0x5230] =	vst v5;
	v4 =	vmax.f32 v4, $0.0e+00;
	v2 =	vadd.f32 v2, v7  }
0x99: {  	[tilespmem:s19+$0x5240] =	vst v4;
	v3 =	vmax.f32 v3, $0.0e+00;
	v1 =	vadd.f32 v1, v11  }
0x9a: {  	[tilespmem:s19+$0x5250] =	vst v3;
	v2 =	vmax.f32 v2, $0.0e+00  }
0x9b: {  	[tilespmem:s19+$0x5260] =	vst v2;
	v1 =	vmax.f32 v1, $0.0e+00  }
0x9c: {  	[tilespmem:s19+$0x5270] =	vst v1  }
0x9d: {  	[spmem:s1] =	stream.indirect.scatter.add.f32 [tilespmem:s23], [sflag:$0x5], $0x80, s25, s0, $0xb8;
	[tilespmem:$0x1E200] =	vst v63  }
0x9e: {  	_ =	swait.ge [sflag:s12], $0x2800  }
0x9f: {  	[sflag:s12] =	ssyncset.done $0x0  }
0xa0: {  	s19 =	simm.s32 $0x0;
	[sflag:s12] =	ssyncadd.s32 $0xFFFFD800  }
0xa1: {  	v7 =	vld [tilespmem:s19+$0x2A00]  }
0xa2: {  	v12 =	vld [tilespmem:s19+$0x2A10]  }
0xa3: {  	v6 =	vld [tilespmem:s19+$0x2A20]  }
0xa4: {  	v5 =	vld [tilespmem:s19+$0x2A30]  }
0xa5: {  	v4 =	vld [tilespmem:s19+$0x2A40]  }
0xa6: {  	v3 =	vld [tilespmem:s19+$0x2A50]  }
0xa7: {  	v2 =	vld [tilespmem:s19+$0x2A60]  }
0xa8: {  	v1 =	vld [tilespmem:s19+$0x2A70]  }
0xa9: {  	v13 =	vld [tilespmem:s19+$0x7A00]  }
0xaa: {  	v14 =	vld [tilespmem:s19+$0x7A10]  }
0xab: {  	v11 =	vld [tilespmem:s19+$0x7A20]  }
0xac: {  	v10 =	vld [tilespmem:s19+$0x7A30]  }
0xad: {  	v9 =	vld [tilespmem:s19+$0x7A40]  }
0xae: {  	v8 =	vld [tilespmem:s19+$0x7A50];
	v13 =	vadd.f32 v7, v13  }
0xaf: {  	s20 =	simm.s32 $0x200;
	v12 =	vadd.f32 v12, v14;
	v7 =	vld [tilespmem:s19+$0x7A60]  }
.LBB2_7:
0xb0: {  	s21 =	sshra.s32 s20, $0x2;
	p0 =	sne.s32 s20, $0x9E00;
	v13 =	vmax.f32 v13, $0.0e+00;
	v6 =	vadd.f32 v6, v11;
	v11 =	vld [tilespmem:s19+$0x7A70]  }
0xb1: {  	v14 =	vld [tilespmem:s21+$0x2A00];
	[tilespmem:s19+$0x7A00] =	vst v13;
	v12 =	vmax.f32 v12, $0.0e+00;
	v5 =	vadd.f32 v5, v10  }
0xb2: {  	v15 =	vld [tilespmem:s21+$0x2A10];
	[tilespmem:s19+$0x7A10] =	vst v12;
	v10 =	vmax.f32 v6, $0.0e+00;
	v4 =	vadd.f32 v4, v9  }
0xb3: {  	v6 =	vld [tilespmem:s21+$0x2A20];
	[tilespmem:s19+$0x7A20] =	vst v10;
	v9 =	vmax.f32 v5, $0.0e+00;
	v3 =	vadd.f32 v3, v8  }
0xb4: {  	v5 =	vld [tilespmem:s21+$0x2A30];
	[tilespmem:s19+$0x7A30] =	vst v9;
	v8 =	vmax.f32 v4, $0.0e+00;
	v2 =	vadd.f32 v2, v7  }
0xb5: {  	v4 =	vld [tilespmem:s21+$0x2A40];
	[tilespmem:s19+$0x7A40] =	vst v8;
	v7 =	vmax.f32 v3, $0.0e+00;
	v1 =	vadd.f32 v1, v11  }
0xb6: {  	v3 =	vld [tilespmem:s21+$0x2A50];
	[tilespmem:s19+$0x7A50] =	vst v7;
	v7 =	vmax.f32 v2, $0.0e+00  }
0xb7: {  	v2 =	vld [tilespmem:s21+$0x2A60];
	[tilespmem:s19+$0x7A60] =	vst v7;
	v7 =	vmax.f32 v1, $0.0e+00  }
0xb8: {  	v1 =	vld [tilespmem:s21+$0x2A70];
	[tilespmem:s19+$0x7A70] =	vst v7;
	s19 =	smov.u32 s21  }
0xb9: {  	v7 =	vld [tilespmem:s19+$0x7A00]  }
0xba: {  	v12 =	vld [tilespmem:s19+$0x7A10]  }
.Ltmp2:
0xbb: {  	v11 =	vld [tilespmem:s19+$0x7A20];
	(pc) =	sbr.rel @p0 .LBB2_7-.Ltmp2, $4  }
0xbc: {  	v10 =	vld [tilespmem:s19+$0x7A30]  }
0xbd: {  	v9 =	vld [tilespmem:s19+$0x7A40]  }
0xbe: {  	v13 =	vadd.f32 v14, v7;
	v8 =	vld [tilespmem:s19+$0x7A50]  }
0xbf: {  	s20 =	sadd.s32 $0x200, s20;
	v12 =	vadd.f32 v15, v12;
	v7 =	vld [tilespmem:s19+$0x7A60]  }
0xc0: {  	v13 =	vmax.f32 v13, $0.0e+00;
	v6 =	vadd.f32 v6, v11;
	v63 =	vld [tilespmem:s19+$0x7A70]  }
0xc1: {  	[tilespmem:s19+$0x7A00] =	vst v13;
	v12 =	vmax.f32 v12, $0.0e+00;
	v5 =	vadd.f32 v5, v10  }
0xc2: {  	[tilespmem:s19+$0x7A10] =	vst v12;
	v6 =	vmax.f32 v6, $0.0e+00;
	v4 =	vadd.f32 v4, v9  }
0xc3: {  	s18 =	sadd.s32 $0x1, s18;
	[tilespmem:s19+$0x7A20] =	vst v6;
	v5 =	vmax.f32 v5, $0.0e+00;
	v3 =	vadd.f32 v3, v8  }
0xc4: {  	p0 =	sne.s32 s18, $0x3E;
	[tilespmem:s19+$0x7A30] =	vst v5;
	v4 =	vmax.f32 v4, $0.0e+00;
	v2 =	vadd.f32 v2, v7  }
.Ltmp3:
0xc5: {  	[tilespmem:s19+$0x7A40] =	vst v4;
	v3 =	vmax.f32 v3, $0.0e+00;
	v1 =	vadd.f32 v1, v63;
	(pc) =	sbr.rel @p0 .LBB2_4-.Ltmp3, $4  }
0xc6: {  	[tilespmem:s19+$0x7A50] =	vst v3;
	v2 =	vmax.f32 v2, $0.0e+00  }
0xc7: {  	[tilespmem:s19+$0x7A60] =	vst v2;
	v1 =	vmax.f32 v1, $0.0e+00  }
0xc8: {  	[tilespmem:s19+$0x7A70] =	vst v1  }
0xc9: {  	[spmem:s1] =	stream.indirect.scatter.add.f32 [tilespmem:s10], [sflag:$0x6], $0x80, s29, s0, $0xb8;
	[tilespmem:$0x1E200] =	vst v63  }
0xca: {  	_ =	swait.ge [sflag:s13], $0x2800  }
0xcb: {  	[sflag:s13] =	ssyncset.done $0x0  }
0xcc: {  	[sflag:s13] =	ssyncadd.s32 $0xFFFFD800  }
0xcd: {  	_ =	swait.ge [sflag:s15], $0x2800  }
0xce: {  	[sflag:s15] =	ssyncset.done $0x0  }
0xcf: {  	s17 =	simm.s32 $0x0;
	s18 =	rddreg [dreg:$0x3];
	[sflag:s15] =	ssyncadd.s32 $0xFFFFD800  }
0xd0: {  	[tilespmem:s17], [sflag:$0x7] =	stream.linear.gather [hbm4b:s18+s17], $0x50, $0x38;
	[tilespmem:$0x1E200] =	vst v63  }
0xd1: {  	_ =	swait.ge [sflag:s24], $0x50  }
0xd2: {  	[sflag:s24] =	ssyncset.done $0x0  }
0xd3: {  	s21 =	rddreg [dreg:$0x4];
	[sflag:s24] =	ssyncadd.s32 $0xFFFFFFB0  }
0xd4: {  	[tilespmem:s25], [sflag:$0x7] =	stream.linear.gather [hbm4b:s21+s17], $0x50, $0x38;
	[tilespmem:$0x1E200] =	vst v63  }
0xd5: {  	_ =	swait.ge [sflag:s24], $0x50  }
0xd6: {  	[sflag:s24] =	ssyncset.done $0x0  }
0xd7: {  	s22 =	rddreg [dreg:$0x5];
	[sflag:s24] =	ssyncadd.s32 $0xFFFFFFB0  }
0xd8: {  	[tilespmem:s26], [sflag:$0x7] =	stream.linear.gather [hbm4b:s22+s17], $0x2800, $0x38;
	[tilespmem:$0x1E200] =	vst v63  }
0xd9: {  	_ =	swait.ge [sflag:s24], $0x2800  }
0xda: {  	[sflag:s24] =	ssyncset.done $0x0  }
0xdb: {  	[sflag:s24] =	ssyncadd.s32 $0xFFFFD800  }
0xdc: {  	[tilespmem:s23], [sflag:$0x3] =	stream.indirect.gather [hbm4b:s4+s0], $0x80, s17, s0, $0xb8;
	[tilespmem:$0x1E200] =	vst v63  }
0xdd: {  	_ =	swait.ge [sflag:s11], $0x2800  }
0xde: {  	[sflag:s11] =	ssyncset.done $0x0  }
0xdf: {  	s17 =	simm.s32 $0x0;
	[sflag:s11] =	ssyncadd.s32 $0xFFFFD800  }
0xe0: {  	v7 =	vld [tilespmem:s17+$0x200]  }
0xe1: {  	v12 =	vld [tilespmem:s17+$0x210]  }
0xe2: {  	v6 =	vld [tilespmem:s17+$0x220]  }
0xe3: {  	v5 =	vld [tilespmem:s17+$0x230]  }
0xe4: {  	v4 =	vld [tilespmem:s17+$0x240]  }
0xe5: {  	v3 =	vld [tilespmem:s17+$0x250]  }
0xe6: {  	v2 =	vld [tilespmem:s17+$0x260]  }
0xe7: {  	v1 =	vld [tilespmem:s17+$0x270]  }
0xe8: {  	v13 =	vld [tilespmem:s17+$0x5200]  }
0xe9: {  	v14 =	vld [tilespmem:s17+$0x5210]  }
0xea: {  	v11 =	vld [tilespmem:s17+$0x5220]  }
0xeb: {  	v10 =	vld [tilespmem:s17+$0x5230]  }
0xec: {  	v9 =	vld [tilespmem:s17+$0x5240]  }
0xed: {  	v8 =	vld [tilespmem:s17+$0x5250];
	v13 =	vadd.f32 v7, v13  }
0xee: {  	s18 =	simm.s32 $0x200;
	v12 =	vadd.f32 v12, v14;
	v7 =	vld [tilespmem:s17+$0x5260]  }
.LBB2_10:
0xef: {  	s19 =	sshra.s32 s18, $0x2;
	p0 =	sne.s32 s18, $0x9E00;
	v13 =	vmax.f32 v13, $0.0e+00;
	v6 =	vadd.f32 v6, v11;
	v11 =	vld [tilespmem:s17+$0x5270]  }
0xf0: {  	v14 =	vld [tilespmem:s19+$0x200];
	[tilespmem:s17+$0x5200] =	vst v13;
	v12 =	vmax.f32 v12, $0.0e+00;
	v5 =	vadd.f32 v5, v10  }
0xf1: {  	v15 =	vld [tilespmem:s19+$0x210];
	[tilespmem:s17+$0x5210] =	vst v12;
	v10 =	vmax.f32 v6, $0.0e+00;
	v4 =	vadd.f32 v4, v9  }
0xf2: {  	v6 =	vld [tilespmem:s19+$0x220];
	[tilespmem:s17+$0x5220] =	vst v10;
	v9 =	vmax.f32 v5, $0.0e+00;
	v3 =	vadd.f32 v3, v8  }
0xf3: {  	v5 =	vld [tilespmem:s19+$0x230];
	[tilespmem:s17+$0x5230] =	vst v9;
	v8 =	vmax.f32 v4, $0.0e+00;
	v2 =	vadd.f32 v2, v7  }
0xf4: {  	v4 =	vld [tilespmem:s19+$0x240];
	[tilespmem:s17+$0x5240] =	vst v8;
	v7 =	vmax.f32 v3, $0.0e+00;
	v1 =	vadd.f32 v1, v11  }
0xf5: {  	v3 =	vld [tilespmem:s19+$0x250];
	[tilespmem:s17+$0x5250] =	vst v7;
	v7 =	vmax.f32 v2, $0.0e+00  }
0xf6: {  	v2 =	vld [tilespmem:s19+$0x260];
	[tilespmem:s17+$0x5260] =	vst v7;
	v7 =	vmax.f32 v1, $0.0e+00  }
0xf7: {  	v1 =	vld [tilespmem:s19+$0x270];
	[tilespmem:s17+$0x5270] =	vst v7;
	s17 =	smov.u32 s19  }
0xf8: {  	v7 =	vld [tilespmem:s17+$0x5200]  }
0xf9: {  	v12 =	vld [tilespmem:s17+$0x5210]  }
.Ltmp4:
0xfa: {  	v11 =	vld [tilespmem:s17+$0x5220];
	(pc) =	sbr.rel @p0 .LBB2_10-.Ltmp4, $4  }
0xfb: {  	v10 =	vld [tilespmem:s17+$0x5230]  }
0xfc: {  	v9 =	vld [tilespmem:s17+$0x5240]  }
0xfd: {  	v13 =	vadd.f32 v14, v7;
	v8 =	vld [tilespmem:s17+$0x5250]  }
0xfe: {  	s18 =	sadd.s32 $0x200, s18;
	v12 =	vadd.f32 v15, v12;
	v7 =	vld [tilespmem:s17+$0x5260]  }
0xff: {  	v13 =	vmax.f32 v13, $0.0e+00;
	v6 =	vadd.f32 v6, v11;
	v63 =	vld [tilespmem:s17+$0x5270]  }
0x100: {  	[tilespmem:s17+$0x5200] =	vst v13;
	v12 =	vmax.f32 v12, $0.0e+00;
	v5 =	vadd.f32 v5, v10  }
0x101: {  	[tilespmem:s17+$0x5210] =	vst v12;
	v6 =	vmax.f32 v6, $0.0e+00;
	v4 =	vadd.f32 v4, v9  }
0x102: {  	[tilespmem:s17+$0x5220] =	vst v6;
	v5 =	vmax.f32 v5, $0.0e+00;
	v3 =	vadd.f32 v3, v8  }
0x103: {  	[tilespmem:s17+$0x5230] =	vst v5;
	v4 =	vmax.f32 v4, $0.0e+00;
	v2 =	vadd.f32 v2, v7  }
0x104: {  	[tilespmem:s17+$0x5240] =	vst v4;
	v3 =	vmax.f32 v3, $0.0e+00;
	v1 =	vadd.f32 v1, v63  }
0x105: {  	[tilespmem:s17+$0x5250] =	vst v3;
	v2 =	vmax.f32 v2, $0.0e+00  }
0x106: {  	[tilespmem:s17+$0x5260] =	vst v2;
	v1 =	vmax.f32 v1, $0.0e+00  }
0x107: {  	[tilespmem:s17+$0x5270] =	vst v1  }
0x108: {  	[spmem:s1] =	stream.indirect.scatter.add.f32 [tilespmem:s23], [sflag:$0x7], $0x80, s25, s0, $0xb8;
	[tilespmem:$0x1E200] =	vst v63  }
0x109: {  	_ =	swait.ge [sflag:s24], $0x2800  }
0x10a: {  	[sflag:s24] =	ssyncset.done $0x0  }
0x10b: {  	s21 =	stileid.u32;
	[sflag:s24] =	ssyncadd.s32 $0xFFFFD800  }
0x10c: {  	s17 =	sshll.u32 s21, $0x6;
	[bflag:$0x0] =	sbarrier.arrive $0xFFFF  }
0x10d: {  	s18 =	sshrl.u32 s14, $0x3;
	s17 =	sor.u32 $0x1C07, s17;
	s19 =	rddreg [dreg:$0x6]  }
0x10e: {  	[hbm:s19], [sflag:s17] =	dma.local [spmem:s18], $0x2800  }
0x10f: {  	_ =	swait.ge [sflag:s24], $0x2800  }
0x110: {  	s16 =	sadd.s32 $0x1, s16;
	s22 =	rddreg [dreg:$0x7]  }
0x111: {  	p0 =	sne.s32 s16, s22  }
.Ltmp5:
0x112: {  	_ = 	snop;
	(pc) =	sbr.rel @p0 .LBB2_1-.Ltmp5, $3  }
0x113: {  	_ =	sdelay $0x1  }
0x114: {  	[sflag:s24] =	ssyncset.done $0x0  }
0x115: {  	[sflag:s24] =	ssyncadd.s32 $0xFFFFD800  }
0x116: {  	_ =	sfence.sel $0x180000  }
0x117: {  	[bflag:$0x0] =	sbarrier.arrive $0xFFFF  }
0x118: {  	_ =	strace $0x9000004D  }
0x119: {  	s0 =	stileid.u32;
	[bflag:$0x2] =	sbarrier.arrive $0xFFFF  }
0x11a: {  	p0 =	sne.s32 s0, $0x0;
	s0 =	rddreg [dreg:$0x2]  }
0x11b: {  	s0 =	sadd.s32 @!p0 $0x100000, s0  }
0x11c: {  	[sflag:s0] =	ssyncadd.tile.s32 @!p0 $0x1;
	_ =	shalt  }
.Lfunc_end2:
_tile_overlayer_lowered:
.L_overlay_start_2:
0x11d: {  	(tag) =	ssettag $0x2  }
0x11e: {  	s0 =	rddreg [dreg:$0x0];
	s2 =	stileid.u32  }
0x11f: {  	s1 =	rddreg [dreg:$0x1];
	p0 =	sne.s32 s2, $0x0  }
0x120: {  	s3 =	rddreg [dreg:$0x2];
	[bflag:$0x3] =	sbarrier.arrive $0xFFFF;
	s2 =	simm.s32 @!p0 $0x1C07  }
0x121: {  	[timem:s3], [sflag:s2] =	dma.local @!p0 [hbm:s0], s1  }
0x122: {  	s0 =	simm.s32 @!p0 $0x7  }
0x123: {  	_ =	swait.ge @!p0 [sflag:s0], s1  }
0x124: {  	s1 =	ssub.s32 @!p0 $0x0, s1;
	[sflag:s0] =	ssyncset.done @!p0 $0x0  }
0x125: {  	[sflag:s0] =	ssyncadd.s32 @!p0 s1  }
0x126: {  	[bflag:$0x3] =	sbarrier.arrive $0xFFFF  }
0x127: {  	_ =	shalt  }

</sc_bundles>
